<compile_context>
chip_gen: v7x
topology: tpu7x:2x2x1
jax: 0.10.2.dev20260603
libtpu: 0.0.44.dev20260713+nightly
codegen_flags: <defaults>
</compile_context>

<pallas_src>
import functools

import jax
import jax.numpy as jnp
from jax import lax
from jax.experimental import pallas as pl
from jax.experimental.pallas import tpu as pltpu, tpu_sc as plsc

N = 10000
E = 320000
F = 128

NW = 32
RPS = 1000

def _make_gather_body(epw, ngb, gb):
    def body_fn(z_hbm, src_hbm, tgt_hbm, out_s, out_t, sidx, tidx,
                bs0, bs1, bt0, bt1, ss0, ss1, st0, st1):
        wid = lax.axis_index("s") * 2 + lax.axis_index("c")
        base = wid * epw
        pltpu.sync_copy(src_hbm.at[wid], sidx)
        pltpu.sync_copy(tgt_hbm.at[wid], tidx)

        def drain(buf, sem):
            pltpu.make_async_copy(z_hbm.at[pl.ds(0, gb)], buf, sem).wait()

        def emit(j, buf, side_out):
            drain(*buf)
            pltpu.sync_copy(buf[0], side_out.at[pl.ds(base + j * gb, gb)])

        pltpu.async_copy(z_hbm.at[sidx.at[0]], bs0, ss0)
        pltpu.async_copy(z_hbm.at[tidx.at[0]], bt0, st0)

        def body(i, carry):
            j0 = 2 * i
            pltpu.async_copy(z_hbm.at[sidx.at[j0 + 1]], bs1, ss1)
            pltpu.async_copy(z_hbm.at[tidx.at[j0 + 1]], bt1, st1)
            emit(j0, (bs0, ss0), out_s)
            emit(j0, (bt0, st0), out_t)
            pltpu.async_copy(z_hbm.at[sidx.at[j0 + 2]], bs0, ss0)
            pltpu.async_copy(z_hbm.at[tidx.at[j0 + 2]], bt0, st0)
            emit(j0 + 1, (bs1, ss1), out_s)
            emit(j0 + 1, (bt1, st1), out_t)
            return carry

        lax.fori_loop(0, (ngb - 1) // 2, body, 0)
        emit(ngb - 1, (bs0, ss0), out_s)
        emit(ngb - 1, (bt0, st0), out_t)

    return body_fn


def _make_scatter_body(nchunk, epw, ngb, gb):
    def body_fn(*refs):
        vals = refs[0:nchunk]
        tgt_hbm = refs[nchunk]
        init_hbm = refs[nchunk + 1]
        out_hbm = refs[nchunk + 2]
        tidx, vb0, vb1, acc, rs0, rs1 = refs[nchunk + 3:]
        c = lax.axis_index("c")
        s = lax.axis_index("s")
        wid = s * 2 + c
        base = wid * epw

        @pl.when(s < N // RPS)
        def _():
            pltpu.sync_copy(init_hbm.at[c, pl.ds(s * RPS, RPS)],
                            acc.at[pl.ds(s * RPS, RPS)])

        plsc.subcore_barrier()

        for ci in range(nchunk):
            val_hbm = vals[ci]
            pltpu.sync_copy(tgt_hbm.at[ci, wid], tidx)

            def scat(j, buf, sem):
                pltpu.make_async_copy(val_hbm.at[pl.ds(0, gb)], buf,
                                      sem).wait()
                pltpu.sync_copy(buf, acc.at[tidx.at[j]], add=True)

            pltpu.async_copy(val_hbm.at[pl.ds(base, gb)], vb0, rs0)

            def body(i, carry):
                j0 = 2 * i
                pltpu.async_copy(val_hbm.at[pl.ds(base + (j0 + 1) * gb, gb)],
                                 vb1, rs1)
                scat(j0, vb0, rs0)
                pltpu.async_copy(val_hbm.at[pl.ds(base + (j0 + 2) * gb, gb)],
                                 vb0, rs0)
                scat(j0 + 1, vb1, rs1)
                return carry

            lax.fori_loop(0, (ngb - 1) // 2, body, 0)
            scat(ngb - 1, vb0, rs0)

        plsc.subcore_barrier()

        @pl.when(s < N // RPS)
        def _():
            pltpu.sync_copy(acc.at[pl.ds(s * RPS, RPS)],
                            out_hbm.at[c, pl.ds(s * RPS, RPS)])

    return body_fn


def _pick_gb(epw):
    for g in range(128, 0, -8):
        if epw % g == 0:
            return g
    raise ValueError(epw)


@functools.cache
def _sc_kernels(ne):
    epw = ne // NW
    gb = _pick_gb(epw)
    ngb = epw // gb
    mesh = plsc.VectorSubcoreMesh(core_axis_name="c", subcore_axis_name="s")
    gather = pl.kernel(
        _make_gather_body(epw, ngb, gb),
        out_type=(
            jax.ShapeDtypeStruct((ne, F), jnp.float32),
            jax.ShapeDtypeStruct((ne, F), jnp.float32),
        ),
        mesh=mesh,
        scratch_types=[
            pltpu.VMEM((ngb, gb), jnp.int32),
            pltpu.VMEM((ngb, gb), jnp.int32),
            pltpu.VMEM((gb, F), jnp.float32),
            pltpu.VMEM((gb, F), jnp.float32),
            pltpu.VMEM((gb, F), jnp.float32),
            pltpu.VMEM((gb, F), jnp.float32),
            pltpu.SemaphoreType.DMA,
            pltpu.SemaphoreType.DMA,
            pltpu.SemaphoreType.DMA,
            pltpu.SemaphoreType.DMA,
        ],
    )
    return gather


@functools.cache
def _scatter_k(ngroup, ne):
    epw = ne // NW
    gb = _pick_gb(epw)
    ngb = epw // gb
    mesh = plsc.VectorSubcoreMesh(core_axis_name="c", subcore_axis_name="s")
    return pl.kernel(
        _make_scatter_body(ngroup, epw, ngb, gb),
        out_type=jax.ShapeDtypeStruct((2, N, F), jnp.float32),
        mesh=mesh,
        scratch_types=[
            pltpu.VMEM((ngb, gb), jnp.int32),
            pltpu.VMEM((gb, F), jnp.float32),
            pltpu.VMEM((gb, F), jnp.float32),
            pltpu.VMEM_SHARED((N, F), jnp.float32),
            pltpu.SemaphoreType.DMA,
            pltpu.SemaphoreType.DMA,
        ],
    )


BE = 2000


def _roll(x, k):
    return jnp.concatenate([x[:, k:], x[:, :k]], axis=1)


def _edge_body(gs_ref, gt_ref, wab_ref, wu_ref, w1r7_ref, b1_ref, w2bd_ref,
               b2_ref, out_ref):
    zs = gs_ref[...].astype(jnp.bfloat16)
    zt = gt_ref[...].astype(jnp.bfloat16)
    lane = lax.broadcasted_iota(jnp.int32, (BE, F), 1)
    dz = zs - zt
    a1, a2 = _roll(zs, 1), _roll(zs, 2)
    am1, am2 = _roll(zs, -1), _roll(zs, -2)
    b1r, b2r = _roll(zt, 1), _roll(zt, 2)
    bm1, bm2 = _roll(zt, -1), _roll(zt, -2)
    candA = a1 * b2r - a2 * b1r
    candB = a1 * bm1 - am1 * b1r
    candC = am2 * bm1 - am1 * bm2
    pre = jnp.where(lane < 3, dz,
                    jnp.where(lane == 3, candA,
                              jnp.where(lane == 4, candB, candC)))
    sq = pre * pre
    x = jnp.concatenate([zs, zt], axis=1)
    u = jnp.concatenate([pre, sq], axis=1)
    h = jnp.dot(x, wab_ref[...], preferred_element_type=jnp.float32)
    uo = jnp.dot(u, wu_ref[...], preferred_element_type=jnp.float32)
    cn = jnp.sqrt(uo[:, 2 * F:3 * F])
    cnb = jnp.concatenate([cn, cn], axis=1)
    h = h + uo[:, 0:2 * F] + cnb * w1r7_ref[...] + b1_ref[...]
    h = jax.nn.relu(h).astype(jnp.bfloat16)
    mo = jnp.dot(h, w2bd_ref[...], preferred_element_type=jnp.float32)
    mo = mo + b2_ref[...]
    w = jax.nn.sigmoid(mo[:, F:2 * F])
    out_ref[...] = w * mo[:, 0:F]


_EDGE_GRID = (E // BE,)
_EDGE_IN_SPECS = [
    pl.BlockSpec((BE, F), lambda i: (i, 0)),
    pl.BlockSpec((BE, F), lambda i: (i, 0)),
    pl.BlockSpec((2 * F, 2 * F), lambda i: (0, 0)),
    pl.BlockSpec((2 * F, 3 * F), lambda i: (0, 0)),
    pl.BlockSpec((1, 2 * F), lambda i: (0, 0)),
    pl.BlockSpec((1, 2 * F), lambda i: (0, 0)),
    pl.BlockSpec((2 * F, 2 * F), lambda i: (0, 0)),
    pl.BlockSpec((1, 2 * F), lambda i: (0, 0)),
]
_EDGE_OUT_SPEC = pl.BlockSpec((BE, F), lambda i: (i, 0))
_EDGE_OUT_SHAPE = jax.ShapeDtypeStruct((E, F), jnp.float32)


@functools.cache
def _edge_call_for(ne):
    return pl.pallas_call(
        _edge_body,
        grid=(ne // BE,),
        in_specs=_EDGE_IN_SPECS,
        out_specs=_EDGE_OUT_SPEC,
        out_shape=jax.ShapeDtypeStruct((ne, F), jnp.float32),
    )


def _world_body(z_ref, pos_ref, gw1a_ref, gw1r_ref, gb1_ref, gw2_ref,
                gb2_ref, out_ref):
    z = z_ref[...]
    posterm = jnp.dot(pos_ref[...], gw1r_ref[...],
                      preferred_element_type=jnp.float32)
    h = jnp.dot(z, gw1a_ref[...], preferred_element_type=jnp.float32)
    for k in range(3):
        h = h + z[:, k:k + 1] * gw1r_ref[k:k + 1, :]
    h = jax.nn.relu(h - posterm + gb1_ref[...])
    mw = jnp.dot(h, gw2_ref[...], preferred_element_type=jnp.float32)
    mw = mw + gb2_ref[...]
    out_ref[...] = jnp.sum(mw, axis=0, keepdims=True)


_world_call = pl.pallas_call(
    _world_body,
    out_shape=jax.ShapeDtypeStruct((1, F), jnp.float32),
)


NBL = 1000


def _node_body(z_ref, p0_ref, p1_ref, mw_ref, nw1a_ref,
               nw1b_ref, nb1_ref, nw2_ref, nb2_ref, out_ref):
    z = z_ref[...]
    magg = p0_ref[...] + p1_ref[...] + mw_ref[...]
    h = jnp.dot(z, nw1a_ref[...], preferred_element_type=jnp.float32)
    h = h + jnp.dot(magg, nw1b_ref[...], preferred_element_type=jnp.float32)
    h = jax.nn.relu(h + nb1_ref[...])
    out = jnp.dot(h, nw2_ref[...], preferred_element_type=jnp.float32)
    out_ref[...] = out + nb2_ref[...]


_NODE_GRID = (N // NBL,)
_NODE_IN_SPECS = [
    pl.BlockSpec((NBL, F), lambda i: (i, 0)),
    pl.BlockSpec((NBL, F), lambda i: (i, 0)),
    pl.BlockSpec((NBL, F), lambda i: (i, 0)),
    pl.BlockSpec((1, F), lambda i: (0, 0)),
    pl.BlockSpec((F, F), lambda i: (0, 0)),
    pl.BlockSpec((F, F), lambda i: (0, 0)),
    pl.BlockSpec((1, F), lambda i: (0, 0)),
    pl.BlockSpec((F, F), lambda i: (0, 0)),
    pl.BlockSpec((1, F), lambda i: (0, 0)),
]
_NODE_OUT_SPEC = pl.BlockSpec((NBL, F), lambda i: (i, 0))
_NODE_OUT_SHAPE = jax.ShapeDtypeStruct((N, F), jnp.float32)

_node_call = pl.pallas_call(
    _node_body,
    grid=_NODE_GRID,
    in_specs=_NODE_IN_SPECS,
    out_specs=_NODE_OUT_SPEC,
    out_shape=_NODE_OUT_SHAPE,
)


def kernel(z_h, edge_index_h_h, pos_world,
           eW1, eb1, eW2, eb2,
           wW1, wb1, wW2, wb2,
           nW1, nb1, nW2, nb2,
           gW1, gb1, gW2, gb2):
    sizes = (64000,) * 5
    nchunk = len(sizes)
    offs = [sum(sizes[:i]) for i in range(nchunk + 1)]

    def idx3(row, i):
        epw_i = sizes[i] // NW
        gb_i = _pick_gb(epw_i)
        return edge_index_h_h[row, offs[i]:offs[i + 1]].reshape(
            NW, epw_i // gb_i, gb_i)

    s3 = [idx3(0, i) for i in range(nchunk)]
    t3 = [idx3(1, i) for i in range(nchunk)]

    posp = jnp.zeros((1, F), jnp.float32).at[0, 0:3].set(pos_world[0])
    gw1rp = jnp.zeros((F, F), jnp.float32).at[0:3].set(gW1[F:F + 3])
    mw = _world_call(z_h, posp, gW1[0:F], gw1rp, gb1.reshape(1, F), gW2,
                     gb2.reshape(1, F))

    gpairs = [_sc_kernels(sizes[i])(z_h, s3[i], t3[i])
              for i in range(nchunk)]

    w1r = jnp.concatenate([eW1[2 * F:], wW1[2 * F:]], axis=1)
    z3w = jnp.zeros((F, 2 * F), jnp.float32).at[0:3].set(w1r[0:3])
    w1a = jnp.concatenate([eW1[0:F], wW1[0:F]], axis=1) + z3w
    w1b = jnp.concatenate([eW1[F:2 * F], wW1[F:2 * F]], axis=1) - z3w
    wab = jnp.concatenate([w1a, w1b], axis=0).astype(jnp.bfloat16)
    wu = jnp.zeros((2 * F, 3 * F), jnp.float32)
    wu = wu.at[3:6, 0:2 * F].set(w1r[4:7])
    wu = wu.at[F:F + 3, 0:2 * F].set(
        jnp.broadcast_to(w1r[3:4], (3, 2 * F)))
    wu = wu.at[F + 3:F + 6, 2 * F:3 * F].set(1.0)
    wu = wu.astype(jnp.bfloat16)
    w1r7 = w1r[7:8]
    b1 = jnp.concatenate([eb1, wb1]).reshape(1, 2 * F)
    w2bd = jnp.zeros((2 * F, 2 * F), jnp.float32)
    w2bd = w2bd.at[0:F, 0:F].set(eW2)
    w2bd = w2bd.at[F:2 * F, F:2 * F].set(jnp.broadcast_to(wW2, (F, F)))
    w2bd = w2bd.astype(jnp.bfloat16)
    b2 = jnp.concatenate([eb2, jnp.broadcast_to(wb2, (F,))]).reshape(1, 2 * F)
    vals = [_edge_call_for(sizes[i])(gpairs[i][0], gpairs[i][1], wab, wu,
                                     w1r7, b1, w2bd, b2)
            for i in range(nchunk)]
    na = 3
    tgt_a = jnp.stack([t3[i] for i in range(na)])
    tgt_b = jnp.stack([t3[i] for i in range(na, nchunk)])
    zeros2 = jnp.zeros((2, N, F), jnp.float32)
    pa = _scatter_k(na, sizes[0])(*vals[:na], tgt_a, zeros2)
    p = _scatter_k(nchunk - na, sizes[na])(*vals[na:], tgt_b, pa)

    return _node_call(z_h, p[0], p[1], mw, nW1[0:F],
                      nW1[F:2 * F], nb1.reshape(1, F), nW2,
                      nb2.reshape(1, F))

# --- scband reference (transcript-rebuilt; emitter-appended) ---
"""Pipeline reference for scband-gnn-h-46428596469875 (READ-ONLY COPY).

The authoritative reference and input builder live on the scoring server;
editing this copy changes nothing except your own understanding.
"""

import jax, jax.numpy as jnp
import numpy as np

N = 10000
E = 320000
FEAT = 128
MSG = 128
HID = 128
EDGE_DIM = 8


def _mlp(x, W1, b1, W2, b2):
    return jax.nn.relu(x @ W1 + b1) @ W2 + b2


def setup_inputs(seed: int = 0) -> dict:
    key = jax.random.key(seed)
    ks = jax.random.split(key, 24)

    def w(k, i, o):
        return jax.random.normal(k, (i, o), dtype=jnp.float32) * (1.0 / np.sqrt(i))

    in_edge = FEAT * 2 + EDGE_DIM
    in_node = FEAT + MSG
    in_world = FEAT + 3
    inp = {}
    inp["z_h"] = jax.random.normal(ks[0], (N, FEAT), dtype=jnp.float32)
    inp["edge_index_h_h"] = jax.random.randint(ks[1], (2, E), 0, N, dtype=jnp.int32)
    inp["pos_world"] = jax.random.normal(ks[2], (1, 3), dtype=jnp.float32)
    inp["eW1"] = w(ks[3], in_edge, HID); inp["eb1"] = jnp.zeros((HID,), jnp.float32)
    inp["eW2"] = w(ks[4], HID, MSG); inp["eb2"] = jnp.zeros((MSG,), jnp.float32)
    inp["wW1"] = w(ks[5], in_edge, HID); inp["wb1"] = jnp.zeros((HID,), jnp.float32)
    inp["wW2"] = w(ks[6], HID, 1); inp["wb2"] = jnp.zeros((1,), jnp.float32)
    inp["nW1"] = w(ks[7], in_node, HID); inp["nb1"] = jnp.zeros((HID,), jnp.float32)
    inp["nW2"] = w(ks[8], HID, FEAT); inp["nb2"] = jnp.zeros((FEAT,), jnp.float32)
    inp["gW1"] = w(ks[9], in_world, HID); inp["gb1"] = jnp.zeros((HID,), jnp.float32)
    inp["gW2"] = w(ks[10], HID, MSG); inp["gb2"] = jnp.zeros((MSG,), jnp.float32)
    return inp


def reference(z_h, edge_index_h_h, pos_world,
              eW1, eb1, eW2, eb2,
              wW1, wb1, wW2, wb2,
              nW1, nb1, nW2, nb2,
              gW1, gb1, gW2, gb2):
    source = edge_index_h_h[0]
    target = edge_index_h_h[1]
    # edge features
    diff_ij = z_h[source, 0:3] - z_h[target, 0:3]
    dist_ij = jnp.sum(diff_ij ** 2, axis=-1, keepdims=True)
    vel_cross = jnp.cross(z_h[source, 3:6], z_h[target, 3:6])
    abs_vel_cross = jnp.linalg.norm(vel_cross, axis=-1, keepdims=True)
    e_h_h = jnp.concatenate([diff_ij, dist_ij, vel_cross, abs_vel_cross], axis=-1)
    input_edge = jnp.concatenate([z_h[source], z_h[target], e_h_h], axis=-1)
    m_h_h = _mlp(input_edge, eW1, eb1, eW2, eb2)
    w_h_h = jax.nn.sigmoid(_mlp(input_edge, wW1, wb1, wW2, wb2))
    m_agg_h = jnp.zeros_like(z_h).at[target].add(w_h_h * m_h_h)
    diff_world = z_h[:, 0:3] - pos_world
    input_world = jnp.concatenate([z_h, diff_world], axis=-1)
    m_h_w = _mlp(input_world, gW1, gb1, gW2, gb2)
    m_agg_w = jnp.sum(m_h_w, axis=0, keepdims=True)
    m_agg_total = m_agg_h + m_agg_w
    input_node = jnp.concatenate([z_h, m_agg_total], axis=-1)
    delta_z_h = _mlp(input_node, nW1, nb1, nW2, nb2)
    return delta_z_h

if __name__ == "__main__":
    import jax
    _d = setup_inputs()
    print(jax.jit(kernel)(*tuple(_d.values())))

</pallas_src>

<mosaic_0001>
#map = affine_map<(d0, d1) -> (0, 0)>
#map1 = affine_map<(d0, d1) -> (0, 0, 0)>
module attributes {stable_mosaic.version = 14 : i64} {
  func.func @body_fn(%arg0: i32, %arg1: i32, %arg2: memref<10000x128xf32, #tpu.memory_space<hbm>>, %arg3: memref<32x25x80xi32, #tpu.memory_space<hbm>>, %arg4: memref<32x25x80xi32, #tpu.memory_space<hbm>>, %arg5: memref<64000x128xf32, #tpu.memory_space<hbm>>, %arg6: memref<64000x128xf32, #tpu.memory_space<hbm>>, %arg7: memref<25x80xi32, #tpu.memory_space<vmem>>, %arg8: memref<25x80xi32, #tpu.memory_space<vmem>>, %arg9: memref<80x128xf32, #tpu.memory_space<vmem>>, %arg10: memref<80x128xf32, #tpu.memory_space<vmem>>, %arg11: memref<80x128xf32, #tpu.memory_space<vmem>>, %arg12: memref<80x128xf32, #tpu.memory_space<vmem>>, %arg13: memref<!tpu.dma_semaphore, #tpu.memory_space<semaphore_mem>>, %arg14: memref<!tpu.dma_semaphore, #tpu.memory_space<semaphore_mem>>, %arg15: memref<!tpu.dma_semaphore, #tpu.memory_space<semaphore_mem>>, %arg16: memref<!tpu.dma_semaphore, #tpu.memory_space<semaphore_mem>>) attributes {dimension_semantics = [#tpu.dimension_semantics<core_parallel>, #tpu.dimension_semantics<subcore_parallel>], iteration_bounds = array<i64: 2, 16>, scalar_prefetch = 0 : i64, scratch_operands = 10 : i64, tpu.core_type = #tpu.core_type<sc_vector_subcore>, window_params = [{transform_indices = #map}, {transform_indices = #map1}, {transform_indices = #map1}, {transform_indices = #map}, {transform_indices = #map}]} {
    %mul3A = arith.constant 2 : i32
    %mul3A_0 = arith.muli %arg1, %mul3A : i32
    %add3A = arith.addi %mul3A_0, %arg0 : i32
    %mul3A_1 = arith.constant 2000 : i32
    %mul3A_2 = arith.muli %add3A, %mul3A_1 : i32
    "tpu.region"() ({
      %run_scoped3A = tpu.sem_alloc : memref<!tpu.dma_semaphore, #tpu.memory_space<semaphore_mem>>
      %dma_start3A_36 = arith.constant 0 : i32
      %dma_start3A_37 = arith.constant 0 : i32
      %dma_start3A_38 = tpu.memref_slice %arg3[%add3A, %dma_start3A_36, %dma_start3A_37] : memref<32x25x80xi32, #tpu.memory_space<hbm>> -> memref<1x25x80xi32, #tpu.memory_space<hbm>>
      %dma_start3A_39 = tpu.memref_squeeze %dma_start3A_38 : memref<1x25x80xi32, #tpu.memory_space<hbm>> -> memref<25x80xi32, #tpu.memory_space<hbm>>
      %dma_start3A_40 = arith.constant 0 : i32
      %dma_start3A_41 = arith.constant 0 : i32
      %dma_start3A_42 = tpu.memref_slice %arg3[%add3A, %dma_start3A_40, %dma_start3A_41] : memref<32x25x80xi32, #tpu.memory_space<hbm>> -> memref<1x25x80xi32, #tpu.memory_space<hbm>>
      %dma_start3A_43 = tpu.memref_squeeze %dma_start3A_42 : memref<1x25x80xi32, #tpu.memory_space<hbm>> -> memref<25x80xi32, #tpu.memory_space<hbm>>
      tpu.enqueue_dma source(%dma_start3A_43 : memref<25x80xi32, #tpu.memory_space<hbm>>) target(%arg7 : memref<25x80xi32, #tpu.memory_space<vmem>>) target_semaphore(%run_scoped3A : memref<!tpu.dma_semaphore, #tpu.memory_space<semaphore_mem>>)
      %dma_wait3A_44 = arith.constant 0 : i32
      %dma_wait3A_45 = arith.constant 0 : i32
      %dma_wait3A_46 = tpu.memref_slice %arg3[%add3A, %dma_wait3A_44, %dma_wait3A_45] : memref<32x25x80xi32, #tpu.memory_space<hbm>> -> memref<1x25x80xi32, #tpu.memory_space<hbm>>
      %dma_wait3A_47 = tpu.memref_squeeze %dma_wait3A_46 : memref<1x25x80xi32, #tpu.memory_space<hbm>> -> memref<25x80xi32, #tpu.memory_space<hbm>>
      %dma_wait3A_48 = arith.constant 0 : i32
      %dma_wait3A_49 = arith.constant 0 : i32
      %dma_wait3A_50 = tpu.memref_slice %arg3[%add3A, %dma_wait3A_48, %dma_wait3A_49] : memref<32x25x80xi32, #tpu.memory_space<hbm>> -> memref<1x25x80xi32, #tpu.memory_space<hbm>>
      %dma_wait3A_51 = tpu.memref_squeeze %dma_wait3A_50 : memref<1x25x80xi32, #tpu.memory_space<hbm>> -> memref<25x80xi32, #tpu.memory_space<hbm>>
      tpu.wait_dma2 semaphore(%run_scoped3A : memref<!tpu.dma_semaphore, #tpu.memory_space<semaphore_mem>>) src(%dma_wait3A_51 : memref<25x80xi32, #tpu.memory_space<hbm>>) dst(%arg7 : memref<25x80xi32, #tpu.memory_space<vmem>>)
      tpu.yield
    }) : () -> ()
    "tpu.region"() ({
      %run_scoped3A = tpu.sem_alloc : memref<!tpu.dma_semaphore, #tpu.memory_space<semaphore_mem>>
      %dma_start3A_36 = arith.constant 0 : i32
      %dma_start3A_37 = arith.constant 0 : i32
      %dma_start3A_38 = tpu.memref_slice %arg4[%add3A, %dma_start3A_36, %dma_start3A_37] : memref<32x25x80xi32, #tpu.memory_space<hbm>> -> memref<1x25x80xi32, #tpu.memory_space<hbm>>
      %dma_start3A_39 = tpu.memref_squeeze %dma_start3A_38 : memref<1x25x80xi32, #tpu.memory_space<hbm>> -> memref<25x80xi32, #tpu.memory_space<hbm>>
      %dma_start3A_40 = arith.constant 0 : i32
      %dma_start3A_41 = arith.constant 0 : i32
      %dma_start3A_42 = tpu.memref_slice %arg4[%add3A, %dma_start3A_40, %dma_start3A_41] : memref<32x25x80xi32, #tpu.memory_space<hbm>> -> memref<1x25x80xi32, #tpu.memory_space<hbm>>
      %dma_start3A_43 = tpu.memref_squeeze %dma_start3A_42 : memref<1x25x80xi32, #tpu.memory_space<hbm>> -> memref<25x80xi32, #tpu.memory_space<hbm>>
      tpu.enqueue_dma source(%dma_start3A_43 : memref<25x80xi32, #tpu.memory_space<hbm>>) target(%arg8 : memref<25x80xi32, #tpu.memory_space<vmem>>) target_semaphore(%run_scoped3A : memref<!tpu.dma_semaphore, #tpu.memory_space<semaphore_mem>>)
      %dma_wait3A_44 = arith.constant 0 : i32
      %dma_wait3A_45 = arith.constant 0 : i32
      %dma_wait3A_46 = tpu.memref_slice %arg4[%add3A, %dma_wait3A_44, %dma_wait3A_45] : memref<32x25x80xi32, #tpu.memory_space<hbm>> -> memref<1x25x80xi32, #tpu.memory_space<hbm>>
      %dma_wait3A_47 = tpu.memref_squeeze %dma_wait3A_46 : memref<1x25x80xi32, #tpu.memory_space<hbm>> -> memref<25x80xi32, #tpu.memory_space<hbm>>
      %dma_wait3A_48 = arith.constant 0 : i32
      %dma_wait3A_49 = arith.constant 0 : i32
      %dma_wait3A_50 = tpu.memref_slice %arg4[%add3A, %dma_wait3A_48, %dma_wait3A_49] : memref<32x25x80xi32, #tpu.memory_space<hbm>> -> memref<1x25x80xi32, #tpu.memory_space<hbm>>
      %dma_wait3A_51 = tpu.memref_squeeze %dma_wait3A_50 : memref<1x25x80xi32, #tpu.memory_space<hbm>> -> memref<25x80xi32, #tpu.memory_space<hbm>>
      tpu.wait_dma2 semaphore(%run_scoped3A : memref<!tpu.dma_semaphore, #tpu.memory_space<semaphore_mem>>) src(%dma_wait3A_51 : memref<25x80xi32, #tpu.memory_space<hbm>>) dst(%arg8 : memref<25x80xi32, #tpu.memory_space<vmem>>)
      tpu.yield
    }) : () -> ()
    %dma_start3A = arith.constant 0 : i32
    %dma_start3A_3 = arith.constant 0 : i32
    %dma_start3A_4 = tpu.memref_slice %arg7[%dma_start3A, %dma_start3A_3] : memref<25x80xi32, #tpu.memory_space<vmem>> -> memref<1x80xi32, #tpu.memory_space<vmem>>
    %dma_start3A_5 = tpu.memref_squeeze %dma_start3A_4 : memref<1x80xi32, #tpu.memory_space<vmem>> -> memref<80xi32, #tpu.memory_space<vmem>>
    %dma_start3A_6 = arith.constant 0 : i32
    %dma_start3A_7 = arith.constant 0 : i32
    %dma_start3A_8 = tpu.memref_slice %arg2[%dma_start3A_6, %dma_start3A_7] : memref<10000x128xf32, #tpu.memory_space<hbm>> -> memref<10000x128xf32, #tpu.memory_space<hbm>>
    tpu.enqueue_indirect_dma source(%dma_start3A_8 : memref<10000x128xf32, #tpu.memory_space<hbm>>) target(%arg9 : memref<80x128xf32, #tpu.memory_space<vmem>>) offsets(%dma_start3A_5 : memref<80xi32, #tpu.memory_space<vmem>>) semaphore(%arg13 : memref<!tpu.dma_semaphore, #tpu.memory_space<semaphore_mem>>)
    %dma_start3A_9 = arith.constant 0 : i32
    %dma_start3A_10 = arith.constant 0 : i32
    %dma_start3A_11 = tpu.memref_slice %arg8[%dma_start3A_9, %dma_start3A_10] : memref<25x80xi32, #tpu.memory_space<vmem>> -> memref<1x80xi32, #tpu.memory_space<vmem>>
    %dma_start3A_12 = tpu.memref_squeeze %dma_start3A_11 : memref<1x80xi32, #tpu.memory_space<vmem>> -> memref<80xi32, #tpu.memory_space<vmem>>
    %dma_start3A_13 = arith.constant 0 : i32
    %dma_start3A_14 = arith.constant 0 : i32
    %dma_start3A_15 = tpu.memref_slice %arg2[%dma_start3A_13, %dma_start3A_14] : memref<10000x128xf32, #tpu.memory_space<hbm>> -> memref<10000x128xf32, #tpu.memory_space<hbm>>
    tpu.enqueue_indirect_dma source(%dma_start3A_15 : memref<10000x128xf32, #tpu.memory_space<hbm>>) target(%arg11 : memref<80x128xf32, #tpu.memory_space<vmem>>) offsets(%dma_start3A_12 : memref<80xi32, #tpu.memory_space<vmem>>) semaphore(%arg15 : memref<!tpu.dma_semaphore, #tpu.memory_space<semaphore_mem>>)
    %scan3A = arith.constant 0 : i32
    %scan3A_16 = arith.constant 0 : i32
    %scan3A_17 = arith.constant 12 : i32
    %scan3A_18 = arith.addi %scan3A_16, %scan3A_17 : i32
    %scan3A_19 = arith.constant 1 : i32
    scf.for %scan3A_36 = %scan3A_16 to %scan3A_18 step %scan3A_19  : i32 {
      %mul3A_37 = arith.constant 2 : i32
      %mul3A_38 = arith.muli %mul3A_37, %scan3A_36 : i32
      %add3A_39 = arith.constant 1 : i32
      %add3A_40 = arith.addi %mul3A_38, %add3A_39 : i32
      %dma_start3A_41 = arith.constant 0 : i32
      %dma_start3A_42 = tpu.memref_slice %arg7[%add3A_40, %dma_start3A_41] : memref<25x80xi32, #tpu.memory_space<vmem>> -> memref<1x80xi32, #tpu.memory_space<vmem>>
      %dma_start3A_43 = tpu.memref_squeeze %dma_start3A_42 : memref<1x80xi32, #tpu.memory_space<vmem>> -> memref<80xi32, #tpu.memory_space<vmem>>
      %dma_start3A_44 = arith.constant 0 : i32
      %dma_start3A_45 = arith.constant 0 : i32
      %dma_start3A_46 = tpu.memref_slice %arg2[%dma_start3A_44, %dma_start3A_45] : memref<10000x128xf32, #tpu.memory_space<hbm>> -> memref<10000x128xf32, #tpu.memory_space<hbm>>
      tpu.enqueue_indirect_dma source(%dma_start3A_46 : memref<10000x128xf32, #tpu.memory_space<hbm>>) target(%arg10 : memref<80x128xf32, #tpu.memory_space<vmem>>) offsets(%dma_start3A_43 : memref<80xi32, #tpu.memory_space<vmem>>) semaphore(%arg14 : memref<!tpu.dma_semaphore, #tpu.memory_space<semaphore_mem>>)
      %add3A_47 = arith.constant 1 : i32
      %add3A_48 = arith.addi %mul3A_38, %add3A_47 : i32
      %dma_start3A_49 = arith.constant 0 : i32
      %dma_start3A_50 = tpu.memref_slice %arg8[%add3A_48, %dma_start3A_49] : memref<25x80xi32, #tpu.memory_space<vmem>> -> memref<1x80xi32, #tpu.memory_space<vmem>>
      %dma_start3A_51 = tpu.memref_squeeze %dma_start3A_50 : memref<1x80xi32, #tpu.memory_space<vmem>> -> memref<80xi32, #tpu.memory_space<vmem>>
      %dma_start3A_52 = arith.constant 0 : i32
      %dma_start3A_53 = arith.constant 0 : i32
      %dma_start3A_54 = tpu.memref_slice %arg2[%dma_start3A_52, %dma_start3A_53] : memref<10000x128xf32, #tpu.memory_space<hbm>> -> memref<10000x128xf32, #tpu.memory_space<hbm>>
      tpu.enqueue_indirect_dma source(%dma_start3A_54 : memref<10000x128xf32, #tpu.memory_space<hbm>>) target(%arg12 : memref<80x128xf32, #tpu.memory_space<vmem>>) offsets(%dma_start3A_51 : memref<80xi32, #tpu.memory_space<vmem>>) semaphore(%arg16 : memref<!tpu.dma_semaphore, #tpu.memory_space<semaphore_mem>>)
      %dma_wait3A_55 = arith.constant 0 : i32
      %dma_wait3A_56 = arith.constant 0 : i32
      %dma_wait3A_57 = tpu.memref_slice %arg2[%dma_wait3A_55, %dma_wait3A_56] : memref<10000x128xf32, #tpu.memory_space<hbm>> -> memref<80x128xf32, #tpu.memory_space<hbm>>
      %dma_wait3A_58 = arith.constant 0 : i32
      %dma_wait3A_59 = arith.constant 0 : i32
      %dma_wait3A_60 = tpu.memref_slice %arg2[%dma_wait3A_58, %dma_wait3A_59] : memref<10000x128xf32, #tpu.memory_space<hbm>> -> memref<80x128xf32, #tpu.memory_space<hbm>>
      tpu.wait_dma2 semaphore(%arg13 : memref<!tpu.dma_semaphore, #tpu.memory_space<semaphore_mem>>) src(%dma_wait3A_60 : memref<80x128xf32, #tpu.memory_space<hbm>>) dst(%arg9 : memref<80x128xf32, #tpu.memory_space<vmem>>)
      %mul3A_61 = arith.constant 80 : i32
      %mul3A_62 = arith.muli %mul3A_38, %mul3A_61 : i32
      %add3A_63 = arith.addi %mul3A_2, %mul3A_62 : i32
      "tpu.region"() ({
        %run_scoped3A = tpu.sem_alloc : memref<!tpu.dma_semaphore, #tpu.memory_space<semaphore_mem>>
        %dma_start3A_111 = arith.constant 0 : i32
        %dma_start3A_112 = tpu.memref_slice %arg5[%add3A_63, %dma_start3A_111] : memref<64000x128xf32, #tpu.memory_space<hbm>> -> memref<80x128xf32, #tpu.memory_space<hbm>>
        %dma_start3A_113 = arith.constant 0 : i32
        %dma_start3A_114 = tpu.memref_slice %arg5[%add3A_63, %dma_start3A_113] : memref<64000x128xf32, #tpu.memory_space<hbm>> -> memref<80x128xf32, #tpu.memory_space<hbm>>
        tpu.enqueue_dma source(%arg9 : memref<80x128xf32, #tpu.memory_space<vmem>>) target(%dma_start3A_114 : memref<80x128xf32, #tpu.memory_space<hbm>>) target_semaphore(%run_scoped3A : memref<!tpu.dma_semaphore, #tpu.memory_space<semaphore_mem>>)
        %dma_wait3A_115 = arith.constant 0 : i32
        %dma_wait3A_116 = tpu.memref_slice %arg5[%add3A_63, %dma_wait3A_115] : memref<64000x128xf32, #tpu.memory_space<hbm>> -> memref<80x128xf32, #tpu.memory_space<hbm>>
        %dma_wait3A_117 = arith.constant 0 : i32
        %dma_wait3A_118 = tpu.memref_slice %arg5[%add3A_63, %dma_wait3A_117] : memref<64000x128xf32, #tpu.memory_space<hbm>> -> memref<80x128xf32, #tpu.memory_space<hbm>>
        tpu.wait_dma2 semaphore(%run_scoped3A : memref<!tpu.dma_semaphore, #tpu.memory_space<semaphore_mem>>) src(%arg9 : memref<80x128xf32, #tpu.memory_space<vmem>>) dst(%dma_wait3A_118 : memref<80x128xf32, #tpu.memory_space<hbm>>)
        tpu.yield
      }) : () -> ()
      %dma_wait3A_64 = arith.constant 0 : i32
      %dma_wait3A_65 = arith.constant 0 : i32
      %dma_wait3A_66 = tpu.memref_slice %arg2[%dma_wait3A_64, %dma_wait3A_65] : memref<10000x128xf32, #tpu.memory_space<hbm>> -> memref<80x128xf32, #tpu.memory_space<hbm>>
      %dma_wait3A_67 = arith.constant 0 : i32
      %dma_wait3A_68 = arith.constant 0 : i32
      %dma_wait3A_69 = tpu.memref_slice %arg2[%dma_wait3A_67, %dma_wait3A_68] : memref<10000x128xf32, #tpu.memory_space<hbm>> -> memref<80x128xf32, #tpu.memory_space<hbm>>
      tpu.wait_dma2 semaphore(%arg15 : memref<!tpu.dma_semaphore, #tpu.memory_space<semaphore_mem>>) src(%dma_wait3A_69 : memref<80x128xf32, #tpu.memory_space<hbm>>) dst(%arg11 : memref<80x128xf32, #tpu.memory_space<vmem>>)
      %mul3A_70 = arith.constant 80 : i32
      %mul3A_71 = arith.muli %mul3A_38, %mul3A_70 : i32
      %add3A_72 = arith.addi %mul3A_2, %mul3A_71 : i32
      "tpu.region"() ({
        %run_scoped3A = tpu.sem_alloc : memref<!tpu.dma_semaphore, #tpu.memory_space<semaphore_mem>>
        %dma_start3A_111 = arith.constant 0 : i32
        %dma_start3A_112 = tpu.memref_slice %arg6[%add3A_72, %dma_start3A_111] : memref<64000x128xf32, #tpu.memory_space<hbm>> -> memref<80x128xf32, #tpu.memory_space<hbm>>
        %dma_start3A_113 = arith.constant 0 : i32
        %dma_start3A_114 = tpu.memref_slice %arg6[%add3A_72, %dma_start3A_113] : memref<64000x128xf32, #tpu.memory_space<hbm>> -> memref<80x128xf32, #tpu.memory_space<hbm>>
        tpu.enqueue_dma source(%arg11 : memref<80x128xf32, #tpu.memory_space<vmem>>) target(%dma_start3A_114 : memref<80x128xf32, #tpu.memory_space<hbm>>) target_semaphore(%run_scoped3A : memref<!tpu.dma_semaphore, #tpu.memory_space<semaphore_mem>>)
        %dma_wait3A_115 = arith.constant 0 : i32
        %dma_wait3A_116 = tpu.memref_slice %arg6[%add3A_72, %dma_wait3A_115] : memref<64000x128xf32, #tpu.memory_space<hbm>> -> memref<80x128xf32, #tpu.memory_space<hbm>>
        %dma_wait3A_117 = arith.constant 0 : i32
        %dma_wait3A_118 = tpu.memref_slice %arg6[%add3A_72, %dma_wait3A_117] : memref<64000x128xf32, #tpu.memory_space<hbm>> -> memref<80x128xf32, #tpu.memory_space<hbm>>
        tpu.wait_dma2 semaphore(%run_scoped3A : memref<!tpu.dma_semaphore, #tpu.memory_space<semaphore_mem>>) src(%arg11 : memref<80x128xf32, #tpu.memory_space<vmem>>) dst(%dma_wait3A_118 : memref<80x128xf32, #tpu.memory_space<hbm>>)
        tpu.yield
      }) : () -> ()
      %add3A_73 = arith.constant 2 : i32
      %add3A_74 = arith.addi %mul3A_38, %add3A_73 : i32
      %dma_start3A_75 = arith.constant 0 : i32
      %dma_start3A_76 = tpu.memref_slice %arg7[%add3A_74, %dma_start3A_75] : memref<25x80xi32, #tpu.memory_space<vmem>> -> memref<1x80xi32, #tpu.memory_space<vmem>>
      %dma_start3A_77 = tpu.memref_squeeze %dma_start3A_76 : memref<1x80xi32, #tpu.memory_space<vmem>> -> memref<80xi32, #tpu.memory_space<vmem>>
      %dma_start3A_78 = arith.constant 0 : i32
      %dma_start3A_79 = arith.constant 0 : i32
      %dma_start3A_80 = tpu.memref_slice %arg2[%dma_start3A_78, %dma_start3A_79] : memref<10000x128xf32, #tpu.memory_space<hbm>> -> memref<10000x128xf32, #tpu.memory_space<hbm>>
      tpu.enqueue_indirect_dma source(%dma_start3A_80 : memref<10000x128xf32, #tpu.memory_space<hbm>>) target(%arg9 : memref<80x128xf32, #tpu.memory_space<vmem>>) offsets(%dma_start3A_77 : memref<80xi32, #tpu.memory_space<vmem>>) semaphore(%arg13 : memref<!tpu.dma_semaphore, #tpu.memory_space<semaphore_mem>>)
      %add3A_81 = arith.constant 2 : i32
      %add3A_82 = arith.addi %mul3A_38, %add3A_81 : i32
      %dma_start3A_83 = arith.constant 0 : i32
      %dma_start3A_84 = tpu.memref_slice %arg8[%add3A_82, %dma_start3A_83] : memref<25x80xi32, #tpu.memory_space<vmem>> -> memref<1x80xi32, #tpu.memory_space<vmem>>
      %dma_start3A_85 = tpu.memref_squeeze %dma_start3A_84 : memref<1x80xi32, #tpu.memory_space<vmem>> -> memref<80xi32, #tpu.memory_space<vmem>>
      %dma_start3A_86 = arith.constant 0 : i32
      %dma_start3A_87 = arith.constant 0 : i32
      %dma_start3A_88 = tpu.memref_slice %arg2[%dma_start3A_86, %dma_start3A_87] : memref<10000x128xf32, #tpu.memory_space<hbm>> -> memref<10000x128xf32, #tpu.memory_space<hbm>>
      tpu.enqueue_indirect_dma source(%dma_start3A_88 : memref<10000x128xf32, #tpu.memory_space<hbm>>) target(%arg11 : memref<80x128xf32, #tpu.memory_space<vmem>>) offsets(%dma_start3A_85 : memref<80xi32, #tpu.memory_space<vmem>>) semaphore(%arg15 : memref<!tpu.dma_semaphore, #tpu.memory_space<semaphore_mem>>)
      %add3A_89 = arith.constant 1 : i32
      %add3A_90 = arith.addi %mul3A_38, %add3A_89 : i32
      %dma_wait3A_91 = arith.constant 0 : i32
      %dma_wait3A_92 = arith.constant 0 : i32
      %dma_wait3A_93 = tpu.memref_slice %arg2[%dma_wait3A_91, %dma_wait3A_92] : memref<10000x128xf32, #tpu.memory_space<hbm>> -> memref<80x128xf32, #tpu.memory_space<hbm>>
      %dma_wait3A_94 = arith.constant 0 : i32
      %dma_wait3A_95 = arith.constant 0 : i32
      %dma_wait3A_96 = tpu.memref_slice %arg2[%dma_wait3A_94, %dma_wait3A_95] : memref<10000x128xf32, #tpu.memory_space<hbm>> -> memref<80x128xf32, #tpu.memory_space<hbm>>
      tpu.wait_dma2 semaphore(%arg14 : memref<!tpu.dma_semaphore, #tpu.memory_space<semaphore_mem>>) src(%dma_wait3A_96 : memref<80x128xf32, #tpu.memory_space<hbm>>) dst(%arg10 : memref<80x128xf32, #tpu.memory_space<vmem>>)
      %mul3A_97 = arith.constant 80 : i32
      %mul3A_98 = arith.muli %add3A_90, %mul3A_97 : i32
      %add3A_99 = arith.addi %mul3A_2, %mul3A_98 : i32
      "tpu.region"() ({
        %run_scoped3A = tpu.sem_alloc : memref<!tpu.dma_semaphore, #tpu.memory_space<semaphore_mem>>
        %dma_start3A_111 = arith.constant 0 : i32
        %dma_start3A_112 = tpu.memref_slice %arg5[%add3A_99, %dma_start3A_111] : memref<64000x128xf32, #tpu.memory_space<hbm>> -> memref<80x128xf32, #tpu.memory_space<hbm>>
        %dma_start3A_113 = arith.constant 0 : i32
        %dma_start3A_114 = tpu.memref_slice %arg5[%add3A_99, %dma_start3A_113] : memref<64000x128xf32, #tpu.memory_space<hbm>> -> memref<80x128xf32, #tpu.memory_space<hbm>>
        tpu.enqueue_dma source(%arg10 : memref<80x128xf32, #tpu.memory_space<vmem>>) target(%dma_start3A_114 : memref<80x128xf32, #tpu.memory_space<hbm>>) target_semaphore(%run_scoped3A : memref<!tpu.dma_semaphore, #tpu.memory_space<semaphore_mem>>)
        %dma_wait3A_115 = arith.constant 0 : i32
        %dma_wait3A_116 = tpu.memref_slice %arg5[%add3A_99, %dma_wait3A_115] : memref<64000x128xf32, #tpu.memory_space<hbm>> -> memref<80x128xf32, #tpu.memory_space<hbm>>
        %dma_wait3A_117 = arith.constant 0 : i32
        %dma_wait3A_118 = tpu.memref_slice %arg5[%add3A_99, %dma_wait3A_117] : memref<64000x128xf32, #tpu.memory_space<hbm>> -> memref<80x128xf32, #tpu.memory_space<hbm>>
        tpu.wait_dma2 semaphore(%run_scoped3A : memref<!tpu.dma_semaphore, #tpu.memory_space<semaphore_mem>>) src(%arg10 : memref<80x128xf32, #tpu.memory_space<vmem>>) dst(%dma_wait3A_118 : memref<80x128xf32, #tpu.memory_space<hbm>>)
        tpu.yield
      }) : () -> ()
      %add3A_100 = arith.constant 1 : i32
      %add3A_101 = arith.addi %mul3A_38, %add3A_100 : i32
      %dma_wait3A_102 = arith.constant 0 : i32
      %dma_wait3A_103 = arith.constant 0 : i32
      %dma_wait3A_104 = tpu.memref_slice %arg2[%dma_wait3A_102, %dma_wait3A_103] : memref<10000x128xf32, #tpu.memory_space<hbm>> -> memref<80x128xf32, #tpu.memory_space<hbm>>
      %dma_wait3A_105 = arith.constant 0 : i32
      %dma_wait3A_106 = arith.constant 0 : i32
      %dma_wait3A_107 = tpu.memref_slice %arg2[%dma_wait3A_105, %dma_wait3A_106] : memref<10000x128xf32, #tpu.memory_space<hbm>> -> memref<80x128xf32, #tpu.memory_space<hbm>>
      tpu.wait_dma2 semaphore(%arg16 : memref<!tpu.dma_semaphore, #tpu.memory_space<semaphore_mem>>) src(%dma_wait3A_107 : memref<80x128xf32, #tpu.memory_space<hbm>>) dst(%arg12 : memref<80x128xf32, #tpu.memory_space<vmem>>)
      %mul3A_108 = arith.constant 80 : i32
      %mul3A_109 = arith.muli %add3A_101, %mul3A_108 : i32
      %add3A_110 = arith.addi %mul3A_2, %mul3A_109 : i32
      "tpu.region"() ({
        %run_scoped3A = tpu.sem_alloc : memref<!tpu.dma_semaphore, #tpu.memory_space<semaphore_mem>>
        %dma_start3A_111 = arith.constant 0 : i32
        %dma_start3A_112 = tpu.memref_slice %arg6[%add3A_110, %dma_start3A_111] : memref<64000x128xf32, #tpu.memory_space<hbm>> -> memref<80x128xf32, #tpu.memory_space<hbm>>
        %dma_start3A_113 = arith.constant 0 : i32
        %dma_start3A_114 = tpu.memref_slice %arg6[%add3A_110, %dma_start3A_113] : memref<64000x128xf32, #tpu.memory_space<hbm>> -> memref<80x128xf32, #tpu.memory_space<hbm>>
        tpu.enqueue_dma source(%arg12 : memref<80x128xf32, #tpu.memory_space<vmem>>) target(%dma_start3A_114 : memref<80x128xf32, #tpu.memory_space<hbm>>) target_semaphore(%run_scoped3A : memref<!tpu.dma_semaphore, #tpu.memory_space<semaphore_mem>>)
        %dma_wait3A_115 = arith.constant 0 : i32
        %dma_wait3A_116 = tpu.memref_slice %arg6[%add3A_110, %dma_wait3A_115] : memref<64000x128xf32, #tpu.memory_space<hbm>> -> memref<80x128xf32, #tpu.memory_space<hbm>>
        %dma_wait3A_117 = arith.constant 0 : i32
        %dma_wait3A_118 = tpu.memref_slice %arg6[%add3A_110, %dma_wait3A_117] : memref<64000x128xf32, #tpu.memory_space<hbm>> -> memref<80x128xf32, #tpu.memory_space<hbm>>
        tpu.wait_dma2 semaphore(%run_scoped3A : memref<!tpu.dma_semaphore, #tpu.memory_space<semaphore_mem>>) src(%arg12 : memref<80x128xf32, #tpu.memory_space<vmem>>) dst(%dma_wait3A_118 : memref<80x128xf32, #tpu.memory_space<hbm>>)
        tpu.yield
      }) : () -> ()
    }
    %scan3A_20 = arith.constant 12 : i32
    %dma_wait3A = arith.constant 0 : i32
    %dma_wait3A_21 = arith.constant 0 : i32
    %dma_wait3A_22 = tpu.memref_slice %arg2[%dma_wait3A, %dma_wait3A_21] : memref<10000x128xf32, #tpu.memory_space<hbm>> -> memref<80x128xf32, #tpu.memory_space<hbm>>
    %dma_wait3A_23 = arith.constant 0 : i32
    %dma_wait3A_24 = arith.constant 0 : i32
    %dma_wait3A_25 = tpu.memref_slice %arg2[%dma_wait3A_23, %dma_wait3A_24] : memref<10000x128xf32, #tpu.memory_space<hbm>> -> memref<80x128xf32, #tpu.memory_space<hbm>>
    tpu.wait_dma2 semaphore(%arg13 : memref<!tpu.dma_semaphore, #tpu.memory_space<semaphore_mem>>) src(%dma_wait3A_25 : memref<80x128xf32, #tpu.memory_space<hbm>>) dst(%arg9 : memref<80x128xf32, #tpu.memory_space<vmem>>)
    %add3A_26 = arith.constant 1920 : i32
    %add3A_27 = arith.addi %mul3A_2, %add3A_26 : i32
    "tpu.region"() ({
      %run_scoped3A = tpu.sem_alloc : memref<!tpu.dma_semaphore, #tpu.memory_space<semaphore_mem>>
      %dma_start3A_36 = arith.constant 0 : i32
      %dma_start3A_37 = tpu.memref_slice %arg5[%add3A_27, %dma_start3A_36] : memref<64000x128xf32, #tpu.memory_space<hbm>> -> memref<80x128xf32, #tpu.memory_space<hbm>>
      %dma_start3A_38 = arith.constant 0 : i32
      %dma_start3A_39 = tpu.memref_slice %arg5[%add3A_27, %dma_start3A_38] : memref<64000x128xf32, #tpu.memory_space<hbm>> -> memref<80x128xf32, #tpu.memory_space<hbm>>
      tpu.enqueue_dma source(%arg9 : memref<80x128xf32, #tpu.memory_space<vmem>>) target(%dma_start3A_39 : memref<80x128xf32, #tpu.memory_space<hbm>>) target_semaphore(%run_scoped3A : memref<!tpu.dma_semaphore, #tpu.memory_space<semaphore_mem>>)
      %dma_wait3A_40 = arith.constant 0 : i32
      %dma_wait3A_41 = tpu.memref_slice %arg5[%add3A_27, %dma_wait3A_40] : memref<64000x128xf32, #tpu.memory_space<hbm>> -> memref<80x128xf32, #tpu.memory_space<hbm>>
      %dma_wait3A_42 = arith.constant 0 : i32
      %dma_wait3A_43 = tpu.memref_slice %arg5[%add3A_27, %dma_wait3A_42] : memref<64000x128xf32, #tpu.memory_space<hbm>> -> memref<80x128xf32, #tpu.memory_space<hbm>>
      tpu.wait_dma2 semaphore(%run_scoped3A : memref<!tpu.dma_semaphore, #tpu.memory_space<semaphore_mem>>) src(%arg9 : memref<80x128xf32, #tpu.memory_space<vmem>>) dst(%dma_wait3A_43 : memref<80x128xf32, #tpu.memory_space<hbm>>)
      tpu.yield
    }) : () -> ()
    %dma_wait3A_28 = arith.constant 0 : i32
    %dma_wait3A_29 = arith.constant 0 : i32
    %dma_wait3A_30 = tpu.memref_slice %arg2[%dma_wait3A_28, %dma_wait3A_29] : memref<10000x128xf32, #tpu.memory_space<hbm>> -> memref<80x128xf32, #tpu.memory_space<hbm>>
    %dma_wait3A_31 = arith.constant 0 : i32
    %dma_wait3A_32 = arith.constant 0 : i32
    %dma_wait3A_33 = tpu.memref_slice %arg2[%dma_wait3A_31, %dma_wait3A_32] : memref<10000x128xf32, #tpu.memory_space<hbm>> -> memref<80x128xf32, #tpu.memory_space<hbm>>
    tpu.wait_dma2 semaphore(%arg15 : memref<!tpu.dma_semaphore, #tpu.memory_space<semaphore_mem>>) src(%dma_wait3A_33 : memref<80x128xf32, #tpu.memory_space<hbm>>) dst(%arg11 : memref<80x128xf32, #tpu.memory_space<vmem>>)
    %add3A_34 = arith.constant 1920 : i32
    %add3A_35 = arith.addi %mul3A_2, %add3A_34 : i32
    "tpu.region"() ({
      %run_scoped3A = tpu.sem_alloc : memref<!tpu.dma_semaphore, #tpu.memory_space<semaphore_mem>>
      %dma_start3A_36 = arith.constant 0 : i32
      %dma_start3A_37 = tpu.memref_slice %arg6[%add3A_35, %dma_start3A_36] : memref<64000x128xf32, #tpu.memory_space<hbm>> -> memref<80x128xf32, #tpu.memory_space<hbm>>
      %dma_start3A_38 = arith.constant 0 : i32
      %dma_start3A_39 = tpu.memref_slice %arg6[%add3A_35, %dma_start3A_38] : memref<64000x128xf32, #tpu.memory_space<hbm>> -> memref<80x128xf32, #tpu.memory_space<hbm>>
      tpu.enqueue_dma source(%arg11 : memref<80x128xf32, #tpu.memory_space<vmem>>) target(%dma_start3A_39 : memref<80x128xf32, #tpu.memory_space<hbm>>) target_semaphore(%run_scoped3A : memref<!tpu.dma_semaphore, #tpu.memory_space<semaphore_mem>>)
      %dma_wait3A_40 = arith.constant 0 : i32
      %dma_wait3A_41 = tpu.memref_slice %arg6[%add3A_35, %dma_wait3A_40] : memref<64000x128xf32, #tpu.memory_space<hbm>> -> memref<80x128xf32, #tpu.memory_space<hbm>>
      %dma_wait3A_42 = arith.constant 0 : i32
      %dma_wait3A_43 = tpu.memref_slice %arg6[%add3A_35, %dma_wait3A_42] : memref<64000x128xf32, #tpu.memory_space<hbm>> -> memref<80x128xf32, #tpu.memory_space<hbm>>
      tpu.wait_dma2 semaphore(%run_scoped3A : memref<!tpu.dma_semaphore, #tpu.memory_space<semaphore_mem>>) src(%arg11 : memref<80x128xf32, #tpu.memory_space<vmem>>) dst(%dma_wait3A_43 : memref<80x128xf32, #tpu.memory_space<hbm>>)
      tpu.yield
    }) : () -> ()
    return
  }
}

#map = affine_map<(d0, d1) -> (0, 0)>
#map1 = affine_map<(d0, d1) -> (0, 0, 0)>
module attributes {stable_mosaic.version = 14 : i64} {
  func.func @body_fn(%arg0: i32, %arg1: i32, %arg2: memref<10000x128xf32, #tpu.memory_space<hbm>>, %arg3: memref<32x25x80xi32, #tpu.memory_space<hbm>>, %arg4: memref<32x25x80xi32, #tpu.memory_space<hbm>>, %arg5: memref<64000x128xf32, #tpu.memory_space<hbm>>, %arg6: memref<64000x128xf32, #tpu.memory_space<hbm>>, %arg7: memref<25x80xi32, #tpu.memory_space<vmem>>, %arg8: memref<25x80xi32, #tpu.memory_space<vmem>>, %arg9: memref<80x128xf32, #tpu.memory_space<vmem>>, %arg10: memref<80x128xf32, #tpu.memory_space<vmem>>, %arg11: memref<80x128xf32, #tpu.memory_space<vmem>>, %arg12: memref<80x128xf32, #tpu.memory_space<vmem>>, %arg13: memref<!tpu.dma_semaphore, #tpu.memory_space<semaphore_mem>>, %arg14: memref<!tpu.dma_semaphore, #tpu.memory_space<semaphore_mem>>, %arg15: memref<!tpu.dma_semaphore, #tpu.memory_space<semaphore_mem>>, %arg16: memref<!tpu.dma_semaphore, #tpu.memory_space<semaphore_mem>>) attributes {dimension_semantics = [#tpu.dimension_semantics<core_parallel>, #tpu.dimension_semantics<subcore_parallel>], iteration_bounds = array<i64: 2, 16>, scalar_prefetch = 0 : i64, scratch_operands = 10 : i64, tpu.core_type = #tpu.core_type<sc_vector_subcore>, window_params = [{transform_indices = #map}, {transform_indices = #map1}, {transform_indices = #map1}, {transform_indices = #map}, {transform_indices = #map}]} {
    %mul3A = arith.constant 2 : i32
    %mul3A_0 = arith.muli %arg1, %mul3A : i32
    %add3A = arith.addi %mul3A_0, %arg0 : i32
    %mul3A_1 = arith.constant 2000 : i32
    %mul3A_2 = arith.muli %add3A, %mul3A_1 : i32
    "tpu.region"() ({
      %run_scoped3A = tpu.sem_alloc : memref<!tpu.dma_semaphore, #tpu.memory_space<semaphore_mem>>
      %dma_start3A_36 = arith.constant 0 : i32
      %dma_start3A_37 = arith.constant 0 : i32
      %dma_start3A_38 = tpu.memref_slice %arg3[%add3A, %dma_start3A_36, %dma_start3A_37] : memref<32x25x80xi32, #tpu.memory_space<hbm>> -> memref<1x25x80xi32, #tpu.memory_space<hbm>>
      %dma_start3A_39 = tpu.memref_squeeze %dma_start3A_38 : memref<1x25x80xi32, #tpu.memory_space<hbm>> -> memref<25x80xi32, #tpu.memory_space<hbm>>
      %dma_start3A_40 = arith.constant 0 : i32
      %dma_start3A_41 = arith.constant 0 : i32
      %dma_start3A_42 = tpu.memref_slice %arg3[%add3A, %dma_start3A_40, %dma_start3A_41] : memref<32x25x80xi32, #tpu.memory_space<hbm>> -> memref<1x25x80xi32, #tpu.memory_space<hbm>>
      %dma_start3A_43 = tpu.memref_squeeze %dma_start3A_42 : memref<1x25x80xi32, #tpu.memory_space<hbm>> -> memref<25x80xi32, #tpu.memory_space<hbm>>
      tpu.enqueue_dma source(%dma_start3A_43 : memref<25x80xi32, #tpu.memory_space<hbm>>) target(%arg7 : memref<25x80xi32, #tpu.memory_space<vmem>>) target_semaphore(%run_scoped3A : memref<!tpu.dma_semaphore, #tpu.memory_space<semaphore_mem>>)
      %dma_wait3A_44 = arith.constant 0 : i32
      %dma_wait3A_45 = arith.constant 0 : i32
      %dma_wait3A_46 = tpu.memref_slice %arg3[%add3A, %dma_wait3A_44, %dma_wait3A_45] : memref<32x25x80xi32, #tpu.memory_space<hbm>> -> memref<1x25x80xi32, #tpu.memory_space<hbm>>
      %dma_wait3A_47 = tpu.memref_squeeze %dma_wait3A_46 : memref<1x25x80xi32, #tpu.memory_space<hbm>> -> memref<25x80xi32, #tpu.memory_space<hbm>>
      %dma_wait3A_48 = arith.constant 0 : i32
      %dma_wait3A_49 = arith.constant 0 : i32
      %dma_wait3A_50 = tpu.memref_slice %arg3[%add3A, %dma_wait3A_48, %dma_wait3A_49] : memref<32x25x80xi32, #tpu.memory_space<hbm>> -> memref<1x25x80xi32, #tpu.memory_space<hbm>>
      %dma_wait3A_51 = tpu.memref_squeeze %dma_wait3A_50 : memref<1x25x80xi32, #tpu.memory_space<hbm>> -> memref<25x80xi32, #tpu.memory_space<hbm>>
      tpu.wait_dma2 semaphore(%run_scoped3A : memref<!tpu.dma_semaphore, #tpu.memory_space<semaphore_mem>>) src(%dma_wait3A_51 : memref<25x80xi32, #tpu.memory_space<hbm>>) dst(%arg7 : memref<25x80xi32, #tpu.memory_space<vmem>>)
      tpu.yield
    }) : () -> ()
    "tpu.region"() ({
      %run_scoped3A = tpu.sem_alloc : memref<!tpu.dma_semaphore, #tpu.memory_space<semaphore_mem>>
      %dma_start3A_36 = arith.constant 0 : i32
      %dma_start3A_37 = arith.constant 0 : i32
      %dma_start3A_38 = tpu.memref_slice %arg4[%add3A, %dma_start3A_36, %dma_start3A_37] : memref<32x25x80xi32, #tpu.memory_space<hbm>> -> memref<1x25x80xi32, #tpu.memory_space<hbm>>
      %dma_start3A_39 = tpu.memref_squeeze %dma_start3A_38 : memref<1x25x80xi32, #tpu.memory_space<hbm>> -> memref<25x80xi32, #tpu.memory_space<hbm>>
      %dma_start3A_40 = arith.constant 0 : i32
      %dma_start3A_41 = arith.constant 0 : i32
      %dma_start3A_42 = tpu.memref_slice %arg4[%add3A, %dma_start3A_40, %dma_start3A_41] : memref<32x25x80xi32, #tpu.memory_space<hbm>> -> memref<1x25x80xi32, #tpu.memory_space<hbm>>
      %dma_start3A_43 = tpu.memref_squeeze %dma_start3A_42 : memref<1x25x80xi32, #tpu.memory_space<hbm>> -> memref<25x80xi32, #tpu.memory_space<hbm>>
      tpu.enqueue_dma source(%dma_start3A_43 : memref<25x80xi32, #tpu.memory_space<hbm>>) target(%arg8 : memref<25x80xi32, #tpu.memory_space<vmem>>) target_semaphore(%run_scoped3A : memref<!tpu.dma_semaphore, #tpu.memory_space<semaphore_mem>>)
      %dma_wait3A_44 = arith.constant 0 : i32
      %dma_wait3A_45 = arith.constant 0 : i32
      %dma_wait3A_46 = tpu.memref_slice %arg4[%add3A, %dma_wait3A_44, %dma_wait3A_45] : memref<32x25x80xi32, #tpu.memory_space<hbm>> -> memref<1x25x80xi32, #tpu.memory_space<hbm>>
      %dma_wait3A_47 = tpu.memref_squeeze %dma_wait3A_46 : memref<1x25x80xi32, #tpu.memory_space<hbm>> -> memref<25x80xi32, #tpu.memory_space<hbm>>
      %dma_wait3A_48 = arith.constant 0 : i32
      %dma_wait3A_49 = arith.constant 0 : i32
      %dma_wait3A_50 = tpu.memref_slice %arg4[%add3A, %dma_wait3A_48, %dma_wait3A_49] : memref<32x25x80xi32, #tpu.memory_space<hbm>> -> memref<1x25x80xi32, #tpu.memory_space<hbm>>
      %dma_wait3A_51 = tpu.memref_squeeze %dma_wait3A_50 : memref<1x25x80xi32, #tpu.memory_space<hbm>> -> memref<25x80xi32, #tpu.memory_space<hbm>>
      tpu.wait_dma2 semaphore(%run_scoped3A : memref<!tpu.dma_semaphore, #tpu.memory_space<semaphore_mem>>) src(%dma_wait3A_51 : memref<25x80xi32, #tpu.memory_space<hbm>>) dst(%arg8 : memref<25x80xi32, #tpu.memory_space<vmem>>)
      tpu.yield
    }) : () -> ()
    %dma_start3A = arith.constant 0 : i32
    %dma_start3A_3 = arith.constant 0 : i32
    %dma_start3A_4 = tpu.memref_slice %arg7[%dma_start3A, %dma_start3A_3] : memref<25x80xi32, #tpu.memory_space<vmem>> -> memref<1x80xi32, #tpu.memory_space<vmem>>
    %dma_start3A_5 = tpu.memref_squeeze %dma_start3A_4 : memref<1x80xi32, #tpu.memory_space<vmem>> -> memref<80xi32, #tpu.memory_space<vmem>>
    %dma_start3A_6 = arith.constant 0 : i32
    %dma_start3A_7 = arith.constant 0 : i32
    %dma_start3A_8 = tpu.memref_slice %arg2[%dma_start3A_6, %dma_start3A_7] : memref<10000x128xf32, #tpu.memory_space<hbm>> -> memref<10000x128xf32, #tpu.memory_space<hbm>>
    tpu.enqueue_indirect_dma source(%dma_start3A_8 : memref<10000x128xf32, #tpu.memory_space<hbm>>) target(%arg9 : memref<80x128xf32, #tpu.memory_space<vmem>>) offsets(%dma_start3A_5 : memref<80xi32, #tpu.memory_space<vmem>>) semaphore(%arg13 : memref<!tpu.dma_semaphore, #tpu.memory_space<semaphore_mem>>)
    %dma_start3A_9 = arith.constant 0 : i32
    %dma_start3A_10 = arith.constant 0 : i32
    %dma_start3A_11 = tpu.memref_slice %arg8[%dma_start3A_9, %dma_start3A_10] : memref<25x80xi32, #tpu.memory_space<vmem>> -> memref<1x80xi32, #tpu.memory_space<vmem>>
    %dma_start3A_12 = tpu.memref_squeeze %dma_start3A_11 : memref<1x80xi32, #tpu.memory_space<vmem>> -> memref<80xi32, #tpu.memory_space<vmem>>
    %dma_start3A_13 = arith.constant 0 : i32
    %dma_start3A_14 = arith.constant 0 : i32
    %dma_start3A_15 = tpu.memref_slice %arg2[%dma_start3A_13, %dma_start3A_14] : memref<10000x128xf32, #tpu.memory_space<hbm>> -> memref<10000x128xf32, #tpu.memory_space<hbm>>
    tpu.enqueue_indirect_dma source(%dma_start3A_15 : memref<10000x128xf32, #tpu.memory_space<hbm>>) target(%arg11 : memref<80x128xf32, #tpu.memory_space<vmem>>) offsets(%dma_start3A_12 : memref<80xi32, #tpu.memory_space<vmem>>) semaphore(%arg15 : memref<!tpu.dma_semaphore, #tpu.memory_space<semaphore_mem>>)
    %scan3A = arith.constant 0 : i32
    %scan3A_16 = arith.constant 0 : i32
    %scan3A_17 = arith.constant 12 : i32
    %scan3A_18 = arith.addi %scan3A_16, %scan3A_17 : i32
    %scan3A_19 = arith.constant 1 : i32
    scf.for %scan3A_36 = %scan3A_16 to %scan3A_18 step %scan3A_19  : i32 {
      %mul3A_37 = arith.constant 2 : i32
      %mul3A_38 = arith.muli %mul3A_37, %scan3A_36 : i32
      %add3A_39 = arith.constant 1 : i32
      %add3A_40 = arith.addi %mul3A_38, %add3A_39 : i32
      %dma_start3A_41 = arith.constant 0 : i32
      %dma_start3A_42 = tpu.memref_slice %arg7[%add3A_40, %dma_start3A_41] : memref<25x80xi32, #tpu.memory_space<vmem>> -> memref<1x80xi32, #tpu.memory_space<vmem>>
      %dma_start3A_43 = tpu.memref_squeeze %dma_start3A_42 : memref<1x80xi32, #tpu.memory_space<vmem>> -> memref<80xi32, #tpu.memory_space<vmem>>
      %dma_start3A_44 = arith.constant 0 : i32
      %dma_start3A_45 = arith.constant 0 : i32
      %dma_start3A_46 = tpu.memref_slice %arg2[%dma_start3A_44, %dma_start3A_45] : memref<10000x128xf32, #tpu.memory_space<hbm>> -> memref<10000x128xf32, #tpu.memory_space<hbm>>
      tpu.enqueue_indirect_dma source(%dma_start3A_46 : memref<10000x128xf32, #tpu.memory_space<hbm>>) target(%arg10 : memref<80x128xf32, #tpu.memory_space<vmem>>) offsets(%dma_start3A_43 : memref<80xi32, #tpu.memory_space<vmem>>) semaphore(%arg14 : memref<!tpu.dma_semaphore, #tpu.memory_space<semaphore_mem>>)
      %add3A_47 = arith.constant 1 : i32
      %add3A_48 = arith.addi %mul3A_38, %add3A_47 : i32
      %dma_start3A_49 = arith.constant 0 : i32
      %dma_start3A_50 = tpu.memref_slice %arg8[%add3A_48, %dma_start3A_49] : memref<25x80xi32, #tpu.memory_space<vmem>> -> memref<1x80xi32, #tpu.memory_space<vmem>>
      %dma_start3A_51 = tpu.memref_squeeze %dma_start3A_50 : memref<1x80xi32, #tpu.memory_space<vmem>> -> memref<80xi32, #tpu.memory_space<vmem>>
      %dma_start3A_52 = arith.constant 0 : i32
      %dma_start3A_53 = arith.constant 0 : i32
      %dma_start3A_54 = tpu.memref_slice %arg2[%dma_start3A_52, %dma_start3A_53] : memref<10000x128xf32, #tpu.memory_space<hbm>> -> memref<10000x128xf32, #tpu.memory_space<hbm>>
      tpu.enqueue_indirect_dma source(%dma_start3A_54 : memref<10000x128xf32, #tpu.memory_space<hbm>>) target(%arg12 : memref<80x128xf32, #tpu.memory_space<vmem>>) offsets(%dma_start3A_51 : memref<80xi32, #tpu.memory_space<vmem>>) semaphore(%arg16 : memref<!tpu.dma_semaphore, #tpu.memory_space<semaphore_mem>>)
      %dma_wait3A_55 = arith.constant 0 : i32
      %dma_wait3A_56 = arith.constant 0 : i32
      %dma_wait3A_57 = tpu.memref_slice %arg2[%dma_wait3A_55, %dma_wait3A_56] : memref<10000x128xf32, #tpu.memory_space<hbm>> -> memref<80x128xf32, #tpu.memory_space<hbm>>
      %dma_wait3A_58 = arith.constant 0 : i32
      %dma_wait3A_59 = arith.constant 0 : i32
      %dma_wait3A_60 = tpu.memref_slice %arg2[%dma_wait3A_58, %dma_wait3A_59] : memref<10000x128xf32, #tpu.memory_space<hbm>> -> memref<80x128xf32, #tpu.memory_space<hbm>>
      tpu.wait_dma2 semaphore(%arg13 : memref<!tpu.dma_semaphore, #tpu.memory_space<semaphore_mem>>) src(%dma_wait3A_60 : memref<80x128xf32, #tpu.memory_space<hbm>>) dst(%arg9 : memref<80x128xf32, #tpu.memory_space<vmem>>)
      %mul3A_61 = arith.constant 80 : i32
      %mul3A_62 = arith.muli %mul3A_38, %mul3A_61 : i32
      %add3A_63 = arith.addi %mul3A_2, %mul3A_62 : i32
      "tpu.region"() ({
        %run_scoped3A = tpu.sem_alloc : memref<!tpu.dma_semaphore, #tpu.memory_space<semaphore_mem>>
        %dma_start3A_111 = arith.constant 0 : i32
        %dma_start3A_112 = tpu.memref_slice %arg5[%add3A_63, %dma_start3A_111] : memref<64000x128xf32, #tpu.memory_space<hbm>> -> memref<80x128xf32, #tpu.memory_space<hbm>>
        %dma_start3A_113 = arith.constant 0 : i32
        %dma_start3A_114 = tpu.memref_slice %arg5[%add3A_63, %dma_start3A_113] : memref<64000x128xf32, #tpu.memory_space<hbm>> -> memref<80x128xf32, #tpu.memory_space<hbm>>
        tpu.enqueue_dma source(%arg9 : memref<80x128xf32, #tpu.memory_space<vmem>>) target(%dma_start3A_114 : memref<80x128xf32, #tpu.memory_space<hbm>>) target_semaphore(%run_scoped3A : memref<!tpu.dma_semaphore, #tpu.memory_space<semaphore_mem>>)
        %dma_wait3A_115 = arith.constant 0 : i32
        %dma_wait3A_116 = tpu.memref_slice %arg5[%add3A_63, %dma_wait3A_115] : memref<64000x128xf32, #tpu.memory_space<hbm>> -> memref<80x128xf32, #tpu.memory_space<hbm>>
        %dma_wait3A_117 = arith.constant 0 : i32
        %dma_wait3A_118 = tpu.memref_slice %arg5[%add3A_63, %dma_wait3A_117] : memref<64000x128xf32, #tpu.memory_space<hbm>> -> memref<80x128xf32, #tpu.memory_space<hbm>>
        tpu.wait_dma2 semaphore(%run_scoped3A : memref<!tpu.dma_semaphore, #tpu.memory_space<semaphore_mem>>) src(%arg9 : memref<80x128xf32, #tpu.memory_space<vmem>>) dst(%dma_wait3A_118 : memref<80x128xf32, #tpu.memory_space<hbm>>)
        tpu.yield
      }) : () -> ()
      %dma_wait3A_64 = arith.constant 0 : i32
      %dma_wait3A_65 = arith.constant 0 : i32
      %dma_wait3A_66 = tpu.memref_slice %arg2[%dma_wait3A_64, %dma_wait3A_65] : memref<10000x128xf32, #tpu.memory_space<hbm>> -> memref<80x128xf32, #tpu.memory_space<hbm>>
      %dma_wait3A_67 = arith.constant 0 : i32
      %dma_wait3A_68 = arith.constant 0 : i32
      %dma_wait3A_69 = tpu.memref_slice %arg2[%dma_wait3A_67, %dma_wait3A_68] : memref<10000x128xf32, #tpu.memory_space<hbm>> -> memref<80x128xf32, #tpu.memory_space<hbm>>
      tpu.wait_dma2 semaphore(%arg15 : memref<!tpu.dma_semaphore, #tpu.memory_space<semaphore_mem>>) src(%dma_wait3A_69 : memref<80x128xf32, #tpu.memory_space<hbm>>) dst(%arg11 : memref<80x128xf32, #tpu.memory_space<vmem>>)
      %mul3A_70 = arith.constant 80 : i32
      %mul3A_71 = arith.muli %mul3A_38, %mul3A_70 : i32
      %add3A_72 = arith.addi %mul3A_2, %mul3A_71 : i32
      "tpu.region"() ({
        %run_scoped3A = tpu.sem_alloc : memref<!tpu.dma_semaphore, #tpu.memory_space<semaphore_mem>>
        %dma_start3A_111 = arith.constant 0 : i32
        %dma_start3A_112 = tpu.memref_slice %arg6[%add3A_72, %dma_start3A_111] : memref<64000x128xf32, #tpu.memory_space<hbm>> -> memref<80x128xf32, #tpu.memory_space<hbm>>
        %dma_start3A_113 = arith.constant 0 : i32
        %dma_start3A_114 = tpu.memref_slice %arg6[%add3A_72, %dma_start3A_113] : memref<64000x128xf32, #tpu.memory_space<hbm>> -> memref<80x128xf32, #tpu.memory_space<hbm>>
        tpu.enqueue_dma source(%arg11 : memref<80x128xf32, #tpu.memory_space<vmem>>) target(%dma_start3A_114 : memref<80x128xf32, #tpu.memory_space<hbm>>) target_semaphore(%run_scoped3A : memref<!tpu.dma_semaphore, #tpu.memory_space<semaphore_mem>>)
        %dma_wait3A_115 = arith.constant 0 : i32
        %dma_wait3A_116 = tpu.memref_slice %arg6[%add3A_72, %dma_wait3A_115] : memref<64000x128xf32, #tpu.memory_space<hbm>> -> memref<80x128xf32, #tpu.memory_space<hbm>>
        %dma_wait3A_117 = arith.constant 0 : i32
        %dma_wait3A_118 = tpu.memref_slice %arg6[%add3A_72, %dma_wait3A_117] : memref<64000x128xf32, #tpu.memory_space<hbm>> -> memref<80x128xf32, #tpu.memory_space<hbm>>
        tpu.wait_dma2 semaphore(%run_scoped3A : memref<!tpu.dma_semaphore, #tpu.memory_space<semaphore_mem>>) src(%arg11 : memref<80x128xf32, #tpu.memory_space<vmem>>) dst(%dma_wait3A_118 : memref<80x128xf32, #tpu.memory_space<hbm>>)
        tpu.yield
      }) : () -> ()
      %add3A_73 = arith.constant 2 : i32
      %add3A_74 = arith.addi %mul3A_38, %add3A_73 : i32
      %dma_start3A_75 = arith.constant 0 : i32
      %dma_start3A_76 = tpu.memref_slice %arg7[%add3A_74, %dma_start3A_75] : memref<25x80xi32, #tpu.memory_space<vmem>> -> memref<1x80xi32, #tpu.memory_space<vmem>>
      %dma_start3A_77 = tpu.memref_squeeze %dma_start3A_76 : memref<1x80xi32, #tpu.memory_space<vmem>> -> memref<80xi32, #tpu.memory_space<vmem>>
      %dma_start3A_78 = arith.constant 0 : i32
      %dma_start3A_79 = arith.constant 0 : i32
      %dma_start3A_80 = tpu.memref_slice %arg2[%dma_start3A_78, %dma_start3A_79] : memref<10000x128xf32, #tpu.memory_space<hbm>> -> memref<10000x128xf32, #tpu.memory_space<hbm>>
      tpu.enqueue_indirect_dma source(%dma_start3A_80 : memref<10000x128xf32, #tpu.memory_space<hbm>>) target(%arg9 : memref<80x128xf32, #tpu.memory_space<vmem>>) offsets(%dma_start3A_77 : memref<80xi32, #tpu.memory_space<vmem>>) semaphore(%arg13 : memref<!tpu.dma_semaphore, #tpu.memory_space<semaphore_mem>>)
      %add3A_81 = arith.constant 2 : i32
      %add3A_82 = arith.addi %mul3A_38, %add3A_81 : i32
      %dma_start3A_83 = arith.constant 0 : i32
      %dma_start3A_84 = tpu.memref_slice %arg8[%add3A_82, %dma_start3A_83] : memref<25x80xi32, #tpu.memory_space<vmem>> -> memref<1x80xi32, #tpu.memory_space<vmem>>
      %dma_start3A_85 = tpu.memref_squeeze %dma_start3A_84 : memref<1x80xi32, #tpu.memory_space<vmem>> -> memref<80xi32, #tpu.memory_space<vmem>>
      %dma_start3A_86 = arith.constant 0 : i32
      %dma_start3A_87 = arith.constant 0 : i32
      %dma_start3A_88 = tpu.memref_slice %arg2[%dma_start3A_86, %dma_start3A_87] : memref<10000x128xf32, #tpu.memory_space<hbm>> -> memref<10000x128xf32, #tpu.memory_space<hbm>>
      tpu.enqueue_indirect_dma source(%dma_start3A_88 : memref<10000x128xf32, #tpu.memory_space<hbm>>) target(%arg11 : memref<80x128xf32, #tpu.memory_space<vmem>>) offsets(%dma_start3A_85 : memref<80xi32, #tpu.memory_space<vmem>>) semaphore(%arg15 : memref<!tpu.dma_semaphore, #tpu.memory_space<semaphore_mem>>)
      %add3A_89 = arith.constant 1 : i32
      %add3A_90 = arith.addi %mul3A_38, %add3A_89 : i32
      %dma_wait3A_91 = arith.constant 0 : i32
      %dma_wait3A_92 = arith.constant 0 : i32
      %dma_wait3A_93 = tpu.memref_slice %arg2[%dma_wait3A_91, %dma_wait3A_92] : memref<10000x128xf32, #tpu.memory_space<hbm>> -> memref<80x128xf32, #tpu.memory_space<hbm>>
      %dma_wait3A_94 = arith.constant 0 : i32
      %dma_wait3A_95 = arith.constant 0 : i32
      %dma_wait3A_96 = tpu.memref_slice %arg2[%dma_wait3A_94, %dma_wait3A_95] : memref<10000x128xf32, #tpu.memory_space<hbm>> -> memref<80x128xf32, #tpu.memory_space<hbm>>
      tpu.wait_dma2 semaphore(%arg14 : memref<!tpu.dma_semaphore, #tpu.memory_space<semaphore_mem>>) src(%dma_wait3A_96 : memref<80x128xf32, #tpu.memory_space<hbm>>) dst(%arg10 : memref<80x128xf32, #tpu.memory_space<vmem>>)
      %mul3A_97 = arith.constant 80 : i32
      %mul3A_98 = arith.muli %add3A_90, %mul3A_97 : i32
      %add3A_99 = arith.addi %mul3A_2, %mul3A_98 : i32
      "tpu.region"() ({
        %run_scoped3A = tpu.sem_alloc : memref<!tpu.dma_semaphore, #tpu.memory_space<semaphore_mem>>
        %dma_start3A_111 = arith.constant 0 : i32
        %dma_start3A_112 = tpu.memref_slice %arg5[%add3A_99, %dma_start3A_111] : memref<64000x128xf32, #tpu.memory_space<hbm>> -> memref<80x128xf32, #tpu.memory_space<hbm>>
        %dma_start3A_113 = arith.constant 0 : i32
        %dma_start3A_114 = tpu.memref_slice %arg5[%add3A_99, %dma_start3A_113] : memref<64000x128xf32, #tpu.memory_space<hbm>> -> memref<80x128xf32, #tpu.memory_space<hbm>>
        tpu.enqueue_dma source(%arg10 : memref<80x128xf32, #tpu.memory_space<vmem>>) target(%dma_start3A_114 : memref<80x128xf32, #tpu.memory_space<hbm>>) target_semaphore(%run_scoped3A : memref<!tpu.dma_semaphore, #tpu.memory_space<semaphore_mem>>)
        %dma_wait3A_115 = arith.constant 0 : i32
        %dma_wait3A_116 = tpu.memref_slice %arg5[%add3A_99, %dma_wait3A_115] : memref<64000x128xf32, #tpu.memory_space<hbm>> -> memref<80x128xf32, #tpu.memory_space<hbm>>
        %dma_wait3A_117 = arith.constant 0 : i32
        %dma_wait3A_118 = tpu.memref_slice %arg5[%add3A_99, %dma_wait3A_117] : memref<64000x128xf32, #tpu.memory_space<hbm>> -> memref<80x128xf32, #tpu.memory_space<hbm>>
        tpu.wait_dma2 semaphore(%run_scoped3A : memref<!tpu.dma_semaphore, #tpu.memory_space<semaphore_mem>>) src(%arg10 : memref<80x128xf32, #tpu.memory_space<vmem>>) dst(%dma_wait3A_118 : memref<80x128xf32, #tpu.memory_space<hbm>>)
        tpu.yield
      }) : () -> ()
      %add3A_100 = arith.constant 1 : i32
      %add3A_101 = arith.addi %mul3A_38, %add3A_100 : i32
      %dma_wait3A_102 = arith.constant 0 : i32
      %dma_wait3A_103 = arith.constant 0 : i32
      %dma_wait3A_104 = tpu.memref_slice %arg2[%dma_wait3A_102, %dma_wait3A_103] : memref<10000x128xf32, #tpu.memory_space<hbm>> -> memref<80x128xf32, #tpu.memory_space<hbm>>
      %dma_wait3A_105 = arith.constant 0 : i32
      %dma_wait3A_106 = arith.constant 0 : i32
      %dma_wait3A_107 = tpu.memref_slice %arg2[%dma_wait3A_105, %dma_wait3A_106] : memref<10000x128xf32, #tpu.memory_space<hbm>> -> memref<80x128xf32, #tpu.memory_space<hbm>>
      tpu.wait_dma2 semaphore(%arg16 : memref<!tpu.dma_semaphore, #tpu.memory_space<semaphore_mem>>) src(%dma_wait3A_107 : memref<80x128xf32, #tpu.memory_space<hbm>>) dst(%arg12 : memref<80x128xf32, #tpu.memory_space<vmem>>)
      %mul3A_108 = arith.constant 80 : i32
      %mul3A_109 = arith.muli %add3A_101, %mul3A_108 : i32
      %add3A_110 = arith.addi %mul3A_2, %mul3A_109 : i32
      "tpu.region"() ({
        %run_scoped3A = tpu.sem_alloc : memref<!tpu.dma_semaphore, #tpu.memory_space<semaphore_mem>>
        %dma_start3A_111 = arith.constant 0 : i32
        %dma_start3A_112 = tpu.memref_slice %arg6[%add3A_110, %dma_start3A_111] : memref<64000x128xf32, #tpu.memory_space<hbm>> -> memref<80x128xf32, #tpu.memory_space<hbm>>
        %dma_start3A_113 = arith.constant 0 : i32
        %dma_start3A_114 = tpu.memref_slice %arg6[%add3A_110, %dma_start3A_113] : memref<64000x128xf32, #tpu.memory_space<hbm>> -> memref<80x128xf32, #tpu.memory_space<hbm>>
        tpu.enqueue_dma source(%arg12 : memref<80x128xf32, #tpu.memory_space<vmem>>) target(%dma_start3A_114 : memref<80x128xf32, #tpu.memory_space<hbm>>) target_semaphore(%run_scoped3A : memref<!tpu.dma_semaphore, #tpu.memory_space<semaphore_mem>>)
        %dma_wait3A_115 = arith.constant 0 : i32
        %dma_wait3A_116 = tpu.memref_slice %arg6[%add3A_110, %dma_wait3A_115] : memref<64000x128xf32, #tpu.memory_space<hbm>> -> memref<80x128xf32, #tpu.memory_space<hbm>>
        %dma_wait3A_117 = arith.constant 0 : i32
        %dma_wait3A_118 = tpu.memref_slice %arg6[%add3A_110, %dma_wait3A_117] : memref<64000x128xf32, #tpu.memory_space<hbm>> -> memref<80x128xf32, #tpu.memory_space<hbm>>
        tpu.wait_dma2 semaphore(%run_scoped3A : memref<!tpu.dma_semaphore, #tpu.memory_space<semaphore_mem>>) src(%arg12 : memref<80x128xf32, #tpu.memory_space<vmem>>) dst(%dma_wait3A_118 : memref<80x128xf32, #tpu.memory_space<hbm>>)
        tpu.yield
      }) : () -> ()
    }
    %scan3A_20 = arith.constant 12 : i32
    %dma_wait3A = arith.constant 0 : i32
    %dma_wait3A_21 = arith.constant 0 : i32
    %dma_wait3A_22 = tpu.memref_slice %arg2[%dma_wait3A, %dma_wait3A_21] : memref<10000x128xf32, #tpu.memory_space<hbm>> -> memref<80x128xf32, #tpu.memory_space<hbm>>
    %dma_wait3A_23 = arith.constant 0 : i32
    %dma_wait3A_24 = arith.constant 0 : i32
    %dma_wait3A_25 = tpu.memref_slice %arg2[%dma_wait3A_23, %dma_wait3A_24] : memref<10000x128xf32, #tpu.memory_space<hbm>> -> memref<80x128xf32, #tpu.memory_space<hbm>>
    tpu.wait_dma2 semaphore(%arg13 : memref<!tpu.dma_semaphore, #tpu.memory_space<semaphore_mem>>) src(%dma_wait3A_25 : memref<80x128xf32, #tpu.memory_space<hbm>>) dst(%arg9 : memref<80x128xf32, #tpu.memory_space<vmem>>)
    %add3A_26 = arith.constant 1920 : i32
    %add3A_27 = arith.addi %mul3A_2, %add3A_26 : i32
    "tpu.region"() ({
      %run_scoped3A = tpu.sem_alloc : memref<!tpu.dma_semaphore, #tpu.memory_space<semaphore_mem>>
      %dma_start3A_36 = arith.constant 0 : i32
      %dma_start3A_37 = tpu.memref_slice %arg5[%add3A_27, %dma_start3A_36] : memref<64000x128xf32, #tpu.memory_space<hbm>> -> memref<80x128xf32, #tpu.memory_space<hbm>>
      %dma_start3A_38 = arith.constant 0 : i32
      %dma_start3A_39 = tpu.memref_slice %arg5[%add3A_27, %dma_start3A_38] : memref<64000x128xf32, #tpu.memory_space<hbm>> -> memref<80x128xf32, #tpu.memory_space<hbm>>
      tpu.enqueue_dma source(%arg9 : memref<80x128xf32, #tpu.memory_space<vmem>>) target(%dma_start3A_39 : memref<80x128xf32, #tpu.memory_space<hbm>>) target_semaphore(%run_scoped3A : memref<!tpu.dma_semaphore, #tpu.memory_space<semaphore_mem>>)
      %dma_wait3A_40 = arith.constant 0 : i32
      %dma_wait3A_41 = tpu.memref_slice %arg5[%add3A_27, %dma_wait3A_40] : memref<64000x128xf32, #tpu.memory_space<hbm>> -> memref<80x128xf32, #tpu.memory_space<hbm>>
      %dma_wait3A_42 = arith.constant 0 : i32
      %dma_wait3A_43 = tpu.memref_slice %arg5[%add3A_27, %dma_wait3A_42] : memref<64000x128xf32, #tpu.memory_space<hbm>> -> memref<80x128xf32, #tpu.memory_space<hbm>>
      tpu.wait_dma2 semaphore(%run_scoped3A : memref<!tpu.dma_semaphore, #tpu.memory_space<semaphore_mem>>) src(%arg9 : memref<80x128xf32, #tpu.memory_space<vmem>>) dst(%dma_wait3A_43 : memref<80x128xf32, #tpu.memory_space<hbm>>)
      tpu.yield
    }) : () -> ()
    %dma_wait3A_28 = arith.constant 0 : i32
    %dma_wait3A_29 = arith.constant 0 : i32
    %dma_wait3A_30 = tpu.memref_slice %arg2[%dma_wait3A_28, %dma_wait3A_29] : memref<10000x128xf32, #tpu.memory_space<hbm>> -> memref<80x128xf32, #tpu.memory_space<hbm>>
    %dma_wait3A_31 = arith.constant 0 : i32
    %dma_wait3A_32 = arith.constant 0 : i32
    %dma_wait3A_33 = tpu.memref_slice %arg2[%dma_wait3A_31, %dma_wait3A_32] : memref<10000x128xf32, #tpu.memory_space<hbm>> -> memref<80x128xf32, #tpu.memory_space<hbm>>
    tpu.wait_dma2 semaphore(%arg15 : memref<!tpu.dma_semaphore, #tpu.memory_space<semaphore_mem>>) src(%dma_wait3A_33 : memref<80x128xf32, #tpu.memory_space<hbm>>) dst(%arg11 : memref<80x128xf32, #tpu.memory_space<vmem>>)
    %add3A_34 = arith.constant 1920 : i32
    %add3A_35 = arith.addi %mul3A_2, %add3A_34 : i32
    "tpu.region"() ({
      %run_scoped3A = tpu.sem_alloc : memref<!tpu.dma_semaphore, #tpu.memory_space<semaphore_mem>>
      %dma_start3A_36 = arith.constant 0 : i32
      %dma_start3A_37 = tpu.memref_slice %arg6[%add3A_35, %dma_start3A_36] : memref<64000x128xf32, #tpu.memory_space<hbm>> -> memref<80x128xf32, #tpu.memory_space<hbm>>
      %dma_start3A_38 = arith.constant 0 : i32
      %dma_start3A_39 = tpu.memref_slice %arg6[%add3A_35, %dma_start3A_38] : memref<64000x128xf32, #tpu.memory_space<hbm>> -> memref<80x128xf32, #tpu.memory_space<hbm>>
      tpu.enqueue_dma source(%arg11 : memref<80x128xf32, #tpu.memory_space<vmem>>) target(%dma_start3A_39 : memref<80x128xf32, #tpu.memory_space<hbm>>) target_semaphore(%run_scoped3A : memref<!tpu.dma_semaphore, #tpu.memory_space<semaphore_mem>>)
      %dma_wait3A_40 = arith.constant 0 : i32
      %dma_wait3A_41 = tpu.memref_slice %arg6[%add3A_35, %dma_wait3A_40] : memref<64000x128xf32, #tpu.memory_space<hbm>> -> memref<80x128xf32, #tpu.memory_space<hbm>>
      %dma_wait3A_42 = arith.constant 0 : i32
      %dma_wait3A_43 = tpu.memref_slice %arg6[%add3A_35, %dma_wait3A_42] : memref<64000x128xf32, #tpu.memory_space<hbm>> -> memref<80x128xf32, #tpu.memory_space<hbm>>
      tpu.wait_dma2 semaphore(%run_scoped3A : memref<!tpu.dma_semaphore, #tpu.memory_space<semaphore_mem>>) src(%arg11 : memref<80x128xf32, #tpu.memory_space<vmem>>) dst(%dma_wait3A_43 : memref<80x128xf32, #tpu.memory_space<hbm>>)
      tpu.yield
    }) : () -> ()
    return
  }
}

#map = affine_map<(d0, d1) -> (0, 0)>
#map1 = affine_map<(d0, d1) -> (0, 0, 0)>
module attributes {stable_mosaic.version = 14 : i64} {
  func.func @body_fn(%arg0: i32, %arg1: i32, %arg2: memref<10000x128xf32, #tpu.memory_space<hbm>>, %arg3: memref<32x25x80xi32, #tpu.memory_space<hbm>>, %arg4: memref<32x25x80xi32, #tpu.memory_space<hbm>>, %arg5: memref<64000x128xf32, #tpu.memory_space<hbm>>, %arg6: memref<64000x128xf32, #tpu.memory_space<hbm>>, %arg7: memref<25x80xi32, #tpu.memory_space<vmem>>, %arg8: memref<25x80xi32, #tpu.memory_space<vmem>>, %arg9: memref<80x128xf32, #tpu.memory_space<vmem>>, %arg10: memref<80x128xf32, #tpu.memory_space<vmem>>, %arg11: memref<80x128xf32, #tpu.memory_space<vmem>>, %arg12: memref<80x128xf32, #tpu.memory_space<vmem>>, %arg13: memref<!tpu.dma_semaphore, #tpu.memory_space<semaphore_mem>>, %arg14: memref<!tpu.dma_semaphore, #tpu.memory_space<semaphore_mem>>, %arg15: memref<!tpu.dma_semaphore, #tpu.memory_space<semaphore_mem>>, %arg16: memref<!tpu.dma_semaphore, #tpu.memory_space<semaphore_mem>>) attributes {dimension_semantics = [#tpu.dimension_semantics<core_parallel>, #tpu.dimension_semantics<subcore_parallel>], iteration_bounds = array<i64: 2, 16>, scalar_prefetch = 0 : i64, scratch_operands = 10 : i64, tpu.core_type = #tpu.core_type<sc_vector_subcore>, window_params = [{transform_indices = #map}, {transform_indices = #map1}, {transform_indices = #map1}, {transform_indices = #map}, {transform_indices = #map}]} {
    %mul3A = arith.constant 2 : i32
    %mul3A_0 = arith.muli %arg1, %mul3A : i32
    %add3A = arith.addi %mul3A_0, %arg0 : i32
    %mul3A_1 = arith.constant 2000 : i32
    %mul3A_2 = arith.muli %add3A, %mul3A_1 : i32
    "tpu.region"() ({
      %run_scoped3A = tpu.sem_alloc : memref<!tpu.dma_semaphore, #tpu.memory_space<semaphore_mem>>
      %dma_start3A_36 = arith.constant 0 : i32
      %dma_start3A_37 = arith.constant 0 : i32
      %dma_start3A_38 = tpu.memref_slice %arg3[%add3A, %dma_start3A_36, %dma_start3A_37] : memref<32x25x80xi32, #tpu.memory_space<hbm>> -> memref<1x25x80xi32, #tpu.memory_space<hbm>>
      %dma_start3A_39 = tpu.memref_squeeze %dma_start3A_38 : memref<1x25x80xi32, #tpu.memory_space<hbm>> -> memref<25x80xi32, #tpu.memory_space<hbm>>
      %dma_start3A_40 = arith.constant 0 : i32
      %dma_start3A_41 = arith.constant 0 : i32
      %dma_start3A_42 = tpu.memref_slice %arg3[%add3A, %dma_start3A_40, %dma_start3A_41] : memref<32x25x80xi32, #tpu.memory_space<hbm>> -> memref<1x25x80xi32, #tpu.memory_space<hbm>>
      %dma_start3A_43 = tpu.memref_squeeze %dma_start3A_42 : memref<1x25x80xi32, #tpu.memory_space<hbm>> -> memref<25x80xi32, #tpu.memory_space<hbm>>
      tpu.enqueue_dma source(%dma_start3A_43 : memref<25x80xi32, #tpu.memory_space<hbm>>) target(%arg7 : memref<25x80xi32, #tpu.memory_space<vmem>>) target_semaphore(%run_scoped3A : memref<!tpu.dma_semaphore, #tpu.memory_space<semaphore_mem>>)
      %dma_wait3A_44 = arith.constant 0 : i32
      %dma_wait3A_45 = arith.constant 0 : i32
      %dma_wait3A_46 = tpu.memref_slice %arg3[%add3A, %dma_wait3A_44, %dma_wait3A_45] : memref<32x25x80xi32, #tpu.memory_space<hbm>> -> memref<1x25x80xi32, #tpu.memory_space<hbm>>
      %dma_wait3A_47 = tpu.memref_squeeze %dma_wait3A_46 : memref<1x25x80xi32, #tpu.memory_space<hbm>> -> memref<25x80xi32, #tpu.memory_space<hbm>>
      %dma_wait3A_48 = arith.constant 0 : i32
      %dma_wait3A_49 = arith.constant 0 : i32
      %dma_wait3A_50 = tpu.memref_slice %arg3[%add3A, %dma_wait3A_48, %dma_wait3A_49] : memref<32x25x80xi32, #tpu.memory_space<hbm>> -> memref<1x25x80xi32, #tpu.memory_space<hbm>>
      %dma_wait3A_51 = tpu.memref_squeeze %dma_wait3A_50 : memref<1x25x80xi32, #tpu.memory_space<hbm>> -> memref<25x80xi32, #tpu.memory_space<hbm>>
      tpu.wait_dma2 semaphore(%run_scoped3A : memref<!tpu.dma_semaphore, #tpu.memory_space<semaphore_mem>>) src(%dma_wait3A_51 : memref<25x80xi32, #tpu.memory_space<hbm>>) dst(%arg7 : memref<25x80xi32, #tpu.memory_space<vmem>>)
      tpu.yield
    }) : () -> ()
    "tpu.region"() ({
      %run_scoped3A = tpu.sem_alloc : memref<!tpu.dma_semaphore, #tpu.memory_space<semaphore_mem>>
      %dma_start3A_36 = arith.constant 0 : i32
      %dma_start3A_37 = arith.constant 0 : i32
      %dma_start3A_38 = tpu.memref_slice %arg4[%add3A, %dma_start3A_36, %dma_start3A_37] : memref<32x25x80xi32, #tpu.memory_space<hbm>> -> memref<1x25x80xi32, #tpu.memory_space<hbm>>
      %dma_start3A_39 = tpu.memref_squeeze %dma_start3A_38 : memref<1x25x80xi32, #tpu.memory_space<hbm>> -> memref<25x80xi32, #tpu.memory_space<hbm>>
      %dma_start3A_40 = arith.constant 0 : i32
      %dma_start3A_41 = arith.constant 0 : i32
      %dma_start3A_42 = tpu.memref_slice %arg4[%add3A, %dma_start3A_40, %dma_start3A_41] : memref<32x25x80xi32, #tpu.memory_space<hbm>> -> memref<1x25x80xi32, #tpu.memory_space<hbm>>
      %dma_start3A_43 = tpu.memref_squeeze %dma_start3A_42 : memref<1x25x80xi32, #tpu.memory_space<hbm>> -> memref<25x80xi32, #tpu.memory_space<hbm>>
      tpu.enqueue_dma source(%dma_start3A_43 : memref<25x80xi32, #tpu.memory_space<hbm>>) target(%arg8 : memref<25x80xi32, #tpu.memory_space<vmem>>) target_semaphore(%run_scoped3A : memref<!tpu.dma_semaphore, #tpu.memory_space<semaphore_mem>>)
      %dma_wait3A_44 = arith.constant 0 : i32
      %dma_wait3A_45 = arith.constant 0 : i32
      %dma_wait3A_46 = tpu.memref_slice %arg4[%add3A, %dma_wait3A_44, %dma_wait3A_45] : memref<32x25x80xi32, #tpu.memory_space<hbm>> -> memref<1x25x80xi32, #tpu.memory_space<hbm>>
      %dma_wait3A_47 = tpu.memref_squeeze %dma_wait3A_46 : memref<1x25x80xi32, #tpu.memory_space<hbm>> -> memref<25x80xi32, #tpu.memory_space<hbm>>
      %dma_wait3A_48 = arith.constant 0 : i32
      %dma_wait3A_49 = arith.constant 0 : i32
      %dma_wait3A_50 = tpu.memref_slice %arg4[%add3A, %dma_wait3A_48, %dma_wait3A_49] : memref<32x25x80xi32, #tpu.memory_space<hbm>> -> memref<1x25x80xi32, #tpu.memory_space<hbm>>
      %dma_wait3A_51 = tpu.memref_squeeze %dma_wait3A_50 : memref<1x25x80xi32, #tpu.memory_space<hbm>> -> memref<25x80xi32, #tpu.memory_space<hbm>>
      tpu.wait_dma2 semaphore(%run_scoped3A : memref<!tpu.dma_semaphore, #tpu.memory_space<semaphore_mem>>) src(%dma_wait3A_51 : memref<25x80xi32, #tpu.memory_space<hbm>>) dst(%arg8 : memref<25x80xi32, #tpu.memory_space<vmem>>)
      tpu.yield
    }) : () -> ()
    %dma_start3A = arith.constant 0 : i32
    %dma_start3A_3 = arith.constant 0 : i32
    %dma_start3A_4 = tpu.memref_slice %arg7[%dma_start3A, %dma_start3A_3] : memref<25x80xi32, #tpu.memory_space<vmem>> -> memref<1x80xi32, #tpu.memory_space<vmem>>
    %dma_start3A_5 = tpu.memref_squeeze %dma_start3A_4 : memref<1x80xi32, #tpu.memory_space<vmem>> -> memref<80xi32, #tpu.memory_space<vmem>>
    %dma_start3A_6 = arith.constant 0 : i32
    %dma_start3A_7 = arith.constant 0 : i32
    %dma_start3A_8 = tpu.memref_slice %arg2[%dma_start3A_6, %dma_start3A_7] : memref<10000x128xf32, #tpu.memory_space<hbm>> -> memref<10000x128xf32, #tpu.memory_space<hbm>>
    tpu.enqueue_indirect_dma source(%dma_start3A_8 : memref<10000x128xf32, #tpu.memory_space<hbm>>) target(%arg9 : memref<80x128xf32, #tpu.memory_space<vmem>>) offsets(%dma_start3A_5 : memref<80xi32, #tpu.memory_space<vmem>>) semaphore(%arg13 : memref<!tpu.dma_semaphore, #tpu.memory_space<semaphore_mem>>)
    %dma_start3A_9 = arith.constant 0 : i32
    %dma_start3A_10 = arith.constant 0 : i32
    %dma_start3A_11 = tpu.memref_slice %arg8[%dma_start3A_9, %dma_start3A_10] : memref<25x80xi32, #tpu.memory_space<vmem>> -> memref<1x80xi32, #tpu.memory_space<vmem>>
    %dma_start3A_12 = tpu.memref_squeeze %dma_start3A_11 : memref<1x80xi32, #tpu.memory_space<vmem>> -> memref<80xi32, #tpu.memory_space<vmem>>
    %dma_start3A_13 = arith.constant 0 : i32
    %dma_start3A_14 = arith.constant 0 : i32
    %dma_start3A_15 = tpu.memref_slice %arg2[%dma_start3A_13, %dma_start3A_14] : memref<10000x128xf32, #tpu.memory_space<hbm>> -> memref<10000x128xf32, #tpu.memory_space<hbm>>
    tpu.enqueue_indirect_dma source(%dma_start3A_15 : memref<10000x128xf32, #tpu.memory_space<hbm>>) target(%arg11 : memref<80x128xf32, #tpu.memory_space<vmem>>) offsets(%dma_start3A_12 : memref<80xi32, #tpu.memory_space<vmem>>) semaphore(%arg15 : memref<!tpu.dma_semaphore, #tpu.memory_space<semaphore_mem>>)
    %scan3A = arith.constant 0 : i32
    %scan3A_16 = arith.constant 0 : i32
    %scan3A_17 = arith.constant 12 : i32
    %scan3A_18 = arith.addi %scan3A_16, %scan3A_17 : i32
    %scan3A_19 = arith.constant 1 : i32
    scf.for %scan3A_36 = %scan3A_16 to %scan3A_18 step %scan3A_19  : i32 {
      %mul3A_37 = arith.constant 2 : i32
      %mul3A_38 = arith.muli %mul3A_37, %scan3A_36 : i32
      %add3A_39 = arith.constant 1 : i32
      %add3A_40 = arith.addi %mul3A_38, %add3A_39 : i32
      %dma_start3A_41 = arith.constant 0 : i32
      %dma_start3A_42 = tpu.memref_slice %arg7[%add3A_40, %dma_start3A_41] : memref<25x80xi32, #tpu.memory_space<vmem>> -> memref<1x80xi32, #tpu.memory_space<vmem>>
      %dma_start3A_43 = tpu.memref_squeeze %dma_start3A_42 : memref<1x80xi32, #tpu.memory_space<vmem>> -> memref<80xi32, #tpu.memory_space<vmem>>
      %dma_start3A_44 = arith.constant 0 : i32
      %dma_start3A_45 = arith.constant 0 : i32
      %dma_start3A_46 = tpu.memref_slice %arg2[%dma_start3A_44, %dma_start3A_45] : memref<10000x128xf32, #tpu.memory_space<hbm>> -> memref<10000x128xf32, #tpu.memory_space<hbm>>
      tpu.enqueue_indirect_dma source(%dma_start3A_46 : memref<10000x128xf32, #tpu.memory_space<hbm>>) target(%arg10 : memref<80x128xf32, #tpu.memory_space<vmem>>) offsets(%dma_start3A_43 : memref<80xi32, #tpu.memory_space<vmem>>) semaphore(%arg14 : memref<!tpu.dma_semaphore, #tpu.memory_space<semaphore_mem>>)
      %add3A_47 = arith.constant 1 : i32
      %add3A_48 = arith.addi %mul3A_38, %add3A_47 : i32
      %dma_start3A_49 = arith.constant 0 : i32
      %dma_start3A_50 = tpu.memref_slice %arg8[%add3A_48, %dma_start3A_49] : memref<25x80xi32, #tpu.memory_space<vmem>> -> memref<1x80xi32, #tpu.memory_space<vmem>>
      %dma_start3A_51 = tpu.memref_squeeze %dma_start3A_50 : memref<1x80xi32, #tpu.memory_space<vmem>> -> memref<80xi32, #tpu.memory_space<vmem>>
      %dma_start3A_52 = arith.constant 0 : i32
      %dma_start3A_53 = arith.constant 0 : i32
      %dma_start3A_54 = tpu.memref_slice %arg2[%dma_start3A_52, %dma_start3A_53] : memref<10000x128xf32, #tpu.memory_space<hbm>> -> memref<10000x128xf32, #tpu.memory_space<hbm>>
      tpu.enqueue_indirect_dma source(%dma_start3A_54 : memref<10000x128xf32, #tpu.memory_space<hbm>>) target(%arg12 : memref<80x128xf32, #tpu.memory_space<vmem>>) offsets(%dma_start3A_51 : memref<80xi32, #tpu.memory_space<vmem>>) semaphore(%arg16 : memref<!tpu.dma_semaphore, #tpu.memory_space<semaphore_mem>>)
      %dma_wait3A_55 = arith.constant 0 : i32
      %dma_wait3A_56 = arith.constant 0 : i32
      %dma_wait3A_57 = tpu.memref_slice %arg2[%dma_wait3A_55, %dma_wait3A_56] : memref<10000x128xf32, #tpu.memory_space<hbm>> -> memref<80x128xf32, #tpu.memory_space<hbm>>
      %dma_wait3A_58 = arith.constant 0 : i32
      %dma_wait3A_59 = arith.constant 0 : i32
      %dma_wait3A_60 = tpu.memref_slice %arg2[%dma_wait3A_58, %dma_wait3A_59] : memref<10000x128xf32, #tpu.memory_space<hbm>> -> memref<80x128xf32, #tpu.memory_space<hbm>>
      tpu.wait_dma2 semaphore(%arg13 : memref<!tpu.dma_semaphore, #tpu.memory_space<semaphore_mem>>) src(%dma_wait3A_60 : memref<80x128xf32, #tpu.memory_space<hbm>>) dst(%arg9 : memref<80x128xf32, #tpu.memory_space<vmem>>)
      %mul3A_61 = arith.constant 80 : i32
      %mul3A_62 = arith.muli %mul3A_38, %mul3A_61 : i32
      %add3A_63 = arith.addi %mul3A_2, %mul3A_62 : i32
      "tpu.region"() ({
        %run_scoped3A = tpu.sem_alloc : memref<!tpu.dma_semaphore, #tpu.memory_space<semaphore_mem>>
        %dma_start3A_111 = arith.constant 0 : i32
        %dma_start3A_112 = tpu.memref_slice %arg5[%add3A_63, %dma_start3A_111] : memref<64000x128xf32, #tpu.memory_space<hbm>> -> memref<80x128xf32, #tpu.memory_space<hbm>>
        %dma_start3A_113 = arith.constant 0 : i32
        %dma_start3A_114 = tpu.memref_slice %arg5[%add3A_63, %dma_start3A_113] : memref<64000x128xf32, #tpu.memory_space<hbm>> -> memref<80x128xf32, #tpu.memory_space<hbm>>
        tpu.enqueue_dma source(%arg9 : memref<80x128xf32, #tpu.memory_space<vmem>>) target(%dma_start3A_114 : memref<80x128xf32, #tpu.memory_space<hbm>>) target_semaphore(%run_scoped3A : memref<!tpu.dma_semaphore, #tpu.memory_space<semaphore_mem>>)
        %dma_wait3A_115 = arith.constant 0 : i32
        %dma_wait3A_116 = tpu.memref_slice %arg5[%add3A_63, %dma_wait3A_115] : memref<64000x128xf32, #tpu.memory_space<hbm>> -> memref<80x128xf32, #tpu.memory_space<hbm>>
        %dma_wait3A_117 = arith.constant 0 : i32
        %dma_wait3A_118 = tpu.memref_slice %arg5[%add3A_63, %dma_wait3A_117] : memref<64000x128xf32, #tpu.memory_space<hbm>> -> memref<80x128xf32, #tpu.memory_space<hbm>>
        tpu.wait_dma2 semaphore(%run_scoped3A : memref<!tpu.dma_semaphore, #tpu.memory_space<semaphore_mem>>) src(%arg9 : memref<80x128xf32, #tpu.memory_space<vmem>>) dst(%dma_wait3A_118 : memref<80x128xf32, #tpu.memory_space<hbm>>)
        tpu.yield
      }) : () -> ()
      %dma_wait3A_64 = arith.constant 0 : i32
      %dma_wait3A_65 = arith.constant 0 : i32
      %dma_wait3A_66 = tpu.memref_slice %arg2[%dma_wait3A_64, %dma_wait3A_65] : memref<10000x128xf32, #tpu.memory_space<hbm>> -> memref<80x128xf32, #tpu.memory_space<hbm>>
      %dma_wait3A_67 = arith.constant 0 : i32
      %dma_wait3A_68 = arith.constant 0 : i32
      %dma_wait3A_69 = tpu.memref_slice %arg2[%dma_wait3A_67, %dma_wait3A_68] : memref<10000x128xf32, #tpu.memory_space<hbm>> -> memref<80x128xf32, #tpu.memory_space<hbm>>
      tpu.wait_dma2 semaphore(%arg15 : memref<!tpu.dma_semaphore, #tpu.memory_space<semaphore_mem>>) src(%dma_wait3A_69 : memref<80x128xf32, #tpu.memory_space<hbm>>) dst(%arg11 : memref<80x128xf32, #tpu.memory_space<vmem>>)
      %mul3A_70 = arith.constant 80 : i32
      %mul3A_71 = arith.muli %mul3A_38, %mul3A_70 : i32
      %add3A_72 = arith.addi %mul3A_2, %mul3A_71 : i32
      "tpu.region"() ({
        %run_scoped3A = tpu.sem_alloc : memref<!tpu.dma_semaphore, #tpu.memory_space<semaphore_mem>>
        %dma_start3A_111 = arith.constant 0 : i32
        %dma_start3A_112 = tpu.memref_slice %arg6[%add3A_72, %dma_start3A_111] : memref<64000x128xf32, #tpu.memory_space<hbm>> -> memref<80x128xf32, #tpu.memory_space<hbm>>
        %dma_start3A_113 = arith.constant 0 : i32
        %dma_start3A_114 = tpu.memref_slice %arg6[%add3A_72, %dma_start3A_113] : memref<64000x128xf32, #tpu.memory_space<hbm>> -> memref<80x128xf32, #tpu.memory_space<hbm>>
        tpu.enqueue_dma source(%arg11 : memref<80x128xf32, #tpu.memory_space<vmem>>) target(%dma_start3A_114 : memref<80x128xf32, #tpu.memory_space<hbm>>) target_semaphore(%run_scoped3A : memref<!tpu.dma_semaphore, #tpu.memory_space<semaphore_mem>>)
        %dma_wait3A_115 = arith.constant 0 : i32
        %dma_wait3A_116 = tpu.memref_slice %arg6[%add3A_72, %dma_wait3A_115] : memref<64000x128xf32, #tpu.memory_space<hbm>> -> memref<80x128xf32, #tpu.memory_space<hbm>>
        %dma_wait3A_117 = arith.constant 0 : i32
        %dma_wait3A_118 = tpu.memref_slice %arg6[%add3A_72, %dma_wait3A_117] : memref<64000x128xf32, #tpu.memory_space<hbm>> -> memref<80x128xf32, #tpu.memory_space<hbm>>
        tpu.wait_dma2 semaphore(%run_scoped3A : memref<!tpu.dma_semaphore, #tpu.memory_space<semaphore_mem>>) src(%arg11 : memref<80x128xf32, #tpu.memory_space<vmem>>) dst(%dma_wait3A_118 : memref<80x128xf32, #tpu.memory_space<hbm>>)
        tpu.yield
      }) : () -> ()
      %add3A_73 = arith.constant 2 : i32
      %add3A_74 = arith.addi %mul3A_38, %add3A_73 : i32
      %dma_start3A_75 = arith.constant 0 : i32
      %dma_start3A_76 = tpu.memref_slice %arg7[%add3A_74, %dma_start3A_75] : memref<25x80xi32, #tpu.memory_space<vmem>> -> memref<1x80xi32, #tpu.memory_space<vmem>>
      %dma_start3A_77 = tpu.memref_squeeze %dma_start3A_76 : memref<1x80xi32, #tpu.memory_space<vmem>> -> memref<80xi32, #tpu.memory_space<vmem>>
      %dma_start3A_78 = arith.constant 0 : i32
      %dma_start3A_79 = arith.constant 0 : i32
      %dma_start3A_80 = tpu.memref_slice %arg2[%dma_start3A_78, %dma_start3A_79] : memref<10000x128xf32, #tpu.memory_space<hbm>> -> memref<10000x128xf32, #tpu.memory_space<hbm>>
      tpu.enqueue_indirect_dma source(%dma_start3A_80 : memref<10000x128xf32, #tpu.memory_space<hbm>>) target(%arg9 : memref<80x128xf32, #tpu.memory_space<vmem>>) offsets(%dma_start3A_77 : memref<80xi32, #tpu.memory_space<vmem>>) semaphore(%arg13 : memref<!tpu.dma_semaphore, #tpu.memory_space<semaphore_mem>>)
      %add3A_81 = arith.constant 2 : i32
      %add3A_82 = arith.addi %mul3A_38, %add3A_81 : i32
      %dma_start3A_83 = arith.constant 0 : i32
      %dma_start3A_84 = tpu.memref_slice %arg8[%add3A_82, %dma_start3A_83] : memref<25x80xi32, #tpu.memory_space<vmem>> -> memref<1x80xi32, #tpu.memory_space<vmem>>
      %dma_start3A_85 = tpu.memref_squeeze %dma_start3A_84 : memref<1x80xi32, #tpu.memory_space<vmem>> -> memref<80xi32, #tpu.memory_space<vmem>>
      %dma_start3A_86 = arith.constant 0 : i32
      %dma_start3A_87 = arith.constant 0 : i32
      %dma_start3A_88 = tpu.memref_slice %arg2[%dma_start3A_86, %dma_start3A_87] : memref<10000x128xf32, #tpu.memory_space<hbm>> -> memref<10000x128xf32, #tpu.memory_space<hbm>>
      tpu.enqueue_indirect_dma source(%dma_start3A_88 : memref<10000x128xf32, #tpu.memory_space<hbm>>) target(%arg11 : memref<80x128xf32, #tpu.memory_space<vmem>>) offsets(%dma_start3A_85 : memref<80xi32, #tpu.memory_space<vmem>>) semaphore(%arg15 : memref<!tpu.dma_semaphore, #tpu.memory_space<semaphore_mem>>)
      %add3A_89 = arith.constant 1 : i32
      %add3A_90 = arith.addi %mul3A_38, %add3A_89 : i32
      %dma_wait3A_91 = arith.constant 0 : i32
      %dma_wait3A_92 = arith.constant 0 : i32
      %dma_wait3A_93 = tpu.memref_slice %arg2[%dma_wait3A_91, %dma_wait3A_92] : memref<10000x128xf32, #tpu.memory_space<hbm>> -> memref<80x128xf32, #tpu.memory_space<hbm>>
      %dma_wait3A_94 = arith.constant 0 : i32
      %dma_wait3A_95 = arith.constant 0 : i32
      %dma_wait3A_96 = tpu.memref_slice %arg2[%dma_wait3A_94, %dma_wait3A_95] : memref<10000x128xf32, #tpu.memory_space<hbm>> -> memref<80x128xf32, #tpu.memory_space<hbm>>
      tpu.wait_dma2 semaphore(%arg14 : memref<!tpu.dma_semaphore, #tpu.memory_space<semaphore_mem>>) src(%dma_wait3A_96 : memref<80x128xf32, #tpu.memory_space<hbm>>) dst(%arg10 : memref<80x128xf32, #tpu.memory_space<vmem>>)
      %mul3A_97 = arith.constant 80 : i32
      %mul3A_98 = arith.muli %add3A_90, %mul3A_97 : i32
      %add3A_99 = arith.addi %mul3A_2, %mul3A_98 : i32
      "tpu.region"() ({
        %run_scoped3A = tpu.sem_alloc : memref<!tpu.dma_semaphore, #tpu.memory_space<semaphore_mem>>
        %dma_start3A_111 = arith.constant 0 : i32
        %dma_start3A_112 = tpu.memref_slice %arg5[%add3A_99, %dma_start3A_111] : memref<64000x128xf32, #tpu.memory_space<hbm>> -> memref<80x128xf32, #tpu.memory_space<hbm>>
        %dma_start3A_113 = arith.constant 0 : i32
        %dma_start3A_114 = tpu.memref_slice %arg5[%add3A_99, %dma_start3A_113] : memref<64000x128xf32, #tpu.memory_space<hbm>> -> memref<80x128xf32, #tpu.memory_space<hbm>>
        tpu.enqueue_dma source(%arg10 : memref<80x128xf32, #tpu.memory_space<vmem>>) target(%dma_start3A_114 : memref<80x128xf32, #tpu.memory_space<hbm>>) target_semaphore(%run_scoped3A : memref<!tpu.dma_semaphore, #tpu.memory_space<semaphore_mem>>)
        %dma_wait3A_115 = arith.constant 0 : i32
        %dma_wait3A_116 = tpu.memref_slice %arg5[%add3A_99, %dma_wait3A_115] : memref<64000x128xf32, #tpu.memory_space<hbm>> -> memref<80x128xf32, #tpu.memory_space<hbm>>
        %dma_wait3A_117 = arith.constant 0 : i32
        %dma_wait3A_118 = tpu.memref_slice %arg5[%add3A_99, %dma_wait3A_117] : memref<64000x128xf32, #tpu.memory_space<hbm>> -> memref<80x128xf32, #tpu.memory_space<hbm>>
        tpu.wait_dma2 semaphore(%run_scoped3A : memref<!tpu.dma_semaphore, #tpu.memory_space<semaphore_mem>>) src(%arg10 : memref<80x128xf32, #tpu.memory_space<vmem>>) dst(%dma_wait3A_118 : memref<80x128xf32, #tpu.memory_space<hbm>>)
        tpu.yield
      }) : () -> ()
      %add3A_100 = arith.constant 1 : i32
      %add3A_101 = arith.addi %mul3A_38, %add3A_100 : i32
      %dma_wait3A_102 = arith.constant 0 : i32
      %dma_wait3A_103 = arith.constant 0 : i32
      %dma_wait3A_104 = tpu.memref_slice %arg2[%dma_wait3A_102, %dma_wait3A_103] : memref<10000x128xf32, #tpu.memory_space<hbm>> -> memref<80x128xf32, #tpu.memory_space<hbm>>
      %dma_wait3A_105 = arith.constant 0 : i32
      %dma_wait3A_106 = arith.constant 0 : i32
      %dma_wait3A_107 = tpu.memref_slice %arg2[%dma_wait3A_105, %dma_wait3A_106] : memref<10000x128xf32, #tpu.memory_space<hbm>> -> memref<80x128xf32, #tpu.memory_space<hbm>>
      tpu.wait_dma2 semaphore(%arg16 : memref<!tpu.dma_semaphore, #tpu.memory_space<semaphore_mem>>) src(%dma_wait3A_107 : memref<80x128xf32, #tpu.memory_space<hbm>>) dst(%arg12 : memref<80x128xf32, #tpu.memory_space<vmem>>)
      %mul3A_108 = arith.constant 80 : i32
      %mul3A_109 = arith.muli %add3A_101, %mul3A_108 : i32
      %add3A_110 = arith.addi %mul3A_2, %mul3A_109 : i32
      "tpu.region"() ({
        %run_scoped3A = tpu.sem_alloc : memref<!tpu.dma_semaphore, #tpu.memory_space<semaphore_mem>>
        %dma_start3A_111 = arith.constant 0 : i32
        %dma_start3A_112 = tpu.memref_slice %arg6[%add3A_110, %dma_start3A_111] : memref<64000x128xf32, #tpu.memory_space<hbm>> -> memref<80x128xf32, #tpu.memory_space<hbm>>
        %dma_start3A_113 = arith.constant 0 : i32
        %dma_start3A_114 = tpu.memref_slice %arg6[%add3A_110, %dma_start3A_113] : memref<64000x128xf32, #tpu.memory_space<hbm>> -> memref<80x128xf32, #tpu.memory_space<hbm>>
        tpu.enqueue_dma source(%arg12 : memref<80x128xf32, #tpu.memory_space<vmem>>) target(%dma_start3A_114 : memref<80x128xf32, #tpu.memory_space<hbm>>) target_semaphore(%run_scoped3A : memref<!tpu.dma_semaphore, #tpu.memory_space<semaphore_mem>>)
        %dma_wait3A_115 = arith.constant 0 : i32
        %dma_wait3A_116 = tpu.memref_slice %arg6[%add3A_110, %dma_wait3A_115] : memref<64000x128xf32, #tpu.memory_space<hbm>> -> memref<80x128xf32, #tpu.memory_space<hbm>>
        %dma_wait3A_117 = arith.constant 0 : i32
        %dma_wait3A_118 = tpu.memref_slice %arg6[%add3A_110, %dma_wait3A_117] : memref<64000x128xf32, #tpu.memory_space<hbm>> -> memref<80x128xf32, #tpu.memory_space<hbm>>
        tpu.wait_dma2 semaphore(%run_scoped3A : memref<!tpu.dma_semaphore, #tpu.memory_space<semaphore_mem>>) src(%arg12 : memref<80x128xf32, #tpu.memory_space<vmem>>) dst(%dma_wait3A_118 : memref<80x128xf32, #tpu.memory_space<hbm>>)
        tpu.yield
      }) : () -> ()
    }
    %scan3A_20 = arith.constant 12 : i32
    %dma_wait3A = arith.constant 0 : i32
    %dma_wait3A_21 = arith.constant 0 : i32
    %dma_wait3A_22 = tpu.memref_slice %arg2[%dma_wait3A, %dma_wait3A_21] : memref<10000x128xf32, #tpu.memory_space<hbm>> -> memref<80x128xf32, #tpu.memory_space<hbm>>
    %dma_wait3A_23 = arith.constant 0 : i32
    %dma_wait3A_24 = arith.constant 0 : i32
    %dma_wait3A_25 = tpu.memref_slice %arg2[%dma_wait3A_23, %dma_wait3A_24] : memref<10000x128xf32, #tpu.memory_space<hbm>> -> memref<80x128xf32, #tpu.memory_space<hbm>>
    tpu.wait_dma2 semaphore(%arg13 : memref<!tpu.dma_semaphore, #tpu.memory_space<semaphore_mem>>) src(%dma_wait3A_25 : memref<80x128xf32, #tpu.memory_space<hbm>>) dst(%arg9 : memref<80x128xf32, #tpu.memory_space<vmem>>)
    %add3A_26 = arith.constant 1920 : i32
    %add3A_27 = arith.addi %mul3A_2, %add3A_26 : i32
    "tpu.region"() ({
      %run_scoped3A = tpu.sem_alloc : memref<!tpu.dma_semaphore, #tpu.memory_space<semaphore_mem>>
      %dma_start3A_36 = arith.constant 0 : i32
      %dma_start3A_37 = tpu.memref_slice %arg5[%add3A_27, %dma_start3A_36] : memref<64000x128xf32, #tpu.memory_space<hbm>> -> memref<80x128xf32, #tpu.memory_space<hbm>>
      %dma_start3A_38 = arith.constant 0 : i32
      %dma_start3A_39 = tpu.memref_slice %arg5[%add3A_27, %dma_start3A_38] : memref<64000x128xf32, #tpu.memory_space<hbm>> -> memref<80x128xf32, #tpu.memory_space<hbm>>
      tpu.enqueue_dma source(%arg9 : memref<80x128xf32, #tpu.memory_space<vmem>>) target(%dma_start3A_39 : memref<80x128xf32, #tpu.memory_space<hbm>>) target_semaphore(%run_scoped3A : memref<!tpu.dma_semaphore, #tpu.memory_space<semaphore_mem>>)
      %dma_wait3A_40 = arith.constant 0 : i32
      %dma_wait3A_41 = tpu.memref_slice %arg5[%add3A_27, %dma_wait3A_40] : memref<64000x128xf32, #tpu.memory_space<hbm>> -> memref<80x128xf32, #tpu.memory_space<hbm>>
      %dma_wait3A_42 = arith.constant 0 : i32
      %dma_wait3A_43 = tpu.memref_slice %arg5[%add3A_27, %dma_wait3A_42] : memref<64000x128xf32, #tpu.memory_space<hbm>> -> memref<80x128xf32, #tpu.memory_space<hbm>>
      tpu.wait_dma2 semaphore(%run_scoped3A : memref<!tpu.dma_semaphore, #tpu.memory_space<semaphore_mem>>) src(%arg9 : memref<80x128xf32, #tpu.memory_space<vmem>>) dst(%dma_wait3A_43 : memref<80x128xf32, #tpu.memory_space<hbm>>)
      tpu.yield
    }) : () -> ()
    %dma_wait3A_28 = arith.constant 0 : i32
    %dma_wait3A_29 = arith.constant 0 : i32
    %dma_wait3A_30 = tpu.memref_slice %arg2[%dma_wait3A_28, %dma_wait3A_29] : memref<10000x128xf32, #tpu.memory_space<hbm>> -> memref<80x128xf32, #tpu.memory_space<hbm>>
    %dma_wait3A_31 = arith.constant 0 : i32
    %dma_wait3A_32 = arith.constant 0 : i32
    %dma_wait3A_33 = tpu.memref_slice %arg2[%dma_wait3A_31, %dma_wait3A_32] : memref<10000x128xf32, #tpu.memory_space<hbm>> -> memref<80x128xf32, #tpu.memory_space<hbm>>
    tpu.wait_dma2 semaphore(%arg15 : memref<!tpu.dma_semaphore, #tpu.memory_space<semaphore_mem>>) src(%dma_wait3A_33 : memref<80x128xf32, #tpu.memory_space<hbm>>) dst(%arg11 : memref<80x128xf32, #tpu.memory_space<vmem>>)
    %add3A_34 = arith.constant 1920 : i32
    %add3A_35 = arith.addi %mul3A_2, %add3A_34 : i32
    "tpu.region"() ({
      %run_scoped3A = tpu.sem_alloc : memref<!tpu.dma_semaphore, #tpu.memory_space<semaphore_mem>>
      %dma_start3A_36 = arith.constant 0 : i32
      %dma_start3A_37 = tpu.memref_slice %arg6[%add3A_35, %dma_start3A_36] : memref<64000x128xf32, #tpu.memory_space<hbm>> -> memref<80x128xf32, #tpu.memory_space<hbm>>
      %dma_start3A_38 = arith.constant 0 : i32
      %dma_start3A_39 = tpu.memref_slice %arg6[%add3A_35, %dma_start3A_38] : memref<64000x128xf32, #tpu.memory_space<hbm>> -> memref<80x128xf32, #tpu.memory_space<hbm>>
      tpu.enqueue_dma source(%arg11 : memref<80x128xf32, #tpu.memory_space<vmem>>) target(%dma_start3A_39 : memref<80x128xf32, #tpu.memory_space<hbm>>) target_semaphore(%run_scoped3A : memref<!tpu.dma_semaphore, #tpu.memory_space<semaphore_mem>>)
      %dma_wait3A_40 = arith.constant 0 : i32
      %dma_wait3A_41 = tpu.memref_slice %arg6[%add3A_35, %dma_wait3A_40] : memref<64000x128xf32, #tpu.memory_space<hbm>> -> memref<80x128xf32, #tpu.memory_space<hbm>>
      %dma_wait3A_42 = arith.constant 0 : i32
      %dma_wait3A_43 = tpu.memref_slice %arg6[%add3A_35, %dma_wait3A_42] : memref<64000x128xf32, #tpu.memory_space<hbm>> -> memref<80x128xf32, #tpu.memory_space<hbm>>
      tpu.wait_dma2 semaphore(%run_scoped3A : memref<!tpu.dma_semaphore, #tpu.memory_space<semaphore_mem>>) src(%arg11 : memref<80x128xf32, #tpu.memory_space<vmem>>) dst(%dma_wait3A_43 : memref<80x128xf32, #tpu.memory_space<hbm>>)
      tpu.yield
    }) : () -> ()
    return
  }
}

#map = affine_map<(d0, d1) -> (0, 0)>
#map1 = affine_map<(d0, d1) -> (0, 0, 0)>
module attributes {stable_mosaic.version = 14 : i64} {
  func.func @body_fn(%arg0: i32, %arg1: i32, %arg2: memref<10000x128xf32, #tpu.memory_space<hbm>>, %arg3: memref<32x25x80xi32, #tpu.memory_space<hbm>>, %arg4: memref<32x25x80xi32, #tpu.memory_space<hbm>>, %arg5: memref<64000x128xf32, #tpu.memory_space<hbm>>, %arg6: memref<64000x128xf32, #tpu.memory_space<hbm>>, %arg7: memref<25x80xi32, #tpu.memory_space<vmem>>, %arg8: memref<25x80xi32, #tpu.memory_space<vmem>>, %arg9: memref<80x128xf32, #tpu.memory_space<vmem>>, %arg10: memref<80x128xf32, #tpu.memory_space<vmem>>, %arg11: memref<80x128xf32, #tpu.memory_space<vmem>>, %arg12: memref<80x128xf32, #tpu.memory_space<vmem>>, %arg13: memref<!tpu.dma_semaphore, #tpu.memory_space<semaphore_mem>>, %arg14: memref<!tpu.dma_semaphore, #tpu.memory_space<semaphore_mem>>, %arg15: memref<!tpu.dma_semaphore, #tpu.memory_space<semaphore_mem>>, %arg16: memref<!tpu.dma_semaphore, #tpu.memory_space<semaphore_mem>>) attributes {dimension_semantics = [#tpu.dimension_semantics<core_parallel>, #tpu.dimension_semantics<subcore_parallel>], iteration_bounds = array<i64: 2, 16>, scalar_prefetch = 0 : i64, scratch_operands = 10 : i64, tpu.core_type = #tpu.core_type<sc_vector_subcore>, window_params = [{transform_indices = #map}, {transform_indices = #map1}, {transform_indices = #map1}, {transform_indices = #map}, {transform_indices = #map}]} {
    %mul3A = arith.constant 2 : i32
    %mul3A_0 = arith.muli %arg1, %mul3A : i32
    %add3A = arith.addi %mul3A_0, %arg0 : i32
    %mul3A_1 = arith.constant 2000 : i32
    %mul3A_2 = arith.muli %add3A, %mul3A_1 : i32
    "tpu.region"() ({
      %run_scoped3A = tpu.sem_alloc : memref<!tpu.dma_semaphore, #tpu.memory_space<semaphore_mem>>
      %dma_start3A_36 = arith.constant 0 : i32
      %dma_start3A_37 = arith.constant 0 : i32
      %dma_start3A_38 = tpu.memref_slice %arg3[%add3A, %dma_start3A_36, %dma_start3A_37] : memref<32x25x80xi32, #tpu.memory_space<hbm>> -> memref<1x25x80xi32, #tpu.memory_space<hbm>>
      %dma_start3A_39 = tpu.memref_squeeze %dma_start3A_38 : memref<1x25x80xi32, #tpu.memory_space<hbm>> -> memref<25x80xi32, #tpu.memory_space<hbm>>
      %dma_start3A_40 = arith.constant 0 : i32
      %dma_start3A_41 = arith.constant 0 : i32
      %dma_start3A_42 = tpu.memref_slice %arg3[%add3A, %dma_start3A_40, %dma_start3A_41] : memref<32x25x80xi32, #tpu.memory_space<hbm>> -> memref<1x25x80xi32, #tpu.memory_space<hbm>>
      %dma_start3A_43 = tpu.memref_squeeze %dma_start3A_42 : memref<1x25x80xi32, #tpu.memory_space<hbm>> -> memref<25x80xi32, #tpu.memory_space<hbm>>
      tpu.enqueue_dma source(%dma_start3A_43 : memref<25x80xi32, #tpu.memory_space<hbm>>) target(%arg7 : memref<25x80xi32, #tpu.memory_space<vmem>>) target_semaphore(%run_scoped3A : memref<!tpu.dma_semaphore, #tpu.memory_space<semaphore_mem>>)
      %dma_wait3A_44 = arith.constant 0 : i32
      %dma_wait3A_45 = arith.constant 0 : i32
      %dma_wait3A_46 = tpu.memref_slice %arg3[%add3A, %dma_wait3A_44, %dma_wait3A_45] : memref<32x25x80xi32, #tpu.memory_space<hbm>> -> memref<1x25x80xi32, #tpu.memory_space<hbm>>
      %dma_wait3A_47 = tpu.memref_squeeze %dma_wait3A_46 : memref<1x25x80xi32, #tpu.memory_space<hbm>> -> memref<25x80xi32, #tpu.memory_space<hbm>>
      %dma_wait3A_48 = arith.constant 0 : i32
      %dma_wait3A_49 = arith.constant 0 : i32
      %dma_wait3A_50 = tpu.memref_slice %arg3[%add3A, %dma_wait3A_48, %dma_wait3A_49] : memref<32x25x80xi32, #tpu.memory_space<hbm>> -> memref<1x25x80xi32, #tpu.memory_space<hbm>>
      %dma_wait3A_51 = tpu.memref_squeeze %dma_wait3A_50 : memref<1x25x80xi32, #tpu.memory_space<hbm>> -> memref<25x80xi32, #tpu.memory_space<hbm>>
      tpu.wait_dma2 semaphore(%run_scoped3A : memref<!tpu.dma_semaphore, #tpu.memory_space<semaphore_mem>>) src(%dma_wait3A_51 : memref<25x80xi32, #tpu.memory_space<hbm>>) dst(%arg7 : memref<25x80xi32, #tpu.memory_space<vmem>>)
      tpu.yield
    }) : () -> ()
    "tpu.region"() ({
      %run_scoped3A = tpu.sem_alloc : memref<!tpu.dma_semaphore, #tpu.memory_space<semaphore_mem>>
      %dma_start3A_36 = arith.constant 0 : i32
      %dma_start3A_37 = arith.constant 0 : i32
      %dma_start3A_38 = tpu.memref_slice %arg4[%add3A, %dma_start3A_36, %dma_start3A_37] : memref<32x25x80xi32, #tpu.memory_space<hbm>> -> memref<1x25x80xi32, #tpu.memory_space<hbm>>
      %dma_start3A_39 = tpu.memref_squeeze %dma_start3A_38 : memref<1x25x80xi32, #tpu.memory_space<hbm>> -> memref<25x80xi32, #tpu.memory_space<hbm>>
      %dma_start3A_40 = arith.constant 0 : i32
      %dma_start3A_41 = arith.constant 0 : i32
      %dma_start3A_42 = tpu.memref_slice %arg4[%add3A, %dma_start3A_40, %dma_start3A_41] : memref<32x25x80xi32, #tpu.memory_space<hbm>> -> memref<1x25x80xi32, #tpu.memory_space<hbm>>
      %dma_start3A_43 = tpu.memref_squeeze %dma_start3A_42 : memref<1x25x80xi32, #tpu.memory_space<hbm>> -> memref<25x80xi32, #tpu.memory_space<hbm>>
      tpu.enqueue_dma source(%dma_start3A_43 : memref<25x80xi32, #tpu.memory_space<hbm>>) target(%arg8 : memref<25x80xi32, #tpu.memory_space<vmem>>) target_semaphore(%run_scoped3A : memref<!tpu.dma_semaphore, #tpu.memory_space<semaphore_mem>>)
      %dma_wait3A_44 = arith.constant 0 : i32
      %dma_wait3A_45 = arith.constant 0 : i32
      %dma_wait3A_46 = tpu.memref_slice %arg4[%add3A, %dma_wait3A_44, %dma_wait3A_45] : memref<32x25x80xi32, #tpu.memory_space<hbm>> -> memref<1x25x80xi32, #tpu.memory_space<hbm>>
      %dma_wait3A_47 = tpu.memref_squeeze %dma_wait3A_46 : memref<1x25x80xi32, #tpu.memory_space<hbm>> -> memref<25x80xi32, #tpu.memory_space<hbm>>
      %dma_wait3A_48 = arith.constant 0 : i32
      %dma_wait3A_49 = arith.constant 0 : i32
      %dma_wait3A_50 = tpu.memref_slice %arg4[%add3A, %dma_wait3A_48, %dma_wait3A_49] : memref<32x25x80xi32, #tpu.memory_space<hbm>> -> memref<1x25x80xi32, #tpu.memory_space<hbm>>
      %dma_wait3A_51 = tpu.memref_squeeze %dma_wait3A_50 : memref<1x25x80xi32, #tpu.memory_space<hbm>> -> memref<25x80xi32, #tpu.memory_space<hbm>>
      tpu.wait_dma2 semaphore(%run_scoped3A : memref<!tpu.dma_semaphore, #tpu.memory_space<semaphore_mem>>) src(%dma_wait3A_51 : memref<25x80xi32, #tpu.memory_space<hbm>>) dst(%arg8 : memref<25x80xi32, #tpu.memory_space<vmem>>)
      tpu.yield
    }) : () -> ()
    %dma_start3A = arith.constant 0 : i32
    %dma_start3A_3 = arith.constant 0 : i32
    %dma_start3A_4 = tpu.memref_slice %arg7[%dma_start3A, %dma_start3A_3] : memref<25x80xi32, #tpu.memory_space<vmem>> -> memref<1x80xi32, #tpu.memory_space<vmem>>
    %dma_start3A_5 = tpu.memref_squeeze %dma_start3A_4 : memref<1x80xi32, #tpu.memory_space<vmem>> -> memref<80xi32, #tpu.memory_space<vmem>>
    %dma_start3A_6 = arith.constant 0 : i32
    %dma_start3A_7 = arith.constant 0 : i32
    %dma_start3A_8 = tpu.memref_slice %arg2[%dma_start3A_6, %dma_start3A_7] : memref<10000x128xf32, #tpu.memory_space<hbm>> -> memref<10000x128xf32, #tpu.memory_space<hbm>>
    tpu.enqueue_indirect_dma source(%dma_start3A_8 : memref<10000x128xf32, #tpu.memory_space<hbm>>) target(%arg9 : memref<80x128xf32, #tpu.memory_space<vmem>>) offsets(%dma_start3A_5 : memref<80xi32, #tpu.memory_space<vmem>>) semaphore(%arg13 : memref<!tpu.dma_semaphore, #tpu.memory_space<semaphore_mem>>)
    %dma_start3A_9 = arith.constant 0 : i32
    %dma_start3A_10 = arith.constant 0 : i32
    %dma_start3A_11 = tpu.memref_slice %arg8[%dma_start3A_9, %dma_start3A_10] : memref<25x80xi32, #tpu.memory_space<vmem>> -> memref<1x80xi32, #tpu.memory_space<vmem>>
    %dma_start3A_12 = tpu.memref_squeeze %dma_start3A_11 : memref<1x80xi32, #tpu.memory_space<vmem>> -> memref<80xi32, #tpu.memory_space<vmem>>
    %dma_start3A_13 = arith.constant 0 : i32
    %dma_start3A_14 = arith.constant 0 : i32
    %dma_start3A_15 = tpu.memref_slice %arg2[%dma_start3A_13, %dma_start3A_14] : memref<10000x128xf32, #tpu.memory_space<hbm>> -> memref<10000x128xf32, #tpu.memory_space<hbm>>
    tpu.enqueue_indirect_dma source(%dma_start3A_15 : memref<10000x128xf32, #tpu.memory_space<hbm>>) target(%arg11 : memref<80x128xf32, #tpu.memory_space<vmem>>) offsets(%dma_start3A_12 : memref<80xi32, #tpu.memory_space<vmem>>) semaphore(%arg15 : memref<!tpu.dma_semaphore, #tpu.memory_space<semaphore_mem>>)
    %scan3A = arith.constant 0 : i32
    %scan3A_16 = arith.constant 0 : i32
    %scan3A_17 = arith.constant 12 : i32
    %scan3A_18 = arith.addi %scan3A_16, %scan3A_17 : i32
    %scan3A_19 = arith.constant 1 : i32
    scf.for %scan3A_36 = %scan3A_16 to %scan3A_18 step %scan3A_19  : i32 {
      %mul3A_37 = arith.constant 2 : i32
      %mul3A_38 = arith.muli %mul3A_37, %scan3A_36 : i32
      %add3A_39 = arith.constant 1 : i32
      %add3A_40 = arith.addi %mul3A_38, %add3A_39 : i32
      %dma_start3A_41 = arith.constant 0 : i32
      %dma_start3A_42 = tpu.memref_slice %arg7[%add3A_40, %dma_start3A_41] : memref<25x80xi32, #tpu.memory_space<vmem>> -> memref<1x80xi32, #tpu.memory_space<vmem>>
      %dma_start3A_43 = tpu.memref_squeeze %dma_start3A_42 : memref<1x80xi32, #tpu.memory_space<vmem>> -> memref<80xi32, #tpu.memory_space<vmem>>
      %dma_start3A_44 = arith.constant 0 : i32
      %dma_start3A_45 = arith.constant 0 : i32
      %dma_start3A_46 = tpu.memref_slice %arg2[%dma_start3A_44, %dma_start3A_45] : memref<10000x128xf32, #tpu.memory_space<hbm>> -> memref<10000x128xf32, #tpu.memory_space<hbm>>
      tpu.enqueue_indirect_dma source(%dma_start3A_46 : memref<10000x128xf32, #tpu.memory_space<hbm>>) target(%arg10 : memref<80x128xf32, #tpu.memory_space<vmem>>) offsets(%dma_start3A_43 : memref<80xi32, #tpu.memory_space<vmem>>) semaphore(%arg14 : memref<!tpu.dma_semaphore, #tpu.memory_space<semaphore_mem>>)
      %add3A_47 = arith.constant 1 : i32
      %add3A_48 = arith.addi %mul3A_38, %add3A_47 : i32
      %dma_start3A_49 = arith.constant 0 : i32
      %dma_start3A_50 = tpu.memref_slice %arg8[%add3A_48, %dma_start3A_49] : memref<25x80xi32, #tpu.memory_space<vmem>> -> memref<1x80xi32, #tpu.memory_space<vmem>>
      %dma_start3A_51 = tpu.memref_squeeze %dma_start3A_50 : memref<1x80xi32, #tpu.memory_space<vmem>> -> memref<80xi32, #tpu.memory_space<vmem>>
      %dma_start3A_52 = arith.constant 0 : i32
      %dma_start3A_53 = arith.constant 0 : i32
      %dma_start3A_54 = tpu.memref_slice %arg2[%dma_start3A_52, %dma_start3A_53] : memref<10000x128xf32, #tpu.memory_space<hbm>> -> memref<10000x128xf32, #tpu.memory_space<hbm>>
      tpu.enqueue_indirect_dma source(%dma_start3A_54 : memref<10000x128xf32, #tpu.memory_space<hbm>>) target(%arg12 : memref<80x128xf32, #tpu.memory_space<vmem>>) offsets(%dma_start3A_51 : memref<80xi32, #tpu.memory_space<vmem>>) semaphore(%arg16 : memref<!tpu.dma_semaphore, #tpu.memory_space<semaphore_mem>>)
      %dma_wait3A_55 = arith.constant 0 : i32
      %dma_wait3A_56 = arith.constant 0 : i32
      %dma_wait3A_57 = tpu.memref_slice %arg2[%dma_wait3A_55, %dma_wait3A_56] : memref<10000x128xf32, #tpu.memory_space<hbm>> -> memref<80x128xf32, #tpu.memory_space<hbm>>
      %dma_wait3A_58 = arith.constant 0 : i32
      %dma_wait3A_59 = arith.constant 0 : i32
      %dma_wait3A_60 = tpu.memref_slice %arg2[%dma_wait3A_58, %dma_wait3A_59] : memref<10000x128xf32, #tpu.memory_space<hbm>> -> memref<80x128xf32, #tpu.memory_space<hbm>>
      tpu.wait_dma2 semaphore(%arg13 : memref<!tpu.dma_semaphore, #tpu.memory_space<semaphore_mem>>) src(%dma_wait3A_60 : memref<80x128xf32, #tpu.memory_space<hbm>>) dst(%arg9 : memref<80x128xf32, #tpu.memory_space<vmem>>)
      %mul3A_61 = arith.constant 80 : i32
      %mul3A_62 = arith.muli %mul3A_38, %mul3A_61 : i32
      %add3A_63 = arith.addi %mul3A_2, %mul3A_62 : i32
      "tpu.region"() ({
        %run_scoped3A = tpu.sem_alloc : memref<!tpu.dma_semaphore, #tpu.memory_space<semaphore_mem>>
        %dma_start3A_111 = arith.constant 0 : i32
        %dma_start3A_112 = tpu.memref_slice %arg5[%add3A_63, %dma_start3A_111] : memref<64000x128xf32, #tpu.memory_space<hbm>> -> memref<80x128xf32, #tpu.memory_space<hbm>>
        %dma_start3A_113 = arith.constant 0 : i32
        %dma_start3A_114 = tpu.memref_slice %arg5[%add3A_63, %dma_start3A_113] : memref<64000x128xf32, #tpu.memory_space<hbm>> -> memref<80x128xf32, #tpu.memory_space<hbm>>
        tpu.enqueue_dma source(%arg9 : memref<80x128xf32, #tpu.memory_space<vmem>>) target(%dma_start3A_114 : memref<80x128xf32, #tpu.memory_space<hbm>>) target_semaphore(%run_scoped3A : memref<!tpu.dma_semaphore, #tpu.memory_space<semaphore_mem>>)
        %dma_wait3A_115 = arith.constant 0 : i32
        %dma_wait3A_116 = tpu.memref_slice %arg5[%add3A_63, %dma_wait3A_115] : memref<64000x128xf32, #tpu.memory_space<hbm>> -> memref<80x128xf32, #tpu.memory_space<hbm>>
        %dma_wait3A_117 = arith.constant 0 : i32
        %dma_wait3A_118 = tpu.memref_slice %arg5[%add3A_63, %dma_wait3A_117] : memref<64000x128xf32, #tpu.memory_space<hbm>> -> memref<80x128xf32, #tpu.memory_space<hbm>>
        tpu.wait_dma2 semaphore(%run_scoped3A : memref<!tpu.dma_semaphore, #tpu.memory_space<semaphore_mem>>) src(%arg9 : memref<80x128xf32, #tpu.memory_space<vmem>>) dst(%dma_wait3A_118 : memref<80x128xf32, #tpu.memory_space<hbm>>)
        tpu.yield
      }) : () -> ()
      %dma_wait3A_64 = arith.constant 0 : i32
      %dma_wait3A_65 = arith.constant 0 : i32
      %dma_wait3A_66 = tpu.memref_slice %arg2[%dma_wait3A_64, %dma_wait3A_65] : memref<10000x128xf32, #tpu.memory_space<hbm>> -> memref<80x128xf32, #tpu.memory_space<hbm>>
      %dma_wait3A_67 = arith.constant 0 : i32
      %dma_wait3A_68 = arith.constant 0 : i32
      %dma_wait3A_69 = tpu.memref_slice %arg2[%dma_wait3A_67, %dma_wait3A_68] : memref<10000x128xf32, #tpu.memory_space<hbm>> -> memref<80x128xf32, #tpu.memory_space<hbm>>
      tpu.wait_dma2 semaphore(%arg15 : memref<!tpu.dma_semaphore, #tpu.memory_space<semaphore_mem>>) src(%dma_wait3A_69 : memref<80x128xf32, #tpu.memory_space<hbm>>) dst(%arg11 : memref<80x128xf32, #tpu.memory_space<vmem>>)
      %mul3A_70 = arith.constant 80 : i32
      %mul3A_71 = arith.muli %mul3A_38, %mul3A_70 : i32
      %add3A_72 = arith.addi %mul3A_2, %mul3A_71 : i32
      "tpu.region"() ({
        %run_scoped3A = tpu.sem_alloc : memref<!tpu.dma_semaphore, #tpu.memory_space<semaphore_mem>>
        %dma_start3A_111 = arith.constant 0 : i32
        %dma_start3A_112 = tpu.memref_slice %arg6[%add3A_72, %dma_start3A_111] : memref<64000x128xf32, #tpu.memory_space<hbm>> -> memref<80x128xf32, #tpu.memory_space<hbm>>
        %dma_start3A_113 = arith.constant 0 : i32
        %dma_start3A_114 = tpu.memref_slice %arg6[%add3A_72, %dma_start3A_113] : memref<64000x128xf32, #tpu.memory_space<hbm>> -> memref<80x128xf32, #tpu.memory_space<hbm>>
        tpu.enqueue_dma source(%arg11 : memref<80x128xf32, #tpu.memory_space<vmem>>) target(%dma_start3A_114 : memref<80x128xf32, #tpu.memory_space<hbm>>) target_semaphore(%run_scoped3A : memref<!tpu.dma_semaphore, #tpu.memory_space<semaphore_mem>>)
        %dma_wait3A_115 = arith.constant 0 : i32
        %dma_wait3A_116 = tpu.memref_slice %arg6[%add3A_72, %dma_wait3A_115] : memref<64000x128xf32, #tpu.memory_space<hbm>> -> memref<80x128xf32, #tpu.memory_space<hbm>>
        %dma_wait3A_117 = arith.constant 0 : i32
        %dma_wait3A_118 = tpu.memref_slice %arg6[%add3A_72, %dma_wait3A_117] : memref<64000x128xf32, #tpu.memory_space<hbm>> -> memref<80x128xf32, #tpu.memory_space<hbm>>
        tpu.wait_dma2 semaphore(%run_scoped3A : memref<!tpu.dma_semaphore, #tpu.memory_space<semaphore_mem>>) src(%arg11 : memref<80x128xf32, #tpu.memory_space<vmem>>) dst(%dma_wait3A_118 : memref<80x128xf32, #tpu.memory_space<hbm>>)
        tpu.yield
      }) : () -> ()
      %add3A_73 = arith.constant 2 : i32
      %add3A_74 = arith.addi %mul3A_38, %add3A_73 : i32
      %dma_start3A_75 = arith.constant 0 : i32
      %dma_start3A_76 = tpu.memref_slice %arg7[%add3A_74, %dma_start3A_75] : memref<25x80xi32, #tpu.memory_space<vmem>> -> memref<1x80xi32, #tpu.memory_space<vmem>>
      %dma_start3A_77 = tpu.memref_squeeze %dma_start3A_76 : memref<1x80xi32, #tpu.memory_space<vmem>> -> memref<80xi32, #tpu.memory_space<vmem>>
      %dma_start3A_78 = arith.constant 0 : i32
      %dma_start3A_79 = arith.constant 0 : i32
      %dma_start3A_80 = tpu.memref_slice %arg2[%dma_start3A_78, %dma_start3A_79] : memref<10000x128xf32, #tpu.memory_space<hbm>> -> memref<10000x128xf32, #tpu.memory_space<hbm>>
      tpu.enqueue_indirect_dma source(%dma_start3A_80 : memref<10000x128xf32, #tpu.memory_space<hbm>>) target(%arg9 : memref<80x128xf32, #tpu.memory_space<vmem>>) offsets(%dma_start3A_77 : memref<80xi32, #tpu.memory_space<vmem>>) semaphore(%arg13 : memref<!tpu.dma_semaphore, #tpu.memory_space<semaphore_mem>>)
      %add3A_81 = arith.constant 2 : i32
      %add3A_82 = arith.addi %mul3A_38, %add3A_81 : i32
      %dma_start3A_83 = arith.constant 0 : i32
      %dma_start3A_84 = tpu.memref_slice %arg8[%add3A_82, %dma_start3A_83] : memref<25x80xi32, #tpu.memory_space<vmem>> -> memref<1x80xi32, #tpu.memory_space<vmem>>
      %dma_start3A_85 = tpu.memref_squeeze %dma_start3A_84 : memref<1x80xi32, #tpu.memory_space<vmem>> -> memref<80xi32, #tpu.memory_space<vmem>>
      %dma_start3A_86 = arith.constant 0 : i32
      %dma_start3A_87 = arith.constant 0 : i32
      %dma_start3A_88 = tpu.memref_slice %arg2[%dma_start3A_86, %dma_start3A_87] : memref<10000x128xf32, #tpu.memory_space<hbm>> -> memref<10000x128xf32, #tpu.memory_space<hbm>>
      tpu.enqueue_indirect_dma source(%dma_start3A_88 : memref<10000x128xf32, #tpu.memory_space<hbm>>) target(%arg11 : memref<80x128xf32, #tpu.memory_space<vmem>>) offsets(%dma_start3A_85 : memref<80xi32, #tpu.memory_space<vmem>>) semaphore(%arg15 : memref<!tpu.dma_semaphore, #tpu.memory_space<semaphore_mem>>)
      %add3A_89 = arith.constant 1 : i32
      %add3A_90 = arith.addi %mul3A_38, %add3A_89 : i32
      %dma_wait3A_91 = arith.constant 0 : i32
      %dma_wait3A_92 = arith.constant 0 : i32
      %dma_wait3A_93 = tpu.memref_slice %arg2[%dma_wait3A_91, %dma_wait3A_92] : memref<10000x128xf32, #tpu.memory_space<hbm>> -> memref<80x128xf32, #tpu.memory_space<hbm>>
      %dma_wait3A_94 = arith.constant 0 : i32
      %dma_wait3A_95 = arith.constant 0 : i32
      %dma_wait3A_96 = tpu.memref_slice %arg2[%dma_wait3A_94, %dma_wait3A_95] : memref<10000x128xf32, #tpu.memory_space<hbm>> -> memref<80x128xf32, #tpu.memory_space<hbm>>
      tpu.wait_dma2 semaphore(%arg14 : memref<!tpu.dma_semaphore, #tpu.memory_space<semaphore_mem>>) src(%dma_wait3A_96 : memref<80x128xf32, #tpu.memory_space<hbm>>) dst(%arg10 : memref<80x128xf32, #tpu.memory_space<vmem>>)
      %mul3A_97 = arith.constant 80 : i32
      %mul3A_98 = arith.muli %add3A_90, %mul3A_97 : i32
      %add3A_99 = arith.addi %mul3A_2, %mul3A_98 : i32
      "tpu.region"() ({
        %run_scoped3A = tpu.sem_alloc : memref<!tpu.dma_semaphore, #tpu.memory_space<semaphore_mem>>
        %dma_start3A_111 = arith.constant 0 : i32
        %dma_start3A_112 = tpu.memref_slice %arg5[%add3A_99, %dma_start3A_111] : memref<64000x128xf32, #tpu.memory_space<hbm>> -> memref<80x128xf32, #tpu.memory_space<hbm>>
        %dma_start3A_113 = arith.constant 0 : i32
        %dma_start3A_114 = tpu.memref_slice %arg5[%add3A_99, %dma_start3A_113] : memref<64000x128xf32, #tpu.memory_space<hbm>> -> memref<80x128xf32, #tpu.memory_space<hbm>>
        tpu.enqueue_dma source(%arg10 : memref<80x128xf32, #tpu.memory_space<vmem>>) target(%dma_start3A_114 : memref<80x128xf32, #tpu.memory_space<hbm>>) target_semaphore(%run_scoped3A : memref<!tpu.dma_semaphore, #tpu.memory_space<semaphore_mem>>)
        %dma_wait3A_115 = arith.constant 0 : i32
        %dma_wait3A_116 = tpu.memref_slice %arg5[%add3A_99, %dma_wait3A_115] : memref<64000x128xf32, #tpu.memory_space<hbm>> -> memref<80x128xf32, #tpu.memory_space<hbm>>
        %dma_wait3A_117 = arith.constant 0 : i32
        %dma_wait3A_118 = tpu.memref_slice %arg5[%add3A_99, %dma_wait3A_117] : memref<64000x128xf32, #tpu.memory_space<hbm>> -> memref<80x128xf32, #tpu.memory_space<hbm>>
        tpu.wait_dma2 semaphore(%run_scoped3A : memref<!tpu.dma_semaphore, #tpu.memory_space<semaphore_mem>>) src(%arg10 : memref<80x128xf32, #tpu.memory_space<vmem>>) dst(%dma_wait3A_118 : memref<80x128xf32, #tpu.memory_space<hbm>>)
        tpu.yield
      }) : () -> ()
      %add3A_100 = arith.constant 1 : i32
      %add3A_101 = arith.addi %mul3A_38, %add3A_100 : i32
      %dma_wait3A_102 = arith.constant 0 : i32
      %dma_wait3A_103 = arith.constant 0 : i32
      %dma_wait3A_104 = tpu.memref_slice %arg2[%dma_wait3A_102, %dma_wait3A_103] : memref<10000x128xf32, #tpu.memory_space<hbm>> -> memref<80x128xf32, #tpu.memory_space<hbm>>
      %dma_wait3A_105 = arith.constant 0 : i32
      %dma_wait3A_106 = arith.constant 0 : i32
      %dma_wait3A_107 = tpu.memref_slice %arg2[%dma_wait3A_105, %dma_wait3A_106] : memref<10000x128xf32, #tpu.memory_space<hbm>> -> memref<80x128xf32, #tpu.memory_space<hbm>>
      tpu.wait_dma2 semaphore(%arg16 : memref<!tpu.dma_semaphore, #tpu.memory_space<semaphore_mem>>) src(%dma_wait3A_107 : memref<80x128xf32, #tpu.memory_space<hbm>>) dst(%arg12 : memref<80x128xf32, #tpu.memory_space<vmem>>)
      %mul3A_108 = arith.constant 80 : i32
      %mul3A_109 = arith.muli %add3A_101, %mul3A_108 : i32
      %add3A_110 = arith.addi %mul3A_2, %mul3A_109 : i32
      "tpu.region"() ({
        %run_scoped3A = tpu.sem_alloc : memref<!tpu.dma_semaphore, #tpu.memory_space<semaphore_mem>>
        %dma_start3A_111 = arith.constant 0 : i32
        %dma_start3A_112 = tpu.memref_slice %arg6[%add3A_110, %dma_start3A_111] : memref<64000x128xf32, #tpu.memory_space<hbm>> -> memref<80x128xf32, #tpu.memory_space<hbm>>
        %dma_start3A_113 = arith.constant 0 : i32
        %dma_start3A_114 = tpu.memref_slice %arg6[%add3A_110, %dma_start3A_113] : memref<64000x128xf32, #tpu.memory_space<hbm>> -> memref<80x128xf32, #tpu.memory_space<hbm>>
        tpu.enqueue_dma source(%arg12 : memref<80x128xf32, #tpu.memory_space<vmem>>) target(%dma_start3A_114 : memref<80x128xf32, #tpu.memory_space<hbm>>) target_semaphore(%run_scoped3A : memref<!tpu.dma_semaphore, #tpu.memory_space<semaphore_mem>>)
        %dma_wait3A_115 = arith.constant 0 : i32
        %dma_wait3A_116 = tpu.memref_slice %arg6[%add3A_110, %dma_wait3A_115] : memref<64000x128xf32, #tpu.memory_space<hbm>> -> memref<80x128xf32, #tpu.memory_space<hbm>>
        %dma_wait3A_117 = arith.constant 0 : i32
        %dma_wait3A_118 = tpu.memref_slice %arg6[%add3A_110, %dma_wait3A_117] : memref<64000x128xf32, #tpu.memory_space<hbm>> -> memref<80x128xf32, #tpu.memory_space<hbm>>
        tpu.wait_dma2 semaphore(%run_scoped3A : memref<!tpu.dma_semaphore, #tpu.memory_space<semaphore_mem>>) src(%arg12 : memref<80x128xf32, #tpu.memory_space<vmem>>) dst(%dma_wait3A_118 : memref<80x128xf32, #tpu.memory_space<hbm>>)
        tpu.yield
      }) : () -> ()
    }
    %scan3A_20 = arith.constant 12 : i32
    %dma_wait3A = arith.constant 0 : i32
    %dma_wait3A_21 = arith.constant 0 : i32
    %dma_wait3A_22 = tpu.memref_slice %arg2[%dma_wait3A, %dma_wait3A_21] : memref<10000x128xf32, #tpu.memory_space<hbm>> -> memref<80x128xf32, #tpu.memory_space<hbm>>
    %dma_wait3A_23 = arith.constant 0 : i32
    %dma_wait3A_24 = arith.constant 0 : i32
    %dma_wait3A_25 = tpu.memref_slice %arg2[%dma_wait3A_23, %dma_wait3A_24] : memref<10000x128xf32, #tpu.memory_space<hbm>> -> memref<80x128xf32, #tpu.memory_space<hbm>>
    tpu.wait_dma2 semaphore(%arg13 : memref<!tpu.dma_semaphore, #tpu.memory_space<semaphore_mem>>) src(%dma_wait3A_25 : memref<80x128xf32, #tpu.memory_space<hbm>>) dst(%arg9 : memref<80x128xf32, #tpu.memory_space<vmem>>)
    %add3A_26 = arith.constant 1920 : i32
    %add3A_27 = arith.addi %mul3A_2, %add3A_26 : i32
    "tpu.region"() ({
      %run_scoped3A = tpu.sem_alloc : memref<!tpu.dma_semaphore, #tpu.memory_space<semaphore_mem>>
      %dma_start3A_36 = arith.constant 0 : i32
      %dma_start3A_37 = tpu.memref_slice %arg5[%add3A_27, %dma_start3A_36] : memref<64000x128xf32, #tpu.memory_space<hbm>> -> memref<80x128xf32, #tpu.memory_space<hbm>>
      %dma_start3A_38 = arith.constant 0 : i32
      %dma_start3A_39 = tpu.memref_slice %arg5[%add3A_27, %dma_start3A_38] : memref<64000x128xf32, #tpu.memory_space<hbm>> -> memref<80x128xf32, #tpu.memory_space<hbm>>
      tpu.enqueue_dma source(%arg9 : memref<80x128xf32, #tpu.memory_space<vmem>>) target(%dma_start3A_39 : memref<80x128xf32, #tpu.memory_space<hbm>>) target_semaphore(%run_scoped3A : memref<!tpu.dma_semaphore, #tpu.memory_space<semaphore_mem>>)
      %dma_wait3A_40 = arith.constant 0 : i32
      %dma_wait3A_41 = tpu.memref_slice %arg5[%add3A_27, %dma_wait3A_40] : memref<64000x128xf32, #tpu.memory_space<hbm>> -> memref<80x128xf32, #tpu.memory_space<hbm>>
      %dma_wait3A_42 = arith.constant 0 : i32
      %dma_wait3A_43 = tpu.memref_slice %arg5[%add3A_27, %dma_wait3A_42] : memref<64000x128xf32, #tpu.memory_space<hbm>> -> memref<80x128xf32, #tpu.memory_space<hbm>>
      tpu.wait_dma2 semaphore(%run_scoped3A : memref<!tpu.dma_semaphore, #tpu.memory_space<semaphore_mem>>) src(%arg9 : memref<80x128xf32, #tpu.memory_space<vmem>>) dst(%dma_wait3A_43 : memref<80x128xf32, #tpu.memory_space<hbm>>)
      tpu.yield
    }) : () -> ()
    %dma_wait3A_28 = arith.constant 0 : i32
    %dma_wait3A_29 = arith.constant 0 : i32
    %dma_wait3A_30 = tpu.memref_slice %arg2[%dma_wait3A_28, %dma_wait3A_29] : memref<10000x128xf32, #tpu.memory_space<hbm>> -> memref<80x128xf32, #tpu.memory_space<hbm>>
    %dma_wait3A_31 = arith.constant 0 : i32
    %dma_wait3A_32 = arith.constant 0 : i32
    %dma_wait3A_33 = tpu.memref_slice %arg2[%dma_wait3A_31, %dma_wait3A_32] : memref<10000x128xf32, #tpu.memory_space<hbm>> -> memref<80x128xf32, #tpu.memory_space<hbm>>
    tpu.wait_dma2 semaphore(%arg15 : memref<!tpu.dma_semaphore, #tpu.memory_space<semaphore_mem>>) src(%dma_wait3A_33 : memref<80x128xf32, #tpu.memory_space<hbm>>) dst(%arg11 : memref<80x128xf32, #tpu.memory_space<vmem>>)
    %add3A_34 = arith.constant 1920 : i32
    %add3A_35 = arith.addi %mul3A_2, %add3A_34 : i32
    "tpu.region"() ({
      %run_scoped3A = tpu.sem_alloc : memref<!tpu.dma_semaphore, #tpu.memory_space<semaphore_mem>>
      %dma_start3A_36 = arith.constant 0 : i32
      %dma_start3A_37 = tpu.memref_slice %arg6[%add3A_35, %dma_start3A_36] : memref<64000x128xf32, #tpu.memory_space<hbm>> -> memref<80x128xf32, #tpu.memory_space<hbm>>
      %dma_start3A_38 = arith.constant 0 : i32
      %dma_start3A_39 = tpu.memref_slice %arg6[%add3A_35, %dma_start3A_38] : memref<64000x128xf32, #tpu.memory_space<hbm>> -> memref<80x128xf32, #tpu.memory_space<hbm>>
      tpu.enqueue_dma source(%arg11 : memref<80x128xf32, #tpu.memory_space<vmem>>) target(%dma_start3A_39 : memref<80x128xf32, #tpu.memory_space<hbm>>) target_semaphore(%run_scoped3A : memref<!tpu.dma_semaphore, #tpu.memory_space<semaphore_mem>>)
      %dma_wait3A_40 = arith.constant 0 : i32
      %dma_wait3A_41 = tpu.memref_slice %arg6[%add3A_35, %dma_wait3A_40] : memref<64000x128xf32, #tpu.memory_space<hbm>> -> memref<80x128xf32, #tpu.memory_space<hbm>>
      %dma_wait3A_42 = arith.constant 0 : i32
      %dma_wait3A_43 = tpu.memref_slice %arg6[%add3A_35, %dma_wait3A_42] : memref<64000x128xf32, #tpu.memory_space<hbm>> -> memref<80x128xf32, #tpu.memory_space<hbm>>
      tpu.wait_dma2 semaphore(%run_scoped3A : memref<!tpu.dma_semaphore, #tpu.memory_space<semaphore_mem>>) src(%arg11 : memref<80x128xf32, #tpu.memory_space<vmem>>) dst(%dma_wait3A_43 : memref<80x128xf32, #tpu.memory_space<hbm>>)
      tpu.yield
    }) : () -> ()
    return
  }
}

#map = affine_map<(d0, d1) -> (0, 0)>
#map1 = affine_map<(d0, d1) -> (0, 0, 0)>
module attributes {stable_mosaic.version = 14 : i64} {
  func.func @body_fn(%arg0: i32, %arg1: i32, %arg2: memref<10000x128xf32, #tpu.memory_space<hbm>>, %arg3: memref<32x25x80xi32, #tpu.memory_space<hbm>>, %arg4: memref<32x25x80xi32, #tpu.memory_space<hbm>>, %arg5: memref<64000x128xf32, #tpu.memory_space<hbm>>, %arg6: memref<64000x128xf32, #tpu.memory_space<hbm>>, %arg7: memref<25x80xi32, #tpu.memory_space<vmem>>, %arg8: memref<25x80xi32, #tpu.memory_space<vmem>>, %arg9: memref<80x128xf32, #tpu.memory_space<vmem>>, %arg10: memref<80x128xf32, #tpu.memory_space<vmem>>, %arg11: memref<80x128xf32, #tpu.memory_space<vmem>>, %arg12: memref<80x128xf32, #tpu.memory_space<vmem>>, %arg13: memref<!tpu.dma_semaphore, #tpu.memory_space<semaphore_mem>>, %arg14: memref<!tpu.dma_semaphore, #tpu.memory_space<semaphore_mem>>, %arg15: memref<!tpu.dma_semaphore, #tpu.memory_space<semaphore_mem>>, %arg16: memref<!tpu.dma_semaphore, #tpu.memory_space<semaphore_mem>>) attributes {dimension_semantics = [#tpu.dimension_semantics<core_parallel>, #tpu.dimension_semantics<subcore_parallel>], iteration_bounds = array<i64: 2, 16>, scalar_prefetch = 0 : i64, scratch_operands = 10 : i64, tpu.core_type = #tpu.core_type<sc_vector_subcore>, window_params = [{transform_indices = #map}, {transform_indices = #map1}, {transform_indices = #map1}, {transform_indices = #map}, {transform_indices = #map}]} {
    %mul3A = arith.constant 2 : i32
    %mul3A_0 = arith.muli %arg1, %mul3A : i32
    %add3A = arith.addi %mul3A_0, %arg0 : i32
    %mul3A_1 = arith.constant 2000 : i32
    %mul3A_2 = arith.muli %add3A, %mul3A_1 : i32
    "tpu.region"() ({
      %run_scoped3A = tpu.sem_alloc : memref<!tpu.dma_semaphore, #tpu.memory_space<semaphore_mem>>
      %dma_start3A_36 = arith.constant 0 : i32
      %dma_start3A_37 = arith.constant 0 : i32
      %dma_start3A_38 = tpu.memref_slice %arg3[%add3A, %dma_start3A_36, %dma_start3A_37] : memref<32x25x80xi32, #tpu.memory_space<hbm>> -> memref<1x25x80xi32, #tpu.memory_space<hbm>>
      %dma_start3A_39 = tpu.memref_squeeze %dma_start3A_38 : memref<1x25x80xi32, #tpu.memory_space<hbm>> -> memref<25x80xi32, #tpu.memory_space<hbm>>
      %dma_start3A_40 = arith.constant 0 : i32
      %dma_start3A_41 = arith.constant 0 : i32
      %dma_start3A_42 = tpu.memref_slice %arg3[%add3A, %dma_start3A_40, %dma_start3A_41] : memref<32x25x80xi32, #tpu.memory_space<hbm>> -> memref<1x25x80xi32, #tpu.memory_space<hbm>>
      %dma_start3A_43 = tpu.memref_squeeze %dma_start3A_42 : memref<1x25x80xi32, #tpu.memory_space<hbm>> -> memref<25x80xi32, #tpu.memory_space<hbm>>
      tpu.enqueue_dma source(%dma_start3A_43 : memref<25x80xi32, #tpu.memory_space<hbm>>) target(%arg7 : memref<25x80xi32, #tpu.memory_space<vmem>>) target_semaphore(%run_scoped3A : memref<!tpu.dma_semaphore, #tpu.memory_space<semaphore_mem>>)
      %dma_wait3A_44 = arith.constant 0 : i32
      %dma_wait3A_45 = arith.constant 0 : i32
      %dma_wait3A_46 = tpu.memref_slice %arg3[%add3A, %dma_wait3A_44, %dma_wait3A_45] : memref<32x25x80xi32, #tpu.memory_space<hbm>> -> memref<1x25x80xi32, #tpu.memory_space<hbm>>
      %dma_wait3A_47 = tpu.memref_squeeze %dma_wait3A_46 : memref<1x25x80xi32, #tpu.memory_space<hbm>> -> memref<25x80xi32, #tpu.memory_space<hbm>>
      %dma_wait3A_48 = arith.constant 0 : i32
      %dma_wait3A_49 = arith.constant 0 : i32
      %dma_wait3A_50 = tpu.memref_slice %arg3[%add3A, %dma_wait3A_48, %dma_wait3A_49] : memref<32x25x80xi32, #tpu.memory_space<hbm>> -> memref<1x25x80xi32, #tpu.memory_space<hbm>>
      %dma_wait3A_51 = tpu.memref_squeeze %dma_wait3A_50 : memref<1x25x80xi32, #tpu.memory_space<hbm>> -> memref<25x80xi32, #tpu.memory_space<hbm>>
      tpu.wait_dma2 semaphore(%run_scoped3A : memref<!tpu.dma_semaphore, #tpu.memory_space<semaphore_mem>>) src(%dma_wait3A_51 : memref<25x80xi32, #tpu.memory_space<hbm>>) dst(%arg7 : memref<25x80xi32, #tpu.memory_space<vmem>>)
      tpu.yield
    }) : () -> ()
    "tpu.region"() ({
      %run_scoped3A = tpu.sem_alloc : memref<!tpu.dma_semaphore, #tpu.memory_space<semaphore_mem>>
      %dma_start3A_36 = arith.constant 0 : i32
      %dma_start3A_37 = arith.constant 0 : i32
      %dma_start3A_38 = tpu.memref_slice %arg4[%add3A, %dma_start3A_36, %dma_start3A_37] : memref<32x25x80xi32, #tpu.memory_space<hbm>> -> memref<1x25x80xi32, #tpu.memory_space<hbm>>
      %dma_start3A_39 = tpu.memref_squeeze %dma_start3A_38 : memref<1x25x80xi32, #tpu.memory_space<hbm>> -> memref<25x80xi32, #tpu.memory_space<hbm>>
      %dma_start3A_40 = arith.constant 0 : i32
      %dma_start3A_41 = arith.constant 0 : i32
      %dma_start3A_42 = tpu.memref_slice %arg4[%add3A, %dma_start3A_40, %dma_start3A_41] : memref<32x25x80xi32, #tpu.memory_space<hbm>> -> memref<1x25x80xi32, #tpu.memory_space<hbm>>
      %dma_start3A_43 = tpu.memref_squeeze %dma_start3A_42 : memref<1x25x80xi32, #tpu.memory_space<hbm>> -> memref<25x80xi32, #tpu.memory_space<hbm>>
      tpu.enqueue_dma source(%dma_start3A_43 : memref<25x80xi32, #tpu.memory_space<hbm>>) target(%arg8 : memref<25x80xi32, #tpu.memory_space<vmem>>) target_semaphore(%run_scoped3A : memref<!tpu.dma_semaphore, #tpu.memory_space<semaphore_mem>>)
      %dma_wait3A_44 = arith.constant 0 : i32
      %dma_wait3A_45 = arith.constant 0 : i32
      %dma_wait3A_46 = tpu.memref_slice %arg4[%add3A, %dma_wait3A_44, %dma_wait3A_45] : memref<32x25x80xi32, #tpu.memory_space<hbm>> -> memref<1x25x80xi32, #tpu.memory_space<hbm>>
      %dma_wait3A_47 = tpu.memref_squeeze %dma_wait3A_46 : memref<1x25x80xi32, #tpu.memory_space<hbm>> -> memref<25x80xi32, #tpu.memory_space<hbm>>
      %dma_wait3A_48 = arith.constant 0 : i32
      %dma_wait3A_49 = arith.constant 0 : i32
      %dma_wait3A_50 = tpu.memref_slice %arg4[%add3A, %dma_wait3A_48, %dma_wait3A_49] : memref<32x25x80xi32, #tpu.memory_space<hbm>> -> memref<1x25x80xi32, #tpu.memory_space<hbm>>
      %dma_wait3A_51 = tpu.memref_squeeze %dma_wait3A_50 : memref<1x25x80xi32, #tpu.memory_space<hbm>> -> memref<25x80xi32, #tpu.memory_space<hbm>>
      tpu.wait_dma2 semaphore(%run_scoped3A : memref<!tpu.dma_semaphore, #tpu.memory_space<semaphore_mem>>) src(%dma_wait3A_51 : memref<25x80xi32, #tpu.memory_space<hbm>>) dst(%arg8 : memref<25x80xi32, #tpu.memory_space<vmem>>)
      tpu.yield
    }) : () -> ()
    %dma_start3A = arith.constant 0 : i32
    %dma_start3A_3 = arith.constant 0 : i32
    %dma_start3A_4 = tpu.memref_slice %arg7[%dma_start3A, %dma_start3A_3] : memref<25x80xi32, #tpu.memory_space<vmem>> -> memref<1x80xi32, #tpu.memory_space<vmem>>
    %dma_start3A_5 = tpu.memref_squeeze %dma_start3A_4 : memref<1x80xi32, #tpu.memory_space<vmem>> -> memref<80xi32, #tpu.memory_space<vmem>>
    %dma_start3A_6 = arith.constant 0 : i32
    %dma_start3A_7 = arith.constant 0 : i32
    %dma_start3A_8 = tpu.memref_slice %arg2[%dma_start3A_6, %dma_start3A_7] : memref<10000x128xf32, #tpu.memory_space<hbm>> -> memref<10000x128xf32, #tpu.memory_space<hbm>>
    tpu.enqueue_indirect_dma source(%dma_start3A_8 : memref<10000x128xf32, #tpu.memory_space<hbm>>) target(%arg9 : memref<80x128xf32, #tpu.memory_space<vmem>>) offsets(%dma_start3A_5 : memref<80xi32, #tpu.memory_space<vmem>>) semaphore(%arg13 : memref<!tpu.dma_semaphore, #tpu.memory_space<semaphore_mem>>)
    %dma_start3A_9 = arith.constant 0 : i32
    %dma_start3A_10 = arith.constant 0 : i32
    %dma_start3A_11 = tpu.memref_slice %arg8[%dma_start3A_9, %dma_start3A_10] : memref<25x80xi32, #tpu.memory_space<vmem>> -> memref<1x80xi32, #tpu.memory_space<vmem>>
    %dma_start3A_12 = tpu.memref_squeeze %dma_start3A_11 : memref<1x80xi32, #tpu.memory_space<vmem>> -> memref<80xi32, #tpu.memory_space<vmem>>
    %dma_start3A_13 = arith.constant 0 : i32
    %dma_start3A_14 = arith.constant 0 : i32
    %dma_start3A_15 = tpu.memref_slice %arg2[%dma_start3A_13, %dma_start3A_14] : memref<10000x128xf32, #tpu.memory_space<hbm>> -> memref<10000x128xf32, #tpu.memory_space<hbm>>
    tpu.enqueue_indirect_dma source(%dma_start3A_15 : memref<10000x128xf32, #tpu.memory_space<hbm>>) target(%arg11 : memref<80x128xf32, #tpu.memory_space<vmem>>) offsets(%dma_start3A_12 : memref<80xi32, #tpu.memory_space<vmem>>) semaphore(%arg15 : memref<!tpu.dma_semaphore, #tpu.memory_space<semaphore_mem>>)
    %scan3A = arith.constant 0 : i32
    %scan3A_16 = arith.constant 0 : i32
    %scan3A_17 = arith.constant 12 : i32
    %scan3A_18 = arith.addi %scan3A_16, %scan3A_17 : i32
    %scan3A_19 = arith.constant 1 : i32
    scf.for %scan3A_36 = %scan3A_16 to %scan3A_18 step %scan3A_19  : i32 {
      %mul3A_37 = arith.constant 2 : i32
      %mul3A_38 = arith.muli %mul3A_37, %scan3A_36 : i32
      %add3A_39 = arith.constant 1 : i32
      %add3A_40 = arith.addi %mul3A_38, %add3A_39 : i32
      %dma_start3A_41 = arith.constant 0 : i32
      %dma_start3A_42 = tpu.memref_slice %arg7[%add3A_40, %dma_start3A_41] : memref<25x80xi32, #tpu.memory_space<vmem>> -> memref<1x80xi32, #tpu.memory_space<vmem>>
      %dma_start3A_43 = tpu.memref_squeeze %dma_start3A_42 : memref<1x80xi32, #tpu.memory_space<vmem>> -> memref<80xi32, #tpu.memory_space<vmem>>
      %dma_start3A_44 = arith.constant 0 : i32
      %dma_start3A_45 = arith.constant 0 : i32
      %dma_start3A_46 = tpu.memref_slice %arg2[%dma_start3A_44, %dma_start3A_45] : memref<10000x128xf32, #tpu.memory_space<hbm>> -> memref<10000x128xf32, #tpu.memory_space<hbm>>
      tpu.enqueue_indirect_dma source(%dma_start3A_46 : memref<10000x128xf32, #tpu.memory_space<hbm>>) target(%arg10 : memref<80x128xf32, #tpu.memory_space<vmem>>) offsets(%dma_start3A_43 : memref<80xi32, #tpu.memory_space<vmem>>) semaphore(%arg14 : memref<!tpu.dma_semaphore, #tpu.memory_space<semaphore_mem>>)
      %add3A_47 = arith.constant 1 : i32
      %add3A_48 = arith.addi %mul3A_38, %add3A_47 : i32
      %dma_start3A_49 = arith.constant 0 : i32
      %dma_start3A_50 = tpu.memref_slice %arg8[%add3A_48, %dma_start3A_49] : memref<25x80xi32, #tpu.memory_space<vmem>> -> memref<1x80xi32, #tpu.memory_space<vmem>>
      %dma_start3A_51 = tpu.memref_squeeze %dma_start3A_50 : memref<1x80xi32, #tpu.memory_space<vmem>> -> memref<80xi32, #tpu.memory_space<vmem>>
      %dma_start3A_52 = arith.constant 0 : i32
      %dma_start3A_53 = arith.constant 0 : i32
      %dma_start3A_54 = tpu.memref_slice %arg2[%dma_start3A_52, %dma_start3A_53] : memref<10000x128xf32, #tpu.memory_space<hbm>> -> memref<10000x128xf32, #tpu.memory_space<hbm>>
      tpu.enqueue_indirect_dma source(%dma_start3A_54 : memref<10000x128xf32, #tpu.memory_space<hbm>>) target(%arg12 : memref<80x128xf32, #tpu.memory_space<vmem>>) offsets(%dma_start3A_51 : memref<80xi32, #tpu.memory_space<vmem>>) semaphore(%arg16 : memref<!tpu.dma_semaphore, #tpu.memory_space<semaphore_mem>>)
      %dma_wait3A_55 = arith.constant 0 : i32
      %dma_wait3A_56 = arith.constant 0 : i32
      %dma_wait3A_57 = tpu.memref_slice %arg2[%dma_wait3A_55, %dma_wait3A_56] : memref<10000x128xf32, #tpu.memory_space<hbm>> -> memref<80x128xf32, #tpu.memory_space<hbm>>
      %dma_wait3A_58 = arith.constant 0 : i32
      %dma_wait3A_59 = arith.constant 0 : i32
      %dma_wait3A_60 = tpu.memref_slice %arg2[%dma_wait3A_58, %dma_wait3A_59] : memref<10000x128xf32, #tpu.memory_space<hbm>> -> memref<80x128xf32, #tpu.memory_space<hbm>>
      tpu.wait_dma2 semaphore(%arg13 : memref<!tpu.dma_semaphore, #tpu.memory_space<semaphore_mem>>) src(%dma_wait3A_60 : memref<80x128xf32, #tpu.memory_space<hbm>>) dst(%arg9 : memref<80x128xf32, #tpu.memory_space<vmem>>)
      %mul3A_61 = arith.constant 80 : i32
      %mul3A_62 = arith.muli %mul3A_38, %mul3A_61 : i32
      %add3A_63 = arith.addi %mul3A_2, %mul3A_62 : i32
      "tpu.region"() ({
        %run_scoped3A = tpu.sem_alloc : memref<!tpu.dma_semaphore, #tpu.memory_space<semaphore_mem>>
        %dma_start3A_111 = arith.constant 0 : i32
        %dma_start3A_112 = tpu.memref_slice %arg5[%add3A_63, %dma_start3A_111] : memref<64000x128xf32, #tpu.memory_space<hbm>> -> memref<80x128xf32, #tpu.memory_space<hbm>>
        %dma_start3A_113 = arith.constant 0 : i32
        %dma_start3A_114 = tpu.memref_slice %arg5[%add3A_63, %dma_start3A_113] : memref<64000x128xf32, #tpu.memory_space<hbm>> -> memref<80x128xf32, #tpu.memory_space<hbm>>
        tpu.enqueue_dma source(%arg9 : memref<80x128xf32, #tpu.memory_space<vmem>>) target(%dma_start3A_114 : memref<80x128xf32, #tpu.memory_space<hbm>>) target_semaphore(%run_scoped3A : memref<!tpu.dma_semaphore, #tpu.memory_space<semaphore_mem>>)
        %dma_wait3A_115 = arith.constant 0 : i32
        %dma_wait3A_116 = tpu.memref_slice %arg5[%add3A_63, %dma_wait3A_115] : memref<64000x128xf32, #tpu.memory_space<hbm>> -> memref<80x128xf32, #tpu.memory_space<hbm>>
        %dma_wait3A_117 = arith.constant 0 : i32
        %dma_wait3A_118 = tpu.memref_slice %arg5[%add3A_63, %dma_wait3A_117] : memref<64000x128xf32, #tpu.memory_space<hbm>> -> memref<80x128xf32, #tpu.memory_space<hbm>>
        tpu.wait_dma2 semaphore(%run_scoped3A : memref<!tpu.dma_semaphore, #tpu.memory_space<semaphore_mem>>) src(%arg9 : memref<80x128xf32, #tpu.memory_space<vmem>>) dst(%dma_wait3A_118 : memref<80x128xf32, #tpu.memory_space<hbm>>)
        tpu.yield
      }) : () -> ()
      %dma_wait3A_64 = arith.constant 0 : i32
      %dma_wait3A_65 = arith.constant 0 : i32
      %dma_wait3A_66 = tpu.memref_slice %arg2[%dma_wait3A_64, %dma_wait3A_65] : memref<10000x128xf32, #tpu.memory_space<hbm>> -> memref<80x128xf32, #tpu.memory_space<hbm>>
      %dma_wait3A_67 = arith.constant 0 : i32
      %dma_wait3A_68 = arith.constant 0 : i32
      %dma_wait3A_69 = tpu.memref_slice %arg2[%dma_wait3A_67, %dma_wait3A_68] : memref<10000x128xf32, #tpu.memory_space<hbm>> -> memref<80x128xf32, #tpu.memory_space<hbm>>
      tpu.wait_dma2 semaphore(%arg15 : memref<!tpu.dma_semaphore, #tpu.memory_space<semaphore_mem>>) src(%dma_wait3A_69 : memref<80x128xf32, #tpu.memory_space<hbm>>) dst(%arg11 : memref<80x128xf32, #tpu.memory_space<vmem>>)
      %mul3A_70 = arith.constant 80 : i32
      %mul3A_71 = arith.muli %mul3A_38, %mul3A_70 : i32
      %add3A_72 = arith.addi %mul3A_2, %mul3A_71 : i32
      "tpu.region"() ({
        %run_scoped3A = tpu.sem_alloc : memref<!tpu.dma_semaphore, #tpu.memory_space<semaphore_mem>>
        %dma_start3A_111 = arith.constant 0 : i32
        %dma_start3A_112 = tpu.memref_slice %arg6[%add3A_72, %dma_start3A_111] : memref<64000x128xf32, #tpu.memory_space<hbm>> -> memref<80x128xf32, #tpu.memory_space<hbm>>
        %dma_start3A_113 = arith.constant 0 : i32
        %dma_start3A_114 = tpu.memref_slice %arg6[%add3A_72, %dma_start3A_113] : memref<64000x128xf32, #tpu.memory_space<hbm>> -> memref<80x128xf32, #tpu.memory_space<hbm>>
        tpu.enqueue_dma source(%arg11 : memref<80x128xf32, #tpu.memory_space<vmem>>) target(%dma_start3A_114 : memref<80x128xf32, #tpu.memory_space<hbm>>) target_semaphore(%run_scoped3A : memref<!tpu.dma_semaphore, #tpu.memory_space<semaphore_mem>>)
        %dma_wait3A_115 = arith.constant 0 : i32
        %dma_wait3A_116 = tpu.memref_slice %arg6[%add3A_72, %dma_wait3A_115] : memref<64000x128xf32, #tpu.memory_space<hbm>> -> memref<80x128xf32, #tpu.memory_space<hbm>>
        %dma_wait3A_117 = arith.constant 0 : i32
        %dma_wait3A_118 = tpu.memref_slice %arg6[%add3A_72, %dma_wait3A_117] : memref<64000x128xf32, #tpu.memory_space<hbm>> -> memref<80x128xf32, #tpu.memory_space<hbm>>
        tpu.wait_dma2 semaphore(%run_scoped3A : memref<!tpu.dma_semaphore, #tpu.memory_space<semaphore_mem>>) src(%arg11 : memref<80x128xf32, #tpu.memory_space<vmem>>) dst(%dma_wait3A_118 : memref<80x128xf32, #tpu.memory_space<hbm>>)
        tpu.yield
      }) : () -> ()
      %add3A_73 = arith.constant 2 : i32
      %add3A_74 = arith.addi %mul3A_38, %add3A_73 : i32
      %dma_start3A_75 = arith.constant 0 : i32
      %dma_start3A_76 = tpu.memref_slice %arg7[%add3A_74, %dma_start3A_75] : memref<25x80xi32, #tpu.memory_space<vmem>> -> memref<1x80xi32, #tpu.memory_space<vmem>>
      %dma_start3A_77 = tpu.memref_squeeze %dma_start3A_76 : memref<1x80xi32, #tpu.memory_space<vmem>> -> memref<80xi32, #tpu.memory_space<vmem>>
      %dma_start3A_78 = arith.constant 0 : i32
      %dma_start3A_79 = arith.constant 0 : i32
      %dma_start3A_80 = tpu.memref_slice %arg2[%dma_start3A_78, %dma_start3A_79] : memref<10000x128xf32, #tpu.memory_space<hbm>> -> memref<10000x128xf32, #tpu.memory_space<hbm>>
      tpu.enqueue_indirect_dma source(%dma_start3A_80 : memref<10000x128xf32, #tpu.memory_space<hbm>>) target(%arg9 : memref<80x128xf32, #tpu.memory_space<vmem>>) offsets(%dma_start3A_77 : memref<80xi32, #tpu.memory_space<vmem>>) semaphore(%arg13 : memref<!tpu.dma_semaphore, #tpu.memory_space<semaphore_mem>>)
      %add3A_81 = arith.constant 2 : i32
      %add3A_82 = arith.addi %mul3A_38, %add3A_81 : i32
      %dma_start3A_83 = arith.constant 0 : i32
      %dma_start3A_84 = tpu.memref_slice %arg8[%add3A_82, %dma_start3A_83] : memref<25x80xi32, #tpu.memory_space<vmem>> -> memref<1x80xi32, #tpu.memory_space<vmem>>
      %dma_start3A_85 = tpu.memref_squeeze %dma_start3A_84 : memref<1x80xi32, #tpu.memory_space<vmem>> -> memref<80xi32, #tpu.memory_space<vmem>>
      %dma_start3A_86 = arith.constant 0 : i32
      %dma_start3A_87 = arith.constant 0 : i32
      %dma_start3A_88 = tpu.memref_slice %arg2[%dma_start3A_86, %dma_start3A_87] : memref<10000x128xf32, #tpu.memory_space<hbm>> -> memref<10000x128xf32, #tpu.memory_space<hbm>>
      tpu.enqueue_indirect_dma source(%dma_start3A_88 : memref<10000x128xf32, #tpu.memory_space<hbm>>) target(%arg11 : memref<80x128xf32, #tpu.memory_space<vmem>>) offsets(%dma_start3A_85 : memref<80xi32, #tpu.memory_space<vmem>>) semaphore(%arg15 : memref<!tpu.dma_semaphore, #tpu.memory_space<semaphore_mem>>)
      %add3A_89 = arith.constant 1 : i32
      %add3A_90 = arith.addi %mul3A_38, %add3A_89 : i32
      %dma_wait3A_91 = arith.constant 0 : i32
      %dma_wait3A_92 = arith.constant 0 : i32
      %dma_wait3A_93 = tpu.memref_slice %arg2[%dma_wait3A_91, %dma_wait3A_92] : memref<10000x128xf32, #tpu.memory_space<hbm>> -> memref<80x128xf32, #tpu.memory_space<hbm>>
      %dma_wait3A_94 = arith.constant 0 : i32
      %dma_wait3A_95 = arith.constant 0 : i32
      %dma_wait3A_96 = tpu.memref_slice %arg2[%dma_wait3A_94, %dma_wait3A_95] : memref<10000x128xf32, #tpu.memory_space<hbm>> -> memref<80x128xf32, #tpu.memory_space<hbm>>
      tpu.wait_dma2 semaphore(%arg14 : memref<!tpu.dma_semaphore, #tpu.memory_space<semaphore_mem>>) src(%dma_wait3A_96 : memref<80x128xf32, #tpu.memory_space<hbm>>) dst(%arg10 : memref<80x128xf32, #tpu.memory_space<vmem>>)
      %mul3A_97 = arith.constant 80 : i32
      %mul3A_98 = arith.muli %add3A_90, %mul3A_97 : i32
      %add3A_99 = arith.addi %mul3A_2, %mul3A_98 : i32
      "tpu.region"() ({
        %run_scoped3A = tpu.sem_alloc : memref<!tpu.dma_semaphore, #tpu.memory_space<semaphore_mem>>
        %dma_start3A_111 = arith.constant 0 : i32
        %dma_start3A_112 = tpu.memref_slice %arg5[%add3A_99, %dma_start3A_111] : memref<64000x128xf32, #tpu.memory_space<hbm>> -> memref<80x128xf32, #tpu.memory_space<hbm>>
        %dma_start3A_113 = arith.constant 0 : i32
        %dma_start3A_114 = tpu.memref_slice %arg5[%add3A_99, %dma_start3A_113] : memref<64000x128xf32, #tpu.memory_space<hbm>> -> memref<80x128xf32, #tpu.memory_space<hbm>>
        tpu.enqueue_dma source(%arg10 : memref<80x128xf32, #tpu.memory_space<vmem>>) target(%dma_start3A_114 : memref<80x128xf32, #tpu.memory_space<hbm>>) target_semaphore(%run_scoped3A : memref<!tpu.dma_semaphore, #tpu.memory_space<semaphore_mem>>)
        %dma_wait3A_115 = arith.constant 0 : i32
        %dma_wait3A_116 = tpu.memref_slice %arg5[%add3A_99, %dma_wait3A_115] : memref<64000x128xf32, #tpu.memory_space<hbm>> -> memref<80x128xf32, #tpu.memory_space<hbm>>
        %dma_wait3A_117 = arith.constant 0 : i32
        %dma_wait3A_118 = tpu.memref_slice %arg5[%add3A_99, %dma_wait3A_117] : memref<64000x128xf32, #tpu.memory_space<hbm>> -> memref<80x128xf32, #tpu.memory_space<hbm>>
        tpu.wait_dma2 semaphore(%run_scoped3A : memref<!tpu.dma_semaphore, #tpu.memory_space<semaphore_mem>>) src(%arg10 : memref<80x128xf32, #tpu.memory_space<vmem>>) dst(%dma_wait3A_118 : memref<80x128xf32, #tpu.memory_space<hbm>>)
        tpu.yield
      }) : () -> ()
      %add3A_100 = arith.constant 1 : i32
      %add3A_101 = arith.addi %mul3A_38, %add3A_100 : i32
      %dma_wait3A_102 = arith.constant 0 : i32
      %dma_wait3A_103 = arith.constant 0 : i32
      %dma_wait3A_104 = tpu.memref_slice %arg2[%dma_wait3A_102, %dma_wait3A_103] : memref<10000x128xf32, #tpu.memory_space<hbm>> -> memref<80x128xf32, #tpu.memory_space<hbm>>
      %dma_wait3A_105 = arith.constant 0 : i32
      %dma_wait3A_106 = arith.constant 0 : i32
      %dma_wait3A_107 = tpu.memref_slice %arg2[%dma_wait3A_105, %dma_wait3A_106] : memref<10000x128xf32, #tpu.memory_space<hbm>> -> memref<80x128xf32, #tpu.memory_space<hbm>>
      tpu.wait_dma2 semaphore(%arg16 : memref<!tpu.dma_semaphore, #tpu.memory_space<semaphore_mem>>) src(%dma_wait3A_107 : memref<80x128xf32, #tpu.memory_space<hbm>>) dst(%arg12 : memref<80x128xf32, #tpu.memory_space<vmem>>)
      %mul3A_108 = arith.constant 80 : i32
      %mul3A_109 = arith.muli %add3A_101, %mul3A_108 : i32
      %add3A_110 = arith.addi %mul3A_2, %mul3A_109 : i32
      "tpu.region"() ({
        %run_scoped3A = tpu.sem_alloc : memref<!tpu.dma_semaphore, #tpu.memory_space<semaphore_mem>>
        %dma_start3A_111 = arith.constant 0 : i32
        %dma_start3A_112 = tpu.memref_slice %arg6[%add3A_110, %dma_start3A_111] : memref<64000x128xf32, #tpu.memory_space<hbm>> -> memref<80x128xf32, #tpu.memory_space<hbm>>
        %dma_start3A_113 = arith.constant 0 : i32
        %dma_start3A_114 = tpu.memref_slice %arg6[%add3A_110, %dma_start3A_113] : memref<64000x128xf32, #tpu.memory_space<hbm>> -> memref<80x128xf32, #tpu.memory_space<hbm>>
        tpu.enqueue_dma source(%arg12 : memref<80x128xf32, #tpu.memory_space<vmem>>) target(%dma_start3A_114 : memref<80x128xf32, #tpu.memory_space<hbm>>) target_semaphore(%run_scoped3A : memref<!tpu.dma_semaphore, #tpu.memory_space<semaphore_mem>>)
        %dma_wait3A_115 = arith.constant 0 : i32
        %dma_wait3A_116 = tpu.memref_slice %arg6[%add3A_110, %dma_wait3A_115] : memref<64000x128xf32, #tpu.memory_space<hbm>> -> memref<80x128xf32, #tpu.memory_space<hbm>>
        %dma_wait3A_117 = arith.constant 0 : i32
        %dma_wait3A_118 = tpu.memref_slice %arg6[%add3A_110, %dma_wait3A_117] : memref<64000x128xf32, #tpu.memory_space<hbm>> -> memref<80x128xf32, #tpu.memory_space<hbm>>
        tpu.wait_dma2 semaphore(%run_scoped3A : memref<!tpu.dma_semaphore, #tpu.memory_space<semaphore_mem>>) src(%arg12 : memref<80x128xf32, #tpu.memory_space<vmem>>) dst(%dma_wait3A_118 : memref<80x128xf32, #tpu.memory_space<hbm>>)
        tpu.yield
      }) : () -> ()
    }
    %scan3A_20 = arith.constant 12 : i32
    %dma_wait3A = arith.constant 0 : i32
    %dma_wait3A_21 = arith.constant 0 : i32
    %dma_wait3A_22 = tpu.memref_slice %arg2[%dma_wait3A, %dma_wait3A_21] : memref<10000x128xf32, #tpu.memory_space<hbm>> -> memref<80x128xf32, #tpu.memory_space<hbm>>
    %dma_wait3A_23 = arith.constant 0 : i32
    %dma_wait3A_24 = arith.constant 0 : i32
    %dma_wait3A_25 = tpu.memref_slice %arg2[%dma_wait3A_23, %dma_wait3A_24] : memref<10000x128xf32, #tpu.memory_space<hbm>> -> memref<80x128xf32, #tpu.memory_space<hbm>>
    tpu.wait_dma2 semaphore(%arg13 : memref<!tpu.dma_semaphore, #tpu.memory_space<semaphore_mem>>) src(%dma_wait3A_25 : memref<80x128xf32, #tpu.memory_space<hbm>>) dst(%arg9 : memref<80x128xf32, #tpu.memory_space<vmem>>)
    %add3A_26 = arith.constant 1920 : i32
    %add3A_27 = arith.addi %mul3A_2, %add3A_26 : i32
    "tpu.region"() ({
      %run_scoped3A = tpu.sem_alloc : memref<!tpu.dma_semaphore, #tpu.memory_space<semaphore_mem>>
      %dma_start3A_36 = arith.constant 0 : i32
      %dma_start3A_37 = tpu.memref_slice %arg5[%add3A_27, %dma_start3A_36] : memref<64000x128xf32, #tpu.memory_space<hbm>> -> memref<80x128xf32, #tpu.memory_space<hbm>>
      %dma_start3A_38 = arith.constant 0 : i32
      %dma_start3A_39 = tpu.memref_slice %arg5[%add3A_27, %dma_start3A_38] : memref<64000x128xf32, #tpu.memory_space<hbm>> -> memref<80x128xf32, #tpu.memory_space<hbm>>
      tpu.enqueue_dma source(%arg9 : memref<80x128xf32, #tpu.memory_space<vmem>>) target(%dma_start3A_39 : memref<80x128xf32, #tpu.memory_space<hbm>>) target_semaphore(%run_scoped3A : memref<!tpu.dma_semaphore, #tpu.memory_space<semaphore_mem>>)
      %dma_wait3A_40 = arith.constant 0 : i32
      %dma_wait3A_41 = tpu.memref_slice %arg5[%add3A_27, %dma_wait3A_40] : memref<64000x128xf32, #tpu.memory_space<hbm>> -> memref<80x128xf32, #tpu.memory_space<hbm>>
      %dma_wait3A_42 = arith.constant 0 : i32
      %dma_wait3A_43 = tpu.memref_slice %arg5[%add3A_27, %dma_wait3A_42] : memref<64000x128xf32, #tpu.memory_space<hbm>> -> memref<80x128xf32, #tpu.memory_space<hbm>>
      tpu.wait_dma2 semaphore(%run_scoped3A : memref<!tpu.dma_semaphore, #tpu.memory_space<semaphore_mem>>) src(%arg9 : memref<80x128xf32, #tpu.memory_space<vmem>>) dst(%dma_wait3A_43 : memref<80x128xf32, #tpu.memory_space<hbm>>)
      tpu.yield
    }) : () -> ()
    %dma_wait3A_28 = arith.constant 0 : i32
    %dma_wait3A_29 = arith.constant 0 : i32
    %dma_wait3A_30 = tpu.memref_slice %arg2[%dma_wait3A_28, %dma_wait3A_29] : memref<10000x128xf32, #tpu.memory_space<hbm>> -> memref<80x128xf32, #tpu.memory_space<hbm>>
    %dma_wait3A_31 = arith.constant 0 : i32
    %dma_wait3A_32 = arith.constant 0 : i32
    %dma_wait3A_33 = tpu.memref_slice %arg2[%dma_wait3A_31, %dma_wait3A_32] : memref<10000x128xf32, #tpu.memory_space<hbm>> -> memref<80x128xf32, #tpu.memory_space<hbm>>
    tpu.wait_dma2 semaphore(%arg15 : memref<!tpu.dma_semaphore, #tpu.memory_space<semaphore_mem>>) src(%dma_wait3A_33 : memref<80x128xf32, #tpu.memory_space<hbm>>) dst(%arg11 : memref<80x128xf32, #tpu.memory_space<vmem>>)
    %add3A_34 = arith.constant 1920 : i32
    %add3A_35 = arith.addi %mul3A_2, %add3A_34 : i32
    "tpu.region"() ({
      %run_scoped3A = tpu.sem_alloc : memref<!tpu.dma_semaphore, #tpu.memory_space<semaphore_mem>>
      %dma_start3A_36 = arith.constant 0 : i32
      %dma_start3A_37 = tpu.memref_slice %arg6[%add3A_35, %dma_start3A_36] : memref<64000x128xf32, #tpu.memory_space<hbm>> -> memref<80x128xf32, #tpu.memory_space<hbm>>
      %dma_start3A_38 = arith.constant 0 : i32
      %dma_start3A_39 = tpu.memref_slice %arg6[%add3A_35, %dma_start3A_38] : memref<64000x128xf32, #tpu.memory_space<hbm>> -> memref<80x128xf32, #tpu.memory_space<hbm>>
      tpu.enqueue_dma source(%arg11 : memref<80x128xf32, #tpu.memory_space<vmem>>) target(%dma_start3A_39 : memref<80x128xf32, #tpu.memory_space<hbm>>) target_semaphore(%run_scoped3A : memref<!tpu.dma_semaphore, #tpu.memory_space<semaphore_mem>>)
      %dma_wait3A_40 = arith.constant 0 : i32
      %dma_wait3A_41 = tpu.memref_slice %arg6[%add3A_35, %dma_wait3A_40] : memref<64000x128xf32, #tpu.memory_space<hbm>> -> memref<80x128xf32, #tpu.memory_space<hbm>>
      %dma_wait3A_42 = arith.constant 0 : i32
      %dma_wait3A_43 = tpu.memref_slice %arg6[%add3A_35, %dma_wait3A_42] : memref<64000x128xf32, #tpu.memory_space<hbm>> -> memref<80x128xf32, #tpu.memory_space<hbm>>
      tpu.wait_dma2 semaphore(%run_scoped3A : memref<!tpu.dma_semaphore, #tpu.memory_space<semaphore_mem>>) src(%arg11 : memref<80x128xf32, #tpu.memory_space<vmem>>) dst(%dma_wait3A_43 : memref<80x128xf32, #tpu.memory_space<hbm>>)
      tpu.yield
    }) : () -> ()
    return
  }
}

#map = affine_map<(d0, d1) -> (0, 0)>
#map1 = affine_map<(d0, d1) -> (0, 0, 0, 0)>
#map2 = affine_map<(d0, d1) -> (0, 0, 0)>
module attributes {stable_mosaic.version = 14 : i64} {
  func.func @body_fn(%arg0: i32, %arg1: i32, %arg2: memref<64000x128xf32, #tpu.memory_space<hbm>>, %arg3: memref<64000x128xf32, #tpu.memory_space<hbm>>, %arg4: memref<64000x128xf32, #tpu.memory_space<hbm>>, %arg5: memref<3x32x25x80xi32, #tpu.memory_space<hbm>>, %arg6: memref<2x10000x128xf32, #tpu.memory_space<hbm>>, %arg7: memref<2x10000x128xf32, #tpu.memory_space<hbm>>, %arg8: memref<25x80xi32, #tpu.memory_space<vmem>>, %arg9: memref<80x128xf32, #tpu.memory_space<vmem>>, %arg10: memref<80x128xf32, #tpu.memory_space<vmem>>, %arg11: memref<10000x128xf32, #tpu.memory_space<vmem_shared>>, %arg12: memref<!tpu.dma_semaphore, #tpu.memory_space<semaphore_mem>>, %arg13: memref<!tpu.dma_semaphore, #tpu.memory_space<semaphore_mem>>) attributes {dimension_semantics = [#tpu.dimension_semantics<core_parallel>, #tpu.dimension_semantics<subcore_parallel>], iteration_bounds = array<i64: 2, 16>, scalar_prefetch = 0 : i64, scratch_operands = 6 : i64, tpu.core_type = #tpu.core_type<sc_vector_subcore>, window_params = [{transform_indices = #map}, {transform_indices = #map}, {transform_indices = #map}, {transform_indices = #map1}, {transform_indices = #map2}, {transform_indices = #map2}]} {
    %mul3A = arith.constant 2 : i32
    %mul3A_0 = arith.muli %arg1, %mul3A : i32
    %add3A = arith.addi %mul3A_0, %arg0 : i32
    %mul3A_1 = arith.constant 2000 : i32
    %mul3A_2 = arith.muli %add3A, %mul3A_1 : i32
    %lt3A = arith.constant 10 : i32
    %lt3A_3 = arith.cmpi slt, %arg1, %lt3A : i32
    %convert_element_type3A = arith.extui %lt3A_3 : i1 to i32
    %cond3A = arith.constant 0 : i32
    %cond3A_4 = arith.cmpi ne, %convert_element_type3A, %cond3A : i32
    scf.if %cond3A_4 {
      %mul3A_61 = arith.constant 1000 : i32
      %mul3A_62 = arith.muli %arg1, %mul3A_61 : i32
      %mul3A_63 = arith.constant 1000 : i32
      %mul3A_64 = arith.muli %arg1, %mul3A_63 : i32
      "tpu.region"() ({
        %run_scoped3A_65 = tpu.sem_alloc : memref<!tpu.dma_semaphore, #tpu.memory_space<semaphore_mem>>
        %dma_start3A_66 = arith.constant 0 : i32
        %dma_start3A_67 = tpu.memref_slice %arg11[%mul3A_64, %dma_start3A_66] : memref<10000x128xf32, #tpu.memory_space<vmem_shared>> -> memref<1000x128xf32, #tpu.memory_space<vmem_shared>>
        %dma_start3A_68 = arith.constant 0 : i32
        %dma_start3A_69 = tpu.memref_slice %arg6[%arg0, %mul3A_62, %dma_start3A_68] : memref<2x10000x128xf32, #tpu.memory_space<hbm>> -> memref<1x1000x128xf32, #tpu.memory_space<hbm>>
        %dma_start3A_70 = tpu.memref_squeeze %dma_start3A_69 : memref<1x1000x128xf32, #tpu.memory_space<hbm>> -> memref<1000x128xf32, #tpu.memory_space<hbm>>
        tpu.enqueue_dma source(%dma_start3A_70 : memref<1000x128xf32, #tpu.memory_space<hbm>>) target(%dma_start3A_67 : memref<1000x128xf32, #tpu.memory_space<vmem_shared>>) target_semaphore(%run_scoped3A_65 : memref<!tpu.dma_semaphore, #tpu.memory_space<semaphore_mem>>)
        %dma_wait3A_71 = arith.constant 0 : i32
        %dma_wait3A_72 = tpu.memref_slice %arg11[%mul3A_64, %dma_wait3A_71] : memref<10000x128xf32, #tpu.memory_space<vmem_shared>> -> memref<1000x128xf32, #tpu.memory_space<vmem_shared>>
        %dma_wait3A_73 = arith.constant 0 : i32
        %dma_wait3A_74 = tpu.memref_slice %arg6[%arg0, %mul3A_62, %dma_wait3A_73] : memref<2x10000x128xf32, #tpu.memory_space<hbm>> -> memref<1x1000x128xf32, #tpu.memory_space<hbm>>
        %dma_wait3A_75 = tpu.memref_squeeze %dma_wait3A_74 : memref<1x1000x128xf32, #tpu.memory_space<hbm>> -> memref<1000x128xf32, #tpu.memory_space<hbm>>
        tpu.wait_dma2 semaphore(%run_scoped3A_65 : memref<!tpu.dma_semaphore, #tpu.memory_space<semaphore_mem>>) src(%dma_wait3A_75 : memref<1000x128xf32, #tpu.memory_space<hbm>>) dst(%dma_wait3A_72 : memref<1000x128xf32, #tpu.memory_space<vmem_shared>>)
        tpu.yield
      }) : () -> ()
    } else {
    }
    %barrier3A = arith.constant 0 : index
    tpu.barrier barrier_id(%barrier3A)
    %run_scoped3A = arith.constant 0 : i32
    "tpu.region"() ({
      %run_scoped3A_61 = tpu.sem_alloc : memref<!tpu.dma_semaphore, #tpu.memory_space<semaphore_mem>>
      %dma_start3A_62 = arith.constant 0 : i32
      %dma_start3A_63 = arith.constant 0 : i32
      %dma_start3A_64 = tpu.memref_slice %arg5[%run_scoped3A, %add3A, %dma_start3A_62, %dma_start3A_63] : memref<3x32x25x80xi32, #tpu.memory_space<hbm>> -> memref<1x1x25x80xi32, #tpu.memory_space<hbm>>
      %dma_start3A_65 = tpu.memref_squeeze %dma_start3A_64 : memref<1x1x25x80xi32, #tpu.memory_space<hbm>> -> memref<25x80xi32, #tpu.memory_space<hbm>>
      %dma_start3A_66 = arith.constant 0 : i32
      %dma_start3A_67 = arith.constant 0 : i32
      %dma_start3A_68 = tpu.memref_slice %arg5[%run_scoped3A, %add3A, %dma_start3A_66, %dma_start3A_67] : memref<3x32x25x80xi32, #tpu.memory_space<hbm>> -> memref<1x1x25x80xi32, #tpu.memory_space<hbm>>
      %dma_start3A_69 = tpu.memref_squeeze %dma_start3A_68 : memref<1x1x25x80xi32, #tpu.memory_space<hbm>> -> memref<25x80xi32, #tpu.memory_space<hbm>>
      tpu.enqueue_dma source(%dma_start3A_69 : memref<25x80xi32, #tpu.memory_space<hbm>>) target(%arg8 : memref<25x80xi32, #tpu.memory_space<vmem>>) target_semaphore(%run_scoped3A_61 : memref<!tpu.dma_semaphore, #tpu.memory_space<semaphore_mem>>)
      %dma_wait3A_70 = arith.constant 0 : i32
      %dma_wait3A_71 = arith.constant 0 : i32
      %dma_wait3A_72 = tpu.memref_slice %arg5[%run_scoped3A, %add3A, %dma_wait3A_70, %dma_wait3A_71] : memref<3x32x25x80xi32, #tpu.memory_space<hbm>> -> memref<1x1x25x80xi32, #tpu.memory_space<hbm>>
      %dma_wait3A_73 = tpu.memref_squeeze %dma_wait3A_72 : memref<1x1x25x80xi32, #tpu.memory_space<hbm>> -> memref<25x80xi32, #tpu.memory_space<hbm>>
      %dma_wait3A_74 = arith.constant 0 : i32
      %dma_wait3A_75 = arith.constant 0 : i32
      %dma_wait3A_76 = tpu.memref_slice %arg5[%run_scoped3A, %add3A, %dma_wait3A_74, %dma_wait3A_75] : memref<3x32x25x80xi32, #tpu.memory_space<hbm>> -> memref<1x1x25x80xi32, #tpu.memory_space<hbm>>
      %dma_wait3A_77 = tpu.memref_squeeze %dma_wait3A_76 : memref<1x1x25x80xi32, #tpu.memory_space<hbm>> -> memref<25x80xi32, #tpu.memory_space<hbm>>
      tpu.wait_dma2 semaphore(%run_scoped3A_61 : memref<!tpu.dma_semaphore, #tpu.memory_space<semaphore_mem>>) src(%dma_wait3A_77 : memref<25x80xi32, #tpu.memory_space<hbm>>) dst(%arg8 : memref<25x80xi32, #tpu.memory_space<vmem>>)
      tpu.yield
    }) : () -> ()
    %dma_start3A = arith.constant 0 : i32
    %dma_start3A_5 = tpu.memref_slice %arg2[%mul3A_2, %dma_start3A] : memref<64000x128xf32, #tpu.memory_space<hbm>> -> memref<80x128xf32, #tpu.memory_space<hbm>>
    %dma_start3A_6 = arith.constant 0 : i32
    %dma_start3A_7 = tpu.memref_slice %arg2[%mul3A_2, %dma_start3A_6] : memref<64000x128xf32, #tpu.memory_space<hbm>> -> memref<80x128xf32, #tpu.memory_space<hbm>>
    tpu.enqueue_dma source(%dma_start3A_7 : memref<80x128xf32, #tpu.memory_space<hbm>>) target(%arg9 : memref<80x128xf32, #tpu.memory_space<vmem>>) target_semaphore(%arg12 : memref<!tpu.dma_semaphore, #tpu.memory_space<semaphore_mem>>)
    %scan3A = arith.constant 0 : i32
    %scan3A_8 = arith.constant 0 : i32
    %scan3A_9 = arith.constant 12 : i32
    %scan3A_10 = arith.addi %scan3A_8, %scan3A_9 : i32
    %scan3A_11 = arith.constant 1 : i32
    scf.for %scan3A_61 = %scan3A_8 to %scan3A_10 step %scan3A_11  : i32 {
      %mul3A_62 = arith.constant 2 : i32
      %mul3A_63 = arith.muli %mul3A_62, %scan3A_61 : i32
      %add3A_64 = arith.constant 1 : i32
      %add3A_65 = arith.addi %mul3A_63, %add3A_64 : i32
      %mul3A_66 = arith.constant 80 : i32
      %mul3A_67 = arith.muli %add3A_65, %mul3A_66 : i32
      %add3A_68 = arith.addi %mul3A_2, %mul3A_67 : i32
      %dma_start3A_69 = arith.constant 0 : i32
      %dma_start3A_70 = tpu.memref_slice %arg2[%add3A_68, %dma_start3A_69] : memref<64000x128xf32, #tpu.memory_space<hbm>> -> memref<80x128xf32, #tpu.memory_space<hbm>>
      %dma_start3A_71 = arith.constant 0 : i32
      %dma_start3A_72 = tpu.memref_slice %arg2[%add3A_68, %dma_start3A_71] : memref<64000x128xf32, #tpu.memory_space<hbm>> -> memref<80x128xf32, #tpu.memory_space<hbm>>
      tpu.enqueue_dma source(%dma_start3A_72 : memref<80x128xf32, #tpu.memory_space<hbm>>) target(%arg10 : memref<80x128xf32, #tpu.memory_space<vmem>>) target_semaphore(%arg13 : memref<!tpu.dma_semaphore, #tpu.memory_space<semaphore_mem>>)
      %dma_wait3A_73 = arith.constant 0 : i32
      %dma_wait3A_74 = arith.constant 0 : i32
      %dma_wait3A_75 = tpu.memref_slice %arg2[%dma_wait3A_73, %dma_wait3A_74] : memref<64000x128xf32, #tpu.memory_space<hbm>> -> memref<80x128xf32, #tpu.memory_space<hbm>>
      %dma_wait3A_76 = arith.constant 0 : i32
      %dma_wait3A_77 = arith.constant 0 : i32
      %dma_wait3A_78 = tpu.memref_slice %arg2[%dma_wait3A_76, %dma_wait3A_77] : memref<64000x128xf32, #tpu.memory_space<hbm>> -> memref<80x128xf32, #tpu.memory_space<hbm>>
      tpu.wait_dma2 semaphore(%arg12 : memref<!tpu.dma_semaphore, #tpu.memory_space<semaphore_mem>>) src(%dma_wait3A_78 : memref<80x128xf32, #tpu.memory_space<hbm>>) dst(%arg9 : memref<80x128xf32, #tpu.memory_space<vmem>>)
      "tpu.region"() ({
        %run_scoped3A_96 = tpu.sem_alloc : memref<!tpu.dma_semaphore, #tpu.memory_space<semaphore_mem>>
        %dma_start3A_97 = arith.constant 0 : i32
        %dma_start3A_98 = tpu.memref_slice %arg8[%mul3A_63, %dma_start3A_97] : memref<25x80xi32, #tpu.memory_space<vmem>> -> memref<1x80xi32, #tpu.memory_space<vmem>>
        %dma_start3A_99 = tpu.memref_squeeze %dma_start3A_98 : memref<1x80xi32, #tpu.memory_space<vmem>> -> memref<80xi32, #tpu.memory_space<vmem>>
        %dma_start3A_100 = arith.constant 0 : i32
        %dma_start3A_101 = arith.constant 0 : i32
        %dma_start3A_102 = tpu.memref_slice %arg11[%dma_start3A_100, %dma_start3A_101] : memref<10000x128xf32, #tpu.memory_space<vmem_shared>> -> memref<10000x128xf32, #tpu.memory_space<vmem_shared>>
        tpu.enqueue_indirect_dma source(%arg9 : memref<80x128xf32, #tpu.memory_space<vmem>>) target(%dma_start3A_102 : memref<10000x128xf32, #tpu.memory_space<vmem_shared>>) offsets(%dma_start3A_99 : memref<80xi32, #tpu.memory_space<vmem>>) semaphore(%run_scoped3A_96 : memref<!tpu.dma_semaphore, #tpu.memory_space<semaphore_mem>>) {add = true}
        %dma_wait3A_103 = arith.constant 0 : i32
        %dma_wait3A_104 = tpu.memref_slice %arg8[%mul3A_63, %dma_wait3A_103] : memref<25x80xi32, #tpu.memory_space<vmem>> -> memref<1x80xi32, #tpu.memory_space<vmem>>
        %dma_wait3A_105 = tpu.memref_squeeze %dma_wait3A_104 : memref<1x80xi32, #tpu.memory_space<vmem>> -> memref<80xi32, #tpu.memory_space<vmem>>
        %dma_wait3A_106 = arith.constant 0 : i32
        %dma_wait3A_107 = arith.constant 0 : i32
        %dma_wait3A_108 = tpu.memref_slice %arg11[%dma_wait3A_106, %dma_wait3A_107] : memref<10000x128xf32, #tpu.memory_space<vmem_shared>> -> memref<10000x128xf32, #tpu.memory_space<vmem_shared>>
        tpu.wait_indirect_dma semaphore(%run_scoped3A_96 : memref<!tpu.dma_semaphore, #tpu.memory_space<semaphore_mem>>) src(%arg9 : memref<80x128xf32, #tpu.memory_space<vmem>>) dst(%dma_wait3A_108 : memref<10000x128xf32, #tpu.memory_space<vmem_shared>>)
        tpu.yield
      }) : () -> ()
      %add3A_79 = arith.constant 2 : i32
      %add3A_80 = arith.addi %mul3A_63, %add3A_79 : i32
      %mul3A_81 = arith.constant 80 : i32
      %mul3A_82 = arith.muli %add3A_80, %mul3A_81 : i32
      %add3A_83 = arith.addi %mul3A_2, %mul3A_82 : i32
      %dma_start3A_84 = arith.constant 0 : i32
      %dma_start3A_85 = tpu.memref_slice %arg2[%add3A_83, %dma_start3A_84] : memref<64000x128xf32, #tpu.memory_space<hbm>> -> memref<80x128xf32, #tpu.memory_space<hbm>>
      %dma_start3A_86 = arith.constant 0 : i32
      %dma_start3A_87 = tpu.memref_slice %arg2[%add3A_83, %dma_start3A_86] : memref<64000x128xf32, #tpu.memory_space<hbm>> -> memref<80x128xf32, #tpu.memory_space<hbm>>
      tpu.enqueue_dma source(%dma_start3A_87 : memref<80x128xf32, #tpu.memory_space<hbm>>) target(%arg9 : memref<80x128xf32, #tpu.memory_space<vmem>>) target_semaphore(%arg12 : memref<!tpu.dma_semaphore, #tpu.memory_space<semaphore_mem>>)
      %add3A_88 = arith.constant 1 : i32
      %add3A_89 = arith.addi %mul3A_63, %add3A_88 : i32
      %dma_wait3A_90 = arith.constant 0 : i32
      %dma_wait3A_91 = arith.constant 0 : i32
      %dma_wait3A_92 = tpu.memref_slice %arg2[%dma_wait3A_90, %dma_wait3A_91] : memref<64000x128xf32, #tpu.memory_space<hbm>> -> memref<80x128xf32, #tpu.memory_space<hbm>>
      %dma_wait3A_93 = arith.constant 0 : i32
      %dma_wait3A_94 = arith.constant 0 : i32
      %dma_wait3A_95 = tpu.memref_slice %arg2[%dma_wait3A_93, %dma_wait3A_94] : memref<64000x128xf32, #tpu.memory_space<hbm>> -> memref<80x128xf32, #tpu.memory_space<hbm>>
      tpu.wait_dma2 semaphore(%arg13 : memref<!tpu.dma_semaphore, #tpu.memory_space<semaphore_mem>>) src(%dma_wait3A_95 : memref<80x128xf32, #tpu.memory_space<hbm>>) dst(%arg10 : memref<80x128xf32, #tpu.memory_space<vmem>>)
      "tpu.region"() ({
        %run_scoped3A_96 = tpu.sem_alloc : memref<!tpu.dma_semaphore, #tpu.memory_space<semaphore_mem>>
        %dma_start3A_97 = arith.constant 0 : i32
        %dma_start3A_98 = tpu.memref_slice %arg8[%add3A_89, %dma_start3A_97] : memref<25x80xi32, #tpu.memory_space<vmem>> -> memref<1x80xi32, #tpu.memory_space<vmem>>
        %dma_start3A_99 = tpu.memref_squeeze %dma_start3A_98 : memref<1x80xi32, #tpu.memory_space<vmem>> -> memref<80xi32, #tpu.memory_space<vmem>>
        %dma_start3A_100 = arith.constant 0 : i32
        %dma_start3A_101 = arith.constant 0 : i32
        %dma_start3A_102 = tpu.memref_slice %arg11[%dma_start3A_100, %dma_start3A_101] : memref<10000x128xf32, #tpu.memory_space<vmem_shared>> -> memref<10000x128xf32, #tpu.memory_space<vmem_shared>>
        tpu.enqueue_indirect_dma source(%arg10 : memref<80x128xf32, #tpu.memory_space<vmem>>) target(%dma_start3A_102 : memref<10000x128xf32, #tpu.memory_space<vmem_shared>>) offsets(%dma_start3A_99 : memref<80xi32, #tpu.memory_space<vmem>>) semaphore(%run_scoped3A_96 : memref<!tpu.dma_semaphore, #tpu.memory_space<semaphore_mem>>) {add = true}
        %dma_wait3A_103 = arith.constant 0 : i32
        %dma_wait3A_104 = tpu.memref_slice %arg8[%add3A_89, %dma_wait3A_103] : memref<25x80xi32, #tpu.memory_space<vmem>> -> memref<1x80xi32, #tpu.memory_space<vmem>>
        %dma_wait3A_105 = tpu.memref_squeeze %dma_wait3A_104 : memref<1x80xi32, #tpu.memory_space<vmem>> -> memref<80xi32, #tpu.memory_space<vmem>>
        %dma_wait3A_106 = arith.constant 0 : i32
        %dma_wait3A_107 = arith.constant 0 : i32
        %dma_wait3A_108 = tpu.memref_slice %arg11[%dma_wait3A_106, %dma_wait3A_107] : memref<10000x128xf32, #tpu.memory_space<vmem_shared>> -> memref<10000x128xf32, #tpu.memory_space<vmem_shared>>
        tpu.wait_indirect_dma semaphore(%run_scoped3A_96 : memref<!tpu.dma_semaphore, #tpu.memory_space<semaphore_mem>>) src(%arg10 : memref<80x128xf32, #tpu.memory_space<vmem>>) dst(%dma_wait3A_108 : memref<10000x128xf32, #tpu.memory_space<vmem_shared>>)
        tpu.yield
      }) : () -> ()
    }
    %scan3A_12 = arith.constant 12 : i32
    %dma_wait3A = arith.constant 0 : i32
    %dma_wait3A_13 = arith.constant 0 : i32
    %dma_wait3A_14 = tpu.memref_slice %arg2[%dma_wait3A, %dma_wait3A_13] : memref<64000x128xf32, #tpu.memory_space<hbm>> -> memref<80x128xf32, #tpu.memory_space<hbm>>
    %dma_wait3A_15 = arith.constant 0 : i32
    %dma_wait3A_16 = arith.constant 0 : i32
    %dma_wait3A_17 = tpu.memref_slice %arg2[%dma_wait3A_15, %dma_wait3A_16] : memref<64000x128xf32, #tpu.memory_space<hbm>> -> memref<80x128xf32, #tpu.memory_space<hbm>>
    tpu.wait_dma2 semaphore(%arg12 : memref<!tpu.dma_semaphore, #tpu.memory_space<semaphore_mem>>) src(%dma_wait3A_17 : memref<80x128xf32, #tpu.memory_space<hbm>>) dst(%arg9 : memref<80x128xf32, #tpu.memory_space<vmem>>)
    %run_scoped3A_18 = arith.constant 24 : i32
    "tpu.region"() ({
      %run_scoped3A_61 = tpu.sem_alloc : memref<!tpu.dma_semaphore, #tpu.memory_space<semaphore_mem>>
      %dma_start3A_62 = arith.constant 0 : i32
      %dma_start3A_63 = tpu.memref_slice %arg8[%run_scoped3A_18, %dma_start3A_62] : memref<25x80xi32, #tpu.memory_space<vmem>> -> memref<1x80xi32, #tpu.memory_space<vmem>>
      %dma_start3A_64 = tpu.memref_squeeze %dma_start3A_63 : memref<1x80xi32, #tpu.memory_space<vmem>> -> memref<80xi32, #tpu.memory_space<vmem>>
      %dma_start3A_65 = arith.constant 0 : i32
      %dma_start3A_66 = arith.constant 0 : i32
      %dma_start3A_67 = tpu.memref_slice %arg11[%dma_start3A_65, %dma_start3A_66] : memref<10000x128xf32, #tpu.memory_space<vmem_shared>> -> memref<10000x128xf32, #tpu.memory_space<vmem_shared>>
      tpu.enqueue_indirect_dma source(%arg9 : memref<80x128xf32, #tpu.memory_space<vmem>>) target(%dma_start3A_67 : memref<10000x128xf32, #tpu.memory_space<vmem_shared>>) offsets(%dma_start3A_64 : memref<80xi32, #tpu.memory_space<vmem>>) semaphore(%run_scoped3A_61 : memref<!tpu.dma_semaphore, #tpu.memory_space<semaphore_mem>>) {add = true}
      %dma_wait3A_68 = arith.constant 0 : i32
      %dma_wait3A_69 = tpu.memref_slice %arg8[%run_scoped3A_18, %dma_wait3A_68] : memref<25x80xi32, #tpu.memory_space<vmem>> -> memref<1x80xi32, #tpu.memory_space<vmem>>
      %dma_wait3A_70 = tpu.memref_squeeze %dma_wait3A_69 : memref<1x80xi32, #tpu.memory_space<vmem>> -> memref<80xi32, #tpu.memory_space<vmem>>
      %dma_wait3A_71 = arith.constant 0 : i32
      %dma_wait3A_72 = arith.constant 0 : i32
      %dma_wait3A_73 = tpu.memref_slice %arg11[%dma_wait3A_71, %dma_wait3A_72] : memref<10000x128xf32, #tpu.memory_space<vmem_shared>> -> memref<10000x128xf32, #tpu.memory_space<vmem_shared>>
      tpu.wait_indirect_dma semaphore(%run_scoped3A_61 : memref<!tpu.dma_semaphore, #tpu.memory_space<semaphore_mem>>) src(%arg9 : memref<80x128xf32, #tpu.memory_space<vmem>>) dst(%dma_wait3A_73 : memref<10000x128xf32, #tpu.memory_space<vmem_shared>>)
      tpu.yield
    }) : () -> ()
    %run_scoped3A_19 = arith.constant 1 : i32
    "tpu.region"() ({
      %run_scoped3A_61 = tpu.sem_alloc : memref<!tpu.dma_semaphore, #tpu.memory_space<semaphore_mem>>
      %dma_start3A_62 = arith.constant 0 : i32
      %dma_start3A_63 = arith.constant 0 : i32
      %dma_start3A_64 = tpu.memref_slice %arg5[%run_scoped3A_19, %add3A, %dma_start3A_62, %dma_start3A_63] : memref<3x32x25x80xi32, #tpu.memory_space<hbm>> -> memref<1x1x25x80xi32, #tpu.memory_space<hbm>>
      %dma_start3A_65 = tpu.memref_squeeze %dma_start3A_64 : memref<1x1x25x80xi32, #tpu.memory_space<hbm>> -> memref<25x80xi32, #tpu.memory_space<hbm>>
      %dma_start3A_66 = arith.constant 0 : i32
      %dma_start3A_67 = arith.constant 0 : i32
      %dma_start3A_68 = tpu.memref_slice %arg5[%run_scoped3A_19, %add3A, %dma_start3A_66, %dma_start3A_67] : memref<3x32x25x80xi32, #tpu.memory_space<hbm>> -> memref<1x1x25x80xi32, #tpu.memory_space<hbm>>
      %dma_start3A_69 = tpu.memref_squeeze %dma_start3A_68 : memref<1x1x25x80xi32, #tpu.memory_space<hbm>> -> memref<25x80xi32, #tpu.memory_space<hbm>>
      tpu.enqueue_dma source(%dma_start3A_69 : memref<25x80xi32, #tpu.memory_space<hbm>>) target(%arg8 : memref<25x80xi32, #tpu.memory_space<vmem>>) target_semaphore(%run_scoped3A_61 : memref<!tpu.dma_semaphore, #tpu.memory_space<semaphore_mem>>)
      %dma_wait3A_70 = arith.constant 0 : i32
      %dma_wait3A_71 = arith.constant 0 : i32
      %dma_wait3A_72 = tpu.memref_slice %arg5[%run_scoped3A_19, %add3A, %dma_wait3A_70, %dma_wait3A_71] : memref<3x32x25x80xi32, #tpu.memory_space<hbm>> -> memref<1x1x25x80xi32, #tpu.memory_space<hbm>>
      %dma_wait3A_73 = tpu.memref_squeeze %dma_wait3A_72 : memref<1x1x25x80xi32, #tpu.memory_space<hbm>> -> memref<25x80xi32, #tpu.memory_space<hbm>>
      %dma_wait3A_74 = arith.constant 0 : i32
      %dma_wait3A_75 = arith.constant 0 : i32
      %dma_wait3A_76 = tpu.memref_slice %arg5[%run_scoped3A_19, %add3A, %dma_wait3A_74, %dma_wait3A_75] : memref<3x32x25x80xi32, #tpu.memory_space<hbm>> -> memref<1x1x25x80xi32, #tpu.memory_space<hbm>>
      %dma_wait3A_77 = tpu.memref_squeeze %dma_wait3A_76 : memref<1x1x25x80xi32, #tpu.memory_space<hbm>> -> memref<25x80xi32, #tpu.memory_space<hbm>>
      tpu.wait_dma2 semaphore(%run_scoped3A_61 : memref<!tpu.dma_semaphore, #tpu.memory_space<semaphore_mem>>) src(%dma_wait3A_77 : memref<25x80xi32, #tpu.memory_space<hbm>>) dst(%arg8 : memref<25x80xi32, #tpu.memory_space<vmem>>)
      tpu.yield
    }) : () -> ()
    %dma_start3A_20 = arith.constant 0 : i32
    %dma_start3A_21 = tpu.memref_slice %arg3[%mul3A_2, %dma_start3A_20] : memref<64000x128xf32, #tpu.memory_space<hbm>> -> memref<80x128xf32, #tpu.memory_space<hbm>>
    %dma_start3A_22 = arith.constant 0 : i32
    %dma_start3A_23 = tpu.memref_slice %arg3[%mul3A_2, %dma_start3A_22] : memref<64000x128xf32, #tpu.memory_space<hbm>> -> memref<80x128xf32, #tpu.memory_space<hbm>>
    tpu.enqueue_dma source(%dma_start3A_23 : memref<80x128xf32, #tpu.memory_space<hbm>>) target(%arg9 : memref<80x128xf32, #tpu.memory_space<vmem>>) target_semaphore(%arg12 : memref<!tpu.dma_semaphore, #tpu.memory_space<semaphore_mem>>)
    %scan3A_24 = arith.constant 0 : i32
    %scan3A_25 = arith.constant 0 : i32
    %scan3A_26 = arith.constant 12 : i32
    %scan3A_27 = arith.addi %scan3A_25, %scan3A_26 : i32
    %scan3A_28 = arith.constant 1 : i32
    scf.for %scan3A_61 = %scan3A_25 to %scan3A_27 step %scan3A_28  : i32 {
      %mul3A_62 = arith.constant 2 : i32
      %mul3A_63 = arith.muli %mul3A_62, %scan3A_61 : i32
      %add3A_64 = arith.constant 1 : i32
      %add3A_65 = arith.addi %mul3A_63, %add3A_64 : i32
      %mul3A_66 = arith.constant 80 : i32
      %mul3A_67 = arith.muli %add3A_65, %mul3A_66 : i32
      %add3A_68 = arith.addi %mul3A_2, %mul3A_67 : i32
      %dma_start3A_69 = arith.constant 0 : i32
      %dma_start3A_70 = tpu.memref_slice %arg3[%add3A_68, %dma_start3A_69] : memref<64000x128xf32, #tpu.memory_space<hbm>> -> memref<80x128xf32, #tpu.memory_space<hbm>>
      %dma_start3A_71 = arith.constant 0 : i32
      %dma_start3A_72 = tpu.memref_slice %arg3[%add3A_68, %dma_start3A_71] : memref<64000x128xf32, #tpu.memory_space<hbm>> -> memref<80x128xf32, #tpu.memory_space<hbm>>
      tpu.enqueue_dma source(%dma_start3A_72 : memref<80x128xf32, #tpu.memory_space<hbm>>) target(%arg10 : memref<80x128xf32, #tpu.memory_space<vmem>>) target_semaphore(%arg13 : memref<!tpu.dma_semaphore, #tpu.memory_space<semaphore_mem>>)
      %dma_wait3A_73 = arith.constant 0 : i32
      %dma_wait3A_74 = arith.constant 0 : i32
      %dma_wait3A_75 = tpu.memref_slice %arg3[%dma_wait3A_73, %dma_wait3A_74] : memref<64000x128xf32, #tpu.memory_space<hbm>> -> memref<80x128xf32, #tpu.memory_space<hbm>>
      %dma_wait3A_76 = arith.constant 0 : i32
      %dma_wait3A_77 = arith.constant 0 : i32
      %dma_wait3A_78 = tpu.memref_slice %arg3[%dma_wait3A_76, %dma_wait3A_77] : memref<64000x128xf32, #tpu.memory_space<hbm>> -> memref<80x128xf32, #tpu.memory_space<hbm>>
      tpu.wait_dma2 semaphore(%arg12 : memref<!tpu.dma_semaphore, #tpu.memory_space<semaphore_mem>>) src(%dma_wait3A_78 : memref<80x128xf32, #tpu.memory_space<hbm>>) dst(%arg9 : memref<80x128xf32, #tpu.memory_space<vmem>>)
      "tpu.region"() ({
        %run_scoped3A_96 = tpu.sem_alloc : memref<!tpu.dma_semaphore, #tpu.memory_space<semaphore_mem>>
        %dma_start3A_97 = arith.constant 0 : i32
        %dma_start3A_98 = tpu.memref_slice %arg8[%mul3A_63, %dma_start3A_97] : memref<25x80xi32, #tpu.memory_space<vmem>> -> memref<1x80xi32, #tpu.memory_space<vmem>>
        %dma_start3A_99 = tpu.memref_squeeze %dma_start3A_98 : memref<1x80xi32, #tpu.memory_space<vmem>> -> memref<80xi32, #tpu.memory_space<vmem>>
        %dma_start3A_100 = arith.constant 0 : i32
        %dma_start3A_101 = arith.constant 0 : i32
        %dma_start3A_102 = tpu.memref_slice %arg11[%dma_start3A_100, %dma_start3A_101] : memref<10000x128xf32, #tpu.memory_space<vmem_shared>> -> memref<10000x128xf32, #tpu.memory_space<vmem_shared>>
        tpu.enqueue_indirect_dma source(%arg9 : memref<80x128xf32, #tpu.memory_space<vmem>>) target(%dma_start3A_102 : memref<10000x128xf32, #tpu.memory_space<vmem_shared>>) offsets(%dma_start3A_99 : memref<80xi32, #tpu.memory_space<vmem>>) semaphore(%run_scoped3A_96 : memref<!tpu.dma_semaphore, #tpu.memory_space<semaphore_mem>>) {add = true}
        %dma_wait3A_103 = arith.constant 0 : i32
        %dma_wait3A_104 = tpu.memref_slice %arg8[%mul3A_63, %dma_wait3A_103] : memref<25x80xi32, #tpu.memory_space<vmem>> -> memref<1x80xi32, #tpu.memory_space<vmem>>
        %dma_wait3A_105 = tpu.memref_squeeze %dma_wait3A_104 : memref<1x80xi32, #tpu.memory_space<vmem>> -> memref<80xi32, #tpu.memory_space<vmem>>
        %dma_wait3A_106 = arith.constant 0 : i32
        %dma_wait3A_107 = arith.constant 0 : i32
        %dma_wait3A_108 = tpu.memref_slice %arg11[%dma_wait3A_106, %dma_wait3A_107] : memref<10000x128xf32, #tpu.memory_space<vmem_shared>> -> memref<10000x128xf32, #tpu.memory_space<vmem_shared>>
        tpu.wait_indirect_dma semaphore(%run_scoped3A_96 : memref<!tpu.dma_semaphore, #tpu.memory_space<semaphore_mem>>) src(%arg9 : memref<80x128xf32, #tpu.memory_space<vmem>>) dst(%dma_wait3A_108 : memref<10000x128xf32, #tpu.memory_space<vmem_shared>>)
        tpu.yield
      }) : () -> ()
      %add3A_79 = arith.constant 2 : i32
      %add3A_80 = arith.addi %mul3A_63, %add3A_79 : i32
      %mul3A_81 = arith.constant 80 : i32
      %mul3A_82 = arith.muli %add3A_80, %mul3A_81 : i32
      %add3A_83 = arith.addi %mul3A_2, %mul3A_82 : i32
      %dma_start3A_84 = arith.constant 0 : i32
      %dma_start3A_85 = tpu.memref_slice %arg3[%add3A_83, %dma_start3A_84] : memref<64000x128xf32, #tpu.memory_space<hbm>> -> memref<80x128xf32, #tpu.memory_space<hbm>>
      %dma_start3A_86 = arith.constant 0 : i32
      %dma_start3A_87 = tpu.memref_slice %arg3[%add3A_83, %dma_start3A_86] : memref<64000x128xf32, #tpu.memory_space<hbm>> -> memref<80x128xf32, #tpu.memory_space<hbm>>
      tpu.enqueue_dma source(%dma_start3A_87 : memref<80x128xf32, #tpu.memory_space<hbm>>) target(%arg9 : memref<80x128xf32, #tpu.memory_space<vmem>>) target_semaphore(%arg12 : memref<!tpu.dma_semaphore, #tpu.memory_space<semaphore_mem>>)
      %add3A_88 = arith.constant 1 : i32
      %add3A_89 = arith.addi %mul3A_63, %add3A_88 : i32
      %dma_wait3A_90 = arith.constant 0 : i32
      %dma_wait3A_91 = arith.constant 0 : i32
      %dma_wait3A_92 = tpu.memref_slice %arg3[%dma_wait3A_90, %dma_wait3A_91] : memref<64000x128xf32, #tpu.memory_space<hbm>> -> memref<80x128xf32, #tpu.memory_space<hbm>>
      %dma_wait3A_93 = arith.constant 0 : i32
      %dma_wait3A_94 = arith.constant 0 : i32
      %dma_wait3A_95 = tpu.memref_slice %arg3[%dma_wait3A_93, %dma_wait3A_94] : memref<64000x128xf32, #tpu.memory_space<hbm>> -> memref<80x128xf32, #tpu.memory_space<hbm>>
      tpu.wait_dma2 semaphore(%arg13 : memref<!tpu.dma_semaphore, #tpu.memory_space<semaphore_mem>>) src(%dma_wait3A_95 : memref<80x128xf32, #tpu.memory_space<hbm>>) dst(%arg10 : memref<80x128xf32, #tpu.memory_space<vmem>>)
      "tpu.region"() ({
        %run_scoped3A_96 = tpu.sem_alloc : memref<!tpu.dma_semaphore, #tpu.memory_space<semaphore_mem>>
        %dma_start3A_97 = arith.constant 0 : i32
        %dma_start3A_98 = tpu.memref_slice %arg8[%add3A_89, %dma_start3A_97] : memref<25x80xi32, #tpu.memory_space<vmem>> -> memref<1x80xi32, #tpu.memory_space<vmem>>
        %dma_start3A_99 = tpu.memref_squeeze %dma_start3A_98 : memref<1x80xi32, #tpu.memory_space<vmem>> -> memref<80xi32, #tpu.memory_space<vmem>>
        %dma_start3A_100 = arith.constant 0 : i32
        %dma_start3A_101 = arith.constant 0 : i32
        %dma_start3A_102 = tpu.memref_slice %arg11[%dma_start3A_100, %dma_start3A_101] : memref<10000x128xf32, #tpu.memory_space<vmem_shared>> -> memref<10000x128xf32, #tpu.memory_space<vmem_shared>>
        tpu.enqueue_indirect_dma source(%arg10 : memref<80x128xf32, #tpu.memory_space<vmem>>) target(%dma_start3A_102 : memref<10000x128xf32, #tpu.memory_space<vmem_shared>>) offsets(%dma_start3A_99 : memref<80xi32, #tpu.memory_space<vmem>>) semaphore(%run_scoped3A_96 : memref<!tpu.dma_semaphore, #tpu.memory_space<semaphore_mem>>) {add = true}
        %dma_wait3A_103 = arith.constant 0 : i32
        %dma_wait3A_104 = tpu.memref_slice %arg8[%add3A_89, %dma_wait3A_103] : memref<25x80xi32, #tpu.memory_space<vmem>> -> memref<1x80xi32, #tpu.memory_space<vmem>>
        %dma_wait3A_105 = tpu.memref_squeeze %dma_wait3A_104 : memref<1x80xi32, #tpu.memory_space<vmem>> -> memref<80xi32, #tpu.memory_space<vmem>>
        %dma_wait3A_106 = arith.constant 0 : i32
        %dma_wait3A_107 = arith.constant 0 : i32
        %dma_wait3A_108 = tpu.memref_slice %arg11[%dma_wait3A_106, %dma_wait3A_107] : memref<10000x128xf32, #tpu.memory_space<vmem_shared>> -> memref<10000x128xf32, #tpu.memory_space<vmem_shared>>
        tpu.wait_indirect_dma semaphore(%run_scoped3A_96 : memref<!tpu.dma_semaphore, #tpu.memory_space<semaphore_mem>>) src(%arg10 : memref<80x128xf32, #tpu.memory_space<vmem>>) dst(%dma_wait3A_108 : memref<10000x128xf32, #tpu.memory_space<vmem_shared>>)
        tpu.yield
      }) : () -> ()
    }
    %scan3A_29 = arith.constant 12 : i32
    %dma_wait3A_30 = arith.constant 0 : i32
    %dma_wait3A_31 = arith.constant 0 : i32
    %dma_wait3A_32 = tpu.memref_slice %arg3[%dma_wait3A_30, %dma_wait3A_31] : memref<64000x128xf32, #tpu.memory_space<hbm>> -> memref<80x128xf32, #tpu.memory_space<hbm>>
    %dma_wait3A_33 = arith.constant 0 : i32
    %dma_wait3A_34 = arith.constant 0 : i32
    %dma_wait3A_35 = tpu.memref_slice %arg3[%dma_wait3A_33, %dma_wait3A_34] : memref<64000x128xf32, #tpu.memory_space<hbm>> -> memref<80x128xf32, #tpu.memory_space<hbm>>
    tpu.wait_dma2 semaphore(%arg12 : memref<!tpu.dma_semaphore, #tpu.memory_space<semaphore_mem>>) src(%dma_wait3A_35 : memref<80x128xf32, #tpu.memory_space<hbm>>) dst(%arg9 : memref<80x128xf32, #tpu.memory_space<vmem>>)
    %run_scoped3A_36 = arith.constant 24 : i32
    "tpu.region"() ({
      %run_scoped3A_61 = tpu.sem_alloc : memref<!tpu.dma_semaphore, #tpu.memory_space<semaphore_mem>>
      %dma_start3A_62 = arith.constant 0 : i32
      %dma_start3A_63 = tpu.memref_slice %arg8[%run_scoped3A_36, %dma_start3A_62] : memref<25x80xi32, #tpu.memory_space<vmem>> -> memref<1x80xi32, #tpu.memory_space<vmem>>
      %dma_start3A_64 = tpu.memref_squeeze %dma_start3A_63 : memref<1x80xi32, #tpu.memory_space<vmem>> -> memref<80xi32, #tpu.memory_space<vmem>>
      %dma_start3A_65 = arith.constant 0 : i32
      %dma_start3A_66 = arith.constant 0 : i32
      %dma_start3A_67 = tpu.memref_slice %arg11[%dma_start3A_65, %dma_start3A_66] : memref<10000x128xf32, #tpu.memory_space<vmem_shared>> -> memref<10000x128xf32, #tpu.memory_space<vmem_shared>>
      tpu.enqueue_indirect_dma source(%arg9 : memref<80x128xf32, #tpu.memory_space<vmem>>) target(%dma_start3A_67 : memref<10000x128xf32, #tpu.memory_space<vmem_shared>>) offsets(%dma_start3A_64 : memref<80xi32, #tpu.memory_space<vmem>>) semaphore(%run_scoped3A_61 : memref<!tpu.dma_semaphore, #tpu.memory_space<semaphore_mem>>) {add = true}
      %dma_wait3A_68 = arith.constant 0 : i32
      %dma_wait3A_69 = tpu.memref_slice %arg8[%run_scoped3A_36, %dma_wait3A_68] : memref<25x80xi32, #tpu.memory_space<vmem>> -> memref<1x80xi32, #tpu.memory_space<vmem>>
      %dma_wait3A_70 = tpu.memref_squeeze %dma_wait3A_69 : memref<1x80xi32, #tpu.memory_space<vmem>> -> memref<80xi32, #tpu.memory_space<vmem>>
      %dma_wait3A_71 = arith.constant 0 : i32
      %dma_wait3A_72 = arith.constant 0 : i32
      %dma_wait3A_73 = tpu.memref_slice %arg11[%dma_wait3A_71, %dma_wait3A_72] : memref<10000x128xf32, #tpu.memory_space<vmem_shared>> -> memref<10000x128xf32, #tpu.memory_space<vmem_shared>>
      tpu.wait_indirect_dma semaphore(%run_scoped3A_61 : memref<!tpu.dma_semaphore, #tpu.memory_space<semaphore_mem>>) src(%arg9 : memref<80x128xf32, #tpu.memory_space<vmem>>) dst(%dma_wait3A_73 : memref<10000x128xf32, #tpu.memory_space<vmem_shared>>)
      tpu.yield
    }) : () -> ()
    %run_scoped3A_37 = arith.constant 2 : i32
    "tpu.region"() ({
      %run_scoped3A_61 = tpu.sem_alloc : memref<!tpu.dma_semaphore, #tpu.memory_space<semaphore_mem>>
      %dma_start3A_62 = arith.constant 0 : i32
      %dma_start3A_63 = arith.constant 0 : i32
      %dma_start3A_64 = tpu.memref_slice %arg5[%run_scoped3A_37, %add3A, %dma_start3A_62, %dma_start3A_63] : memref<3x32x25x80xi32, #tpu.memory_space<hbm>> -> memref<1x1x25x80xi32, #tpu.memory_space<hbm>>
      %dma_start3A_65 = tpu.memref_squeeze %dma_start3A_64 : memref<1x1x25x80xi32, #tpu.memory_space<hbm>> -> memref<25x80xi32, #tpu.memory_space<hbm>>
      %dma_start3A_66 = arith.constant 0 : i32
      %dma_start3A_67 = arith.constant 0 : i32
      %dma_start3A_68 = tpu.memref_slice %arg5[%run_scoped3A_37, %add3A, %dma_start3A_66, %dma_start3A_67] : memref<3x32x25x80xi32, #tpu.memory_space<hbm>> -> memref<1x1x25x80xi32, #tpu.memory_space<hbm>>
      %dma_start3A_69 = tpu.memref_squeeze %dma_start3A_68 : memref<1x1x25x80xi32, #tpu.memory_space<hbm>> -> memref<25x80xi32, #tpu.memory_space<hbm>>
      tpu.enqueue_dma source(%dma_start3A_69 : memref<25x80xi32, #tpu.memory_space<hbm>>) target(%arg8 : memref<25x80xi32, #tpu.memory_space<vmem>>) target_semaphore(%run_scoped3A_61 : memref<!tpu.dma_semaphore, #tpu.memory_space<semaphore_mem>>)
      %dma_wait3A_70 = arith.constant 0 : i32
      %dma_wait3A_71 = arith.constant 0 : i32
      %dma_wait3A_72 = tpu.memref_slice %arg5[%run_scoped3A_37, %add3A, %dma_wait3A_70, %dma_wait3A_71] : memref<3x32x25x80xi32, #tpu.memory_space<hbm>> -> memref<1x1x25x80xi32, #tpu.memory_space<hbm>>
      %dma_wait3A_73 = tpu.memref_squeeze %dma_wait3A_72 : memref<1x1x25x80xi32, #tpu.memory_space<hbm>> -> memref<25x80xi32, #tpu.memory_space<hbm>>
      %dma_wait3A_74 = arith.constant 0 : i32
      %dma_wait3A_75 = arith.constant 0 : i32
      %dma_wait3A_76 = tpu.memref_slice %arg5[%run_scoped3A_37, %add3A, %dma_wait3A_74, %dma_wait3A_75] : memref<3x32x25x80xi32, #tpu.memory_space<hbm>> -> memref<1x1x25x80xi32, #tpu.memory_space<hbm>>
      %dma_wait3A_77 = tpu.memref_squeeze %dma_wait3A_76 : memref<1x1x25x80xi32, #tpu.memory_space<hbm>> -> memref<25x80xi32, #tpu.memory_space<hbm>>
      tpu.wait_dma2 semaphore(%run_scoped3A_61 : memref<!tpu.dma_semaphore, #tpu.memory_space<semaphore_mem>>) src(%dma_wait3A_77 : memref<25x80xi32, #tpu.memory_space<hbm>>) dst(%arg8 : memref<25x80xi32, #tpu.memory_space<vmem>>)
      tpu.yield
    }) : () -> ()
    %dma_start3A_38 = arith.constant 0 : i32
    %dma_start3A_39 = tpu.memref_slice %arg4[%mul3A_2, %dma_start3A_38] : memref<64000x128xf32, #tpu.memory_space<hbm>> -> memref<80x128xf32, #tpu.memory_space<hbm>>
    %dma_start3A_40 = arith.constant 0 : i32
    %dma_start3A_41 = tpu.memref_slice %arg4[%mul3A_2, %dma_start3A_40] : memref<64000x128xf32, #tpu.memory_space<hbm>> -> memref<80x128xf32, #tpu.memory_space<hbm>>
    tpu.enqueue_dma source(%dma_start3A_41 : memref<80x128xf32, #tpu.memory_space<hbm>>) target(%arg9 : memref<80x128xf32, #tpu.memory_space<vmem>>) target_semaphore(%arg12 : memref<!tpu.dma_semaphore, #tpu.memory_space<semaphore_mem>>)
    %scan3A_42 = arith.constant 0 : i32
    %scan3A_43 = arith.constant 0 : i32
    %scan3A_44 = arith.constant 12 : i32
    %scan3A_45 = arith.addi %scan3A_43, %scan3A_44 : i32
    %scan3A_46 = arith.constant 1 : i32
    scf.for %scan3A_61 = %scan3A_43 to %scan3A_45 step %scan3A_46  : i32 {
      %mul3A_62 = arith.constant 2 : i32
      %mul3A_63 = arith.muli %mul3A_62, %scan3A_61 : i32
      %add3A_64 = arith.constant 1 : i32
      %add3A_65 = arith.addi %mul3A_63, %add3A_64 : i32
      %mul3A_66 = arith.constant 80 : i32
      %mul3A_67 = arith.muli %add3A_65, %mul3A_66 : i32
      %add3A_68 = arith.addi %mul3A_2, %mul3A_67 : i32
      %dma_start3A_69 = arith.constant 0 : i32
      %dma_start3A_70 = tpu.memref_slice %arg4[%add3A_68, %dma_start3A_69] : memref<64000x128xf32, #tpu.memory_space<hbm>> -> memref<80x128xf32, #tpu.memory_space<hbm>>
      %dma_start3A_71 = arith.constant 0 : i32
      %dma_start3A_72 = tpu.memref_slice %arg4[%add3A_68, %dma_start3A_71] : memref<64000x128xf32, #tpu.memory_space<hbm>> -> memref<80x128xf32, #tpu.memory_space<hbm>>
      tpu.enqueue_dma source(%dma_start3A_72 : memref<80x128xf32, #tpu.memory_space<hbm>>) target(%arg10 : memref<80x128xf32, #tpu.memory_space<vmem>>) target_semaphore(%arg13 : memref<!tpu.dma_semaphore, #tpu.memory_space<semaphore_mem>>)
      %dma_wait3A_73 = arith.constant 0 : i32
      %dma_wait3A_74 = arith.constant 0 : i32
      %dma_wait3A_75 = tpu.memref_slice %arg4[%dma_wait3A_73, %dma_wait3A_74] : memref<64000x128xf32, #tpu.memory_space<hbm>> -> memref<80x128xf32, #tpu.memory_space<hbm>>
      %dma_wait3A_76 = arith.constant 0 : i32
      %dma_wait3A_77 = arith.constant 0 : i32
      %dma_wait3A_78 = tpu.memref_slice %arg4[%dma_wait3A_76, %dma_wait3A_77] : memref<64000x128xf32, #tpu.memory_space<hbm>> -> memref<80x128xf32, #tpu.memory_space<hbm>>
      tpu.wait_dma2 semaphore(%arg12 : memref<!tpu.dma_semaphore, #tpu.memory_space<semaphore_mem>>) src(%dma_wait3A_78 : memref<80x128xf32, #tpu.memory_space<hbm>>) dst(%arg9 : memref<80x128xf32, #tpu.memory_space<vmem>>)
      "tpu.region"() ({
        %run_scoped3A_96 = tpu.sem_alloc : memref<!tpu.dma_semaphore, #tpu.memory_space<semaphore_mem>>
        %dma_start3A_97 = arith.constant 0 : i32
        %dma_start3A_98 = tpu.memref_slice %arg8[%mul3A_63, %dma_start3A_97] : memref<25x80xi32, #tpu.memory_space<vmem>> -> memref<1x80xi32, #tpu.memory_space<vmem>>
        %dma_start3A_99 = tpu.memref_squeeze %dma_start3A_98 : memref<1x80xi32, #tpu.memory_space<vmem>> -> memref<80xi32, #tpu.memory_space<vmem>>
        %dma_start3A_100 = arith.constant 0 : i32
        %dma_start3A_101 = arith.constant 0 : i32
        %dma_start3A_102 = tpu.memref_slice %arg11[%dma_start3A_100, %dma_start3A_101] : memref<10000x128xf32, #tpu.memory_space<vmem_shared>> -> memref<10000x128xf32, #tpu.memory_space<vmem_shared>>
        tpu.enqueue_indirect_dma source(%arg9 : memref<80x128xf32, #tpu.memory_space<vmem>>) target(%dma_start3A_102 : memref<10000x128xf32, #tpu.memory_space<vmem_shared>>) offsets(%dma_start3A_99 : memref<80xi32, #tpu.memory_space<vmem>>) semaphore(%run_scoped3A_96 : memref<!tpu.dma_semaphore, #tpu.memory_space<semaphore_mem>>) {add = true}
        %dma_wait3A_103 = arith.constant 0 : i32
        %dma_wait3A_104 = tpu.memref_slice %arg8[%mul3A_63, %dma_wait3A_103] : memref<25x80xi32, #tpu.memory_space<vmem>> -> memref<1x80xi32, #tpu.memory_space<vmem>>
        %dma_wait3A_105 = tpu.memref_squeeze %dma_wait3A_104 : memref<1x80xi32, #tpu.memory_space<vmem>> -> memref<80xi32, #tpu.memory_space<vmem>>
        %dma_wait3A_106 = arith.constant 0 : i32
        %dma_wait3A_107 = arith.constant 0 : i32
        %dma_wait3A_108 = tpu.memref_slice %arg11[%dma_wait3A_106, %dma_wait3A_107] : memref<10000x128xf32, #tpu.memory_space<vmem_shared>> -> memref<10000x128xf32, #tpu.memory_space<vmem_shared>>
        tpu.wait_indirect_dma semaphore(%run_scoped3A_96 : memref<!tpu.dma_semaphore, #tpu.memory_space<semaphore_mem>>) src(%arg9 : memref<80x128xf32, #tpu.memory_space<vmem>>) dst(%dma_wait3A_108 : memref<10000x128xf32, #tpu.memory_space<vmem_shared>>)
        tpu.yield
      }) : () -> ()
      %add3A_79 = arith.constant 2 : i32
      %add3A_80 = arith.addi %mul3A_63, %add3A_79 : i32
      %mul3A_81 = arith.constant 80 : i32
      %mul3A_82 = arith.muli %add3A_80, %mul3A_81 : i32
      %add3A_83 = arith.addi %mul3A_2, %mul3A_82 : i32
      %dma_start3A_84 = arith.constant 0 : i32
      %dma_start3A_85 = tpu.memref_slice %arg4[%add3A_83, %dma_start3A_84] : memref<64000x128xf32, #tpu.memory_space<hbm>> -> memref<80x128xf32, #tpu.memory_space<hbm>>
      %dma_start3A_86 = arith.constant 0 : i32
      %dma_start3A_87 = tpu.memref_slice %arg4[%add3A_83, %dma_start3A_86] : memref<64000x128xf32, #tpu.memory_space<hbm>> -> memref<80x128xf32, #tpu.memory_space<hbm>>
      tpu.enqueue_dma source(%dma_start3A_87 : memref<80x128xf32, #tpu.memory_space<hbm>>) target(%arg9 : memref<80x128xf32, #tpu.memory_space<vmem>>) target_semaphore(%arg12 : memref<!tpu.dma_semaphore, #tpu.memory_space<semaphore_mem>>)
      %add3A_88 = arith.constant 1 : i32
      %add3A_89 = arith.addi %mul3A_63, %add3A_88 : i32
      %dma_wait3A_90 = arith.constant 0 : i32
      %dma_wait3A_91 = arith.constant 0 : i32
      %dma_wait3A_92 = tpu.memref_slice %arg4[%dma_wait3A_90, %dma_wait3A_91] : memref<64000x128xf32, #tpu.memory_space<hbm>> -> memref<80x128xf32, #tpu.memory_space<hbm>>
      %dma_wait3A_93 = arith.constant 0 : i32
      %dma_wait3A_94 = arith.constant 0 : i32
      %dma_wait3A_95 = tpu.memref_slice %arg4[%dma_wait3A_93, %dma_wait3A_94] : memref<64000x128xf32, #tpu.memory_space<hbm>> -> memref<80x128xf32, #tpu.memory_space<hbm>>
      tpu.wait_dma2 semaphore(%arg13 : memref<!tpu.dma_semaphore, #tpu.memory_space<semaphore_mem>>) src(%dma_wait3A_95 : memref<80x128xf32, #tpu.memory_space<hbm>>) dst(%arg10 : memref<80x128xf32, #tpu.memory_space<vmem>>)
      "tpu.region"() ({
        %run_scoped3A_96 = tpu.sem_alloc : memref<!tpu.dma_semaphore, #tpu.memory_space<semaphore_mem>>
        %dma_start3A_97 = arith.constant 0 : i32
        %dma_start3A_98 = tpu.memref_slice %arg8[%add3A_89, %dma_start3A_97] : memref<25x80xi32, #tpu.memory_space<vmem>> -> memref<1x80xi32, #tpu.memory_space<vmem>>
        %dma_start3A_99 = tpu.memref_squeeze %dma_start3A_98 : memref<1x80xi32, #tpu.memory_space<vmem>> -> memref<80xi32, #tpu.memory_space<vmem>>
        %dma_start3A_100 = arith.constant 0 : i32
        %dma_start3A_101 = arith.constant 0 : i32
        %dma_start3A_102 = tpu.memref_slice %arg11[%dma_start3A_100, %dma_start3A_101] : memref<10000x128xf32, #tpu.memory_space<vmem_shared>> -> memref<10000x128xf32, #tpu.memory_space<vmem_shared>>
        tpu.enqueue_indirect_dma source(%arg10 : memref<80x128xf32, #tpu.memory_space<vmem>>) target(%dma_start3A_102 : memref<10000x128xf32, #tpu.memory_space<vmem_shared>>) offsets(%dma_start3A_99 : memref<80xi32, #tpu.memory_space<vmem>>) semaphore(%run_scoped3A_96 : memref<!tpu.dma_semaphore, #tpu.memory_space<semaphore_mem>>) {add = true}
        %dma_wait3A_103 = arith.constant 0 : i32
        %dma_wait3A_104 = tpu.memref_slice %arg8[%add3A_89, %dma_wait3A_103] : memref<25x80xi32, #tpu.memory_space<vmem>> -> memref<1x80xi32, #tpu.memory_space<vmem>>
        %dma_wait3A_105 = tpu.memref_squeeze %dma_wait3A_104 : memref<1x80xi32, #tpu.memory_space<vmem>> -> memref<80xi32, #tpu.memory_space<vmem>>
        %dma_wait3A_106 = arith.constant 0 : i32
        %dma_wait3A_107 = arith.constant 0 : i32
        %dma_wait3A_108 = tpu.memref_slice %arg11[%dma_wait3A_106, %dma_wait3A_107] : memref<10000x128xf32, #tpu.memory_space<vmem_shared>> -> memref<10000x128xf32, #tpu.memory_space<vmem_shared>>
        tpu.wait_indirect_dma semaphore(%run_scoped3A_96 : memref<!tpu.dma_semaphore, #tpu.memory_space<semaphore_mem>>) src(%arg10 : memref<80x128xf32, #tpu.memory_space<vmem>>) dst(%dma_wait3A_108 : memref<10000x128xf32, #tpu.memory_space<vmem_shared>>)
        tpu.yield
      }) : () -> ()
    }
    %scan3A_47 = arith.constant 12 : i32
    %dma_wait3A_48 = arith.constant 0 : i32
    %dma_wait3A_49 = arith.constant 0 : i32
    %dma_wait3A_50 = tpu.memref_slice %arg4[%dma_wait3A_48, %dma_wait3A_49] : memref<64000x128xf32, #tpu.memory_space<hbm>> -> memref<80x128xf32, #tpu.memory_space<hbm>>
    %dma_wait3A_51 = arith.constant 0 : i32
    %dma_wait3A_52 = arith.constant 0 : i32
    %dma_wait3A_53 = tpu.memref_slice %arg4[%dma_wait3A_51, %dma_wait3A_52] : memref<64000x128xf32, #tpu.memory_space<hbm>> -> memref<80x128xf32, #tpu.memory_space<hbm>>
    tpu.wait_dma2 semaphore(%arg12 : memref<!tpu.dma_semaphore, #tpu.memory_space<semaphore_mem>>) src(%dma_wait3A_53 : memref<80x128xf32, #tpu.memory_space<hbm>>) dst(%arg9 : memref<80x128xf32, #tpu.memory_space<vmem>>)
    %run_scoped3A_54 = arith.constant 24 : i32
    "tpu.region"() ({
      %run_scoped3A_61 = tpu.sem_alloc : memref<!tpu.dma_semaphore, #tpu.memory_space<semaphore_mem>>
      %dma_start3A_62 = arith.constant 0 : i32
      %dma_start3A_63 = tpu.memref_slice %arg8[%run_scoped3A_54, %dma_start3A_62] : memref<25x80xi32, #tpu.memory_space<vmem>> -> memref<1x80xi32, #tpu.memory_space<vmem>>
      %dma_start3A_64 = tpu.memref_squeeze %dma_start3A_63 : memref<1x80xi32, #tpu.memory_space<vmem>> -> memref<80xi32, #tpu.memory_space<vmem>>
      %dma_start3A_65 = arith.constant 0 : i32
      %dma_start3A_66 = arith.constant 0 : i32
      %dma_start3A_67 = tpu.memref_slice %arg11[%dma_start3A_65, %dma_start3A_66] : memref<10000x128xf32, #tpu.memory_space<vmem_shared>> -> memref<10000x128xf32, #tpu.memory_space<vmem_shared>>
      tpu.enqueue_indirect_dma source(%arg9 : memref<80x128xf32, #tpu.memory_space<vmem>>) target(%dma_start3A_67 : memref<10000x128xf32, #tpu.memory_space<vmem_shared>>) offsets(%dma_start3A_64 : memref<80xi32, #tpu.memory_space<vmem>>) semaphore(%run_scoped3A_61 : memref<!tpu.dma_semaphore, #tpu.memory_space<semaphore_mem>>) {add = true}
      %dma_wait3A_68 = arith.constant 0 : i32
      %dma_wait3A_69 = tpu.memref_slice %arg8[%run_scoped3A_54, %dma_wait3A_68] : memref<25x80xi32, #tpu.memory_space<vmem>> -> memref<1x80xi32, #tpu.memory_space<vmem>>
      %dma_wait3A_70 = tpu.memref_squeeze %dma_wait3A_69 : memref<1x80xi32, #tpu.memory_space<vmem>> -> memref<80xi32, #tpu.memory_space<vmem>>
      %dma_wait3A_71 = arith.constant 0 : i32
      %dma_wait3A_72 = arith.constant 0 : i32
      %dma_wait3A_73 = tpu.memref_slice %arg11[%dma_wait3A_71, %dma_wait3A_72] : memref<10000x128xf32, #tpu.memory_space<vmem_shared>> -> memref<10000x128xf32, #tpu.memory_space<vmem_shared>>
      tpu.wait_indirect_dma semaphore(%run_scoped3A_61 : memref<!tpu.dma_semaphore, #tpu.memory_space<semaphore_mem>>) src(%arg9 : memref<80x128xf32, #tpu.memory_space<vmem>>) dst(%dma_wait3A_73 : memref<10000x128xf32, #tpu.memory_space<vmem_shared>>)
      tpu.yield
    }) : () -> ()
    %barrier3A_55 = arith.constant 0 : index
    tpu.barrier barrier_id(%barrier3A_55)
    %lt3A_56 = arith.constant 10 : i32
    %lt3A_57 = arith.cmpi slt, %arg1, %lt3A_56 : i32
    %convert_element_type3A_58 = arith.extui %lt3A_57 : i1 to i32
    %cond3A_59 = arith.constant 0 : i32
    %cond3A_60 = arith.cmpi ne, %convert_element_type3A_58, %cond3A_59 : i32
    scf.if %cond3A_60 {
      %mul3A_61 = arith.constant 1000 : i32
      %mul3A_62 = arith.muli %arg1, %mul3A_61 : i32
      %mul3A_63 = arith.constant 1000 : i32
      %mul3A_64 = arith.muli %arg1, %mul3A_63 : i32
      "tpu.region"() ({
        %run_scoped3A_65 = tpu.sem_alloc : memref<!tpu.dma_semaphore, #tpu.memory_space<semaphore_mem>>
        %dma_start3A_66 = arith.constant 0 : i32
        %dma_start3A_67 = tpu.memref_slice %arg7[%arg0, %mul3A_64, %dma_start3A_66] : memref<2x10000x128xf32, #tpu.memory_space<hbm>> -> memref<1x1000x128xf32, #tpu.memory_space<hbm>>
        %dma_start3A_68 = tpu.memref_squeeze %dma_start3A_67 : memref<1x1000x128xf32, #tpu.memory_space<hbm>> -> memref<1000x128xf32, #tpu.memory_space<hbm>>
        %dma_start3A_69 = arith.constant 0 : i32
        %dma_start3A_70 = tpu.memref_slice %arg11[%mul3A_62, %dma_start3A_69] : memref<10000x128xf32, #tpu.memory_space<vmem_shared>> -> memref<1000x128xf32, #tpu.memory_space<vmem_shared>>
        tpu.enqueue_dma source(%dma_start3A_70 : memref<1000x128xf32, #tpu.memory_space<vmem_shared>>) target(%dma_start3A_68 : memref<1000x128xf32, #tpu.memory_space<hbm>>) target_semaphore(%run_scoped3A_65 : memref<!tpu.dma_semaphore, #tpu.memory_space<semaphore_mem>>)
        %dma_wait3A_71 = arith.constant 0 : i32
        %dma_wait3A_72 = tpu.memref_slice %arg7[%arg0, %mul3A_64, %dma_wait3A_71] : memref<2x10000x128xf32, #tpu.memory_space<hbm>> -> memref<1x1000x128xf32, #tpu.memory_space<hbm>>
        %dma_wait3A_73 = tpu.memref_squeeze %dma_wait3A_72 : memref<1x1000x128xf32, #tpu.memory_space<hbm>> -> memref<1000x128xf32, #tpu.memory_space<hbm>>
        %dma_wait3A_74 = arith.constant 0 : i32
        %dma_wait3A_75 = tpu.memref_slice %arg11[%mul3A_62, %dma_wait3A_74] : memref<10000x128xf32, #tpu.memory_space<vmem_shared>> -> memref<1000x128xf32, #tpu.memory_space<vmem_shared>>
        tpu.wait_dma2 semaphore(%run_scoped3A_65 : memref<!tpu.dma_semaphore, #tpu.memory_space<semaphore_mem>>) src(%dma_wait3A_75 : memref<1000x128xf32, #tpu.memory_space<vmem_shared>>) dst(%dma_wait3A_73 : memref<1000x128xf32, #tpu.memory_space<hbm>>)
        tpu.yield
      }) : () -> ()
    } else {
    }
    return
  }
}

#map = affine_map<(d0, d1) -> (0, 0)>
#map1 = affine_map<(d0, d1) -> (0, 0, 0, 0)>
#map2 = affine_map<(d0, d1) -> (0, 0, 0)>
module attributes {stable_mosaic.version = 14 : i64} {
  func.func @body_fn(%arg0: i32, %arg1: i32, %arg2: memref<64000x128xf32, #tpu.memory_space<hbm>>, %arg3: memref<64000x128xf32, #tpu.memory_space<hbm>>, %arg4: memref<2x32x25x80xi32, #tpu.memory_space<hbm>>, %arg5: memref<2x10000x128xf32, #tpu.memory_space<hbm>>, %arg6: memref<2x10000x128xf32, #tpu.memory_space<hbm>>, %arg7: memref<25x80xi32, #tpu.memory_space<vmem>>, %arg8: memref<80x128xf32, #tpu.memory_space<vmem>>, %arg9: memref<80x128xf32, #tpu.memory_space<vmem>>, %arg10: memref<10000x128xf32, #tpu.memory_space<vmem_shared>>, %arg11: memref<!tpu.dma_semaphore, #tpu.memory_space<semaphore_mem>>, %arg12: memref<!tpu.dma_semaphore, #tpu.memory_space<semaphore_mem>>) attributes {dimension_semantics = [#tpu.dimension_semantics<core_parallel>, #tpu.dimension_semantics<subcore_parallel>], iteration_bounds = array<i64: 2, 16>, scalar_prefetch = 0 : i64, scratch_operands = 6 : i64, tpu.core_type = #tpu.core_type<sc_vector_subcore>, window_params = [{transform_indices = #map}, {transform_indices = #map}, {transform_indices = #map1}, {transform_indices = #map2}, {transform_indices = #map2}]} {
    %mul3A = arith.constant 2 : i32
    %mul3A_0 = arith.muli %arg1, %mul3A : i32
    %add3A = arith.addi %mul3A_0, %arg0 : i32
    %mul3A_1 = arith.constant 2000 : i32
    %mul3A_2 = arith.muli %add3A, %mul3A_1 : i32
    %lt3A = arith.constant 10 : i32
    %lt3A_3 = arith.cmpi slt, %arg1, %lt3A : i32
    %convert_element_type3A = arith.extui %lt3A_3 : i1 to i32
    %cond3A = arith.constant 0 : i32
    %cond3A_4 = arith.cmpi ne, %convert_element_type3A, %cond3A : i32
    scf.if %cond3A_4 {
      %mul3A_43 = arith.constant 1000 : i32
      %mul3A_44 = arith.muli %arg1, %mul3A_43 : i32
      %mul3A_45 = arith.constant 1000 : i32
      %mul3A_46 = arith.muli %arg1, %mul3A_45 : i32
      "tpu.region"() ({
        %run_scoped3A_47 = tpu.sem_alloc : memref<!tpu.dma_semaphore, #tpu.memory_space<semaphore_mem>>
        %dma_start3A_48 = arith.constant 0 : i32
        %dma_start3A_49 = tpu.memref_slice %arg10[%mul3A_46, %dma_start3A_48] : memref<10000x128xf32, #tpu.memory_space<vmem_shared>> -> memref<1000x128xf32, #tpu.memory_space<vmem_shared>>
        %dma_start3A_50 = arith.constant 0 : i32
        %dma_start3A_51 = tpu.memref_slice %arg5[%arg0, %mul3A_44, %dma_start3A_50] : memref<2x10000x128xf32, #tpu.memory_space<hbm>> -> memref<1x1000x128xf32, #tpu.memory_space<hbm>>
        %dma_start3A_52 = tpu.memref_squeeze %dma_start3A_51 : memref<1x1000x128xf32, #tpu.memory_space<hbm>> -> memref<1000x128xf32, #tpu.memory_space<hbm>>
        tpu.enqueue_dma source(%dma_start3A_52 : memref<1000x128xf32, #tpu.memory_space<hbm>>) target(%dma_start3A_49 : memref<1000x128xf32, #tpu.memory_space<vmem_shared>>) target_semaphore(%run_scoped3A_47 : memref<!tpu.dma_semaphore, #tpu.memory_space<semaphore_mem>>)
        %dma_wait3A_53 = arith.constant 0 : i32
        %dma_wait3A_54 = tpu.memref_slice %arg10[%mul3A_46, %dma_wait3A_53] : memref<10000x128xf32, #tpu.memory_space<vmem_shared>> -> memref<1000x128xf32, #tpu.memory_space<vmem_shared>>
        %dma_wait3A_55 = arith.constant 0 : i32
        %dma_wait3A_56 = tpu.memref_slice %arg5[%arg0, %mul3A_44, %dma_wait3A_55] : memref<2x10000x128xf32, #tpu.memory_space<hbm>> -> memref<1x1000x128xf32, #tpu.memory_space<hbm>>
        %dma_wait3A_57 = tpu.memref_squeeze %dma_wait3A_56 : memref<1x1000x128xf32, #tpu.memory_space<hbm>> -> memref<1000x128xf32, #tpu.memory_space<hbm>>
        tpu.wait_dma2 semaphore(%run_scoped3A_47 : memref<!tpu.dma_semaphore, #tpu.memory_space<semaphore_mem>>) src(%dma_wait3A_57 : memref<1000x128xf32, #tpu.memory_space<hbm>>) dst(%dma_wait3A_54 : memref<1000x128xf32, #tpu.memory_space<vmem_shared>>)
        tpu.yield
      }) : () -> ()
    } else {
    }
    %barrier3A = arith.constant 0 : index
    tpu.barrier barrier_id(%barrier3A)
    %run_scoped3A = arith.constant 0 : i32
    "tpu.region"() ({
      %run_scoped3A_43 = tpu.sem_alloc : memref<!tpu.dma_semaphore, #tpu.memory_space<semaphore_mem>>
      %dma_start3A_44 = arith.constant 0 : i32
      %dma_start3A_45 = arith.constant 0 : i32
      %dma_start3A_46 = tpu.memref_slice %arg4[%run_scoped3A, %add3A, %dma_start3A_44, %dma_start3A_45] : memref<2x32x25x80xi32, #tpu.memory_space<hbm>> -> memref<1x1x25x80xi32, #tpu.memory_space<hbm>>
      %dma_start3A_47 = tpu.memref_squeeze %dma_start3A_46 : memref<1x1x25x80xi32, #tpu.memory_space<hbm>> -> memref<25x80xi32, #tpu.memory_space<hbm>>
      %dma_start3A_48 = arith.constant 0 : i32
      %dma_start3A_49 = arith.constant 0 : i32
      %dma_start3A_50 = tpu.memref_slice %arg4[%run_scoped3A, %add3A, %dma_start3A_48, %dma_start3A_49] : memref<2x32x25x80xi32, #tpu.memory_space<hbm>> -> memref<1x1x25x80xi32, #tpu.memory_space<hbm>>
      %dma_start3A_51 = tpu.memref_squeeze %dma_start3A_50 : memref<1x1x25x80xi32, #tpu.memory_space<hbm>> -> memref<25x80xi32, #tpu.memory_space<hbm>>
      tpu.enqueue_dma source(%dma_start3A_51 : memref<25x80xi32, #tpu.memory_space<hbm>>) target(%arg7 : memref<25x80xi32, #tpu.memory_space<vmem>>) target_semaphore(%run_scoped3A_43 : memref<!tpu.dma_semaphore, #tpu.memory_space<semaphore_mem>>)
      %dma_wait3A_52 = arith.constant 0 : i32
      %dma_wait3A_53 = arith.constant 0 : i32
      %dma_wait3A_54 = tpu.memref_slice %arg4[%run_scoped3A, %add3A, %dma_wait3A_52, %dma_wait3A_53] : memref<2x32x25x80xi32, #tpu.memory_space<hbm>> -> memref<1x1x25x80xi32, #tpu.memory_space<hbm>>
      %dma_wait3A_55 = tpu.memref_squeeze %dma_wait3A_54 : memref<1x1x25x80xi32, #tpu.memory_space<hbm>> -> memref<25x80xi32, #tpu.memory_space<hbm>>
      %dma_wait3A_56 = arith.constant 0 : i32
      %dma_wait3A_57 = arith.constant 0 : i32
      %dma_wait3A_58 = tpu.memref_slice %arg4[%run_scoped3A, %add3A, %dma_wait3A_56, %dma_wait3A_57] : memref<2x32x25x80xi32, #tpu.memory_space<hbm>> -> memref<1x1x25x80xi32, #tpu.memory_space<hbm>>
      %dma_wait3A_59 = tpu.memref_squeeze %dma_wait3A_58 : memref<1x1x25x80xi32, #tpu.memory_space<hbm>> -> memref<25x80xi32, #tpu.memory_space<hbm>>
      tpu.wait_dma2 semaphore(%run_scoped3A_43 : memref<!tpu.dma_semaphore, #tpu.memory_space<semaphore_mem>>) src(%dma_wait3A_59 : memref<25x80xi32, #tpu.memory_space<hbm>>) dst(%arg7 : memref<25x80xi32, #tpu.memory_space<vmem>>)
      tpu.yield
    }) : () -> ()
    %dma_start3A = arith.constant 0 : i32
    %dma_start3A_5 = tpu.memref_slice %arg2[%mul3A_2, %dma_start3A] : memref<64000x128xf32, #tpu.memory_space<hbm>> -> memref<80x128xf32, #tpu.memory_space<hbm>>
    %dma_start3A_6 = arith.constant 0 : i32
    %dma_start3A_7 = tpu.memref_slice %arg2[%mul3A_2, %dma_start3A_6] : memref<64000x128xf32, #tpu.memory_space<hbm>> -> memref<80x128xf32, #tpu.memory_space<hbm>>
    tpu.enqueue_dma source(%dma_start3A_7 : memref<80x128xf32, #tpu.memory_space<hbm>>) target(%arg8 : memref<80x128xf32, #tpu.memory_space<vmem>>) target_semaphore(%arg11 : memref<!tpu.dma_semaphore, #tpu.memory_space<semaphore_mem>>)
    %scan3A = arith.constant 0 : i32
    %scan3A_8 = arith.constant 0 : i32
    %scan3A_9 = arith.constant 12 : i32
    %scan3A_10 = arith.addi %scan3A_8, %scan3A_9 : i32
    %scan3A_11 = arith.constant 1 : i32
    scf.for %scan3A_43 = %scan3A_8 to %scan3A_10 step %scan3A_11  : i32 {
      %mul3A_44 = arith.constant 2 : i32
      %mul3A_45 = arith.muli %mul3A_44, %scan3A_43 : i32
      %add3A_46 = arith.constant 1 : i32
      %add3A_47 = arith.addi %mul3A_45, %add3A_46 : i32
      %mul3A_48 = arith.constant 80 : i32
      %mul3A_49 = arith.muli %add3A_47, %mul3A_48 : i32
      %add3A_50 = arith.addi %mul3A_2, %mul3A_49 : i32
      %dma_start3A_51 = arith.constant 0 : i32
      %dma_start3A_52 = tpu.memref_slice %arg2[%add3A_50, %dma_start3A_51] : memref<64000x128xf32, #tpu.memory_space<hbm>> -> memref<80x128xf32, #tpu.memory_space<hbm>>
      %dma_start3A_53 = arith.constant 0 : i32
      %dma_start3A_54 = tpu.memref_slice %arg2[%add3A_50, %dma_start3A_53] : memref<64000x128xf32, #tpu.memory_space<hbm>> -> memref<80x128xf32, #tpu.memory_space<hbm>>
      tpu.enqueue_dma source(%dma_start3A_54 : memref<80x128xf32, #tpu.memory_space<hbm>>) target(%arg9 : memref<80x128xf32, #tpu.memory_space<vmem>>) target_semaphore(%arg12 : memref<!tpu.dma_semaphore, #tpu.memory_space<semaphore_mem>>)
      %dma_wait3A_55 = arith.constant 0 : i32
      %dma_wait3A_56 = arith.constant 0 : i32
      %dma_wait3A_57 = tpu.memref_slice %arg2[%dma_wait3A_55, %dma_wait3A_56] : memref<64000x128xf32, #tpu.memory_space<hbm>> -> memref<80x128xf32, #tpu.memory_space<hbm>>
      %dma_wait3A_58 = arith.constant 0 : i32
      %dma_wait3A_59 = arith.constant 0 : i32
      %dma_wait3A_60 = tpu.memref_slice %arg2[%dma_wait3A_58, %dma_wait3A_59] : memref<64000x128xf32, #tpu.memory_space<hbm>> -> memref<80x128xf32, #tpu.memory_space<hbm>>
      tpu.wait_dma2 semaphore(%arg11 : memref<!tpu.dma_semaphore, #tpu.memory_space<semaphore_mem>>) src(%dma_wait3A_60 : memref<80x128xf32, #tpu.memory_space<hbm>>) dst(%arg8 : memref<80x128xf32, #tpu.memory_space<vmem>>)
      "tpu.region"() ({
        %run_scoped3A_78 = tpu.sem_alloc : memref<!tpu.dma_semaphore, #tpu.memory_space<semaphore_mem>>
        %dma_start3A_79 = arith.constant 0 : i32
        %dma_start3A_80 = tpu.memref_slice %arg7[%mul3A_45, %dma_start3A_79] : memref<25x80xi32, #tpu.memory_space<vmem>> -> memref<1x80xi32, #tpu.memory_space<vmem>>
        %dma_start3A_81 = tpu.memref_squeeze %dma_start3A_80 : memref<1x80xi32, #tpu.memory_space<vmem>> -> memref<80xi32, #tpu.memory_space<vmem>>
        %dma_start3A_82 = arith.constant 0 : i32
        %dma_start3A_83 = arith.constant 0 : i32
        %dma_start3A_84 = tpu.memref_slice %arg10[%dma_start3A_82, %dma_start3A_83] : memref<10000x128xf32, #tpu.memory_space<vmem_shared>> -> memref<10000x128xf32, #tpu.memory_space<vmem_shared>>
        tpu.enqueue_indirect_dma source(%arg8 : memref<80x128xf32, #tpu.memory_space<vmem>>) target(%dma_start3A_84 : memref<10000x128xf32, #tpu.memory_space<vmem_shared>>) offsets(%dma_start3A_81 : memref<80xi32, #tpu.memory_space<vmem>>) semaphore(%run_scoped3A_78 : memref<!tpu.dma_semaphore, #tpu.memory_space<semaphore_mem>>) {add = true}
        %dma_wait3A_85 = arith.constant 0 : i32
        %dma_wait3A_86 = tpu.memref_slice %arg7[%mul3A_45, %dma_wait3A_85] : memref<25x80xi32, #tpu.memory_space<vmem>> -> memref<1x80xi32, #tpu.memory_space<vmem>>
        %dma_wait3A_87 = tpu.memref_squeeze %dma_wait3A_86 : memref<1x80xi32, #tpu.memory_space<vmem>> -> memref<80xi32, #tpu.memory_space<vmem>>
        %dma_wait3A_88 = arith.constant 0 : i32
        %dma_wait3A_89 = arith.constant 0 : i32
        %dma_wait3A_90 = tpu.memref_slice %arg10[%dma_wait3A_88, %dma_wait3A_89] : memref<10000x128xf32, #tpu.memory_space<vmem_shared>> -> memref<10000x128xf32, #tpu.memory_space<vmem_shared>>
        tpu.wait_indirect_dma semaphore(%run_scoped3A_78 : memref<!tpu.dma_semaphore, #tpu.memory_space<semaphore_mem>>) src(%arg8 : memref<80x128xf32, #tpu.memory_space<vmem>>) dst(%dma_wait3A_90 : memref<10000x128xf32, #tpu.memory_space<vmem_shared>>)
        tpu.yield
      }) : () -> ()
      %add3A_61 = arith.constant 2 : i32
      %add3A_62 = arith.addi %mul3A_45, %add3A_61 : i32
      %mul3A_63 = arith.constant 80 : i32
      %mul3A_64 = arith.muli %add3A_62, %mul3A_63 : i32
      %add3A_65 = arith.addi %mul3A_2, %mul3A_64 : i32
      %dma_start3A_66 = arith.constant 0 : i32
      %dma_start3A_67 = tpu.memref_slice %arg2[%add3A_65, %dma_start3A_66] : memref<64000x128xf32, #tpu.memory_space<hbm>> -> memref<80x128xf32, #tpu.memory_space<hbm>>
      %dma_start3A_68 = arith.constant 0 : i32
      %dma_start3A_69 = tpu.memref_slice %arg2[%add3A_65, %dma_start3A_68] : memref<64000x128xf32, #tpu.memory_space<hbm>> -> memref<80x128xf32, #tpu.memory_space<hbm>>
      tpu.enqueue_dma source(%dma_start3A_69 : memref<80x128xf32, #tpu.memory_space<hbm>>) target(%arg8 : memref<80x128xf32, #tpu.memory_space<vmem>>) target_semaphore(%arg11 : memref<!tpu.dma_semaphore, #tpu.memory_space<semaphore_mem>>)
      %add3A_70 = arith.constant 1 : i32
      %add3A_71 = arith.addi %mul3A_45, %add3A_70 : i32
      %dma_wait3A_72 = arith.constant 0 : i32
      %dma_wait3A_73 = arith.constant 0 : i32
      %dma_wait3A_74 = tpu.memref_slice %arg2[%dma_wait3A_72, %dma_wait3A_73] : memref<64000x128xf32, #tpu.memory_space<hbm>> -> memref<80x128xf32, #tpu.memory_space<hbm>>
      %dma_wait3A_75 = arith.constant 0 : i32
      %dma_wait3A_76 = arith.constant 0 : i32
      %dma_wait3A_77 = tpu.memref_slice %arg2[%dma_wait3A_75, %dma_wait3A_76] : memref<64000x128xf32, #tpu.memory_space<hbm>> -> memref<80x128xf32, #tpu.memory_space<hbm>>
      tpu.wait_dma2 semaphore(%arg12 : memref<!tpu.dma_semaphore, #tpu.memory_space<semaphore_mem>>) src(%dma_wait3A_77 : memref<80x128xf32, #tpu.memory_space<hbm>>) dst(%arg9 : memref<80x128xf32, #tpu.memory_space<vmem>>)
      "tpu.region"() ({
        %run_scoped3A_78 = tpu.sem_alloc : memref<!tpu.dma_semaphore, #tpu.memory_space<semaphore_mem>>
        %dma_start3A_79 = arith.constant 0 : i32
        %dma_start3A_80 = tpu.memref_slice %arg7[%add3A_71, %dma_start3A_79] : memref<25x80xi32, #tpu.memory_space<vmem>> -> memref<1x80xi32, #tpu.memory_space<vmem>>
        %dma_start3A_81 = tpu.memref_squeeze %dma_start3A_80 : memref<1x80xi32, #tpu.memory_space<vmem>> -> memref<80xi32, #tpu.memory_space<vmem>>
        %dma_start3A_82 = arith.constant 0 : i32
        %dma_start3A_83 = arith.constant 0 : i32
        %dma_start3A_84 = tpu.memref_slice %arg10[%dma_start3A_82, %dma_start3A_83] : memref<10000x128xf32, #tpu.memory_space<vmem_shared>> -> memref<10000x128xf32, #tpu.memory_space<vmem_shared>>
        tpu.enqueue_indirect_dma source(%arg9 : memref<80x128xf32, #tpu.memory_space<vmem>>) target(%dma_start3A_84 : memref<10000x128xf32, #tpu.memory_space<vmem_shared>>) offsets(%dma_start3A_81 : memref<80xi32, #tpu.memory_space<vmem>>) semaphore(%run_scoped3A_78 : memref<!tpu.dma_semaphore, #tpu.memory_space<semaphore_mem>>) {add = true}
        %dma_wait3A_85 = arith.constant 0 : i32
        %dma_wait3A_86 = tpu.memref_slice %arg7[%add3A_71, %dma_wait3A_85] : memref<25x80xi32, #tpu.memory_space<vmem>> -> memref<1x80xi32, #tpu.memory_space<vmem>>
        %dma_wait3A_87 = tpu.memref_squeeze %dma_wait3A_86 : memref<1x80xi32, #tpu.memory_space<vmem>> -> memref<80xi32, #tpu.memory_space<vmem>>
        %dma_wait3A_88 = arith.constant 0 : i32
        %dma_wait3A_89 = arith.constant 0 : i32
        %dma_wait3A_90 = tpu.memref_slice %arg10[%dma_wait3A_88, %dma_wait3A_89] : memref<10000x128xf32, #tpu.memory_space<vmem_shared>> -> memref<10000x128xf32, #tpu.memory_space<vmem_shared>>
        tpu.wait_indirect_dma semaphore(%run_scoped3A_78 : memref<!tpu.dma_semaphore, #tpu.memory_space<semaphore_mem>>) src(%arg9 : memref<80x128xf32, #tpu.memory_space<vmem>>) dst(%dma_wait3A_90 : memref<10000x128xf32, #tpu.memory_space<vmem_shared>>)
        tpu.yield
      }) : () -> ()
    }
    %scan3A_12 = arith.constant 12 : i32
    %dma_wait3A = arith.constant 0 : i32
    %dma_wait3A_13 = arith.constant 0 : i32
    %dma_wait3A_14 = tpu.memref_slice %arg2[%dma_wait3A, %dma_wait3A_13] : memref<64000x128xf32, #tpu.memory_space<hbm>> -> memref<80x128xf32, #tpu.memory_space<hbm>>
    %dma_wait3A_15 = arith.constant 0 : i32
    %dma_wait3A_16 = arith.constant 0 : i32
    %dma_wait3A_17 = tpu.memref_slice %arg2[%dma_wait3A_15, %dma_wait3A_16] : memref<64000x128xf32, #tpu.memory_space<hbm>> -> memref<80x128xf32, #tpu.memory_space<hbm>>
    tpu.wait_dma2 semaphore(%arg11 : memref<!tpu.dma_semaphore, #tpu.memory_space<semaphore_mem>>) src(%dma_wait3A_17 : memref<80x128xf32, #tpu.memory_space<hbm>>) dst(%arg8 : memref<80x128xf32, #tpu.memory_space<vmem>>)
    %run_scoped3A_18 = arith.constant 24 : i32
    "tpu.region"() ({
      %run_scoped3A_43 = tpu.sem_alloc : memref<!tpu.dma_semaphore, #tpu.memory_space<semaphore_mem>>
      %dma_start3A_44 = arith.constant 0 : i32
      %dma_start3A_45 = tpu.memref_slice %arg7[%run_scoped3A_18, %dma_start3A_44] : memref<25x80xi32, #tpu.memory_space<vmem>> -> memref<1x80xi32, #tpu.memory_space<vmem>>
      %dma_start3A_46 = tpu.memref_squeeze %dma_start3A_45 : memref<1x80xi32, #tpu.memory_space<vmem>> -> memref<80xi32, #tpu.memory_space<vmem>>
      %dma_start3A_47 = arith.constant 0 : i32
      %dma_start3A_48 = arith.constant 0 : i32
      %dma_start3A_49 = tpu.memref_slice %arg10[%dma_start3A_47, %dma_start3A_48] : memref<10000x128xf32, #tpu.memory_space<vmem_shared>> -> memref<10000x128xf32, #tpu.memory_space<vmem_shared>>
      tpu.enqueue_indirect_dma source(%arg8 : memref<80x128xf32, #tpu.memory_space<vmem>>) target(%dma_start3A_49 : memref<10000x128xf32, #tpu.memory_space<vmem_shared>>) offsets(%dma_start3A_46 : memref<80xi32, #tpu.memory_space<vmem>>) semaphore(%run_scoped3A_43 : memref<!tpu.dma_semaphore, #tpu.memory_space<semaphore_mem>>) {add = true}
      %dma_wait3A_50 = arith.constant 0 : i32
      %dma_wait3A_51 = tpu.memref_slice %arg7[%run_scoped3A_18, %dma_wait3A_50] : memref<25x80xi32, #tpu.memory_space<vmem>> -> memref<1x80xi32, #tpu.memory_space<vmem>>
      %dma_wait3A_52 = tpu.memref_squeeze %dma_wait3A_51 : memref<1x80xi32, #tpu.memory_space<vmem>> -> memref<80xi32, #tpu.memory_space<vmem>>
      %dma_wait3A_53 = arith.constant 0 : i32
      %dma_wait3A_54 = arith.constant 0 : i32
      %dma_wait3A_55 = tpu.memref_slice %arg10[%dma_wait3A_53, %dma_wait3A_54] : memref<10000x128xf32, #tpu.memory_space<vmem_shared>> -> memref<10000x128xf32, #tpu.memory_space<vmem_shared>>
      tpu.wait_indirect_dma semaphore(%run_scoped3A_43 : memref<!tpu.dma_semaphore, #tpu.memory_space<semaphore_mem>>) src(%arg8 : memref<80x128xf32, #tpu.memory_space<vmem>>) dst(%dma_wait3A_55 : memref<10000x128xf32, #tpu.memory_space<vmem_shared>>)
      tpu.yield
    }) : () -> ()
    %run_scoped3A_19 = arith.constant 1 : i32
    "tpu.region"() ({
      %run_scoped3A_43 = tpu.sem_alloc : memref<!tpu.dma_semaphore, #tpu.memory_space<semaphore_mem>>
      %dma_start3A_44 = arith.constant 0 : i32
      %dma_start3A_45 = arith.constant 0 : i32
      %dma_start3A_46 = tpu.memref_slice %arg4[%run_scoped3A_19, %add3A, %dma_start3A_44, %dma_start3A_45] : memref<2x32x25x80xi32, #tpu.memory_space<hbm>> -> memref<1x1x25x80xi32, #tpu.memory_space<hbm>>
      %dma_start3A_47 = tpu.memref_squeeze %dma_start3A_46 : memref<1x1x25x80xi32, #tpu.memory_space<hbm>> -> memref<25x80xi32, #tpu.memory_space<hbm>>
      %dma_start3A_48 = arith.constant 0 : i32
      %dma_start3A_49 = arith.constant 0 : i32
      %dma_start3A_50 = tpu.memref_slice %arg4[%run_scoped3A_19, %add3A, %dma_start3A_48, %dma_start3A_49] : memref<2x32x25x80xi32, #tpu.memory_space<hbm>> -> memref<1x1x25x80xi32, #tpu.memory_space<hbm>>
      %dma_start3A_51 = tpu.memref_squeeze %dma_start3A_50 : memref<1x1x25x80xi32, #tpu.memory_space<hbm>> -> memref<25x80xi32, #tpu.memory_space<hbm>>
      tpu.enqueue_dma source(%dma_start3A_51 : memref<25x80xi32, #tpu.memory_space<hbm>>) target(%arg7 : memref<25x80xi32, #tpu.memory_space<vmem>>) target_semaphore(%run_scoped3A_43 : memref<!tpu.dma_semaphore, #tpu.memory_space<semaphore_mem>>)
      %dma_wait3A_52 = arith.constant 0 : i32
      %dma_wait3A_53 = arith.constant 0 : i32
      %dma_wait3A_54 = tpu.memref_slice %arg4[%run_scoped3A_19, %add3A, %dma_wait3A_52, %dma_wait3A_53] : memref<2x32x25x80xi32, #tpu.memory_space<hbm>> -> memref<1x1x25x80xi32, #tpu.memory_space<hbm>>
      %dma_wait3A_55 = tpu.memref_squeeze %dma_wait3A_54 : memref<1x1x25x80xi32, #tpu.memory_space<hbm>> -> memref<25x80xi32, #tpu.memory_space<hbm>>
      %dma_wait3A_56 = arith.constant 0 : i32
      %dma_wait3A_57 = arith.constant 0 : i32
      %dma_wait3A_58 = tpu.memref_slice %arg4[%run_scoped3A_19, %add3A, %dma_wait3A_56, %dma_wait3A_57] : memref<2x32x25x80xi32, #tpu.memory_space<hbm>> -> memref<1x1x25x80xi32, #tpu.memory_space<hbm>>
      %dma_wait3A_59 = tpu.memref_squeeze %dma_wait3A_58 : memref<1x1x25x80xi32, #tpu.memory_space<hbm>> -> memref<25x80xi32, #tpu.memory_space<hbm>>
      tpu.wait_dma2 semaphore(%run_scoped3A_43 : memref<!tpu.dma_semaphore, #tpu.memory_space<semaphore_mem>>) src(%dma_wait3A_59 : memref<25x80xi32, #tpu.memory_space<hbm>>) dst(%arg7 : memref<25x80xi32, #tpu.memory_space<vmem>>)
      tpu.yield
    }) : () -> ()
    %dma_start3A_20 = arith.constant 0 : i32
    %dma_start3A_21 = tpu.memref_slice %arg3[%mul3A_2, %dma_start3A_20] : memref<64000x128xf32, #tpu.memory_space<hbm>> -> memref<80x128xf32, #tpu.memory_space<hbm>>
    %dma_start3A_22 = arith.constant 0 : i32
    %dma_start3A_23 = tpu.memref_slice %arg3[%mul3A_2, %dma_start3A_22] : memref<64000x128xf32, #tpu.memory_space<hbm>> -> memref<80x128xf32, #tpu.memory_space<hbm>>
    tpu.enqueue_dma source(%dma_start3A_23 : memref<80x128xf32, #tpu.memory_space<hbm>>) target(%arg8 : memref<80x128xf32, #tpu.memory_space<vmem>>) target_semaphore(%arg11 : memref<!tpu.dma_semaphore, #tpu.memory_space<semaphore_mem>>)
    %scan3A_24 = arith.constant 0 : i32
    %scan3A_25 = arith.constant 0 : i32
    %scan3A_26 = arith.constant 12 : i32
    %scan3A_27 = arith.addi %scan3A_25, %scan3A_26 : i32
    %scan3A_28 = arith.constant 1 : i32
    scf.for %scan3A_43 = %scan3A_25 to %scan3A_27 step %scan3A_28  : i32 {
      %mul3A_44 = arith.constant 2 : i32
      %mul3A_45 = arith.muli %mul3A_44, %scan3A_43 : i32
      %add3A_46 = arith.constant 1 : i32
      %add3A_47 = arith.addi %mul3A_45, %add3A_46 : i32
      %mul3A_48 = arith.constant 80 : i32
      %mul3A_49 = arith.muli %add3A_47, %mul3A_48 : i32
      %add3A_50 = arith.addi %mul3A_2, %mul3A_49 : i32
      %dma_start3A_51 = arith.constant 0 : i32
      %dma_start3A_52 = tpu.memref_slice %arg3[%add3A_50, %dma_start3A_51] : memref<64000x128xf32, #tpu.memory_space<hbm>> -> memref<80x128xf32, #tpu.memory_space<hbm>>
      %dma_start3A_53 = arith.constant 0 : i32
      %dma_start3A_54 = tpu.memref_slice %arg3[%add3A_50, %dma_start3A_53] : memref<64000x128xf32, #tpu.memory_space<hbm>> -> memref<80x128xf32, #tpu.memory_space<hbm>>
      tpu.enqueue_dma source(%dma_start3A_54 : memref<80x128xf32, #tpu.memory_space<hbm>>) target(%arg9 : memref<80x128xf32, #tpu.memory_space<vmem>>) target_semaphore(%arg12 : memref<!tpu.dma_semaphore, #tpu.memory_space<semaphore_mem>>)
      %dma_wait3A_55 = arith.constant 0 : i32
      %dma_wait3A_56 = arith.constant 0 : i32
      %dma_wait3A_57 = tpu.memref_slice %arg3[%dma_wait3A_55, %dma_wait3A_56] : memref<64000x128xf32, #tpu.memory_space<hbm>> -> memref<80x128xf32, #tpu.memory_space<hbm>>
      %dma_wait3A_58 = arith.constant 0 : i32
      %dma_wait3A_59 = arith.constant 0 : i32
      %dma_wait3A_60 = tpu.memref_slice %arg3[%dma_wait3A_58, %dma_wait3A_59] : memref<64000x128xf32, #tpu.memory_space<hbm>> -> memref<80x128xf32, #tpu.memory_space<hbm>>
      tpu.wait_dma2 semaphore(%arg11 : memref<!tpu.dma_semaphore, #tpu.memory_space<semaphore_mem>>) src(%dma_wait3A_60 : memref<80x128xf32, #tpu.memory_space<hbm>>) dst(%arg8 : memref<80x128xf32, #tpu.memory_space<vmem>>)
      "tpu.region"() ({
        %run_scoped3A_78 = tpu.sem_alloc : memref<!tpu.dma_semaphore, #tpu.memory_space<semaphore_mem>>
        %dma_start3A_79 = arith.constant 0 : i32
        %dma_start3A_80 = tpu.memref_slice %arg7[%mul3A_45, %dma_start3A_79] : memref<25x80xi32, #tpu.memory_space<vmem>> -> memref<1x80xi32, #tpu.memory_space<vmem>>
        %dma_start3A_81 = tpu.memref_squeeze %dma_start3A_80 : memref<1x80xi32, #tpu.memory_space<vmem>> -> memref<80xi32, #tpu.memory_space<vmem>>
        %dma_start3A_82 = arith.constant 0 : i32
        %dma_start3A_83 = arith.constant 0 : i32
        %dma_start3A_84 = tpu.memref_slice %arg10[%dma_start3A_82, %dma_start3A_83] : memref<10000x128xf32, #tpu.memory_space<vmem_shared>> -> memref<10000x128xf32, #tpu.memory_space<vmem_shared>>
        tpu.enqueue_indirect_dma source(%arg8 : memref<80x128xf32, #tpu.memory_space<vmem>>) target(%dma_start3A_84 : memref<10000x128xf32, #tpu.memory_space<vmem_shared>>) offsets(%dma_start3A_81 : memref<80xi32, #tpu.memory_space<vmem>>) semaphore(%run_scoped3A_78 : memref<!tpu.dma_semaphore, #tpu.memory_space<semaphore_mem>>) {add = true}
        %dma_wait3A_85 = arith.constant 0 : i32
        %dma_wait3A_86 = tpu.memref_slice %arg7[%mul3A_45, %dma_wait3A_85] : memref<25x80xi32, #tpu.memory_space<vmem>> -> memref<1x80xi32, #tpu.memory_space<vmem>>
        %dma_wait3A_87 = tpu.memref_squeeze %dma_wait3A_86 : memref<1x80xi32, #tpu.memory_space<vmem>> -> memref<80xi32, #tpu.memory_space<vmem>>
        %dma_wait3A_88 = arith.constant 0 : i32
        %dma_wait3A_89 = arith.constant 0 : i32
        %dma_wait3A_90 = tpu.memref_slice %arg10[%dma_wait3A_88, %dma_wait3A_89] : memref<10000x128xf32, #tpu.memory_space<vmem_shared>> -> memref<10000x128xf32, #tpu.memory_space<vmem_shared>>
        tpu.wait_indirect_dma semaphore(%run_scoped3A_78 : memref<!tpu.dma_semaphore, #tpu.memory_space<semaphore_mem>>) src(%arg8 : memref<80x128xf32, #tpu.memory_space<vmem>>) dst(%dma_wait3A_90 : memref<10000x128xf32, #tpu.memory_space<vmem_shared>>)
        tpu.yield
      }) : () -> ()
      %add3A_61 = arith.constant 2 : i32
      %add3A_62 = arith.addi %mul3A_45, %add3A_61 : i32
      %mul3A_63 = arith.constant 80 : i32
      %mul3A_64 = arith.muli %add3A_62, %mul3A_63 : i32
      %add3A_65 = arith.addi %mul3A_2, %mul3A_64 : i32
      %dma_start3A_66 = arith.constant 0 : i32
      %dma_start3A_67 = tpu.memref_slice %arg3[%add3A_65, %dma_start3A_66] : memref<64000x128xf32, #tpu.memory_space<hbm>> -> memref<80x128xf32, #tpu.memory_space<hbm>>
      %dma_start3A_68 = arith.constant 0 : i32
      %dma_start3A_69 = tpu.memref_slice %arg3[%add3A_65, %dma_start3A_68] : memref<64000x128xf32, #tpu.memory_space<hbm>> -> memref<80x128xf32, #tpu.memory_space<hbm>>
      tpu.enqueue_dma source(%dma_start3A_69 : memref<80x128xf32, #tpu.memory_space<hbm>>) target(%arg8 : memref<80x128xf32, #tpu.memory_space<vmem>>) target_semaphore(%arg11 : memref<!tpu.dma_semaphore, #tpu.memory_space<semaphore_mem>>)
      %add3A_70 = arith.constant 1 : i32
      %add3A_71 = arith.addi %mul3A_45, %add3A_70 : i32
      %dma_wait3A_72 = arith.constant 0 : i32
      %dma_wait3A_73 = arith.constant 0 : i32
      %dma_wait3A_74 = tpu.memref_slice %arg3[%dma_wait3A_72, %dma_wait3A_73] : memref<64000x128xf32, #tpu.memory_space<hbm>> -> memref<80x128xf32, #tpu.memory_space<hbm>>
      %dma_wait3A_75 = arith.constant 0 : i32
      %dma_wait3A_76 = arith.constant 0 : i32
      %dma_wait3A_77 = tpu.memref_slice %arg3[%dma_wait3A_75, %dma_wait3A_76] : memref<64000x128xf32, #tpu.memory_space<hbm>> -> memref<80x128xf32, #tpu.memory_space<hbm>>
      tpu.wait_dma2 semaphore(%arg12 : memref<!tpu.dma_semaphore, #tpu.memory_space<semaphore_mem>>) src(%dma_wait3A_77 : memref<80x128xf32, #tpu.memory_space<hbm>>) dst(%arg9 : memref<80x128xf32, #tpu.memory_space<vmem>>)
      "tpu.region"() ({
        %run_scoped3A_78 = tpu.sem_alloc : memref<!tpu.dma_semaphore, #tpu.memory_space<semaphore_mem>>
        %dma_start3A_79 = arith.constant 0 : i32
        %dma_start3A_80 = tpu.memref_slice %arg7[%add3A_71, %dma_start3A_79] : memref<25x80xi32, #tpu.memory_space<vmem>> -> memref<1x80xi32, #tpu.memory_space<vmem>>
        %dma_start3A_81 = tpu.memref_squeeze %dma_start3A_80 : memref<1x80xi32, #tpu.memory_space<vmem>> -> memref<80xi32, #tpu.memory_space<vmem>>
        %dma_start3A_82 = arith.constant 0 : i32
        %dma_start3A_83 = arith.constant 0 : i32
        %dma_start3A_84 = tpu.memref_slice %arg10[%dma_start3A_82, %dma_start3A_83] : memref<10000x128xf32, #tpu.memory_space<vmem_shared>> -> memref<10000x128xf32, #tpu.memory_space<vmem_shared>>
        tpu.enqueue_indirect_dma source(%arg9 : memref<80x128xf32, #tpu.memory_space<vmem>>) target(%dma_start3A_84 : memref<10000x128xf32, #tpu.memory_space<vmem_shared>>) offsets(%dma_start3A_81 : memref<80xi32, #tpu.memory_space<vmem>>) semaphore(%run_scoped3A_78 : memref<!tpu.dma_semaphore, #tpu.memory_space<semaphore_mem>>) {add = true}
        %dma_wait3A_85 = arith.constant 0 : i32
        %dma_wait3A_86 = tpu.memref_slice %arg7[%add3A_71, %dma_wait3A_85] : memref<25x80xi32, #tpu.memory_space<vmem>> -> memref<1x80xi32, #tpu.memory_space<vmem>>
        %dma_wait3A_87 = tpu.memref_squeeze %dma_wait3A_86 : memref<1x80xi32, #tpu.memory_space<vmem>> -> memref<80xi32, #tpu.memory_space<vmem>>
        %dma_wait3A_88 = arith.constant 0 : i32
        %dma_wait3A_89 = arith.constant 0 : i32
        %dma_wait3A_90 = tpu.memref_slice %arg10[%dma_wait3A_88, %dma_wait3A_89] : memref<10000x128xf32, #tpu.memory_space<vmem_shared>> -> memref<10000x128xf32, #tpu.memory_space<vmem_shared>>
        tpu.wait_indirect_dma semaphore(%run_scoped3A_78 : memref<!tpu.dma_semaphore, #tpu.memory_space<semaphore_mem>>) src(%arg9 : memref<80x128xf32, #tpu.memory_space<vmem>>) dst(%dma_wait3A_90 : memref<10000x128xf32, #tpu.memory_space<vmem_shared>>)
        tpu.yield
      }) : () -> ()
    }
    %scan3A_29 = arith.constant 12 : i32
    %dma_wait3A_30 = arith.constant 0 : i32
    %dma_wait3A_31 = arith.constant 0 : i32
    %dma_wait3A_32 = tpu.memref_slice %arg3[%dma_wait3A_30, %dma_wait3A_31] : memref<64000x128xf32, #tpu.memory_space<hbm>> -> memref<80x128xf32, #tpu.memory_space<hbm>>
    %dma_wait3A_33 = arith.constant 0 : i32
    %dma_wait3A_34 = arith.constant 0 : i32
    %dma_wait3A_35 = tpu.memref_slice %arg3[%dma_wait3A_33, %dma_wait3A_34] : memref<64000x128xf32, #tpu.memory_space<hbm>> -> memref<80x128xf32, #tpu.memory_space<hbm>>
    tpu.wait_dma2 semaphore(%arg11 : memref<!tpu.dma_semaphore, #tpu.memory_space<semaphore_mem>>) src(%dma_wait3A_35 : memref<80x128xf32, #tpu.memory_space<hbm>>) dst(%arg8 : memref<80x128xf32, #tpu.memory_space<vmem>>)
    %run_scoped3A_36 = arith.constant 24 : i32
    "tpu.region"() ({
      %run_scoped3A_43 = tpu.sem_alloc : memref<!tpu.dma_semaphore, #tpu.memory_space<semaphore_mem>>
      %dma_start3A_44 = arith.constant 0 : i32
      %dma_start3A_45 = tpu.memref_slice %arg7[%run_scoped3A_36, %dma_start3A_44] : memref<25x80xi32, #tpu.memory_space<vmem>> -> memref<1x80xi32, #tpu.memory_space<vmem>>
      %dma_start3A_46 = tpu.memref_squeeze %dma_start3A_45 : memref<1x80xi32, #tpu.memory_space<vmem>> -> memref<80xi32, #tpu.memory_space<vmem>>
      %dma_start3A_47 = arith.constant 0 : i32
      %dma_start3A_48 = arith.constant 0 : i32
      %dma_start3A_49 = tpu.memref_slice %arg10[%dma_start3A_47, %dma_start3A_48] : memref<10000x128xf32, #tpu.memory_space<vmem_shared>> -> memref<10000x128xf32, #tpu.memory_space<vmem_shared>>
      tpu.enqueue_indirect_dma source(%arg8 : memref<80x128xf32, #tpu.memory_space<vmem>>) target(%dma_start3A_49 : memref<10000x128xf32, #tpu.memory_space<vmem_shared>>) offsets(%dma_start3A_46 : memref<80xi32, #tpu.memory_space<vmem>>) semaphore(%run_scoped3A_43 : memref<!tpu.dma_semaphore, #tpu.memory_space<semaphore_mem>>) {add = true}
      %dma_wait3A_50 = arith.constant 0 : i32
      %dma_wait3A_51 = tpu.memref_slice %arg7[%run_scoped3A_36, %dma_wait3A_50] : memref<25x80xi32, #tpu.memory_space<vmem>> -> memref<1x80xi32, #tpu.memory_space<vmem>>
      %dma_wait3A_52 = tpu.memref_squeeze %dma_wait3A_51 : memref<1x80xi32, #tpu.memory_space<vmem>> -> memref<80xi32, #tpu.memory_space<vmem>>
      %dma_wait3A_53 = arith.constant 0 : i32
      %dma_wait3A_54 = arith.constant 0 : i32
      %dma_wait3A_55 = tpu.memref_slice %arg10[%dma_wait3A_53, %dma_wait3A_54] : memref<10000x128xf32, #tpu.memory_space<vmem_shared>> -> memref<10000x128xf32, #tpu.memory_space<vmem_shared>>
      tpu.wait_indirect_dma semaphore(%run_scoped3A_43 : memref<!tpu.dma_semaphore, #tpu.memory_space<semaphore_mem>>) src(%arg8 : memref<80x128xf32, #tpu.memory_space<vmem>>) dst(%dma_wait3A_55 : memref<10000x128xf32, #tpu.memory_space<vmem_shared>>)
      tpu.yield
    }) : () -> ()
    %barrier3A_37 = arith.constant 0 : index
    tpu.barrier barrier_id(%barrier3A_37)
    %lt3A_38 = arith.constant 10 : i32
    %lt3A_39 = arith.cmpi slt, %arg1, %lt3A_38 : i32
    %convert_element_type3A_40 = arith.extui %lt3A_39 : i1 to i32
    %cond3A_41 = arith.constant 0 : i32
    %cond3A_42 = arith.cmpi ne, %convert_element_type3A_40, %cond3A_41 : i32
    scf.if %cond3A_42 {
      %mul3A_43 = arith.constant 1000 : i32
      %mul3A_44 = arith.muli %arg1, %mul3A_43 : i32
      %mul3A_45 = arith.constant 1000 : i32
      %mul3A_46 = arith.muli %arg1, %mul3A_45 : i32
      "tpu.region"() ({
        %run_scoped3A_47 = tpu.sem_alloc : memref<!tpu.dma_semaphore, #tpu.memory_space<semaphore_mem>>
        %dma_start3A_48 = arith.constant 0 : i32
        %dma_start3A_49 = tpu.memref_slice %arg6[%arg0, %mul3A_46, %dma_start3A_48] : memref<2x10000x128xf32, #tpu.memory_space<hbm>> -> memref<1x1000x128xf32, #tpu.memory_space<hbm>>
        %dma_start3A_50 = tpu.memref_squeeze %dma_start3A_49 : memref<1x1000x128xf32, #tpu.memory_space<hbm>> -> memref<1000x128xf32, #tpu.memory_space<hbm>>
        %dma_start3A_51 = arith.constant 0 : i32
        %dma_start3A_52 = tpu.memref_slice %arg10[%mul3A_44, %dma_start3A_51] : memref<10000x128xf32, #tpu.memory_space<vmem_shared>> -> memref<1000x128xf32, #tpu.memory_space<vmem_shared>>
        tpu.enqueue_dma source(%dma_start3A_52 : memref<1000x128xf32, #tpu.memory_space<vmem_shared>>) target(%dma_start3A_50 : memref<1000x128xf32, #tpu.memory_space<hbm>>) target_semaphore(%run_scoped3A_47 : memref<!tpu.dma_semaphore, #tpu.memory_space<semaphore_mem>>)
        %dma_wait3A_53 = arith.constant 0 : i32
        %dma_wait3A_54 = tpu.memref_slice %arg6[%arg0, %mul3A_46, %dma_wait3A_53] : memref<2x10000x128xf32, #tpu.memory_space<hbm>> -> memref<1x1000x128xf32, #tpu.memory_space<hbm>>
        %dma_wait3A_55 = tpu.memref_squeeze %dma_wait3A_54 : memref<1x1000x128xf32, #tpu.memory_space<hbm>> -> memref<1000x128xf32, #tpu.memory_space<hbm>>
        %dma_wait3A_56 = arith.constant 0 : i32
        %dma_wait3A_57 = tpu.memref_slice %arg10[%mul3A_44, %dma_wait3A_56] : memref<10000x128xf32, #tpu.memory_space<vmem_shared>> -> memref<1000x128xf32, #tpu.memory_space<vmem_shared>>
        tpu.wait_dma2 semaphore(%run_scoped3A_47 : memref<!tpu.dma_semaphore, #tpu.memory_space<semaphore_mem>>) src(%dma_wait3A_57 : memref<1000x128xf32, #tpu.memory_space<vmem_shared>>) dst(%dma_wait3A_55 : memref<1000x128xf32, #tpu.memory_space<hbm>>)
        tpu.yield
      }) : () -> ()
    } else {
    }
    return
  }
}

module attributes {stable_mosaic.version = 14 : i64} {
  func.func @_edge_body(%arg0: i32, %arg1: memref<2000x128xf32, #tpu.memory_space<vmem>>, %arg2: memref<2000x128xf32, #tpu.memory_space<vmem>>, %arg3: memref<256x256xbf16, #tpu.memory_space<vmem>>, %arg4: memref<256x384xbf16, #tpu.memory_space<vmem>>, %arg5: memref<1x256xf32, #tpu.memory_space<vmem>>, %arg6: memref<1x256xf32, #tpu.memory_space<vmem>>, %arg7: memref<256x256xbf16, #tpu.memory_space<vmem>>, %arg8: memref<1x256xf32, #tpu.memory_space<vmem>>, %arg9: memref<2000x128xf32, #tpu.memory_space<vmem>>) attributes {dimension_semantics = [#tpu.dimension_semantics<arbitrary>], iteration_bounds = array<i64: 32>, scalar_prefetch = 0 : i64, scratch_operands = 0 : i64, tpu.core_type = #tpu.core_type<tc>, window_params = [{transform_indices = @transform_0, window_bounds = array<i64: 2000, 128>}, {transform_indices = @transform_1, window_bounds = array<i64: 2000, 128>}, {pipeline_mode = #tpu.pipeline_mode<synchronous>, transform_indices = @transform_2, window_bounds = array<i64: 256, 256>}, {pipeline_mode = #tpu.pipeline_mode<synchronous>, transform_indices = @transform_3, window_bounds = array<i64: 256, 384>}, {pipeline_mode = #tpu.pipeline_mode<synchronous>, transform_indices = @transform_4, window_bounds = array<i64: 1, 256>}, {pipeline_mode = #tpu.pipeline_mode<synchronous>, transform_indices = @transform_5, window_bounds = array<i64: 1, 256>}, {pipeline_mode = #tpu.pipeline_mode<synchronous>, transform_indices = @transform_6, window_bounds = array<i64: 256, 256>}, {pipeline_mode = #tpu.pipeline_mode<synchronous>, transform_indices = @transform_7, window_bounds = array<i64: 1, 256>}, {transform_indices = @transform_8, window_bounds = array<i64: 2000, 128>}]} {
    %get3A = arith.constant 0 : index
    %get3A_0 = arith.constant 0 : index
    %get3A_1 = vector.load %arg1[%get3A, %get3A_0] : memref<2000x128xf32, #tpu.memory_space<vmem>>, vector<2000x128xf32>
    %convert_element_type3A = arith.truncf %get3A_1 : vector<2000x128xf32> to vector<2000x128xbf16>
    %get3A_2 = arith.constant 0 : index
    %get3A_3 = arith.constant 0 : index
    %get3A_4 = vector.load %arg2[%get3A_2, %get3A_3] : memref<2000x128xf32, #tpu.memory_space<vmem>>, vector<2000x128xf32>
    %convert_element_type3A_5 = arith.truncf %get3A_4 : vector<2000x128xf32> to vector<2000x128xbf16>
    %iota3A = tpu.iota {dimensions = array<i32: 1>} : vector<2000x128xi32>
    %sub3A = arith.subf %convert_element_type3A, %convert_element_type3A_5 : vector<2000x128xbf16>
    %slice3A = vector.extract_strided_slice %convert_element_type3A {offsets = [0, 1], sizes = [2000, 127], strides = [1, 1]} : vector<2000x128xbf16> to vector<2000x127xbf16>
    %slice3A_6 = vector.extract_strided_slice %convert_element_type3A {offsets = [0, 0], sizes = [2000, 1], strides = [1, 1]} : vector<2000x128xbf16> to vector<2000x1xbf16>
    %concatenate3A = tpu.concatenate %slice3A, %slice3A_6 in 1 : vector<2000x127xbf16>, vector<2000x1xbf16> -> vector<2000x128xbf16>
    %slice3A_7 = vector.extract_strided_slice %convert_element_type3A {offsets = [0, 2], sizes = [2000, 126], strides = [1, 1]} : vector<2000x128xbf16> to vector<2000x126xbf16>
    %slice3A_8 = vector.extract_strided_slice %convert_element_type3A {offsets = [0, 0], sizes = [2000, 2], strides = [1, 1]} : vector<2000x128xbf16> to vector<2000x2xbf16>
    %concatenate3A_9 = tpu.concatenate %slice3A_7, %slice3A_8 in 1 : vector<2000x126xbf16>, vector<2000x2xbf16> -> vector<2000x128xbf16>
    %slice3A_10 = vector.extract_strided_slice %convert_element_type3A {offsets = [0, 127], sizes = [2000, 1], strides = [1, 1]} : vector<2000x128xbf16> to vector<2000x1xbf16>
    %slice3A_11 = vector.extract_strided_slice %convert_element_type3A {offsets = [0, 0], sizes = [2000, 127], strides = [1, 1]} : vector<2000x128xbf16> to vector<2000x127xbf16>
    %concatenate3A_12 = tpu.concatenate %slice3A_10, %slice3A_11 in 1 : vector<2000x1xbf16>, vector<2000x127xbf16> -> vector<2000x128xbf16>
    %slice3A_13 = vector.extract_strided_slice %convert_element_type3A {offsets = [0, 126], sizes = [2000, 2], strides = [1, 1]} : vector<2000x128xbf16> to vector<2000x2xbf16>
    %slice3A_14 = vector.extract_strided_slice %convert_element_type3A {offsets = [0, 0], sizes = [2000, 126], strides = [1, 1]} : vector<2000x128xbf16> to vector<2000x126xbf16>
    %concatenate3A_15 = tpu.concatenate %slice3A_13, %slice3A_14 in 1 : vector<2000x2xbf16>, vector<2000x126xbf16> -> vector<2000x128xbf16>
    %slice3A_16 = vector.extract_strided_slice %convert_element_type3A_5 {offsets = [0, 1], sizes = [2000, 127], strides = [1, 1]} : vector<2000x128xbf16> to vector<2000x127xbf16>
    %slice3A_17 = vector.extract_strided_slice %convert_element_type3A_5 {offsets = [0, 0], sizes = [2000, 1], strides = [1, 1]} : vector<2000x128xbf16> to vector<2000x1xbf16>
    %concatenate3A_18 = tpu.concatenate %slice3A_16, %slice3A_17 in 1 : vector<2000x127xbf16>, vector<2000x1xbf16> -> vector<2000x128xbf16>
    %slice3A_19 = vector.extract_strided_slice %convert_element_type3A_5 {offsets = [0, 2], sizes = [2000, 126], strides = [1, 1]} : vector<2000x128xbf16> to vector<2000x126xbf16>
    %slice3A_20 = vector.extract_strided_slice %convert_element_type3A_5 {offsets = [0, 0], sizes = [2000, 2], strides = [1, 1]} : vector<2000x128xbf16> to vector<2000x2xbf16>
    %concatenate3A_21 = tpu.concatenate %slice3A_19, %slice3A_20 in 1 : vector<2000x126xbf16>, vector<2000x2xbf16> -> vector<2000x128xbf16>
    %slice3A_22 = vector.extract_strided_slice %convert_element_type3A_5 {offsets = [0, 127], sizes = [2000, 1], strides = [1, 1]} : vector<2000x128xbf16> to vector<2000x1xbf16>
    %slice3A_23 = vector.extract_strided_slice %convert_element_type3A_5 {offsets = [0, 0], sizes = [2000, 127], strides = [1, 1]} : vector<2000x128xbf16> to vector<2000x127xbf16>
    %concatenate3A_24 = tpu.concatenate %slice3A_22, %slice3A_23 in 1 : vector<2000x1xbf16>, vector<2000x127xbf16> -> vector<2000x128xbf16>
    %slice3A_25 = vector.extract_strided_slice %convert_element_type3A_5 {offsets = [0, 126], sizes = [2000, 2], strides = [1, 1]} : vector<2000x128xbf16> to vector<2000x2xbf16>
    %slice3A_26 = vector.extract_strided_slice %convert_element_type3A_5 {offsets = [0, 0], sizes = [2000, 126], strides = [1, 1]} : vector<2000x128xbf16> to vector<2000x126xbf16>
    %concatenate3A_27 = tpu.concatenate %slice3A_25, %slice3A_26 in 1 : vector<2000x2xbf16>, vector<2000x126xbf16> -> vector<2000x128xbf16>
    %mul3A = arith.mulf %concatenate3A, %concatenate3A_21 : vector<2000x128xbf16>
    %mul3A_28 = arith.mulf %concatenate3A_9, %concatenate3A_18 : vector<2000x128xbf16>
    %sub3A_29 = arith.subf %mul3A, %mul3A_28 : vector<2000x128xbf16>
    %mul3A_30 = arith.mulf %concatenate3A, %concatenate3A_24 : vector<2000x128xbf16>
    %mul3A_31 = arith.mulf %concatenate3A_12, %concatenate3A_18 : vector<2000x128xbf16>
    %sub3A_32 = arith.subf %mul3A_30, %mul3A_31 : vector<2000x128xbf16>
    %mul3A_33 = arith.mulf %concatenate3A_15, %concatenate3A_24 : vector<2000x128xbf16>
    %mul3A_34 = arith.mulf %concatenate3A_12, %concatenate3A_27 : vector<2000x128xbf16>
    %sub3A_35 = arith.subf %mul3A_33, %mul3A_34 : vector<2000x128xbf16>
    %lt3A = arith.constant 3 : i32
    %lt3A_36 = vector.broadcast %lt3A : i32 to vector<2000x128xi32>
    %lt3A_37 = arith.cmpi slt, %iota3A, %lt3A_36 : vector<2000x128xi32>
    %eq3A = arith.constant 3 : i32
    %eq3A_38 = vector.broadcast %eq3A : i32 to vector<2000x128xi32>
    %eq3A_39 = arith.cmpi eq, %iota3A, %eq3A_38 : vector<2000x128xi32>
    %eq3A_40 = arith.constant 4 : i32
    %eq3A_41 = vector.broadcast %eq3A_40 : i32 to vector<2000x128xi32>
    %eq3A_42 = arith.cmpi eq, %iota3A, %eq3A_41 : vector<2000x128xi32>
    %select_n3A = arith.select %eq3A_42, %sub3A_32, %sub3A_35 : vector<2000x128xi1>, vector<2000x128xbf16>
    %select_n3A_43 = arith.select %eq3A_39, %sub3A_29, %select_n3A : vector<2000x128xi1>, vector<2000x128xbf16>
    %select_n3A_44 = arith.select %lt3A_37, %sub3A, %select_n3A_43 : vector<2000x128xi1>, vector<2000x128xbf16>
    %mul3A_45 = arith.mulf %select_n3A_44, %select_n3A_44 : vector<2000x128xbf16>
    %concatenate3A_46 = tpu.concatenate %convert_element_type3A, %convert_element_type3A_5 in 1 : vector<2000x128xbf16>, vector<2000x128xbf16> -> vector<2000x256xbf16>
    %concatenate3A_47 = tpu.concatenate %select_n3A_44, %mul3A_45 in 1 : vector<2000x128xbf16>, vector<2000x128xbf16> -> vector<2000x256xbf16>
    %get3A_48 = arith.constant 0 : index
    %get3A_49 = arith.constant 0 : index
    %get3A_50 = vector.load %arg3[%get3A_48, %get3A_49] : memref<256x256xbf16, #tpu.memory_space<vmem>>, vector<256x256xbf16>
    %dot_general3A = arith.constant dense<0.000000e+00> : vector<2000x256xf32>
    %dot_general3A_51 = tpu.matmul %concatenate3A_46, %get3A_50, %dot_general3A {dimension_numbers = #tpu.dot_dimension_numbers<[1], [0], [0], [1], [0, 0, 1, 1], [], []>, transpose_lhs_hint = false} : vector<2000x256xbf16>, vector<256x256xbf16>, vector<2000x256xf32> -> vector<2000x256xf32>
    %get3A_52 = arith.constant 0 : index
    %get3A_53 = arith.constant 0 : index
    %get3A_54 = vector.load %arg4[%get3A_52, %get3A_53] : memref<256x384xbf16, #tpu.memory_space<vmem>>, vector<256x384xbf16>
    %dot_general3A_55 = arith.constant dense<0.000000e+00> : vector<2000x384xf32>
    %dot_general3A_56 = tpu.matmul %concatenate3A_47, %get3A_54, %dot_general3A_55 {dimension_numbers = #tpu.dot_dimension_numbers<[1], [0], [0], [1], [0, 0, 1, 1], [], []>, transpose_lhs_hint = false} : vector<2000x256xbf16>, vector<256x384xbf16>, vector<2000x384xf32> -> vector<2000x384xf32>
    %slice3A_57 = vector.extract_strided_slice %dot_general3A_56 {offsets = [0, 256], sizes = [2000, 128], strides = [1, 1]} : vector<2000x384xf32> to vector<2000x128xf32>
    %sqrt3A = math.sqrt %slice3A_57 : vector<2000x128xf32>
    %concatenate3A_58 = tpu.concatenate %sqrt3A, %sqrt3A in 1 : vector<2000x128xf32>, vector<2000x128xf32> -> vector<2000x256xf32>
    %slice3A_59 = vector.extract_strided_slice %dot_general3A_56 {offsets = [0, 0], sizes = [2000, 256], strides = [1, 1]} : vector<2000x384xf32> to vector<2000x256xf32>
    %add3A = arith.addf %dot_general3A_51, %slice3A_59 : vector<2000x256xf32>
    %get3A_60 = arith.constant 0 : index
    %get3A_61 = arith.constant 0 : index
    %get3A_62 = vector.load %arg5[%get3A_60, %get3A_61] : memref<1x256xf32, #tpu.memory_space<vmem>>, vector<1x256xf32>
    %mul3A_63 = vector.broadcast %get3A_62 : vector<1x256xf32> to vector<2000x256xf32>
    %mul3A_64 = arith.mulf %concatenate3A_58, %mul3A_63 : vector<2000x256xf32>
    %add3A_65 = arith.addf %add3A, %mul3A_64 : vector<2000x256xf32>
    %get3A_66 = arith.constant 0 : index
    %get3A_67 = arith.constant 0 : index
    %get3A_68 = vector.load %arg6[%get3A_66, %get3A_67] : memref<1x256xf32, #tpu.memory_space<vmem>>, vector<1x256xf32>
    %add3A_69 = vector.broadcast %get3A_68 : vector<1x256xf32> to vector<2000x256xf32>
    %add3A_70 = arith.addf %add3A_65, %add3A_69 : vector<2000x256xf32>
    %max3A = arith.constant 0.000000e+00 : f32
    %max3A_71 = vector.broadcast %max3A : f32 to vector<2000x256xf32>
    %max3A_72 = arith.maximumf %add3A_70, %max3A_71 : vector<2000x256xf32>
    %convert_element_type3A_73 = arith.truncf %max3A_72 : vector<2000x256xf32> to vector<2000x256xbf16>
    %get3A_74 = arith.constant 0 : index
    %get3A_75 = arith.constant 0 : index
    %get3A_76 = vector.load %arg7[%get3A_74, %get3A_75] : memref<256x256xbf16, #tpu.memory_space<vmem>>, vector<256x256xbf16>
    %dot_general3A_77 = arith.constant dense<0.000000e+00> : vector<2000x256xf32>
    %dot_general3A_78 = tpu.matmul %convert_element_type3A_73, %get3A_76, %dot_general3A_77 {dimension_numbers = #tpu.dot_dimension_numbers<[1], [0], [0], [1], [0, 0, 1, 1], [], []>, transpose_lhs_hint = false} : vector<2000x256xbf16>, vector<256x256xbf16>, vector<2000x256xf32> -> vector<2000x256xf32>
    %get3A_79 = arith.constant 0 : index
    %get3A_80 = arith.constant 0 : index
    %get3A_81 = vector.load %arg8[%get3A_79, %get3A_80] : memref<1x256xf32, #tpu.memory_space<vmem>>, vector<1x256xf32>
    %add3A_82 = vector.broadcast %get3A_81 : vector<1x256xf32> to vector<2000x256xf32>
    %add3A_83 = arith.addf %dot_general3A_78, %add3A_82 : vector<2000x256xf32>
    %slice3A_84 = vector.extract_strided_slice %add3A_83 {offsets = [0, 128], sizes = [2000, 128], strides = [1, 1]} : vector<2000x256xf32> to vector<2000x128xf32>
    %logistic3A = arith.negf %slice3A_84 : vector<2000x128xf32>
    %logistic3A_85 = math.exp %logistic3A : vector<2000x128xf32>
    %logistic3A_86 = arith.constant 1.000000e+00 : f32
    %logistic3A_87 = vector.broadcast %logistic3A_86 : f32 to vector<2000x128xf32>
    %logistic3A_88 = arith.addf %logistic3A_87, %logistic3A_85 : vector<2000x128xf32>
    %logistic3A_89 = arith.divf %logistic3A_87, %logistic3A_88 : vector<2000x128xf32>
    %slice3A_90 = vector.extract_strided_slice %add3A_83 {offsets = [0, 0], sizes = [2000, 128], strides = [1, 1]} : vector<2000x256xf32> to vector<2000x128xf32>
    %mul3A_91 = arith.mulf %logistic3A_89, %slice3A_90 : vector<2000x128xf32>
    %swap3A = arith.constant 0 : index
    %swap3A_92 = arith.constant 0 : index
    %swap3A_93 = vector.load %arg9[%swap3A, %swap3A_92] : memref<2000x128xf32, #tpu.memory_space<vmem>>, vector<2000x128xf32>
    tpu.vector_store %arg9[%swap3A, %swap3A_92], %mul3A_91 {strides = array<i32>} : memref<2000x128xf32, #tpu.memory_space<vmem>>, vector<2000x128xf32>,
    return
  }
  func.func @transform_0(%arg0: i32) -> (i32, i32) {
    %c0_i32 = arith.constant 0 : i32
    %c0_i32_0 = arith.constant 0 : i32
    return %arg0, %c0_i32 : i32, i32
  }
  func.func @transform_1(%arg0: i32) -> (i32, i32) {
    %c0_i32 = arith.constant 0 : i32
    %c0_i32_0 = arith.constant 0 : i32
    return %arg0, %c0_i32 : i32, i32
  }
  func.func @transform_2(%arg0: i32) -> (i32, i32) {
    %c0_i32 = arith.constant 0 : i32
    %c0_i32_0 = arith.constant 0 : i32
    %c0_i32_1 = arith.constant 0 : i32
    return %c0_i32, %c0_i32_0 : i32, i32
  }
  func.func @transform_3(%arg0: i32) -> (i32, i32) {
    %c0_i32 = arith.constant 0 : i32
    %c0_i32_0 = arith.constant 0 : i32
    %c0_i32_1 = arith.constant 0 : i32
    return %c0_i32, %c0_i32_0 : i32, i32
  }
  func.func @transform_4(%arg0: i32) -> (i32, i32) {
    %c0_i32 = arith.constant 0 : i32
    %c0_i32_0 = arith.constant 0 : i32
    %c0_i32_1 = arith.constant 0 : i32
    return %c0_i32, %c0_i32_0 : i32, i32
  }
  func.func @transform_5(%arg0: i32) -> (i32, i32) {
    %c0_i32 = arith.constant 0 : i32
    %c0_i32_0 = arith.constant 0 : i32
    %c0_i32_1 = arith.constant 0 : i32
    return %c0_i32, %c0_i32_0 : i32, i32
  }
  func.func @transform_6(%arg0: i32) -> (i32, i32) {
    %c0_i32 = arith.constant 0 : i32
    %c0_i32_0 = arith.constant 0 : i32
    %c0_i32_1 = arith.constant 0 : i32
    return %c0_i32, %c0_i32_0 : i32, i32
  }
  func.func @transform_7(%arg0: i32) -> (i32, i32) {
    %c0_i32 = arith.constant 0 : i32
    %c0_i32_0 = arith.constant 0 : i32
    %c0_i32_1 = arith.constant 0 : i32
    return %c0_i32, %c0_i32_0 : i32, i32
  }
  func.func @transform_8(%arg0: i32) -> (i32, i32) {
    %c0_i32 = arith.constant 0 : i32
    %c0_i32_0 = arith.constant 0 : i32
    return %arg0, %c0_i32 : i32, i32
  }
}

module attributes {stable_mosaic.version = 14 : i64} {
  func.func @_world_body(%arg0: memref<10000x128xf32, #tpu.memory_space<vmem>>, %arg1: memref<1x128xf32, #tpu.memory_space<vmem>>, %arg2: memref<128x128xf32, #tpu.memory_space<vmem>>, %arg3: memref<128x128xf32, #tpu.memory_space<vmem>>, %arg4: memref<1x128xf32, #tpu.memory_space<vmem>>, %arg5: memref<128x128xf32, #tpu.memory_space<vmem>>, %arg6: memref<1x128xf32, #tpu.memory_space<vmem>>, %arg7: memref<1x128xf32, #tpu.memory_space<vmem>>) attributes {dimension_semantics = [], scalar_prefetch = 0 : i64, scratch_operands = 0 : i64, tpu.core_type = #tpu.core_type<tc>} {
    %get3A = arith.constant 0 : index
    %get3A_0 = arith.constant 0 : index
    %get3A_1 = vector.load %arg0[%get3A, %get3A_0] : memref<10000x128xf32, #tpu.memory_space<vmem>>, vector<10000x128xf32>
    %get3A_2 = arith.constant 0 : index
    %get3A_3 = arith.constant 0 : index
    %get3A_4 = vector.load %arg1[%get3A_2, %get3A_3] : memref<1x128xf32, #tpu.memory_space<vmem>>, vector<1x128xf32>
    %get3A_5 = arith.constant 0 : index
    %get3A_6 = arith.constant 0 : index
    %get3A_7 = vector.load %arg3[%get3A_5, %get3A_6] : memref<128x128xf32, #tpu.memory_space<vmem>>, vector<128x128xf32>
    %dot_general3A = arith.constant dense<0.000000e+00> : vector<1x128xf32>
    %dot_general3A_8 = tpu.matmul %get3A_4, %get3A_7, %dot_general3A {dimension_numbers = #tpu.dot_dimension_numbers<[1], [0], [0], [1], [0, 0, 1, 1], [], []>, transpose_lhs_hint = false} : vector<1x128xf32>, vector<128x128xf32>, vector<1x128xf32> -> vector<1x128xf32>
    %get3A_9 = arith.constant 0 : index
    %get3A_10 = arith.constant 0 : index
    %get3A_11 = vector.load %arg2[%get3A_9, %get3A_10] : memref<128x128xf32, #tpu.memory_space<vmem>>, vector<128x128xf32>
    %dot_general3A_12 = arith.constant dense<0.000000e+00> : vector<10000x128xf32>
    %dot_general3A_13 = tpu.matmul %get3A_1, %get3A_11, %dot_general3A_12 {dimension_numbers = #tpu.dot_dimension_numbers<[1], [0], [0], [1], [0, 0, 1, 1], [], []>, transpose_lhs_hint = false} : vector<10000x128xf32>, vector<128x128xf32>, vector<10000x128xf32> -> vector<10000x128xf32>
    %slice3A = vector.extract_strided_slice %get3A_1 {offsets = [0, 0], sizes = [10000, 1], strides = [1, 1]} : vector<10000x128xf32> to vector<10000x1xf32>
    %get3A_14 = arith.constant 0 : index
    %get3A_15 = arith.constant 0 : index
    %get3A_16 = vector.load %arg3[%get3A_14, %get3A_15] : memref<128x128xf32, #tpu.memory_space<vmem>>, vector<1x128xf32>
    %mul3A = vector.broadcast %slice3A : vector<10000x1xf32> to vector<10000x128xf32>
    %mul3A_17 = vector.broadcast %get3A_16 : vector<1x128xf32> to vector<10000x128xf32>
    %mul3A_18 = arith.mulf %mul3A, %mul3A_17 : vector<10000x128xf32>
    %add3A = arith.addf %dot_general3A_13, %mul3A_18 : vector<10000x128xf32>
    %slice3A_19 = vector.extract_strided_slice %get3A_1 {offsets = [0, 1], sizes = [10000, 1], strides = [1, 1]} : vector<10000x128xf32> to vector<10000x1xf32>
    %get3A_20 = arith.constant 1 : index
    %get3A_21 = arith.constant 0 : index
    %get3A_22 = vector.load %arg3[%get3A_20, %get3A_21] : memref<128x128xf32, #tpu.memory_space<vmem>>, vector<1x128xf32>
    %mul3A_23 = vector.broadcast %slice3A_19 : vector<10000x1xf32> to vector<10000x128xf32>
    %mul3A_24 = vector.broadcast %get3A_22 : vector<1x128xf32> to vector<10000x128xf32>
    %mul3A_25 = arith.mulf %mul3A_23, %mul3A_24 : vector<10000x128xf32>
    %add3A_26 = arith.addf %add3A, %mul3A_25 : vector<10000x128xf32>
    %slice3A_27 = vector.extract_strided_slice %get3A_1 {offsets = [0, 2], sizes = [10000, 1], strides = [1, 1]} : vector<10000x128xf32> to vector<10000x1xf32>
    %get3A_28 = arith.constant 2 : index
    %get3A_29 = arith.constant 0 : index
    %get3A_30 = vector.load %arg3[%get3A_28, %get3A_29] : memref<128x128xf32, #tpu.memory_space<vmem>>, vector<1x128xf32>
    %mul3A_31 = vector.broadcast %slice3A_27 : vector<10000x1xf32> to vector<10000x128xf32>
    %mul3A_32 = vector.broadcast %get3A_30 : vector<1x128xf32> to vector<10000x128xf32>
    %mul3A_33 = arith.mulf %mul3A_31, %mul3A_32 : vector<10000x128xf32>
    %add3A_34 = arith.addf %add3A_26, %mul3A_33 : vector<10000x128xf32>
    %sub3A = vector.broadcast %dot_general3A_8 : vector<1x128xf32> to vector<10000x128xf32>
    %sub3A_35 = arith.subf %add3A_34, %sub3A : vector<10000x128xf32>
    %get3A_36 = arith.constant 0 : index
    %get3A_37 = arith.constant 0 : index
    %get3A_38 = vector.load %arg4[%get3A_36, %get3A_37] : memref<1x128xf32, #tpu.memory_space<vmem>>, vector<1x128xf32>
    %add3A_39 = vector.broadcast %get3A_38 : vector<1x128xf32> to vector<10000x128xf32>
    %add3A_40 = arith.addf %sub3A_35, %add3A_39 : vector<10000x128xf32>
    %max3A = arith.constant 0.000000e+00 : f32
    %max3A_41 = vector.broadcast %max3A : f32 to vector<10000x128xf32>
    %max3A_42 = arith.maximumf %add3A_40, %max3A_41 : vector<10000x128xf32>
    %get3A_43 = arith.constant 0 : index
    %get3A_44 = arith.constant 0 : index
    %get3A_45 = vector.load %arg5[%get3A_43, %get3A_44] : memref<128x128xf32, #tpu.memory_space<vmem>>, vector<128x128xf32>
    %dot_general3A_46 = arith.constant dense<0.000000e+00> : vector<10000x128xf32>
    %dot_general3A_47 = tpu.matmul %max3A_42, %get3A_45, %dot_general3A_46 {dimension_numbers = #tpu.dot_dimension_numbers<[1], [0], [0], [1], [0, 0, 1, 1], [], []>, transpose_lhs_hint = false} : vector<10000x128xf32>, vector<128x128xf32>, vector<10000x128xf32> -> vector<10000x128xf32>
    %get3A_48 = arith.constant 0 : index
    %get3A_49 = arith.constant 0 : index
    %get3A_50 = vector.load %arg6[%get3A_48, %get3A_49] : memref<1x128xf32, #tpu.memory_space<vmem>>, vector<1x128xf32>
    %add3A_51 = vector.broadcast %get3A_50 : vector<1x128xf32> to vector<10000x128xf32>
    %add3A_52 = arith.addf %dot_general3A_47, %add3A_51 : vector<10000x128xf32>
    %reduce_sum3A = arith.constant dense<0.000000e+00> : vector<128xf32>
    %reduce_sum3A_53 = vector.multi_reduction <add>, %add3A_52, %reduce_sum3A [0] : vector<10000x128xf32> to vector<128xf32>
    %broadcast_in_dim3A = vector.shape_cast %reduce_sum3A_53 : vector<128xf32> to vector<1x128xf32>
    %swap3A = arith.constant 0 : index
    %swap3A_54 = arith.constant 0 : index
    %swap3A_55 = vector.load %arg7[%swap3A, %swap3A_54] : memref<1x128xf32, #tpu.memory_space<vmem>>, vector<1x128xf32>
    tpu.vector_store %arg7[%swap3A, %swap3A_54], %broadcast_in_dim3A {strides = array<i32>} : memref<1x128xf32, #tpu.memory_space<vmem>>, vector<1x128xf32>,
    return
  }
}

module attributes {stable_mosaic.version = 14 : i64} {
  func.func @_node_body(%arg0: i32, %arg1: memref<1000x128xf32, #tpu.memory_space<vmem>>, %arg2: memref<1000x128xf32, #tpu.memory_space<vmem>>, %arg3: memref<1000x128xf32, #tpu.memory_space<vmem>>, %arg4: memref<1x128xf32, #tpu.memory_space<vmem>>, %arg5: memref<128x128xf32, #tpu.memory_space<vmem>>, %arg6: memref<128x128xf32, #tpu.memory_space<vmem>>, %arg7: memref<1x128xf32, #tpu.memory_space<vmem>>, %arg8: memref<128x128xf32, #tpu.memory_space<vmem>>, %arg9: memref<1x128xf32, #tpu.memory_space<vmem>>, %arg10: memref<1000x128xf32, #tpu.memory_space<vmem>>) attributes {dimension_semantics = [#tpu.dimension_semantics<arbitrary>], iteration_bounds = array<i64: 10>, scalar_prefetch = 0 : i64, scratch_operands = 0 : i64, tpu.core_type = #tpu.core_type<tc>, window_params = [{transform_indices = @transform_0, window_bounds = array<i64: 1000, 128>}, {transform_indices = @transform_1, window_bounds = array<i64: 1000, 128>}, {transform_indices = @transform_2, window_bounds = array<i64: 1000, 128>}, {pipeline_mode = #tpu.pipeline_mode<synchronous>, transform_indices = @transform_3, window_bounds = array<i64: 1, 128>}, {pipeline_mode = #tpu.pipeline_mode<synchronous>, transform_indices = @transform_4, window_bounds = array<i64: 128, 128>}, {pipeline_mode = #tpu.pipeline_mode<synchronous>, transform_indices = @transform_5, window_bounds = array<i64: 128, 128>}, {pipeline_mode = #tpu.pipeline_mode<synchronous>, transform_indices = @transform_6, window_bounds = array<i64: 1, 128>}, {pipeline_mode = #tpu.pipeline_mode<synchronous>, transform_indices = @transform_7, window_bounds = array<i64: 128, 128>}, {pipeline_mode = #tpu.pipeline_mode<synchronous>, transform_indices = @transform_8, window_bounds = array<i64: 1, 128>}, {transform_indices = @transform_9, window_bounds = array<i64: 1000, 128>}]} {
    %get3A = arith.constant 0 : index
    %get3A_0 = arith.constant 0 : index
    %get3A_1 = vector.load %arg1[%get3A, %get3A_0] : memref<1000x128xf32, #tpu.memory_space<vmem>>, vector<1000x128xf32>
    %get3A_2 = arith.constant 0 : index
    %get3A_3 = arith.constant 0 : index
    %get3A_4 = vector.load %arg2[%get3A_2, %get3A_3] : memref<1000x128xf32, #tpu.memory_space<vmem>>, vector<1000x128xf32>
    %get3A_5 = arith.constant 0 : index
    %get3A_6 = arith.constant 0 : index
    %get3A_7 = vector.load %arg3[%get3A_5, %get3A_6] : memref<1000x128xf32, #tpu.memory_space<vmem>>, vector<1000x128xf32>
    %add3A = arith.addf %get3A_4, %get3A_7 : vector<1000x128xf32>
    %get3A_8 = arith.constant 0 : index
    %get3A_9 = arith.constant 0 : index
    %get3A_10 = vector.load %arg4[%get3A_8, %get3A_9] : memref<1x128xf32, #tpu.memory_space<vmem>>, vector<1x128xf32>
    %add3A_11 = vector.broadcast %get3A_10 : vector<1x128xf32> to vector<1000x128xf32>
    %add3A_12 = arith.addf %add3A, %add3A_11 : vector<1000x128xf32>
    %get3A_13 = arith.constant 0 : index
    %get3A_14 = arith.constant 0 : index
    %get3A_15 = vector.load %arg5[%get3A_13, %get3A_14] : memref<128x128xf32, #tpu.memory_space<vmem>>, vector<128x128xf32>
    %dot_general3A = arith.constant dense<0.000000e+00> : vector<1000x128xf32>
    %dot_general3A_16 = tpu.matmul %get3A_1, %get3A_15, %dot_general3A {dimension_numbers = #tpu.dot_dimension_numbers<[1], [0], [0], [1], [0, 0, 1, 1], [], []>, transpose_lhs_hint = false} : vector<1000x128xf32>, vector<128x128xf32>, vector<1000x128xf32> -> vector<1000x128xf32>
    %get3A_17 = arith.constant 0 : index
    %get3A_18 = arith.constant 0 : index
    %get3A_19 = vector.load %arg6[%get3A_17, %get3A_18] : memref<128x128xf32, #tpu.memory_space<vmem>>, vector<128x128xf32>
    %dot_general3A_20 = arith.constant dense<0.000000e+00> : vector<1000x128xf32>
    %dot_general3A_21 = tpu.matmul %add3A_12, %get3A_19, %dot_general3A_20 {dimension_numbers = #tpu.dot_dimension_numbers<[1], [0], [0], [1], [0, 0, 1, 1], [], []>, transpose_lhs_hint = false} : vector<1000x128xf32>, vector<128x128xf32>, vector<1000x128xf32> -> vector<1000x128xf32>
    %add3A_22 = arith.addf %dot_general3A_16, %dot_general3A_21 : vector<1000x128xf32>
    %get3A_23 = arith.constant 0 : index
    %get3A_24 = arith.constant 0 : index
    %get3A_25 = vector.load %arg7[%get3A_23, %get3A_24] : memref<1x128xf32, #tpu.memory_space<vmem>>, vector<1x128xf32>
    %add3A_26 = vector.broadcast %get3A_25 : vector<1x128xf32> to vector<1000x128xf32>
    %add3A_27 = arith.addf %add3A_22, %add3A_26 : vector<1000x128xf32>
    %max3A = arith.constant 0.000000e+00 : f32
    %max3A_28 = vector.broadcast %max3A : f32 to vector<1000x128xf32>
    %max3A_29 = arith.maximumf %add3A_27, %max3A_28 : vector<1000x128xf32>
    %get3A_30 = arith.constant 0 : index
    %get3A_31 = arith.constant 0 : index
    %get3A_32 = vector.load %arg8[%get3A_30, %get3A_31] : memref<128x128xf32, #tpu.memory_space<vmem>>, vector<128x128xf32>
    %dot_general3A_33 = arith.constant dense<0.000000e+00> : vector<1000x128xf32>
    %dot_general3A_34 = tpu.matmul %max3A_29, %get3A_32, %dot_general3A_33 {dimension_numbers = #tpu.dot_dimension_numbers<[1], [0], [0], [1], [0, 0, 1, 1], [], []>, transpose_lhs_hint = false} : vector<1000x128xf32>, vector<128x128xf32>, vector<1000x128xf32> -> vector<1000x128xf32>
    %get3A_35 = arith.constant 0 : index
    %get3A_36 = arith.constant 0 : index
    %get3A_37 = vector.load %arg9[%get3A_35, %get3A_36] : memref<1x128xf32, #tpu.memory_space<vmem>>, vector<1x128xf32>
    %add3A_38 = vector.broadcast %get3A_37 : vector<1x128xf32> to vector<1000x128xf32>
    %add3A_39 = arith.addf %dot_general3A_34, %add3A_38 : vector<1000x128xf32>
    %swap3A = arith.constant 0 : index
    %swap3A_40 = arith.constant 0 : index
    %swap3A_41 = vector.load %arg10[%swap3A, %swap3A_40] : memref<1000x128xf32, #tpu.memory_space<vmem>>, vector<1000x128xf32>
    tpu.vector_store %arg10[%swap3A, %swap3A_40], %add3A_39 {strides = array<i32>} : memref<1000x128xf32, #tpu.memory_space<vmem>>, vector<1000x128xf32>,
    return
  }
  func.func @transform_0(%arg0: i32) -> (i32, i32) {
    %c0_i32 = arith.constant 0 : i32
    %c0_i32_0 = arith.constant 0 : i32
    return %arg0, %c0_i32 : i32, i32
  }
  func.func @transform_1(%arg0: i32) -> (i32, i32) {
    %c0_i32 = arith.constant 0 : i32
    %c0_i32_0 = arith.constant 0 : i32
    return %arg0, %c0_i32 : i32, i32
  }
  func.func @transform_2(%arg0: i32) -> (i32, i32) {
    %c0_i32 = arith.constant 0 : i32
    %c0_i32_0 = arith.constant 0 : i32
    return %arg0, %c0_i32 : i32, i32
  }
  func.func @transform_3(%arg0: i32) -> (i32, i32) {
    %c0_i32 = arith.constant 0 : i32
    %c0_i32_0 = arith.constant 0 : i32
    %c0_i32_1 = arith.constant 0 : i32
    return %c0_i32, %c0_i32_0 : i32, i32
  }
  func.func @transform_4(%arg0: i32) -> (i32, i32) {
    %c0_i32 = arith.constant 0 : i32
    %c0_i32_0 = arith.constant 0 : i32
    %c0_i32_1 = arith.constant 0 : i32
    return %c0_i32, %c0_i32_0 : i32, i32
  }
  func.func @transform_5(%arg0: i32) -> (i32, i32) {
    %c0_i32 = arith.constant 0 : i32
    %c0_i32_0 = arith.constant 0 : i32
    %c0_i32_1 = arith.constant 0 : i32
    return %c0_i32, %c0_i32_0 : i32, i32
  }
  func.func @transform_6(%arg0: i32) -> (i32, i32) {
    %c0_i32 = arith.constant 0 : i32
    %c0_i32_0 = arith.constant 0 : i32
    %c0_i32_1 = arith.constant 0 : i32
    return %c0_i32, %c0_i32_0 : i32, i32
  }
  func.func @transform_7(%arg0: i32) -> (i32, i32) {
    %c0_i32 = arith.constant 0 : i32
    %c0_i32_0 = arith.constant 0 : i32
    %c0_i32_1 = arith.constant 0 : i32
    return %c0_i32, %c0_i32_0 : i32, i32
  }
  func.func @transform_8(%arg0: i32) -> (i32, i32) {
    %c0_i32 = arith.constant 0 : i32
    %c0_i32_0 = arith.constant 0 : i32
    %c0_i32_1 = arith.constant 0 : i32
    return %c0_i32, %c0_i32_0 : i32, i32
  }
  func.func @transform_9(%arg0: i32) -> (i32, i32) {
    %c0_i32 = arith.constant 0 : i32
    %c0_i32_0 = arith.constant 0 : i32
    return %arg0, %c0_i32 : i32, i32
  }
}

</mosaic_0001>

<sc_bundles>
// kernel: kernel.16.cloned.1.call-start
scs
__scs_entry_jumppad:
0x0: {  	(pc) =	sbr.rel $0x88, $3  }
0x1: {  	(tag) =	ssettag $0x0;
	lr =	simm.s32 $0x1  }
0x2: {  	[smem:$0x3F8E] =	sst lr;
	_ =	strace $0xD0000000  }
0x3: {  	_ = 	snop  }
0x4: {  	_ = 	snop  }
0x5: {  	_ = 	snop  }
0x6: {  	_ = 	snop  }
0x7: {  	_ = 	snop  }
__scs_overlays_trampoline_lowered:
0x8: {  	[smem:$0x3F9D] =	sst s0  }
0x9: {  	[smem:$0x3F9E] =	sst s1  }
0xa: {  	[smem:$0x3F9F] =	sst s2  }
0xb: {  	[smem:$0x3FA0] =	sst s3  }
0xc: {  	[smem:$0x3FA1] =	sst s4  }
0xd: {  	[smem:$0x3FA2] =	sst s5  }
0xe: {  	[smem:$0x3FA3] =	sst s6  }
0xf: {  	[smem:$0x3FA4] =	sst s7  }
0x10: {  	[smem:$0x3FA5] =	sst s8  }
0x11: {  	[smem:$0x3FA6] =	sst s9;
	s0 =	simm.s32 @!p0 $0x0  }
0x12: {  	s1 =	sld [smem:$0x3F8C];
	s0 =	simm.s32 @p0 $0x1  }
0x13: {  	[smem:$0x3FA7] =	sst s0;
	s0 =	simm.s32 @!p1 $0x0  }
0x14: {  	s2 =	sld [smem:$0x3F8B];
	s0 =	simm.s32 @p1 $0x1  }
0x15: {  	[smem:$0x3FA8] =	sst s0;
	s0 =	simm.s32 @!p2 $0x0  }
0x16: {  	s3 =	sld [smem:$0x3FDB];
	s0 =	simm.s32 @p2 $0x1  }
0x17: {  	s4 =	simm.s32 $0x1BF5;
	[smem:$0x3FAA] =	sst s0  }
0x18: {  	s0 =	sld [smem:$0x3F8D];
	_ =	swait.ge [sflag:s4], $0x0  }
0x19: {  	s7 =	sld [smem:$0x3F8E]  }
0x1a: {  	s8 =	sadd.s32 $0xFFFFE003, lr  }
0x1b: {  	s9 =	sadd.s32 $0xFFFFFEF7, lr;
	s5 =	simm.s32 $0xFFFFFFFF;
	p2 =	slt.u32 s8, $0xFFFFF086  }
0x1c: {  	p1 =	slt.u32 s9, $0xF7A;
	s5 =	simm.s32 @!p2 $0x0  }
0x1d: {  	s5 =	simm.s32 @p1 $0x1;
	p0 =	seq.s32 s7, s2  }
0x1e: {  	s7 =	smul.u32 @!p0 $0xF7A, s2;
	p2 =	seq.s32 @!p0 s5, $0x0  }
0x1f: {  	s9 =	smul.u32 $0xF7A, s1;
	s8 =	simm.s32 @!p0 $0x1BF5;
	p2 =	por !p2, p0  }
0x20: {  	[sflag:s8] =	ssyncset.s32 @!p0 $0xFFFFF086;
	s6 =	sadd.s32 @!p0 s3, s7;
	s7 =	simm.s32 @!p0 $0x108  }
0x21: {  	s3 =	sadd.s32 s3, s9;
	s6 =	sadd.s32 @!p0 $0x88, s6;
	s7 =	simm.s32 @p2 $0x1082  }
0x22: {  	[simem:s7], [sflag:s8] =	dma.local @!p0 [hbm:s6], $0xF7A  }
0x23: {  	s9 =	sor.u32 $0xD0000000, s2;
	s6 =	simm.s32 $0x108;
	_ =	swait.ge @!p0 [sflag:s8], $0x0  }
0x24: {  	s3 =	sadd.s32 $0x88, s3;
	s6 =	simm.s32 @!p1 $0x1082;
	[sflag:s4] =	ssyncset.s32 $0xFFFFF086  }
0x25: {  	[simem:s6], [sflag:s4] =	dma.local [hbm:s3], $0xF7A  }
0x26: {  	[smem:$0x3F8E] =	sst s1;
	(tag) =	ssettag s2;
	_ =	strace s9  }
0x27: {  	s1 =	sld [smem:$0x3F9E]  }
0x28: {  	s2 =	sld [smem:$0x3F9F]  }
0x29: {  	s4 =	sld [smem:$0x3FA1]  }
0x2a: {  	p0 =	seq.s32 s5, $0x0;
	s5 =	sld [smem:$0x3FA2]  }
0x2b: {  	s6 =	sld [smem:$0x3FA3]  }
0x2c: {  	s7 =	sld [smem:$0x3FA4]  }
0x2d: {  	s3 =	simm.s32 $0x108;
	s8 =	sld [smem:$0x3FA5]  }
0x2e: {  	s3 =	simm.s32 @!p0 $0x1082;
	s9 =	sld [smem:$0x3FA6]  }
0x2f: {  	lr =	sadd.s32 s0, s3;
	s0 =	sld [smem:$0x3F9D]  }
0x30: {  	s3 =	sld [smem:$0x3FA0]  }
0x31: {  	[smem:$0x3FA9] =	sst s10  }
0x32: {  	s10 =	sld [smem:$0x3FA7];
	_ =	sdelay $0x3  }
0x33: {  	p0 =	seq.s32 s10, $0x1;
	s10 =	sld [smem:$0x3FA9];
	_ =	sdelay $0x3  }
0x34: {  	[smem:$0x3FA9] =	sst s10  }
0x35: {  	s10 =	sld [smem:$0x3FA8];
	_ =	sdelay $0x3  }
0x36: {  	p1 =	seq.s32 s10, $0x1;
	s10 =	sld [smem:$0x3FA9];
	_ =	sdelay $0x3  }
0x37: {  	[smem:$0x3FA9] =	sst s10  }
0x38: {  	s10 =	sld [smem:$0x3FAA]  }
0x39: {  	_ = 	snop;
	(pc) =	sbr.ind lr, $3  }
0x3a: {  	_ = 	snop  }
0x3b: {  	_ = 	snop  }
0x3c: {  	p2 =	seq.s32 s10, $0x1;
	s10 =	sld [smem:$0x3FA9]  }
0x3d: {  	_ =	shalt  }
0x3e: {  	_ =	shalt  }
0x3f: {  	_ =	shalt  }
0x40: {  	_ =	shalt  }
0x41: {  	_ =	shalt  }
0x42: {  	_ =	shalt  }
0x43: {  	_ =	shalt  }
0x44: {  	_ =	shalt  }
0x45: {  	_ =	shalt  }
0x46: {  	_ =	shalt  }
0x47: {  	_ =	shalt  }
0x48: {  	_ =	shalt  }
0x49: {  	_ =	shalt  }
0x4a: {  	_ =	shalt  }
0x4b: {  	_ =	shalt  }
0x4c: {  	_ =	shalt  }
0x4d: {  	_ =	shalt  }
0x4e: {  	_ =	shalt  }
0x4f: {  	_ =	shalt  }
0x50: {  	_ =	shalt  }
0x51: {  	_ =	shalt  }
0x52: {  	_ =	shalt  }
0x53: {  	_ =	shalt  }
0x54: {  	_ =	shalt  }
0x55: {  	_ =	shalt  }
0x56: {  	_ =	shalt  }
0x57: {  	_ =	shalt  }
0x58: {  	_ =	shalt  }
0x59: {  	_ =	shalt  }
0x5a: {  	_ =	shalt  }
0x5b: {  	_ =	shalt  }
0x5c: {  	_ =	shalt  }
0x5d: {  	_ =	shalt  }
0x5e: {  	_ =	shalt  }
0x5f: {  	_ =	shalt  }
0x60: {  	_ =	shalt  }
0x61: {  	_ =	shalt  }
0x62: {  	_ =	shalt  }
0x63: {  	_ =	shalt  }
0x64: {  	_ =	shalt  }
0x65: {  	_ =	shalt  }
0x66: {  	_ =	shalt  }
0x67: {  	_ =	shalt  }
0x68: {  	_ =	shalt  }
0x69: {  	_ =	shalt  }
0x6a: {  	_ =	shalt  }
0x6b: {  	_ =	shalt  }
0x6c: {  	_ =	shalt  }
0x6d: {  	_ =	shalt  }
0x6e: {  	_ =	shalt  }
0x6f: {  	_ =	shalt  }
0x70: {  	_ =	shalt  }
0x71: {  	_ =	shalt  }
0x72: {  	_ =	shalt  }
0x73: {  	_ =	shalt  }
0x74: {  	_ =	shalt  }
0x75: {  	_ =	shalt  }
0x76: {  	_ =	shalt  }
0x77: {  	_ =	shalt  }
0x78: {  	_ =	shalt  }
0x79: {  	_ =	shalt  }
0x7a: {  	_ =	shalt  }
0x7b: {  	_ =	shalt  }
0x7c: {  	_ =	shalt  }
0x7d: {  	_ =	shalt  }
0x7e: {  	_ =	shalt  }
0x7f: {  	_ =	shalt  }
0x80: {  	_ =	shalt  }
0x81: {  	_ =	shalt  }
0x82: {  	_ =	shalt  }
0x83: {  	_ =	shalt  }
0x84: {  	_ =	shalt  }
0x85: {  	_ =	shalt  }
0x86: {  	_ =	shalt  }
0x87: {  	_ =	shalt  }
.Lfunc_end0:
.L_simem_size_0:
called_computation_lowered:
.L_overlay_start_0:
0x88: {  	s2 =	sld [smem:$0x3FD9]  }
0x89: {  	s3 =	sld [smem:$0x3FFE];
	_ =	sdelay $0x1  }
0x8a: {  	s1 =	srdreg.scid  }
0x8b: {  	s0 =	sand.u32 $0x1, s1  }
0x8c: {  	s17 =	sshll.u32 s0, $0xA;
	s2 =	sadd.s32 s3, s2  }
0x8d: {  	s2 =	sadd.s32 s2, s17  }
0x8e: {  	[smem:$0x3FB5] =	sst s2  }
0x8f: {  	_ = 	snop  }
0x90: {  	s2 =	sld [smem:$0x3FC9];
	(tm) =	ssettm $0x1  }
0x91: {  	s18 =	sld [smem:$0x3FFB];
	_ =	sdelay $0x3  }
0x92: {  	_ =	strace s18  }
0x93: {  	s3 =	sld [smem:$0x3FFC];
	_ =	sdelay $0x3  }
0x94: {  	_ =	strace s3  }
0x95: {  	s3 =	sld [smem:$0x3FFD];
	_ =	sdelay $0x3  }
0x96: {  	_ =	strace s3  }
0x97: {  	_ =	strace $0x8FFFFFFF  }
0x98: {  	s19 =	sld [smem:$0x3FDB];
	_ =	sdelay $0x1  }
0x99: {  	s4 =	simm.s32 $_scs_section_size  }
0x9a: {  	s5 =	simm.s32 $_size__tile_overlayer_lowered;
	s6 =	simm.s32 $_tile_overlayer_lowered  }
0x9b: {  	s22 =	simm.s32 $0x1BFF;
	s21 =	sshll.u32 s6, $0x1;
	s3 =	sadd.s32 s4, s19  }
0x9c: {  	s7 =	simm.s32 $0x0;
	s20 =	sshll.u32 s5, $0x1;
	s5 =	sadd.s32 s21, s3  }
0x9d: {  	[timem:s7], [sflag:s22] =	dma.local [hbm:s5], s20  }
0x9e: {  	_ =	swait.ge [sflag:s22], s20  }
0x9f: {  	s4 =	ssub.s32 $0x0, s20;
	[sflag:s22] =	ssyncset.done $0x0  }
0xa0: {  	[sflag:s22] =	ssyncadd.s32 s4;
	_ =	sdelay $0x1  }
0xa1: {  	s23 =	simm.s32 $0x1B8B  }
0xa2: {  	_ =	swait.ge [sflag:s23], $0x1  }
0xa3: {  	[sflag:s23] =	ssyncset.done $0x0  }
0xa4: {  	s25 =	simm.s32 $0x1B8E;
	s24 =	sld [smem:$0x3FFE];
	[sflag:s23] =	ssyncadd.s32 $0xFFFFFFFF  }
0xa5: {  	s26 =	simm.s32 $execute0_lowered;
	[smem:$0x3FD2] =	sst s25  }
0xa6: {  	s5 =	sshll.u32 s26, $0x1;
	_ =	strace $0x80000046;
	[dreg:$0x1] =	wrdreg $0xFFFFFFFF  }
0xa7: {  	s28 =	simm.s32 $_size_execute0_lowered;
	s3 =	sadd.s32 s3, s5;
	[dreg:$0x0] =	wrdreg $0x0  }
0xa8: {  	s5 =	sshll.u32 s28, $0x1;
	[dreg:$0x2] =	wrdreg s3  }
0xa9: {  	[dreg:$0x3] =	wrdreg s5  }
0xaa: {  	[dreg:$0x4] =	wrdreg $0xC0  }
0xab: {  	_ =	task [dreg:s7], $0x5FFFF  }
0xac: {  	[dreg:$0x1] =	wrdreg $0xFFFFFFFF  }
0xad: {  	[dreg:$0x0] =	wrdreg $0x60  }
0xae: {  	[dreg:$0x2] =	wrdreg s2  }
0xaf: {  	[dreg:$0x3] =	wrdreg s24  }
0xb0: {  	[dreg:$0x4] =	wrdreg $0xB  }
0xb1: {  	_ =	task.clear_ibuf [dreg:s7], $0x5FFFF;
	_ =	strace $0x90000046  }
0xb2: {  	s29 =	simm.s32 $0xB;
	_ =	strace $0x80000048  }
0xb3: {  	_ =	swait.ge [sflag:s29], $0x1  }
0xb4: {  	[sflag:s29] =	ssyncadd.s32 $0xFFFFFFFF  }
0xb5: {  	_ =	strace $0x90000048  }
0xb6: {  	_ =	sfence  }
0xb7: {  	s30 =	sld [smem:$0x0];
	_ =	sdelay $0x2  }
0xb8: {  	s31 =	sshll.u32 s1, $0xD;
	s1 =	sshrl.u32 s1, $0x2  }
0xb9: {  	s3 =	sand.u32 $0x4000, s31;
	s1 =	sadd.s32 s1, s30  }
0xba: {  	s0 =	sor.u32 s3, s0;
	s1 =	sshll.u32 s1, $0x11  }
0xbb: {  	s0 =	sor.u32 s1, s0  }
0xbc: {  	s0 =	sadd.s32 $0x8F2B, s0  }
0xbd: {  	[sflag:s0] =	ssyncadd.remote.s32 $0x1  }
0xbe: {  	_ =	sfence.sel $0xFFFF  }
0xbf: {  	[dreg:$0x0] =	wrdreg $0xFFFFFFFF;
	(pc) =	sbr.abs _section_cstart, $3  }
0xc0: {  	[dreg:$0x1] =	wrdreg $0xFFFFFFFF  }
0xc1: {  	_ =	task.clear_ibuf [dreg:s7], $0x2FFFF;
	_ =	strace $0x9FFFFFFF  }
0xc2: {  	(tm) =	ssettm $0x7FFFFFFF  }
0xc3: {  	_ =	shalt  }
tec
execute0_lowered:
.L_overlay_start_1:
0x0: {  	(tag) =	ssettag $0x1  }
0x1: {  	s1 =	rddreg [dreg:$0x0]  }
0x2: {  	s4 =	rddreg [dreg:$0x1]  }
0x3: {  	s0 =	rddreg [dreg:$0x2];
	s3 =	simm.s32 $0x0;
	s5 =	srdreg.scid  }
0x4: {  	s2 =	stileid.u32;
	s14 =	simm.s32 $0x2000;
	s15 =	simm.s32 $0x7000  }
0x5: {  	s16 =	simm.s32 $0x4800;
	s17 =	simm.s32 $0x9800;
	s18 =	simm.s32 $0x1  }
0x6: {  	s19 =	simm.s32 $0x3;
	s20 =	simm.s32 $0x2;
	s21 =	simm.s32 $0x4  }
0x7: {  	s22 =	simm.s32 $0x0;
	[smem:$0x7FF] =	sst s3;
	s7 =	sand.u32 $0x1, s5  }
0x8: {  	s29 =	sshll.u32 s2, $0x1;
	s9 =	sadd.s32 $0xF000, s4;
	s11 =	sadd.s32 $0x109000, s4  }
0x9: {  	s12 =	smul.u32 $0xFA00, s2;
	_ =	strace $0x80000047;
	s5 =	sor.u32 s7, s29  }
0xa: {  	s8 =	ssub.s32 $0x2, s7;
	s6 =	sshll.u32 s5, $0x9;
	s5 =	smul.u32 $0x3E800, s5  }
0xb: {  	s13 =	smul.u32 $0x7D00, s7;
	s10 =	sshrl.u32 s8, $0x1;
	s31 =	sadd.s32 s12, s11  }
0xc: {  	s6 =	sadd.s32 s6, s4;
	s8 =	ssub.s32 s8, s10;
	s5 =	sshrl.u32 s5, $0x3  }
0xd: {  	s10 =	sadd.s32 s13, s31;
	s4 =	sadd.s32 $0xB000, s6;
	s30 =	sadd.s32 $0x7800, s5  }
0xe: {  	s8 =	smax.u32 s8, $0x1;
	s5 =	sadd.s32 $0x7000, s6;
	s6 =	sadd.s32 s9, s30  }
0xf: {  	s7 =	sadd.s32 s11, s30;
	s9 =	sadd.s32 s12, s9;
	s11 =	simm.s32 $0x5  }
0x10: {  	s12 =	simm.s32 $0x1000;
	s9 =	sadd.s32 s13, s9;
	s13 =	simm.s32 $0x50  }
.LBB2_1:
0x11: {  	[tilespmem:s3], [sflag:$0x5] =	stream.linear.gather [hbm4b:s4+s3], $0xC80, $0x38;
	[tilespmem:$0xC000] =	vst v63  }
0x12: {  	_ =	swait.ge [sflag:s11], $0xC80  }
0x13: {  	[sflag:s11] =	ssyncset.done $0x0  }
0x14: {  	[sflag:s11] =	ssyncadd.s32 $0xFFFFF380  }
0x15: {  	[tilespmem:s12], [sflag:$0x5] =	stream.linear.gather [hbm4b:s5+s3], $0xC80, $0x38;
	[tilespmem:$0xC000] =	vst v63  }
0x16: {  	_ =	swait.ge [sflag:s11], $0xC80  }
0x17: {  	[sflag:s11] =	ssyncset.done $0x0  }
0x18: {  	[sflag:s11] =	ssyncadd.s32 $0xFFFFF380  }
0x19: {  	[tilespmem:s14], [sflag:$0x1] =	stream.indirect.gather [hbm4b:s1+s13], $0x80, s3, s13, $0xb8;
	[tilespmem:$0xC000] =	vst v63  }
0x1a: {  	_ = 	snop  }
0x1b: {  	[tilespmem:s15], [sflag:$0x3] =	stream.indirect.gather [hbm4b:s1+s13], $0x80, s12, s13, $0xb8;
	[tilespmem:$0xC000] =	vst v63  }
0x1c: {  	s23 =	simm.s32 $0x80  }
0x1d: {  	[tilespmem:s16], [sflag:$0x2] =	stream.indirect.gather [hbm4b:s1+s13], $0x80, s23, s13, $0xb8;
	[tilespmem:$0xC000] =	vst v63  }
0x1e: {  	s25 =	simm.s32 $0x1080  }
0x1f: {  	[tilespmem:s17], [sflag:$0x4] =	stream.indirect.gather [hbm4b:s1+s13], $0x80, s25, s13, $0xb8;
	[tilespmem:$0xC000] =	vst v63  }
0x20: {  	_ =	swait.ge [sflag:s18], $0x2800  }
0x21: {  	[sflag:s18] =	ssyncset.done $0x0  }
0x22: {  	[sflag:s18] =	ssyncadd.s32 $0xFFFFD800  }
0x23: {  	[hbm4b:s9+s3] =	stream.linear.scatter [tilespmem:s14], [sflag:$0x5], $0x2800, $0x38;
	[tilespmem:$0xC000] =	vst v63  }
0x24: {  	_ =	swait.ge [sflag:s11], $0x2800  }
0x25: {  	[sflag:s11] =	ssyncset.done $0x0  }
0x26: {  	[sflag:s11] =	ssyncadd.s32 $0xFFFFD800  }
0x27: {  	_ =	swait.ge [sflag:s19], $0x2800  }
0x28: {  	[sflag:s19] =	ssyncset.done $0x0  }
0x29: {  	[sflag:s19] =	ssyncadd.s32 $0xFFFFD800  }
0x2a: {  	[hbm4b:s10+s3] =	stream.linear.scatter [tilespmem:s15], [sflag:$0x5], $0x2800, $0x38;
	[tilespmem:$0xC000] =	vst v63  }
0x2b: {  	_ =	swait.ge [sflag:s11], $0x2800  }
0x2c: {  	[sflag:s11] =	ssyncset.done $0x0  }
0x2d: {  	s26 =	simm.s32 $0x100;
	[sflag:s11] =	ssyncadd.s32 $0xFFFFD800  }
0x2e: {  	[tilespmem:s14], [sflag:$0x1] =	stream.indirect.gather [hbm4b:s1+s13], $0x80, s26, s13, $0xb8;
	[tilespmem:$0xC000] =	vst v63  }
0x2f: {  	s28 =	simm.s32 $0x1100  }
0x30: {  	[tilespmem:s15], [sflag:$0x3] =	stream.indirect.gather [hbm4b:s1+s13], $0x80, s28, s13, $0xb8;
	[tilespmem:$0xC000] =	vst v63  }
0x31: {  	_ =	swait.ge [sflag:s20], $0x2800  }
0x32: {  	[sflag:s20] =	ssyncset.done $0x0  }
0x33: {  	s30 =	sadd.s32 $0x500, s9;
	[sflag:s20] =	ssyncadd.s32 $0xFFFFD800  }
0x34: {  	[hbm4b:s30+s3] =	stream.linear.scatter [tilespmem:s16], [sflag:$0x5], $0x2800, $0x38;
	[tilespmem:$0xC000] =	vst v63  }
0x35: {  	_ =	swait.ge [sflag:s11], $0x2800  }
0x36: {  	[sflag:s11] =	ssyncset.done $0x0  }
0x37: {  	[sflag:s11] =	ssyncadd.s32 $0xFFFFD800  }
0x38: {  	_ =	swait.ge [sflag:s21], $0x2800  }
0x39: {  	[sflag:s21] =	ssyncset.done $0x0  }
0x3a: {  	s31 =	sadd.s32 $0x500, s10;
	[sflag:s21] =	ssyncadd.s32 $0xFFFFD800  }
0x3b: {  	[hbm4b:s31+s3] =	stream.linear.scatter [tilespmem:s17], [sflag:$0x5], $0x2800, $0x38;
	[tilespmem:$0xC000] =	vst v63  }
0x3c: {  	s29 =	simm.s32 $0x800;
	s24 =	sadd.s32 $0xA00, s9;
	_ =	swait.ge [sflag:s11], $0x2800  }
0x3d: {  	s23 =	sadd.s32 $0xA00, s10;
	s25 =	simm.s32 $0x100;
	[sflag:s11] =	ssyncset.done $0x0  }
.LBB2_2:
0x3e: {  	s30 =	sadd.s32 $0x80, s25  }
0x3f: {  	[sflag:s11] =	ssyncadd.s32 $0xFFFFD800;
	s28 =	smov.u32 s29;
	s26 =	sadd.s32 $0x400, s29  }
0x40: {  	[tilespmem:s16], [sflag:$0x2] =	stream.indirect.gather [hbm4b:s1+s13], $0x80, s30, s13, $0xb8;
	[tilespmem:$0xC000] =	vst v63  }
0x41: {  	p0 =	sne.s32 s29, $0x2C00;
	s29 =	sadd.s32 $0x1080, s25  }
0x42: {  	[tilespmem:s17], [sflag:$0x4] =	stream.indirect.gather [hbm4b:s1+s13], $0x80, s29, s13, $0xb8;
	[tilespmem:$0xC000] =	vst v63  }
0x43: {  	_ =	swait.ge [sflag:s18], $0x2800  }
0x44: {  	[sflag:s18] =	ssyncset.done $0x0  }
0x45: {  	[sflag:s18] =	ssyncadd.s32 $0xFFFFD800  }
0x46: {  	[hbm4b:s24+s3] =	stream.linear.scatter [tilespmem:s14], [sflag:$0x5], $0x2800, $0x38;
	[tilespmem:$0xC000] =	vst v63  }
0x47: {  	_ =	swait.ge [sflag:s11], $0x2800  }
0x48: {  	[sflag:s11] =	ssyncset.done $0x0  }
0x49: {  	[sflag:s11] =	ssyncadd.s32 $0xFFFFD800  }
0x4a: {  	_ =	swait.ge [sflag:s19], $0x2800  }
0x4b: {  	[sflag:s19] =	ssyncset.done $0x0  }
0x4c: {  	[sflag:s19] =	ssyncadd.s32 $0xFFFFD800  }
0x4d: {  	[hbm4b:s23+s3] =	stream.linear.scatter [tilespmem:s15], [sflag:$0x5], $0x2800, $0x38;
	[tilespmem:$0xC000] =	vst v63  }
0x4e: {  	_ =	swait.ge [sflag:s11], $0x2800  }
0x4f: {  	[sflag:s11] =	ssyncset.done $0x0  }
0x50: {  	s29 =	sadd.s32 $0x100, s25;
	[sflag:s11] =	ssyncadd.s32 $0xFFFFD800  }
0x51: {  	[tilespmem:s14], [sflag:$0x1] =	stream.indirect.gather [hbm4b:s1+s13], $0x80, s29, s13, $0xb8;
	[tilespmem:$0xC000] =	vst v63  }
0x52: {  	s25 =	sadd.s32 $0x1100, s25  }
0x53: {  	[tilespmem:s15], [sflag:$0x3] =	stream.indirect.gather [hbm4b:s1+s13], $0x80, s25, s13, $0xb8;
	[tilespmem:$0xC000] =	vst v63  }
0x54: {  	_ =	swait.ge [sflag:s20], $0x2800  }
0x55: {  	[sflag:s20] =	ssyncset.done $0x0  }
0x56: {  	s25 =	sadd.s32 $0x500, s24;
	[sflag:s20] =	ssyncadd.s32 $0xFFFFD800  }
0x57: {  	[hbm4b:s25+s3] =	stream.linear.scatter [tilespmem:s16], [sflag:$0x5], $0x2800, $0x38;
	[tilespmem:$0xC000] =	vst v63  }
0x58: {  	_ =	swait.ge [sflag:s11], $0x2800  }
0x59: {  	[sflag:s11] =	ssyncset.done $0x0  }
0x5a: {  	[sflag:s11] =	ssyncadd.s32 $0xFFFFD800  }
0x5b: {  	_ =	swait.ge [sflag:s21], $0x2800  }
.Ltmp0:
0x5c: {  	[sflag:s21] =	ssyncset.done $0x0;
	(pc) =	sbr.rel @p0 .LBB2_2-.Ltmp0, $4  }
0x5d: {  	s25 =	sadd.s32 $0x500, s23;
	[sflag:s21] =	ssyncadd.s32 $0xFFFFD800  }
0x5e: {  	[hbm4b:s25+s3] =	stream.linear.scatter [tilespmem:s17], [sflag:$0x5], $0x2800, $0x38;
	[tilespmem:$0xC000] =	vst v63  }
0x5f: {  	s29 =	smov.u32 s26;
	s23 =	sadd.s32 $0xA00, s23;
	_ =	swait.ge [sflag:s11], $0x2800  }
0x60: {  	s24 =	sadd.s32 $0xA00, s24;
	s25 =	sshra.s32 s28, $0x2;
	[sflag:s11] =	ssyncset.done $0x0  }
0x61: {  	s26 =	sadd.s32 $0x80, s25;
	[sflag:s11] =	ssyncadd.s32 $0xFFFFD800  }
0x62: {  	[tilespmem:s16], [sflag:$0x2] =	stream.indirect.gather [hbm4b:s1+s13], $0x80, s26, s13, $0xb8;
	[tilespmem:$0xC000] =	vst v63  }
0x63: {  	s31 =	sadd.s32 $0x1080, s25  }
0x64: {  	[tilespmem:s17], [sflag:$0x4] =	stream.indirect.gather [hbm4b:s1+s13], $0x80, s31, s13, $0xb8;
	[tilespmem:$0xC000] =	vst v63  }
0x65: {  	_ =	swait.ge [sflag:s18], $0x2800  }
0x66: {  	[sflag:s18] =	ssyncset.done $0x0  }
0x67: {  	[sflag:s18] =	ssyncadd.s32 $0xFFFFD800  }
0x68: {  	[hbm4b:s24+s3] =	stream.linear.scatter [tilespmem:s14], [sflag:$0x5], $0x2800, $0x38;
	[tilespmem:$0xC000] =	vst v63  }
0x69: {  	_ =	swait.ge [sflag:s11], $0x2800  }
0x6a: {  	[sflag:s11] =	ssyncset.done $0x0  }
0x6b: {  	[sflag:s11] =	ssyncadd.s32 $0xFFFFD800  }
0x6c: {  	_ =	swait.ge [sflag:s19], $0x2800  }
0x6d: {  	[sflag:s19] =	ssyncset.done $0x0  }
0x6e: {  	[sflag:s19] =	ssyncadd.s32 $0xFFFFD800  }
0x6f: {  	[hbm4b:s23+s3] =	stream.linear.scatter [tilespmem:s15], [sflag:$0x5], $0x2800, $0x38;
	[tilespmem:$0xC000] =	vst v63  }
0x70: {  	_ =	swait.ge [sflag:s11], $0x2800  }
0x71: {  	[sflag:s11] =	ssyncset.done $0x0  }
0x72: {  	s28 =	sadd.s32 $0x100, s25;
	[sflag:s11] =	ssyncadd.s32 $0xFFFFD800  }
0x73: {  	[tilespmem:s14], [sflag:$0x1] =	stream.indirect.gather [hbm4b:s1+s13], $0x80, s28, s13, $0xb8;
	[tilespmem:$0xC000] =	vst v63  }
0x74: {  	s29 =	sadd.s32 $0x1100, s25  }
0x75: {  	[tilespmem:s15], [sflag:$0x3] =	stream.indirect.gather [hbm4b:s1+s13], $0x80, s29, s13, $0xb8;
	[tilespmem:$0xC000] =	vst v63  }
0x76: {  	_ =	swait.ge [sflag:s20], $0x2800  }
0x77: {  	[sflag:s20] =	ssyncset.done $0x0  }
0x78: {  	s30 =	sadd.s32 $0x500, s24;
	[sflag:s20] =	ssyncadd.s32 $0xFFFFD800  }
0x79: {  	[hbm4b:s30+s3] =	stream.linear.scatter [tilespmem:s16], [sflag:$0x5], $0x2800, $0x38;
	[tilespmem:$0xC000] =	vst v63  }
0x7a: {  	_ =	swait.ge [sflag:s11], $0x2800  }
0x7b: {  	[sflag:s11] =	ssyncset.done $0x0  }
0x7c: {  	[sflag:s11] =	ssyncadd.s32 $0xFFFFD800  }
0x7d: {  	_ =	swait.ge [sflag:s21], $0x2800  }
0x7e: {  	[sflag:s21] =	ssyncset.done $0x0  }
0x7f: {  	s31 =	sadd.s32 $0x500, s23;
	[sflag:s21] =	ssyncadd.s32 $0xFFFFD800  }
0x80: {  	[hbm4b:s31+s3] =	stream.linear.scatter [tilespmem:s17], [sflag:$0x5], $0x2800, $0x38;
	[tilespmem:$0xC000] =	vst v63  }
0x81: {  	_ =	swait.ge [sflag:s11], $0x2800  }
0x82: {  	[sflag:s11] =	ssyncset.done $0x0  }
0x83: {  	[sflag:s11] =	ssyncadd.s32 $0xFFFFD800  }
0x84: {  	_ =	swait.ge [sflag:s18], $0x2800  }
0x85: {  	[sflag:s18] =	ssyncset.done $0x0  }
0x86: {  	[sflag:s18] =	ssyncadd.s32 $0xFFFFD800  }
0x87: {  	[hbm4b:s6+s3] =	stream.linear.scatter [tilespmem:s14], [sflag:$0x5], $0x2800, $0x38;
	[tilespmem:$0xC000] =	vst v63  }
0x88: {  	_ =	swait.ge [sflag:s11], $0x2800  }
0x89: {  	[sflag:s11] =	ssyncset.done $0x0  }
0x8a: {  	[sflag:s11] =	ssyncadd.s32 $0xFFFFD800  }
0x8b: {  	s22 =	sadd.s32 $0x1, s22;
	_ =	swait.ge [sflag:s19], $0x2800  }
0x8c: {  	p0 =	sne.s32 s22, s8;
	[sflag:s19] =	ssyncset.done $0x0  }
.Ltmp1:
0x8d: {  	[sflag:s19] =	ssyncadd.s32 $0xFFFFD800;
	(pc) =	sbr.rel @p0 .LBB2_1-.Ltmp1, $4  }
0x8e: {  	[hbm4b:s7+s3] =	stream.linear.scatter [tilespmem:s15], [sflag:$0x5], $0x2800, $0x38;
	[tilespmem:$0xC000] =	vst v63  }
0x8f: {  	_ =	swait.ge [sflag:s11], $0x2800  }
0x90: {  	[sflag:s11] =	ssyncset.done $0x0  }
0x91: {  	[sflag:s11] =	ssyncadd.s32 $0xFFFFD800  }
0x92: {  	_ =	sfence.sel $0x180000  }
0x93: {  	[bflag:$0x0] =	sbarrier.arrive $0xFFFF  }
0x94: {  	p0 =	sne.s32 s2, $0x0;
	_ =	strace $0x90000047  }
0x95: {  	s0 =	sadd.s32 @!p0 $0x100000, s0;
	[bflag:$0x2] =	sbarrier.arrive $0xFFFF  }
0x96: {  	[sflag:s0] =	ssyncadd.tile.s32 @!p0 $0x1;
	_ =	shalt  }
.Lfunc_end2:
_tile_overlayer_lowered:
.L_overlay_start_2:
0x97: {  	(tag) =	ssettag $0x2  }
0x98: {  	s0 =	rddreg [dreg:$0x0];
	s2 =	stileid.u32  }
0x99: {  	s1 =	rddreg [dreg:$0x1];
	p0 =	sne.s32 s2, $0x0  }
0x9a: {  	s3 =	rddreg [dreg:$0x2];
	[bflag:$0x3] =	sbarrier.arrive $0xFFFF;
	s2 =	simm.s32 @!p0 $0x1C05  }
0x9b: {  	[timem:s3], [sflag:s2] =	dma.local @!p0 [hbm:s0], s1  }
0x9c: {  	s0 =	simm.s32 @!p0 $0x5  }
0x9d: {  	_ =	swait.ge @!p0 [sflag:s0], s1  }
0x9e: {  	s1 =	ssub.s32 @!p0 $0x0, s1;
	[sflag:s0] =	ssyncset.done @!p0 $0x0  }
0x9f: {  	[sflag:s0] =	ssyncadd.s32 @!p0 s1  }
0xa0: {  	[bflag:$0x3] =	sbarrier.arrive $0xFFFF  }
0xa1: {  	_ =	shalt  }

// kernel: kernel.19.cloned.1.call-start
scs
__scs_entry_jumppad:
0x0: {  	(pc) =	sbr.rel $0x88, $3  }
0x1: {  	(tag) =	ssettag $0x0;
	lr =	simm.s32 $0x1  }
0x2: {  	[smem:$0x3F8E] =	sst lr;
	_ =	strace $0xD0000000  }
0x3: {  	_ = 	snop  }
0x4: {  	_ = 	snop  }
0x5: {  	_ = 	snop  }
0x6: {  	_ = 	snop  }
0x7: {  	_ = 	snop  }
__scs_overlays_trampoline_lowered:
0x8: {  	[smem:$0x3F9D] =	sst s0  }
0x9: {  	[smem:$0x3F9E] =	sst s1  }
0xa: {  	[smem:$0x3F9F] =	sst s2  }
0xb: {  	[smem:$0x3FA0] =	sst s3  }
0xc: {  	[smem:$0x3FA1] =	sst s4  }
0xd: {  	[smem:$0x3FA2] =	sst s5  }
0xe: {  	[smem:$0x3FA3] =	sst s6  }
0xf: {  	[smem:$0x3FA4] =	sst s7  }
0x10: {  	[smem:$0x3FA5] =	sst s8  }
0x11: {  	[smem:$0x3FA6] =	sst s9;
	s0 =	simm.s32 @!p0 $0x0  }
0x12: {  	s1 =	sld [smem:$0x3F8C];
	s0 =	simm.s32 @p0 $0x1  }
0x13: {  	[smem:$0x3FA7] =	sst s0;
	s0 =	simm.s32 @!p1 $0x0  }
0x14: {  	s2 =	sld [smem:$0x3F8B];
	s0 =	simm.s32 @p1 $0x1  }
0x15: {  	[smem:$0x3FA8] =	sst s0;
	s0 =	simm.s32 @!p2 $0x0  }
0x16: {  	s3 =	sld [smem:$0x3FDB];
	s0 =	simm.s32 @p2 $0x1  }
0x17: {  	s4 =	simm.s32 $0x1BF5;
	[smem:$0x3FAA] =	sst s0  }
0x18: {  	s0 =	sld [smem:$0x3F8D];
	_ =	swait.ge [sflag:s4], $0x0  }
0x19: {  	s7 =	sld [smem:$0x3F8E]  }
0x1a: {  	s8 =	sadd.s32 $0xFFFFE003, lr  }
0x1b: {  	s9 =	sadd.s32 $0xFFFFFEF7, lr;
	s5 =	simm.s32 $0xFFFFFFFF;
	p2 =	slt.u32 s8, $0xFFFFF086  }
0x1c: {  	p1 =	slt.u32 s9, $0xF7A;
	s5 =	simm.s32 @!p2 $0x0  }
0x1d: {  	s5 =	simm.s32 @p1 $0x1;
	p0 =	seq.s32 s7, s2  }
0x1e: {  	s7 =	smul.u32 @!p0 $0xF7A, s2;
	p2 =	seq.s32 @!p0 s5, $0x0  }
0x1f: {  	s9 =	smul.u32 $0xF7A, s1;
	s8 =	simm.s32 @!p0 $0x1BF5;
	p2 =	por !p2, p0  }
0x20: {  	[sflag:s8] =	ssyncset.s32 @!p0 $0xFFFFF086;
	s6 =	sadd.s32 @!p0 s3, s7;
	s7 =	simm.s32 @!p0 $0x108  }
0x21: {  	s3 =	sadd.s32 s3, s9;
	s6 =	sadd.s32 @!p0 $0x88, s6;
	s7 =	simm.s32 @p2 $0x1082  }
0x22: {  	[simem:s7], [sflag:s8] =	dma.local @!p0 [hbm:s6], $0xF7A  }
0x23: {  	s9 =	sor.u32 $0xD0000000, s2;
	s6 =	simm.s32 $0x108;
	_ =	swait.ge @!p0 [sflag:s8], $0x0  }
0x24: {  	s3 =	sadd.s32 $0x88, s3;
	s6 =	simm.s32 @!p1 $0x1082;
	[sflag:s4] =	ssyncset.s32 $0xFFFFF086  }
0x25: {  	[simem:s6], [sflag:s4] =	dma.local [hbm:s3], $0xF7A  }
0x26: {  	[smem:$0x3F8E] =	sst s1;
	(tag) =	ssettag s2;
	_ =	strace s9  }
0x27: {  	s1 =	sld [smem:$0x3F9E]  }
0x28: {  	s2 =	sld [smem:$0x3F9F]  }
0x29: {  	s4 =	sld [smem:$0x3FA1]  }
0x2a: {  	p0 =	seq.s32 s5, $0x0;
	s5 =	sld [smem:$0x3FA2]  }
0x2b: {  	s6 =	sld [smem:$0x3FA3]  }
0x2c: {  	s7 =	sld [smem:$0x3FA4]  }
0x2d: {  	s3 =	simm.s32 $0x108;
	s8 =	sld [smem:$0x3FA5]  }
0x2e: {  	s3 =	simm.s32 @!p0 $0x1082;
	s9 =	sld [smem:$0x3FA6]  }
0x2f: {  	lr =	sadd.s32 s0, s3;
	s0 =	sld [smem:$0x3F9D]  }
0x30: {  	s3 =	sld [smem:$0x3FA0]  }
0x31: {  	[smem:$0x3FA9] =	sst s10  }
0x32: {  	s10 =	sld [smem:$0x3FA7];
	_ =	sdelay $0x3  }
0x33: {  	p0 =	seq.s32 s10, $0x1;
	s10 =	sld [smem:$0x3FA9];
	_ =	sdelay $0x3  }
0x34: {  	[smem:$0x3FA9] =	sst s10  }
0x35: {  	s10 =	sld [smem:$0x3FA8];
	_ =	sdelay $0x3  }
0x36: {  	p1 =	seq.s32 s10, $0x1;
	s10 =	sld [smem:$0x3FA9];
	_ =	sdelay $0x3  }
0x37: {  	[smem:$0x3FA9] =	sst s10  }
0x38: {  	s10 =	sld [smem:$0x3FAA]  }
0x39: {  	_ = 	snop;
	(pc) =	sbr.ind lr, $3  }
0x3a: {  	_ = 	snop  }
0x3b: {  	_ = 	snop  }
0x3c: {  	p2 =	seq.s32 s10, $0x1;
	s10 =	sld [smem:$0x3FA9]  }
0x3d: {  	_ =	shalt  }
0x3e: {  	_ =	shalt  }
0x3f: {  	_ =	shalt  }
0x40: {  	_ =	shalt  }
0x41: {  	_ =	shalt  }
0x42: {  	_ =	shalt  }
0x43: {  	_ =	shalt  }
0x44: {  	_ =	shalt  }
0x45: {  	_ =	shalt  }
0x46: {  	_ =	shalt  }
0x47: {  	_ =	shalt  }
0x48: {  	_ =	shalt  }
0x49: {  	_ =	shalt  }
0x4a: {  	_ =	shalt  }
0x4b: {  	_ =	shalt  }
0x4c: {  	_ =	shalt  }
0x4d: {  	_ =	shalt  }
0x4e: {  	_ =	shalt  }
0x4f: {  	_ =	shalt  }
0x50: {  	_ =	shalt  }
0x51: {  	_ =	shalt  }
0x52: {  	_ =	shalt  }
0x53: {  	_ =	shalt  }
0x54: {  	_ =	shalt  }
0x55: {  	_ =	shalt  }
0x56: {  	_ =	shalt  }
0x57: {  	_ =	shalt  }
0x58: {  	_ =	shalt  }
0x59: {  	_ =	shalt  }
0x5a: {  	_ =	shalt  }
0x5b: {  	_ =	shalt  }
0x5c: {  	_ =	shalt  }
0x5d: {  	_ =	shalt  }
0x5e: {  	_ =	shalt  }
0x5f: {  	_ =	shalt  }
0x60: {  	_ =	shalt  }
0x61: {  	_ =	shalt  }
0x62: {  	_ =	shalt  }
0x63: {  	_ =	shalt  }
0x64: {  	_ =	shalt  }
0x65: {  	_ =	shalt  }
0x66: {  	_ =	shalt  }
0x67: {  	_ =	shalt  }
0x68: {  	_ =	shalt  }
0x69: {  	_ =	shalt  }
0x6a: {  	_ =	shalt  }
0x6b: {  	_ =	shalt  }
0x6c: {  	_ =	shalt  }
0x6d: {  	_ =	shalt  }
0x6e: {  	_ =	shalt  }
0x6f: {  	_ =	shalt  }
0x70: {  	_ =	shalt  }
0x71: {  	_ =	shalt  }
0x72: {  	_ =	shalt  }
0x73: {  	_ =	shalt  }
0x74: {  	_ =	shalt  }
0x75: {  	_ =	shalt  }
0x76: {  	_ =	shalt  }
0x77: {  	_ =	shalt  }
0x78: {  	_ =	shalt  }
0x79: {  	_ =	shalt  }
0x7a: {  	_ =	shalt  }
0x7b: {  	_ =	shalt  }
0x7c: {  	_ =	shalt  }
0x7d: {  	_ =	shalt  }
0x7e: {  	_ =	shalt  }
0x7f: {  	_ =	shalt  }
0x80: {  	_ =	shalt  }
0x81: {  	_ =	shalt  }
0x82: {  	_ =	shalt  }
0x83: {  	_ =	shalt  }
0x84: {  	_ =	shalt  }
0x85: {  	_ =	shalt  }
0x86: {  	_ =	shalt  }
0x87: {  	_ =	shalt  }
.Lfunc_end0:
.L_simem_size_0:
called_computation.1_lowered:
.L_overlay_start_0:
0x88: {  	s2 =	sld [smem:$0x3FD9]  }
0x89: {  	s3 =	sld [smem:$0x3FFE];
	_ =	sdelay $0x1  }
0x8a: {  	s1 =	srdreg.scid  }
0x8b: {  	s0 =	sand.u32 $0x1, s1  }
0x8c: {  	s17 =	sshll.u32 s0, $0xA;
	s2 =	sadd.s32 s3, s2  }
0x8d: {  	s2 =	sadd.s32 s2, s17  }
0x8e: {  	[smem:$0x3FB5] =	sst s2  }
0x8f: {  	_ = 	snop  }
0x90: {  	s18 =	sld [smem:$0x3FC9];
	(tm) =	ssettm $0x1  }
0x91: {  	s19 =	sld [smem:$0x3FFB];
	_ =	sdelay $0x3  }
0x92: {  	_ =	strace s19  }
0x93: {  	s2 =	sld [smem:$0x3FFC];
	_ =	sdelay $0x3  }
0x94: {  	_ =	strace s2  }
0x95: {  	s2 =	sld [smem:$0x3FFD];
	_ =	sdelay $0x3  }
0x96: {  	_ =	strace s2  }
0x97: {  	_ =	strace $0x8FFFFFFF  }
0x98: {  	s20 =	sld [smem:$0x3FDB];
	_ =	sdelay $0x1  }
0x99: {  	s4 =	simm.s32 $_scs_section_size  }
0x9a: {  	s5 =	simm.s32 $_size__tile_overlayer_lowered;
	s6 =	simm.s32 $_tile_overlayer_lowered  }
0x9b: {  	s7 =	simm.s32 $0x1BFF;
	s21 =	sshll.u32 s6, $0x1;
	s4 =	sadd.s32 s4, s20  }
0x9c: {  	s22 =	simm.s32 $0x0;
	s5 =	sshll.u32 s5, $0x1;
	s6 =	sadd.s32 s21, s4  }
0x9d: {  	[timem:s22], [sflag:s7] =	dma.local [hbm:s6], s5  }
0x9e: {  	_ =	swait.ge [sflag:s7], s5  }
0x9f: {  	s5 =	ssub.s32 $0x0, s5;
	[sflag:s7] =	ssyncset.done $0x0  }
0xa0: {  	[sflag:s7] =	ssyncadd.s32 s5;
	_ =	sdelay $0x1  }
0xa1: {  	s23 =	simm.s32 $0x1B8B  }
0xa2: {  	_ =	swait.ge [sflag:s23], $0x1  }
0xa3: {  	[sflag:s23] =	ssyncset.done $0x0  }
0xa4: {  	[sflag:s23] =	ssyncadd.s32 $0xFFFFFFFF  }
0xa5: {  	s5 =	sld [smem:$0x0]  }
0xa6: {  	s6 =	sand.u32 $0xFFFFFFFE, s1  }
0xa7: {  	p0 =	sne.s32 s1, s6  }
0xa8: {  	s6 =	sshll.u32 @p0 s6, $0xE  }
0xa9: {  	s6 =	sadd.s32 @p0 $0x11B8D, s6;
	s7 =	sshll.u32 @p0 s5, $0x11  }
0xaa: {  	s6 =	sor.u32 @p0 s7, s6  }
0xab: {  	[sflag:s6] =	ssyncadd.remote.s32 @p0 $0x1;
	_ =	sdelay $0x1  }
0xac: {  	s6 =	simm.s32 @p0 $0x1B8D  }
0xad: {  	_ =	swait.eq @p0 [sflag:s6], $0x1  }
0xae: {  	[sflag:s6] =	ssyncadd.s32 @p0 $0xFFFFFFFF  }
0xaf: {  	s7 =	sshll.u32 @!p0 s1, $0xE  }
0xb0: {  	s7 =	sor.u32 @!p0 $0x4000, s7;
	s6 =	simm.s32 @!p0 $0x1B8D  }
0xb1: {  	s5 =	sshll.u32 @!p0 s5, $0x11;
	s7 =	sadd.s32 @!p0 $0x11B8D, s7;
	_ =	swait.eq @!p0 [sflag:s6], $0x1  }
0xb2: {  	s5 =	sor.u32 @!p0 s5, s7;
	[sflag:s6] =	ssyncadd.s32 @!p0 $0xFFFFFFFF  }
0xb3: {  	s25 =	simm.s32 $0x1B8E;
	s24 =	sld [smem:$0x3FFE];
	[sflag:s5] =	ssyncadd.remote.s32 @!p0 $0x1  }
0xb4: {  	s26 =	simm.s32 $execute0_lowered;
	[smem:$0x3FD2] =	sst s25  }
0xb5: {  	s6 =	sshll.u32 s26, $0x1;
	_ =	strace $0x80000049;
	[dreg:$0x1] =	wrdreg $0xFFFFFFFF  }
0xb6: {  	s28 =	simm.s32 $_size_execute0_lowered;
	s4 =	sadd.s32 s4, s6;
	[dreg:$0x0] =	wrdreg $0x0  }
0xb7: {  	s6 =	sshll.u32 s28, $0x1;
	[dreg:$0x2] =	wrdreg s4  }
0xb8: {  	[dreg:$0x3] =	wrdreg s6  }
0xb9: {  	[dreg:$0x4] =	wrdreg $0xC0  }
0xba: {  	_ =	task [dreg:s22], $0x5FFFF  }
0xbb: {  	[dreg:$0x1] =	wrdreg $0xFFFFFFFF  }
0xbc: {  	[dreg:$0x0] =	wrdreg $0x60  }
0xbd: {  	[dreg:$0x2] =	wrdreg s18  }
0xbe: {  	[dreg:$0x3] =	wrdreg s24  }
0xbf: {  	[dreg:$0x4] =	wrdreg $0xC  }
0xc0: {  	_ =	task.clear_ibuf [dreg:s22], $0x5FFFF;
	_ =	strace $0x90000049  }
0xc1: {  	s29 =	simm.s32 $0xC;
	_ =	strace $0x8000004B  }
0xc2: {  	_ =	swait.ge [sflag:s29], $0x1  }
0xc3: {  	[sflag:s29] =	ssyncadd.s32 $0xFFFFFFFF  }
0xc4: {  	_ =	strace $0x9000004B  }
0xc5: {  	_ =	sfence  }
0xc6: {  	s30 =	sld [smem:$0x0];
	_ =	sdelay $0x2  }
0xc7: {  	s31 =	sshll.u32 s1, $0xD;
	s1 =	sshrl.u32 s1, $0x2  }
0xc8: {  	s4 =	sand.u32 $0x4000, s31;
	s1 =	sadd.s32 s1, s30  }
0xc9: {  	s0 =	sor.u32 s4, s0;
	s1 =	sshll.u32 s1, $0x11  }
0xca: {  	s0 =	sor.u32 s1, s0  }
0xcb: {  	s0 =	sadd.s32 $0x8F2B, s0  }
0xcc: {  	[sflag:s0] =	ssyncadd.remote.s32 $0x1  }
0xcd: {  	_ =	sfence.sel $0xFFFF  }
0xce: {  	[dreg:$0x0] =	wrdreg $0xFFFFFFFF;
	(pc) =	sbr.abs _section_cstart, $3  }
0xcf: {  	[dreg:$0x1] =	wrdreg $0xFFFFFFFF  }
0xd0: {  	_ =	task.clear_ibuf [dreg:s22], $0x2FFFF;
	_ =	strace $0x9FFFFFFF  }
0xd1: {  	(tm) =	ssettm $0x7FFFFFFF  }
tec
execute0_lowered:
.L_overlay_start_1:
0x0: {  	(tag) =	ssettag $0x1  }
0x1: {  	s1 =	rddreg [dreg:$0x0]  }
0x2: {  	s4 =	rddreg [dreg:$0x1]  }
0x3: {  	s0 =	rddreg [dreg:$0x2];
	s3 =	simm.s32 $0x0;
	s5 =	srdreg.scid  }
0x4: {  	s2 =	stileid.u32;
	s14 =	simm.s32 $0x2000;
	s15 =	simm.s32 $0x7000  }
0x5: {  	s16 =	simm.s32 $0x4800;
	s17 =	simm.s32 $0x9800;
	s18 =	simm.s32 $0x1  }
0x6: {  	s19 =	simm.s32 $0x3;
	s20 =	simm.s32 $0x2;
	s21 =	simm.s32 $0x4  }
0x7: {  	s22 =	simm.s32 $0x0;
	[smem:$0x7FF] =	sst s3;
	s7 =	sand.u32 $0x1, s5  }
0x8: {  	s29 =	sshll.u32 s2, $0x1;
	s9 =	sadd.s32 $0x20B000, s4;
	s11 =	sadd.s32 $0x305000, s4  }
0x9: {  	s12 =	smul.u32 $0xFA00, s2;
	_ =	strace $0x8000004A;
	s5 =	sor.u32 s7, s29  }
0xa: {  	s8 =	ssub.s32 $0x2, s7;
	s6 =	sshll.u32 s5, $0x9;
	s5 =	smul.u32 $0x3E800, s5  }
0xb: {  	s13 =	smul.u32 $0x7D00, s7;
	s10 =	sshrl.u32 s8, $0x1;
	s31 =	sadd.s32 s12, s11  }
0xc: {  	s6 =	sadd.s32 s6, s4;
	s8 =	ssub.s32 s8, s10;
	s5 =	sshrl.u32 s5, $0x3  }
0xd: {  	s10 =	sadd.s32 s13, s31;
	s4 =	sadd.s32 $0x207000, s6;
	s30 =	sadd.s32 $0x7800, s5  }
0xe: {  	s8 =	smax.u32 s8, $0x1;
	s5 =	sadd.s32 $0x203000, s6;
	s6 =	sadd.s32 s9, s30  }
0xf: {  	s7 =	sadd.s32 s11, s30;
	s9 =	sadd.s32 s12, s9;
	s11 =	simm.s32 $0x5  }
0x10: {  	s12 =	simm.s32 $0x1000;
	s9 =	sadd.s32 s13, s9;
	s13 =	simm.s32 $0x50  }
.LBB2_1:
0x11: {  	[tilespmem:s3], [sflag:$0x5] =	stream.linear.gather [hbm4b:s4+s3], $0xC80, $0x38;
	[tilespmem:$0xC000] =	vst v63  }
0x12: {  	_ =	swait.ge [sflag:s11], $0xC80  }
0x13: {  	[sflag:s11] =	ssyncset.done $0x0  }
0x14: {  	[sflag:s11] =	ssyncadd.s32 $0xFFFFF380  }
0x15: {  	[tilespmem:s12], [sflag:$0x5] =	stream.linear.gather [hbm4b:s5+s3], $0xC80, $0x38;
	[tilespmem:$0xC000] =	vst v63  }
0x16: {  	_ =	swait.ge [sflag:s11], $0xC80  }
0x17: {  	[sflag:s11] =	ssyncset.done $0x0  }
0x18: {  	[sflag:s11] =	ssyncadd.s32 $0xFFFFF380  }
0x19: {  	[tilespmem:s14], [sflag:$0x1] =	stream.indirect.gather [hbm4b:s1+s13], $0x80, s3, s13, $0xb8;
	[tilespmem:$0xC000] =	vst v63  }
0x1a: {  	_ = 	snop  }
0x1b: {  	[tilespmem:s15], [sflag:$0x3] =	stream.indirect.gather [hbm4b:s1+s13], $0x80, s12, s13, $0xb8;
	[tilespmem:$0xC000] =	vst v63  }
0x1c: {  	s23 =	simm.s32 $0x80  }
0x1d: {  	[tilespmem:s16], [sflag:$0x2] =	stream.indirect.gather [hbm4b:s1+s13], $0x80, s23, s13, $0xb8;
	[tilespmem:$0xC000] =	vst v63  }
0x1e: {  	s25 =	simm.s32 $0x1080  }
0x1f: {  	[tilespmem:s17], [sflag:$0x4] =	stream.indirect.gather [hbm4b:s1+s13], $0x80, s25, s13, $0xb8;
	[tilespmem:$0xC000] =	vst v63  }
0x20: {  	_ =	swait.ge [sflag:s18], $0x2800  }
0x21: {  	[sflag:s18] =	ssyncset.done $0x0  }
0x22: {  	[sflag:s18] =	ssyncadd.s32 $0xFFFFD800  }
0x23: {  	[hbm4b:s9+s3] =	stream.linear.scatter [tilespmem:s14], [sflag:$0x5], $0x2800, $0x38;
	[tilespmem:$0xC000] =	vst v63  }
0x24: {  	_ =	swait.ge [sflag:s11], $0x2800  }
0x25: {  	[sflag:s11] =	ssyncset.done $0x0  }
0x26: {  	[sflag:s11] =	ssyncadd.s32 $0xFFFFD800  }
0x27: {  	_ =	swait.ge [sflag:s19], $0x2800  }
0x28: {  	[sflag:s19] =	ssyncset.done $0x0  }
0x29: {  	[sflag:s19] =	ssyncadd.s32 $0xFFFFD800  }
0x2a: {  	[hbm4b:s10+s3] =	stream.linear.scatter [tilespmem:s15], [sflag:$0x5], $0x2800, $0x38;
	[tilespmem:$0xC000] =	vst v63  }
0x2b: {  	_ =	swait.ge [sflag:s11], $0x2800  }
0x2c: {  	[sflag:s11] =	ssyncset.done $0x0  }
0x2d: {  	s26 =	simm.s32 $0x100;
	[sflag:s11] =	ssyncadd.s32 $0xFFFFD800  }
0x2e: {  	[tilespmem:s14], [sflag:$0x1] =	stream.indirect.gather [hbm4b:s1+s13], $0x80, s26, s13, $0xb8;
	[tilespmem:$0xC000] =	vst v63  }
0x2f: {  	s28 =	simm.s32 $0x1100  }
0x30: {  	[tilespmem:s15], [sflag:$0x3] =	stream.indirect.gather [hbm4b:s1+s13], $0x80, s28, s13, $0xb8;
	[tilespmem:$0xC000] =	vst v63  }
0x31: {  	_ =	swait.ge [sflag:s20], $0x2800  }
0x32: {  	[sflag:s20] =	ssyncset.done $0x0  }
0x33: {  	s30 =	sadd.s32 $0x500, s9;
	[sflag:s20] =	ssyncadd.s32 $0xFFFFD800  }
0x34: {  	[hbm4b:s30+s3] =	stream.linear.scatter [tilespmem:s16], [sflag:$0x5], $0x2800, $0x38;
	[tilespmem:$0xC000] =	vst v63  }
0x35: {  	_ =	swait.ge [sflag:s11], $0x2800  }
0x36: {  	[sflag:s11] =	ssyncset.done $0x0  }
0x37: {  	[sflag:s11] =	ssyncadd.s32 $0xFFFFD800  }
0x38: {  	_ =	swait.ge [sflag:s21], $0x2800  }
0x39: {  	[sflag:s21] =	ssyncset.done $0x0  }
0x3a: {  	s31 =	sadd.s32 $0x500, s10;
	[sflag:s21] =	ssyncadd.s32 $0xFFFFD800  }
0x3b: {  	[hbm4b:s31+s3] =	stream.linear.scatter [tilespmem:s17], [sflag:$0x5], $0x2800, $0x38;
	[tilespmem:$0xC000] =	vst v63  }
0x3c: {  	s29 =	simm.s32 $0x800;
	s24 =	sadd.s32 $0xA00, s9;
	_ =	swait.ge [sflag:s11], $0x2800  }
0x3d: {  	s23 =	sadd.s32 $0xA00, s10;
	s25 =	simm.s32 $0x100;
	[sflag:s11] =	ssyncset.done $0x0  }
.LBB2_2:
0x3e: {  	s30 =	sadd.s32 $0x80, s25  }
0x3f: {  	[sflag:s11] =	ssyncadd.s32 $0xFFFFD800;
	s28 =	smov.u32 s29;
	s26 =	sadd.s32 $0x400, s29  }
0x40: {  	[tilespmem:s16], [sflag:$0x2] =	stream.indirect.gather [hbm4b:s1+s13], $0x80, s30, s13, $0xb8;
	[tilespmem:$0xC000] =	vst v63  }
0x41: {  	p0 =	sne.s32 s29, $0x2C00;
	s29 =	sadd.s32 $0x1080, s25  }
0x42: {  	[tilespmem:s17], [sflag:$0x4] =	stream.indirect.gather [hbm4b:s1+s13], $0x80, s29, s13, $0xb8;
	[tilespmem:$0xC000] =	vst v63  }
0x43: {  	_ =	swait.ge [sflag:s18], $0x2800  }
0x44: {  	[sflag:s18] =	ssyncset.done $0x0  }
0x45: {  	[sflag:s18] =	ssyncadd.s32 $0xFFFFD800  }
0x46: {  	[hbm4b:s24+s3] =	stream.linear.scatter [tilespmem:s14], [sflag:$0x5], $0x2800, $0x38;
	[tilespmem:$0xC000] =	vst v63  }
0x47: {  	_ =	swait.ge [sflag:s11], $0x2800  }
0x48: {  	[sflag:s11] =	ssyncset.done $0x0  }
0x49: {  	[sflag:s11] =	ssyncadd.s32 $0xFFFFD800  }
0x4a: {  	_ =	swait.ge [sflag:s19], $0x2800  }
0x4b: {  	[sflag:s19] =	ssyncset.done $0x0  }
0x4c: {  	[sflag:s19] =	ssyncadd.s32 $0xFFFFD800  }
0x4d: {  	[hbm4b:s23+s3] =	stream.linear.scatter [tilespmem:s15], [sflag:$0x5], $0x2800, $0x38;
	[tilespmem:$0xC000] =	vst v63  }
0x4e: {  	_ =	swait.ge [sflag:s11], $0x2800  }
0x4f: {  	[sflag:s11] =	ssyncset.done $0x0  }
0x50: {  	s29 =	sadd.s32 $0x100, s25;
	[sflag:s11] =	ssyncadd.s32 $0xFFFFD800  }
0x51: {  	[tilespmem:s14], [sflag:$0x1] =	stream.indirect.gather [hbm4b:s1+s13], $0x80, s29, s13, $0xb8;
	[tilespmem:$0xC000] =	vst v63  }
0x52: {  	s25 =	sadd.s32 $0x1100, s25  }
0x53: {  	[tilespmem:s15], [sflag:$0x3] =	stream.indirect.gather [hbm4b:s1+s13], $0x80, s25, s13, $0xb8;
	[tilespmem:$0xC000] =	vst v63  }
0x54: {  	_ =	swait.ge [sflag:s20], $0x2800  }
0x55: {  	[sflag:s20] =	ssyncset.done $0x0  }
0x56: {  	s25 =	sadd.s32 $0x500, s24;
	[sflag:s20] =	ssyncadd.s32 $0xFFFFD800  }
0x57: {  	[hbm4b:s25+s3] =	stream.linear.scatter [tilespmem:s16], [sflag:$0x5], $0x2800, $0x38;
	[tilespmem:$0xC000] =	vst v63  }
0x58: {  	_ =	swait.ge [sflag:s11], $0x2800  }
0x59: {  	[sflag:s11] =	ssyncset.done $0x0  }
0x5a: {  	[sflag:s11] =	ssyncadd.s32 $0xFFFFD800  }
0x5b: {  	_ =	swait.ge [sflag:s21], $0x2800  }
.Ltmp0:
0x5c: {  	[sflag:s21] =	ssyncset.done $0x0;
	(pc) =	sbr.rel @p0 .LBB2_2-.Ltmp0, $4  }
0x5d: {  	s25 =	sadd.s32 $0x500, s23;
	[sflag:s21] =	ssyncadd.s32 $0xFFFFD800  }
0x5e: {  	[hbm4b:s25+s3] =	stream.linear.scatter [tilespmem:s17], [sflag:$0x5], $0x2800, $0x38;
	[tilespmem:$0xC000] =	vst v63  }
0x5f: {  	s29 =	smov.u32 s26;
	s23 =	sadd.s32 $0xA00, s23;
	_ =	swait.ge [sflag:s11], $0x2800  }
0x60: {  	s24 =	sadd.s32 $0xA00, s24;
	s25 =	sshra.s32 s28, $0x2;
	[sflag:s11] =	ssyncset.done $0x0  }
0x61: {  	s26 =	sadd.s32 $0x80, s25;
	[sflag:s11] =	ssyncadd.s32 $0xFFFFD800  }
0x62: {  	[tilespmem:s16], [sflag:$0x2] =	stream.indirect.gather [hbm4b:s1+s13], $0x80, s26, s13, $0xb8;
	[tilespmem:$0xC000] =	vst v63  }
0x63: {  	s31 =	sadd.s32 $0x1080, s25  }
0x64: {  	[tilespmem:s17], [sflag:$0x4] =	stream.indirect.gather [hbm4b:s1+s13], $0x80, s31, s13, $0xb8;
	[tilespmem:$0xC000] =	vst v63  }
0x65: {  	_ =	swait.ge [sflag:s18], $0x2800  }
0x66: {  	[sflag:s18] =	ssyncset.done $0x0  }
0x67: {  	[sflag:s18] =	ssyncadd.s32 $0xFFFFD800  }
0x68: {  	[hbm4b:s24+s3] =	stream.linear.scatter [tilespmem:s14], [sflag:$0x5], $0x2800, $0x38;
	[tilespmem:$0xC000] =	vst v63  }
0x69: {  	_ =	swait.ge [sflag:s11], $0x2800  }
0x6a: {  	[sflag:s11] =	ssyncset.done $0x0  }
0x6b: {  	[sflag:s11] =	ssyncadd.s32 $0xFFFFD800  }
0x6c: {  	_ =	swait.ge [sflag:s19], $0x2800  }
0x6d: {  	[sflag:s19] =	ssyncset.done $0x0  }
0x6e: {  	[sflag:s19] =	ssyncadd.s32 $0xFFFFD800  }
0x6f: {  	[hbm4b:s23+s3] =	stream.linear.scatter [tilespmem:s15], [sflag:$0x5], $0x2800, $0x38;
	[tilespmem:$0xC000] =	vst v63  }
0x70: {  	_ =	swait.ge [sflag:s11], $0x2800  }
0x71: {  	[sflag:s11] =	ssyncset.done $0x0  }
0x72: {  	s28 =	sadd.s32 $0x100, s25;
	[sflag:s11] =	ssyncadd.s32 $0xFFFFD800  }
0x73: {  	[tilespmem:s14], [sflag:$0x1] =	stream.indirect.gather [hbm4b:s1+s13], $0x80, s28, s13, $0xb8;
	[tilespmem:$0xC000] =	vst v63  }
0x74: {  	s29 =	sadd.s32 $0x1100, s25  }
0x75: {  	[tilespmem:s15], [sflag:$0x3] =	stream.indirect.gather [hbm4b:s1+s13], $0x80, s29, s13, $0xb8;
	[tilespmem:$0xC000] =	vst v63  }
0x76: {  	_ =	swait.ge [sflag:s20], $0x2800  }
0x77: {  	[sflag:s20] =	ssyncset.done $0x0  }
0x78: {  	s30 =	sadd.s32 $0x500, s24;
	[sflag:s20] =	ssyncadd.s32 $0xFFFFD800  }
0x79: {  	[hbm4b:s30+s3] =	stream.linear.scatter [tilespmem:s16], [sflag:$0x5], $0x2800, $0x38;
	[tilespmem:$0xC000] =	vst v63  }
0x7a: {  	_ =	swait.ge [sflag:s11], $0x2800  }
0x7b: {  	[sflag:s11] =	ssyncset.done $0x0  }
0x7c: {  	[sflag:s11] =	ssyncadd.s32 $0xFFFFD800  }
0x7d: {  	_ =	swait.ge [sflag:s21], $0x2800  }
0x7e: {  	[sflag:s21] =	ssyncset.done $0x0  }
0x7f: {  	s31 =	sadd.s32 $0x500, s23;
	[sflag:s21] =	ssyncadd.s32 $0xFFFFD800  }
0x80: {  	[hbm4b:s31+s3] =	stream.linear.scatter [tilespmem:s17], [sflag:$0x5], $0x2800, $0x38;
	[tilespmem:$0xC000] =	vst v63  }
0x81: {  	_ =	swait.ge [sflag:s11], $0x2800  }
0x82: {  	[sflag:s11] =	ssyncset.done $0x0  }
0x83: {  	[sflag:s11] =	ssyncadd.s32 $0xFFFFD800  }
0x84: {  	_ =	swait.ge [sflag:s18], $0x2800  }
0x85: {  	[sflag:s18] =	ssyncset.done $0x0  }
0x86: {  	[sflag:s18] =	ssyncadd.s32 $0xFFFFD800  }
0x87: {  	[hbm4b:s6+s3] =	stream.linear.scatter [tilespmem:s14], [sflag:$0x5], $0x2800, $0x38;
	[tilespmem:$0xC000] =	vst v63  }
0x88: {  	_ =	swait.ge [sflag:s11], $0x2800  }
0x89: {  	[sflag:s11] =	ssyncset.done $0x0  }
0x8a: {  	[sflag:s11] =	ssyncadd.s32 $0xFFFFD800  }
0x8b: {  	s22 =	sadd.s32 $0x1, s22;
	_ =	swait.ge [sflag:s19], $0x2800  }
0x8c: {  	p0 =	sne.s32 s22, s8;
	[sflag:s19] =	ssyncset.done $0x0  }
.Ltmp1:
0x8d: {  	[sflag:s19] =	ssyncadd.s32 $0xFFFFD800;
	(pc) =	sbr.rel @p0 .LBB2_1-.Ltmp1, $4  }
0x8e: {  	[hbm4b:s7+s3] =	stream.linear.scatter [tilespmem:s15], [sflag:$0x5], $0x2800, $0x38;
	[tilespmem:$0xC000] =	vst v63  }
0x8f: {  	_ =	swait.ge [sflag:s11], $0x2800  }
0x90: {  	[sflag:s11] =	ssyncset.done $0x0  }
0x91: {  	[sflag:s11] =	ssyncadd.s32 $0xFFFFD800  }
0x92: {  	_ =	sfence.sel $0x180000  }
0x93: {  	[bflag:$0x0] =	sbarrier.arrive $0xFFFF  }
0x94: {  	p0 =	sne.s32 s2, $0x0;
	_ =	strace $0x9000004A  }
0x95: {  	s0 =	sadd.s32 @!p0 $0x100000, s0;
	[bflag:$0x2] =	sbarrier.arrive $0xFFFF  }
0x96: {  	[sflag:s0] =	ssyncadd.tile.s32 @!p0 $0x1;
	_ =	shalt  }
.Lfunc_end2:
_tile_overlayer_lowered:
.L_overlay_start_2:
0x97: {  	(tag) =	ssettag $0x2  }
0x98: {  	s0 =	rddreg [dreg:$0x0];
	s2 =	stileid.u32  }
0x99: {  	s1 =	rddreg [dreg:$0x1];
	p0 =	sne.s32 s2, $0x0  }
0x9a: {  	s3 =	rddreg [dreg:$0x2];
	[bflag:$0x3] =	sbarrier.arrive $0xFFFF;
	s2 =	simm.s32 @!p0 $0x1C05  }
0x9b: {  	[timem:s3], [sflag:s2] =	dma.local @!p0 [hbm:s0], s1  }
0x9c: {  	s0 =	simm.s32 @!p0 $0x5  }
0x9d: {  	_ =	swait.ge @!p0 [sflag:s0], s1  }
0x9e: {  	s1 =	ssub.s32 @!p0 $0x0, s1;
	[sflag:s0] =	ssyncset.done @!p0 $0x0  }
0x9f: {  	[sflag:s0] =	ssyncadd.s32 @!p0 s1  }
0xa0: {  	[bflag:$0x3] =	sbarrier.arrive $0xFFFF  }
0xa1: {  	_ =	shalt  }

// kernel: kernel.22.cloned.1.call-start
scs
__scs_entry_jumppad:
0x0: {  	(pc) =	sbr.rel $0x88, $3  }
0x1: {  	(tag) =	ssettag $0x0;
	lr =	simm.s32 $0x1  }
0x2: {  	[smem:$0x3F8E] =	sst lr;
	_ =	strace $0xD0000000  }
0x3: {  	_ = 	snop  }
0x4: {  	_ = 	snop  }
0x5: {  	_ = 	snop  }
0x6: {  	_ = 	snop  }
0x7: {  	_ = 	snop  }
__scs_overlays_trampoline_lowered:
0x8: {  	[smem:$0x3F9D] =	sst s0  }
0x9: {  	[smem:$0x3F9E] =	sst s1  }
0xa: {  	[smem:$0x3F9F] =	sst s2  }
0xb: {  	[smem:$0x3FA0] =	sst s3  }
0xc: {  	[smem:$0x3FA1] =	sst s4  }
0xd: {  	[smem:$0x3FA2] =	sst s5  }
0xe: {  	[smem:$0x3FA3] =	sst s6  }
0xf: {  	[smem:$0x3FA4] =	sst s7  }
0x10: {  	[smem:$0x3FA5] =	sst s8  }
0x11: {  	[smem:$0x3FA6] =	sst s9;
	s0 =	simm.s32 @!p0 $0x0  }
0x12: {  	s1 =	sld [smem:$0x3F8C];
	s0 =	simm.s32 @p0 $0x1  }
0x13: {  	[smem:$0x3FA7] =	sst s0;
	s0 =	simm.s32 @!p1 $0x0  }
0x14: {  	s2 =	sld [smem:$0x3F8B];
	s0 =	simm.s32 @p1 $0x1  }
0x15: {  	[smem:$0x3FA8] =	sst s0;
	s0 =	simm.s32 @!p2 $0x0  }
0x16: {  	s3 =	sld [smem:$0x3FDB];
	s0 =	simm.s32 @p2 $0x1  }
0x17: {  	s4 =	simm.s32 $0x1BF5;
	[smem:$0x3FAA] =	sst s0  }
0x18: {  	s0 =	sld [smem:$0x3F8D];
	_ =	swait.ge [sflag:s4], $0x0  }
0x19: {  	s7 =	sld [smem:$0x3F8E]  }
0x1a: {  	s8 =	sadd.s32 $0xFFFFE003, lr  }
0x1b: {  	s9 =	sadd.s32 $0xFFFFFEF7, lr;
	s5 =	simm.s32 $0xFFFFFFFF;
	p2 =	slt.u32 s8, $0xFFFFF086  }
0x1c: {  	p1 =	slt.u32 s9, $0xF7A;
	s5 =	simm.s32 @!p2 $0x0  }
0x1d: {  	s5 =	simm.s32 @p1 $0x1;
	p0 =	seq.s32 s7, s2  }
0x1e: {  	s7 =	smul.u32 @!p0 $0xF7A, s2;
	p2 =	seq.s32 @!p0 s5, $0x0  }
0x1f: {  	s9 =	smul.u32 $0xF7A, s1;
	s8 =	simm.s32 @!p0 $0x1BF5;
	p2 =	por !p2, p0  }
0x20: {  	[sflag:s8] =	ssyncset.s32 @!p0 $0xFFFFF086;
	s6 =	sadd.s32 @!p0 s3, s7;
	s7 =	simm.s32 @!p0 $0x108  }
0x21: {  	s3 =	sadd.s32 s3, s9;
	s6 =	sadd.s32 @!p0 $0x88, s6;
	s7 =	simm.s32 @p2 $0x1082  }
0x22: {  	[simem:s7], [sflag:s8] =	dma.local @!p0 [hbm:s6], $0xF7A  }
0x23: {  	s9 =	sor.u32 $0xD0000000, s2;
	s6 =	simm.s32 $0x108;
	_ =	swait.ge @!p0 [sflag:s8], $0x0  }
0x24: {  	s3 =	sadd.s32 $0x88, s3;
	s6 =	simm.s32 @!p1 $0x1082;
	[sflag:s4] =	ssyncset.s32 $0xFFFFF086  }
0x25: {  	[simem:s6], [sflag:s4] =	dma.local [hbm:s3], $0xF7A  }
0x26: {  	[smem:$0x3F8E] =	sst s1;
	(tag) =	ssettag s2;
	_ =	strace s9  }
0x27: {  	s1 =	sld [smem:$0x3F9E]  }
0x28: {  	s2 =	sld [smem:$0x3F9F]  }
0x29: {  	s4 =	sld [smem:$0x3FA1]  }
0x2a: {  	p0 =	seq.s32 s5, $0x0;
	s5 =	sld [smem:$0x3FA2]  }
0x2b: {  	s6 =	sld [smem:$0x3FA3]  }
0x2c: {  	s7 =	sld [smem:$0x3FA4]  }
0x2d: {  	s3 =	simm.s32 $0x108;
	s8 =	sld [smem:$0x3FA5]  }
0x2e: {  	s3 =	simm.s32 @!p0 $0x1082;
	s9 =	sld [smem:$0x3FA6]  }
0x2f: {  	lr =	sadd.s32 s0, s3;
	s0 =	sld [smem:$0x3F9D]  }
0x30: {  	s3 =	sld [smem:$0x3FA0]  }
0x31: {  	[smem:$0x3FA9] =	sst s10  }
0x32: {  	s10 =	sld [smem:$0x3FA7];
	_ =	sdelay $0x3  }
0x33: {  	p0 =	seq.s32 s10, $0x1;
	s10 =	sld [smem:$0x3FA9];
	_ =	sdelay $0x3  }
0x34: {  	[smem:$0x3FA9] =	sst s10  }
0x35: {  	s10 =	sld [smem:$0x3FA8];
	_ =	sdelay $0x3  }
0x36: {  	p1 =	seq.s32 s10, $0x1;
	s10 =	sld [smem:$0x3FA9];
	_ =	sdelay $0x3  }
0x37: {  	[smem:$0x3FA9] =	sst s10  }
0x38: {  	s10 =	sld [smem:$0x3FAA]  }
0x39: {  	_ = 	snop;
	(pc) =	sbr.ind lr, $3  }
0x3a: {  	_ = 	snop  }
0x3b: {  	_ = 	snop  }
0x3c: {  	p2 =	seq.s32 s10, $0x1;
	s10 =	sld [smem:$0x3FA9]  }
0x3d: {  	_ =	shalt  }
0x3e: {  	_ =	shalt  }
0x3f: {  	_ =	shalt  }
0x40: {  	_ =	shalt  }
0x41: {  	_ =	shalt  }
0x42: {  	_ =	shalt  }
0x43: {  	_ =	shalt  }
0x44: {  	_ =	shalt  }
0x45: {  	_ =	shalt  }
0x46: {  	_ =	shalt  }
0x47: {  	_ =	shalt  }
0x48: {  	_ =	shalt  }
0x49: {  	_ =	shalt  }
0x4a: {  	_ =	shalt  }
0x4b: {  	_ =	shalt  }
0x4c: {  	_ =	shalt  }
0x4d: {  	_ =	shalt  }
0x4e: {  	_ =	shalt  }
0x4f: {  	_ =	shalt  }
0x50: {  	_ =	shalt  }
0x51: {  	_ =	shalt  }
0x52: {  	_ =	shalt  }
0x53: {  	_ =	shalt  }
0x54: {  	_ =	shalt  }
0x55: {  	_ =	shalt  }
0x56: {  	_ =	shalt  }
0x57: {  	_ =	shalt  }
0x58: {  	_ =	shalt  }
0x59: {  	_ =	shalt  }
0x5a: {  	_ =	shalt  }
0x5b: {  	_ =	shalt  }
0x5c: {  	_ =	shalt  }
0x5d: {  	_ =	shalt  }
0x5e: {  	_ =	shalt  }
0x5f: {  	_ =	shalt  }
0x60: {  	_ =	shalt  }
0x61: {  	_ =	shalt  }
0x62: {  	_ =	shalt  }
0x63: {  	_ =	shalt  }
0x64: {  	_ =	shalt  }
0x65: {  	_ =	shalt  }
0x66: {  	_ =	shalt  }
0x67: {  	_ =	shalt  }
0x68: {  	_ =	shalt  }
0x69: {  	_ =	shalt  }
0x6a: {  	_ =	shalt  }
0x6b: {  	_ =	shalt  }
0x6c: {  	_ =	shalt  }
0x6d: {  	_ =	shalt  }
0x6e: {  	_ =	shalt  }
0x6f: {  	_ =	shalt  }
0x70: {  	_ =	shalt  }
0x71: {  	_ =	shalt  }
0x72: {  	_ =	shalt  }
0x73: {  	_ =	shalt  }
0x74: {  	_ =	shalt  }
0x75: {  	_ =	shalt  }
0x76: {  	_ =	shalt  }
0x77: {  	_ =	shalt  }
0x78: {  	_ =	shalt  }
0x79: {  	_ =	shalt  }
0x7a: {  	_ =	shalt  }
0x7b: {  	_ =	shalt  }
0x7c: {  	_ =	shalt  }
0x7d: {  	_ =	shalt  }
0x7e: {  	_ =	shalt  }
0x7f: {  	_ =	shalt  }
0x80: {  	_ =	shalt  }
0x81: {  	_ =	shalt  }
0x82: {  	_ =	shalt  }
0x83: {  	_ =	shalt  }
0x84: {  	_ =	shalt  }
0x85: {  	_ =	shalt  }
0x86: {  	_ =	shalt  }
0x87: {  	_ =	shalt  }
.Lfunc_end0:
.L_simem_size_0:
called_computation.2_lowered:
.L_overlay_start_0:
0x88: {  	s2 =	sld [smem:$0x3FD9]  }
0x89: {  	s3 =	sld [smem:$0x3FFE];
	_ =	sdelay $0x1  }
0x8a: {  	s1 =	srdreg.scid  }
0x8b: {  	s0 =	sand.u32 $0x1, s1  }
0x8c: {  	s17 =	sshll.u32 s0, $0xA;
	s2 =	sadd.s32 s3, s2  }
0x8d: {  	s2 =	sadd.s32 s2, s17  }
0x8e: {  	[smem:$0x3FB5] =	sst s2  }
0x8f: {  	_ = 	snop  }
0x90: {  	s18 =	sld [smem:$0x3FC9];
	(tm) =	ssettm $0x1  }
0x91: {  	s19 =	sld [smem:$0x3FFB];
	_ =	sdelay $0x3  }
0x92: {  	_ =	strace s19  }
0x93: {  	s2 =	sld [smem:$0x3FFC];
	_ =	sdelay $0x3  }
0x94: {  	_ =	strace s2  }
0x95: {  	s2 =	sld [smem:$0x3FFD];
	_ =	sdelay $0x3  }
0x96: {  	_ =	strace s2  }
0x97: {  	_ =	strace $0x8FFFFFFF  }
0x98: {  	s20 =	sld [smem:$0x3FDB];
	_ =	sdelay $0x1  }
0x99: {  	s4 =	simm.s32 $_scs_section_size  }
0x9a: {  	s5 =	simm.s32 $_size__tile_overlayer_lowered;
	s6 =	simm.s32 $_tile_overlayer_lowered  }
0x9b: {  	s7 =	simm.s32 $0x1BFF;
	s21 =	sshll.u32 s6, $0x1;
	s4 =	sadd.s32 s4, s20  }
0x9c: {  	s22 =	simm.s32 $0x0;
	s5 =	sshll.u32 s5, $0x1;
	s6 =	sadd.s32 s21, s4  }
0x9d: {  	[timem:s22], [sflag:s7] =	dma.local [hbm:s6], s5  }
0x9e: {  	_ =	swait.ge [sflag:s7], s5  }
0x9f: {  	s5 =	ssub.s32 $0x0, s5;
	[sflag:s7] =	ssyncset.done $0x0  }
0xa0: {  	[sflag:s7] =	ssyncadd.s32 s5;
	_ =	sdelay $0x1  }
0xa1: {  	s23 =	simm.s32 $0x1B8B  }
0xa2: {  	_ =	swait.ge [sflag:s23], $0x1  }
0xa3: {  	[sflag:s23] =	ssyncset.done $0x0  }
0xa4: {  	[sflag:s23] =	ssyncadd.s32 $0xFFFFFFFF  }
0xa5: {  	s5 =	sld [smem:$0x0]  }
0xa6: {  	s6 =	sand.u32 $0xFFFFFFFE, s1  }
0xa7: {  	p0 =	sne.s32 s1, s6  }
0xa8: {  	s6 =	sshll.u32 @p0 s6, $0xE  }
0xa9: {  	s6 =	sadd.s32 @p0 $0x11B8D, s6;
	s7 =	sshll.u32 @p0 s5, $0x11  }
0xaa: {  	s6 =	sor.u32 @p0 s7, s6  }
0xab: {  	[sflag:s6] =	ssyncadd.remote.s32 @p0 $0x1;
	_ =	sdelay $0x1  }
0xac: {  	s6 =	simm.s32 @p0 $0x1B8D  }
0xad: {  	_ =	swait.eq @p0 [sflag:s6], $0x1  }
0xae: {  	[sflag:s6] =	ssyncadd.s32 @p0 $0xFFFFFFFF  }
0xaf: {  	s7 =	sshll.u32 @!p0 s1, $0xE  }
0xb0: {  	s7 =	sor.u32 @!p0 $0x4000, s7;
	s6 =	simm.s32 @!p0 $0x1B8D  }
0xb1: {  	s5 =	sshll.u32 @!p0 s5, $0x11;
	s7 =	sadd.s32 @!p0 $0x11B8D, s7;
	_ =	swait.eq @!p0 [sflag:s6], $0x1  }
0xb2: {  	s5 =	sor.u32 @!p0 s5, s7;
	[sflag:s6] =	ssyncadd.s32 @!p0 $0xFFFFFFFF  }
0xb3: {  	s25 =	simm.s32 $0x1B8E;
	s24 =	sld [smem:$0x3FFE];
	[sflag:s5] =	ssyncadd.remote.s32 @!p0 $0x1  }
0xb4: {  	s26 =	simm.s32 $execute0_lowered;
	[smem:$0x3FD2] =	sst s25  }
0xb5: {  	s6 =	sshll.u32 s26, $0x1;
	_ =	strace $0x8000004C;
	[dreg:$0x1] =	wrdreg $0xFFFFFFFF  }
0xb6: {  	s28 =	simm.s32 $_size_execute0_lowered;
	s4 =	sadd.s32 s4, s6;
	[dreg:$0x0] =	wrdreg $0x0  }
0xb7: {  	s6 =	sshll.u32 s28, $0x1;
	[dreg:$0x2] =	wrdreg s4  }
0xb8: {  	[dreg:$0x3] =	wrdreg s6  }
0xb9: {  	[dreg:$0x4] =	wrdreg $0xC0  }
0xba: {  	_ =	task [dreg:s22], $0x5FFFF  }
0xbb: {  	[dreg:$0x1] =	wrdreg $0xFFFFFFFF  }
0xbc: {  	[dreg:$0x0] =	wrdreg $0x60  }
0xbd: {  	[dreg:$0x2] =	wrdreg s18  }
0xbe: {  	[dreg:$0x3] =	wrdreg s24  }
0xbf: {  	[dreg:$0x4] =	wrdreg $0xD  }
0xc0: {  	_ =	task.clear_ibuf [dreg:s22], $0x5FFFF;
	_ =	strace $0x9000004C  }
0xc1: {  	s29 =	simm.s32 $0xD;
	_ =	strace $0x8000004E  }
0xc2: {  	_ =	swait.ge [sflag:s29], $0x1  }
0xc3: {  	[sflag:s29] =	ssyncadd.s32 $0xFFFFFFFF  }
0xc4: {  	_ =	strace $0x9000004E  }
0xc5: {  	_ =	sfence  }
0xc6: {  	s30 =	sld [smem:$0x0];
	_ =	sdelay $0x2  }
0xc7: {  	s31 =	sshll.u32 s1, $0xD;
	s1 =	sshrl.u32 s1, $0x2  }
0xc8: {  	s4 =	sand.u32 $0x4000, s31;
	s1 =	sadd.s32 s1, s30  }
0xc9: {  	s0 =	sor.u32 s4, s0;
	s1 =	sshll.u32 s1, $0x11  }
0xca: {  	s0 =	sor.u32 s1, s0  }
0xcb: {  	s0 =	sadd.s32 $0x8F2B, s0  }
0xcc: {  	[sflag:s0] =	ssyncadd.remote.s32 $0x1  }
0xcd: {  	_ =	sfence.sel $0xFFFF  }
0xce: {  	[dreg:$0x0] =	wrdreg $0xFFFFFFFF;
	(pc) =	sbr.abs _section_cstart, $3  }
0xcf: {  	[dreg:$0x1] =	wrdreg $0xFFFFFFFF  }
0xd0: {  	_ =	task.clear_ibuf [dreg:s22], $0x2FFFF;
	_ =	strace $0x9FFFFFFF  }
0xd1: {  	(tm) =	ssettm $0x7FFFFFFF  }
tec
execute0_lowered:
.L_overlay_start_1:
0x0: {  	(tag) =	ssettag $0x1  }
0x1: {  	s1 =	rddreg [dreg:$0x0]  }
0x2: {  	s4 =	rddreg [dreg:$0x1]  }
0x3: {  	s0 =	rddreg [dreg:$0x2];
	s3 =	simm.s32 $0x0;
	s5 =	srdreg.scid  }
0x4: {  	s2 =	stileid.u32;
	s14 =	simm.s32 $0x2000;
	s15 =	simm.s32 $0x7000  }
0x5: {  	s16 =	simm.s32 $0x4800;
	s17 =	simm.s32 $0x9800;
	s18 =	simm.s32 $0x1  }
0x6: {  	s19 =	simm.s32 $0x3;
	s20 =	simm.s32 $0x2;
	s21 =	simm.s32 $0x4  }
0x7: {  	s22 =	simm.s32 $0x0;
	[smem:$0x7FF] =	sst s3;
	s7 =	sand.u32 $0x1, s5  }
0x8: {  	s29 =	sshll.u32 s2, $0x1;
	s9 =	sadd.s32 $0x407000, s4;
	s11 =	sadd.s32 $0x501000, s4  }
0x9: {  	s12 =	smul.u32 $0xFA00, s2;
	_ =	strace $0x8000004D;
	s5 =	sor.u32 s7, s29  }
0xa: {  	s8 =	ssub.s32 $0x2, s7;
	s6 =	sshll.u32 s5, $0x9;
	s5 =	smul.u32 $0x3E800, s5  }
0xb: {  	s13 =	smul.u32 $0x7D00, s7;
	s10 =	sshrl.u32 s8, $0x1;
	s31 =	sadd.s32 s12, s11  }
0xc: {  	s6 =	sadd.s32 s6, s4;
	s8 =	ssub.s32 s8, s10;
	s5 =	sshrl.u32 s5, $0x3  }
0xd: {  	s10 =	sadd.s32 s13, s31;
	s4 =	sadd.s32 $0x403000, s6;
	s30 =	sadd.s32 $0x7800, s5  }
0xe: {  	s8 =	smax.u32 s8, $0x1;
	s5 =	sadd.s32 $0x3FF000, s6;
	s6 =	sadd.s32 s9, s30  }
0xf: {  	s7 =	sadd.s32 s11, s30;
	s9 =	sadd.s32 s12, s9;
	s11 =	simm.s32 $0x5  }
0x10: {  	s12 =	simm.s32 $0x1000;
	s9 =	sadd.s32 s13, s9;
	s13 =	simm.s32 $0x50  }
.LBB2_1:
0x11: {  	[tilespmem:s3], [sflag:$0x5] =	stream.linear.gather [hbm4b:s4+s3], $0xC80, $0x38;
	[tilespmem:$0xC000] =	vst v63  }
0x12: {  	_ =	swait.ge [sflag:s11], $0xC80  }
0x13: {  	[sflag:s11] =	ssyncset.done $0x0  }
0x14: {  	[sflag:s11] =	ssyncadd.s32 $0xFFFFF380  }
0x15: {  	[tilespmem:s12], [sflag:$0x5] =	stream.linear.gather [hbm4b:s5+s3], $0xC80, $0x38;
	[tilespmem:$0xC000] =	vst v63  }
0x16: {  	_ =	swait.ge [sflag:s11], $0xC80  }
0x17: {  	[sflag:s11] =	ssyncset.done $0x0  }
0x18: {  	[sflag:s11] =	ssyncadd.s32 $0xFFFFF380  }
0x19: {  	[tilespmem:s14], [sflag:$0x1] =	stream.indirect.gather [hbm4b:s1+s13], $0x80, s3, s13, $0xb8;
	[tilespmem:$0xC000] =	vst v63  }
0x1a: {  	_ = 	snop  }
0x1b: {  	[tilespmem:s15], [sflag:$0x3] =	stream.indirect.gather [hbm4b:s1+s13], $0x80, s12, s13, $0xb8;
	[tilespmem:$0xC000] =	vst v63  }
0x1c: {  	s23 =	simm.s32 $0x80  }
0x1d: {  	[tilespmem:s16], [sflag:$0x2] =	stream.indirect.gather [hbm4b:s1+s13], $0x80, s23, s13, $0xb8;
	[tilespmem:$0xC000] =	vst v63  }
0x1e: {  	s25 =	simm.s32 $0x1080  }
0x1f: {  	[tilespmem:s17], [sflag:$0x4] =	stream.indirect.gather [hbm4b:s1+s13], $0x80, s25, s13, $0xb8;
	[tilespmem:$0xC000] =	vst v63  }
0x20: {  	_ =	swait.ge [sflag:s18], $0x2800  }
0x21: {  	[sflag:s18] =	ssyncset.done $0x0  }
0x22: {  	[sflag:s18] =	ssyncadd.s32 $0xFFFFD800  }
0x23: {  	[hbm4b:s9+s3] =	stream.linear.scatter [tilespmem:s14], [sflag:$0x5], $0x2800, $0x38;
	[tilespmem:$0xC000] =	vst v63  }
0x24: {  	_ =	swait.ge [sflag:s11], $0x2800  }
0x25: {  	[sflag:s11] =	ssyncset.done $0x0  }
0x26: {  	[sflag:s11] =	ssyncadd.s32 $0xFFFFD800  }
0x27: {  	_ =	swait.ge [sflag:s19], $0x2800  }
0x28: {  	[sflag:s19] =	ssyncset.done $0x0  }
0x29: {  	[sflag:s19] =	ssyncadd.s32 $0xFFFFD800  }
0x2a: {  	[hbm4b:s10+s3] =	stream.linear.scatter [tilespmem:s15], [sflag:$0x5], $0x2800, $0x38;
	[tilespmem:$0xC000] =	vst v63  }
0x2b: {  	_ =	swait.ge [sflag:s11], $0x2800  }
0x2c: {  	[sflag:s11] =	ssyncset.done $0x0  }
0x2d: {  	s26 =	simm.s32 $0x100;
	[sflag:s11] =	ssyncadd.s32 $0xFFFFD800  }
0x2e: {  	[tilespmem:s14], [sflag:$0x1] =	stream.indirect.gather [hbm4b:s1+s13], $0x80, s26, s13, $0xb8;
	[tilespmem:$0xC000] =	vst v63  }
0x2f: {  	s28 =	simm.s32 $0x1100  }
0x30: {  	[tilespmem:s15], [sflag:$0x3] =	stream.indirect.gather [hbm4b:s1+s13], $0x80, s28, s13, $0xb8;
	[tilespmem:$0xC000] =	vst v63  }
0x31: {  	_ =	swait.ge [sflag:s20], $0x2800  }
0x32: {  	[sflag:s20] =	ssyncset.done $0x0  }
0x33: {  	s30 =	sadd.s32 $0x500, s9;
	[sflag:s20] =	ssyncadd.s32 $0xFFFFD800  }
0x34: {  	[hbm4b:s30+s3] =	stream.linear.scatter [tilespmem:s16], [sflag:$0x5], $0x2800, $0x38;
	[tilespmem:$0xC000] =	vst v63  }
0x35: {  	_ =	swait.ge [sflag:s11], $0x2800  }
0x36: {  	[sflag:s11] =	ssyncset.done $0x0  }
0x37: {  	[sflag:s11] =	ssyncadd.s32 $0xFFFFD800  }
0x38: {  	_ =	swait.ge [sflag:s21], $0x2800  }
0x39: {  	[sflag:s21] =	ssyncset.done $0x0  }
0x3a: {  	s31 =	sadd.s32 $0x500, s10;
	[sflag:s21] =	ssyncadd.s32 $0xFFFFD800  }
0x3b: {  	[hbm4b:s31+s3] =	stream.linear.scatter [tilespmem:s17], [sflag:$0x5], $0x2800, $0x38;
	[tilespmem:$0xC000] =	vst v63  }
0x3c: {  	s29 =	simm.s32 $0x800;
	s24 =	sadd.s32 $0xA00, s9;
	_ =	swait.ge [sflag:s11], $0x2800  }
0x3d: {  	s23 =	sadd.s32 $0xA00, s10;
	s25 =	simm.s32 $0x100;
	[sflag:s11] =	ssyncset.done $0x0  }
.LBB2_2:
0x3e: {  	s30 =	sadd.s32 $0x80, s25  }
0x3f: {  	[sflag:s11] =	ssyncadd.s32 $0xFFFFD800;
	s28 =	smov.u32 s29;
	s26 =	sadd.s32 $0x400, s29  }
0x40: {  	[tilespmem:s16], [sflag:$0x2] =	stream.indirect.gather [hbm4b:s1+s13], $0x80, s30, s13, $0xb8;
	[tilespmem:$0xC000] =	vst v63  }
0x41: {  	p0 =	sne.s32 s29, $0x2C00;
	s29 =	sadd.s32 $0x1080, s25  }
0x42: {  	[tilespmem:s17], [sflag:$0x4] =	stream.indirect.gather [hbm4b:s1+s13], $0x80, s29, s13, $0xb8;
	[tilespmem:$0xC000] =	vst v63  }
0x43: {  	_ =	swait.ge [sflag:s18], $0x2800  }
0x44: {  	[sflag:s18] =	ssyncset.done $0x0  }
0x45: {  	[sflag:s18] =	ssyncadd.s32 $0xFFFFD800  }
0x46: {  	[hbm4b:s24+s3] =	stream.linear.scatter [tilespmem:s14], [sflag:$0x5], $0x2800, $0x38;
	[tilespmem:$0xC000] =	vst v63  }
0x47: {  	_ =	swait.ge [sflag:s11], $0x2800  }
0x48: {  	[sflag:s11] =	ssyncset.done $0x0  }
0x49: {  	[sflag:s11] =	ssyncadd.s32 $0xFFFFD800  }
0x4a: {  	_ =	swait.ge [sflag:s19], $0x2800  }
0x4b: {  	[sflag:s19] =	ssyncset.done $0x0  }
0x4c: {  	[sflag:s19] =	ssyncadd.s32 $0xFFFFD800  }
0x4d: {  	[hbm4b:s23+s3] =	stream.linear.scatter [tilespmem:s15], [sflag:$0x5], $0x2800, $0x38;
	[tilespmem:$0xC000] =	vst v63  }
0x4e: {  	_ =	swait.ge [sflag:s11], $0x2800  }
0x4f: {  	[sflag:s11] =	ssyncset.done $0x0  }
0x50: {  	s29 =	sadd.s32 $0x100, s25;
	[sflag:s11] =	ssyncadd.s32 $0xFFFFD800  }
0x51: {  	[tilespmem:s14], [sflag:$0x1] =	stream.indirect.gather [hbm4b:s1+s13], $0x80, s29, s13, $0xb8;
	[tilespmem:$0xC000] =	vst v63  }
0x52: {  	s25 =	sadd.s32 $0x1100, s25  }
0x53: {  	[tilespmem:s15], [sflag:$0x3] =	stream.indirect.gather [hbm4b:s1+s13], $0x80, s25, s13, $0xb8;
	[tilespmem:$0xC000] =	vst v63  }
0x54: {  	_ =	swait.ge [sflag:s20], $0x2800  }
0x55: {  	[sflag:s20] =	ssyncset.done $0x0  }
0x56: {  	s25 =	sadd.s32 $0x500, s24;
	[sflag:s20] =	ssyncadd.s32 $0xFFFFD800  }
0x57: {  	[hbm4b:s25+s3] =	stream.linear.scatter [tilespmem:s16], [sflag:$0x5], $0x2800, $0x38;
	[tilespmem:$0xC000] =	vst v63  }
0x58: {  	_ =	swait.ge [sflag:s11], $0x2800  }
0x59: {  	[sflag:s11] =	ssyncset.done $0x0  }
0x5a: {  	[sflag:s11] =	ssyncadd.s32 $0xFFFFD800  }
0x5b: {  	_ =	swait.ge [sflag:s21], $0x2800  }
.Ltmp0:
0x5c: {  	[sflag:s21] =	ssyncset.done $0x0;
	(pc) =	sbr.rel @p0 .LBB2_2-.Ltmp0, $4  }
0x5d: {  	s25 =	sadd.s32 $0x500, s23;
	[sflag:s21] =	ssyncadd.s32 $0xFFFFD800  }
0x5e: {  	[hbm4b:s25+s3] =	stream.linear.scatter [tilespmem:s17], [sflag:$0x5], $0x2800, $0x38;
	[tilespmem:$0xC000] =	vst v63  }
0x5f: {  	s29 =	smov.u32 s26;
	s23 =	sadd.s32 $0xA00, s23;
	_ =	swait.ge [sflag:s11], $0x2800  }
0x60: {  	s24 =	sadd.s32 $0xA00, s24;
	s25 =	sshra.s32 s28, $0x2;
	[sflag:s11] =	ssyncset.done $0x0  }
0x61: {  	s26 =	sadd.s32 $0x80, s25;
	[sflag:s11] =	ssyncadd.s32 $0xFFFFD800  }
0x62: {  	[tilespmem:s16], [sflag:$0x2] =	stream.indirect.gather [hbm4b:s1+s13], $0x80, s26, s13, $0xb8;
	[tilespmem:$0xC000] =	vst v63  }
0x63: {  	s31 =	sadd.s32 $0x1080, s25  }
0x64: {  	[tilespmem:s17], [sflag:$0x4] =	stream.indirect.gather [hbm4b:s1+s13], $0x80, s31, s13, $0xb8;
	[tilespmem:$0xC000] =	vst v63  }
0x65: {  	_ =	swait.ge [sflag:s18], $0x2800  }
0x66: {  	[sflag:s18] =	ssyncset.done $0x0  }
0x67: {  	[sflag:s18] =	ssyncadd.s32 $0xFFFFD800  }
0x68: {  	[hbm4b:s24+s3] =	stream.linear.scatter [tilespmem:s14], [sflag:$0x5], $0x2800, $0x38;
	[tilespmem:$0xC000] =	vst v63  }
0x69: {  	_ =	swait.ge [sflag:s11], $0x2800  }
0x6a: {  	[sflag:s11] =	ssyncset.done $0x0  }
0x6b: {  	[sflag:s11] =	ssyncadd.s32 $0xFFFFD800  }
0x6c: {  	_ =	swait.ge [sflag:s19], $0x2800  }
0x6d: {  	[sflag:s19] =	ssyncset.done $0x0  }
0x6e: {  	[sflag:s19] =	ssyncadd.s32 $0xFFFFD800  }
0x6f: {  	[hbm4b:s23+s3] =	stream.linear.scatter [tilespmem:s15], [sflag:$0x5], $0x2800, $0x38;
	[tilespmem:$0xC000] =	vst v63  }
0x70: {  	_ =	swait.ge [sflag:s11], $0x2800  }
0x71: {  	[sflag:s11] =	ssyncset.done $0x0  }
0x72: {  	s28 =	sadd.s32 $0x100, s25;
	[sflag:s11] =	ssyncadd.s32 $0xFFFFD800  }
0x73: {  	[tilespmem:s14], [sflag:$0x1] =	stream.indirect.gather [hbm4b:s1+s13], $0x80, s28, s13, $0xb8;
	[tilespmem:$0xC000] =	vst v63  }
0x74: {  	s29 =	sadd.s32 $0x1100, s25  }
0x75: {  	[tilespmem:s15], [sflag:$0x3] =	stream.indirect.gather [hbm4b:s1+s13], $0x80, s29, s13, $0xb8;
	[tilespmem:$0xC000] =	vst v63  }
0x76: {  	_ =	swait.ge [sflag:s20], $0x2800  }
0x77: {  	[sflag:s20] =	ssyncset.done $0x0  }
0x78: {  	s30 =	sadd.s32 $0x500, s24;
	[sflag:s20] =	ssyncadd.s32 $0xFFFFD800  }
0x79: {  	[hbm4b:s30+s3] =	stream.linear.scatter [tilespmem:s16], [sflag:$0x5], $0x2800, $0x38;
	[tilespmem:$0xC000] =	vst v63  }
0x7a: {  	_ =	swait.ge [sflag:s11], $0x2800  }
0x7b: {  	[sflag:s11] =	ssyncset.done $0x0  }
0x7c: {  	[sflag:s11] =	ssyncadd.s32 $0xFFFFD800  }
0x7d: {  	_ =	swait.ge [sflag:s21], $0x2800  }
0x7e: {  	[sflag:s21] =	ssyncset.done $0x0  }
0x7f: {  	s31 =	sadd.s32 $0x500, s23;
	[sflag:s21] =	ssyncadd.s32 $0xFFFFD800  }
0x80: {  	[hbm4b:s31+s3] =	stream.linear.scatter [tilespmem:s17], [sflag:$0x5], $0x2800, $0x38;
	[tilespmem:$0xC000] =	vst v63  }
0x81: {  	_ =	swait.ge [sflag:s11], $0x2800  }
0x82: {  	[sflag:s11] =	ssyncset.done $0x0  }
0x83: {  	[sflag:s11] =	ssyncadd.s32 $0xFFFFD800  }
0x84: {  	_ =	swait.ge [sflag:s18], $0x2800  }
0x85: {  	[sflag:s18] =	ssyncset.done $0x0  }
0x86: {  	[sflag:s18] =	ssyncadd.s32 $0xFFFFD800  }
0x87: {  	[hbm4b:s6+s3] =	stream.linear.scatter [tilespmem:s14], [sflag:$0x5], $0x2800, $0x38;
	[tilespmem:$0xC000] =	vst v63  }
0x88: {  	_ =	swait.ge [sflag:s11], $0x2800  }
0x89: {  	[sflag:s11] =	ssyncset.done $0x0  }
0x8a: {  	[sflag:s11] =	ssyncadd.s32 $0xFFFFD800  }
0x8b: {  	s22 =	sadd.s32 $0x1, s22;
	_ =	swait.ge [sflag:s19], $0x2800  }
0x8c: {  	p0 =	sne.s32 s22, s8;
	[sflag:s19] =	ssyncset.done $0x0  }
.Ltmp1:
0x8d: {  	[sflag:s19] =	ssyncadd.s32 $0xFFFFD800;
	(pc) =	sbr.rel @p0 .LBB2_1-.Ltmp1, $4  }
0x8e: {  	[hbm4b:s7+s3] =	stream.linear.scatter [tilespmem:s15], [sflag:$0x5], $0x2800, $0x38;
	[tilespmem:$0xC000] =	vst v63  }
0x8f: {  	_ =	swait.ge [sflag:s11], $0x2800  }
0x90: {  	[sflag:s11] =	ssyncset.done $0x0  }
0x91: {  	[sflag:s11] =	ssyncadd.s32 $0xFFFFD800  }
0x92: {  	_ =	sfence.sel $0x180000  }
0x93: {  	[bflag:$0x0] =	sbarrier.arrive $0xFFFF  }
0x94: {  	p0 =	sne.s32 s2, $0x0;
	_ =	strace $0x9000004D  }
0x95: {  	s0 =	sadd.s32 @!p0 $0x100000, s0;
	[bflag:$0x2] =	sbarrier.arrive $0xFFFF  }
0x96: {  	[sflag:s0] =	ssyncadd.tile.s32 @!p0 $0x1;
	_ =	shalt  }
.Lfunc_end2:
_tile_overlayer_lowered:
.L_overlay_start_2:
0x97: {  	(tag) =	ssettag $0x2  }
0x98: {  	s0 =	rddreg [dreg:$0x0];
	s2 =	stileid.u32  }
0x99: {  	s1 =	rddreg [dreg:$0x1];
	p0 =	sne.s32 s2, $0x0  }
0x9a: {  	s3 =	rddreg [dreg:$0x2];
	[bflag:$0x3] =	sbarrier.arrive $0xFFFF;
	s2 =	simm.s32 @!p0 $0x1C05  }
0x9b: {  	[timem:s3], [sflag:s2] =	dma.local @!p0 [hbm:s0], s1  }
0x9c: {  	s0 =	simm.s32 @!p0 $0x5  }
0x9d: {  	_ =	swait.ge @!p0 [sflag:s0], s1  }
0x9e: {  	s1 =	ssub.s32 @!p0 $0x0, s1;
	[sflag:s0] =	ssyncset.done @!p0 $0x0  }
0x9f: {  	[sflag:s0] =	ssyncadd.s32 @!p0 s1  }
0xa0: {  	[bflag:$0x3] =	sbarrier.arrive $0xFFFF  }
0xa1: {  	_ =	shalt  }

// kernel: kernel.25.cloned.1.call-start
scs
__scs_entry_jumppad:
0x0: {  	(pc) =	sbr.rel $0x88, $3  }
0x1: {  	(tag) =	ssettag $0x0;
	lr =	simm.s32 $0x1  }
0x2: {  	[smem:$0x3F8E] =	sst lr;
	_ =	strace $0xD0000000  }
0x3: {  	_ = 	snop  }
0x4: {  	_ = 	snop  }
0x5: {  	_ = 	snop  }
0x6: {  	_ = 	snop  }
0x7: {  	_ = 	snop  }
__scs_overlays_trampoline_lowered:
0x8: {  	[smem:$0x3F9D] =	sst s0  }
0x9: {  	[smem:$0x3F9E] =	sst s1  }
0xa: {  	[smem:$0x3F9F] =	sst s2  }
0xb: {  	[smem:$0x3FA0] =	sst s3  }
0xc: {  	[smem:$0x3FA1] =	sst s4  }
0xd: {  	[smem:$0x3FA2] =	sst s5  }
0xe: {  	[smem:$0x3FA3] =	sst s6  }
0xf: {  	[smem:$0x3FA4] =	sst s7  }
0x10: {  	[smem:$0x3FA5] =	sst s8  }
0x11: {  	[smem:$0x3FA6] =	sst s9;
	s0 =	simm.s32 @!p0 $0x0  }
0x12: {  	s1 =	sld [smem:$0x3F8C];
	s0 =	simm.s32 @p0 $0x1  }
0x13: {  	[smem:$0x3FA7] =	sst s0;
	s0 =	simm.s32 @!p1 $0x0  }
0x14: {  	s2 =	sld [smem:$0x3F8B];
	s0 =	simm.s32 @p1 $0x1  }
0x15: {  	[smem:$0x3FA8] =	sst s0;
	s0 =	simm.s32 @!p2 $0x0  }
0x16: {  	s3 =	sld [smem:$0x3FDB];
	s0 =	simm.s32 @p2 $0x1  }
0x17: {  	s4 =	simm.s32 $0x1BF5;
	[smem:$0x3FAA] =	sst s0  }
0x18: {  	s0 =	sld [smem:$0x3F8D];
	_ =	swait.ge [sflag:s4], $0x0  }
0x19: {  	s7 =	sld [smem:$0x3F8E]  }
0x1a: {  	s8 =	sadd.s32 $0xFFFFE003, lr  }
0x1b: {  	s9 =	sadd.s32 $0xFFFFFEF7, lr;
	s5 =	simm.s32 $0xFFFFFFFF;
	p2 =	slt.u32 s8, $0xFFFFF086  }
0x1c: {  	p1 =	slt.u32 s9, $0xF7A;
	s5 =	simm.s32 @!p2 $0x0  }
0x1d: {  	s5 =	simm.s32 @p1 $0x1;
	p0 =	seq.s32 s7, s2  }
0x1e: {  	s7 =	smul.u32 @!p0 $0xF7A, s2;
	p2 =	seq.s32 @!p0 s5, $0x0  }
0x1f: {  	s9 =	smul.u32 $0xF7A, s1;
	s8 =	simm.s32 @!p0 $0x1BF5;
	p2 =	por !p2, p0  }
0x20: {  	[sflag:s8] =	ssyncset.s32 @!p0 $0xFFFFF086;
	s6 =	sadd.s32 @!p0 s3, s7;
	s7 =	simm.s32 @!p0 $0x108  }
0x21: {  	s3 =	sadd.s32 s3, s9;
	s6 =	sadd.s32 @!p0 $0x88, s6;
	s7 =	simm.s32 @p2 $0x1082  }
0x22: {  	[simem:s7], [sflag:s8] =	dma.local @!p0 [hbm:s6], $0xF7A  }
0x23: {  	s9 =	sor.u32 $0xD0000000, s2;
	s6 =	simm.s32 $0x108;
	_ =	swait.ge @!p0 [sflag:s8], $0x0  }
0x24: {  	s3 =	sadd.s32 $0x88, s3;
	s6 =	simm.s32 @!p1 $0x1082;
	[sflag:s4] =	ssyncset.s32 $0xFFFFF086  }
0x25: {  	[simem:s6], [sflag:s4] =	dma.local [hbm:s3], $0xF7A  }
0x26: {  	[smem:$0x3F8E] =	sst s1;
	(tag) =	ssettag s2;
	_ =	strace s9  }
0x27: {  	s1 =	sld [smem:$0x3F9E]  }
0x28: {  	s2 =	sld [smem:$0x3F9F]  }
0x29: {  	s4 =	sld [smem:$0x3FA1]  }
0x2a: {  	p0 =	seq.s32 s5, $0x0;
	s5 =	sld [smem:$0x3FA2]  }
0x2b: {  	s6 =	sld [smem:$0x3FA3]  }
0x2c: {  	s7 =	sld [smem:$0x3FA4]  }
0x2d: {  	s3 =	simm.s32 $0x108;
	s8 =	sld [smem:$0x3FA5]  }
0x2e: {  	s3 =	simm.s32 @!p0 $0x1082;
	s9 =	sld [smem:$0x3FA6]  }
0x2f: {  	lr =	sadd.s32 s0, s3;
	s0 =	sld [smem:$0x3F9D]  }
0x30: {  	s3 =	sld [smem:$0x3FA0]  }
0x31: {  	[smem:$0x3FA9] =	sst s10  }
0x32: {  	s10 =	sld [smem:$0x3FA7];
	_ =	sdelay $0x3  }
0x33: {  	p0 =	seq.s32 s10, $0x1;
	s10 =	sld [smem:$0x3FA9];
	_ =	sdelay $0x3  }
0x34: {  	[smem:$0x3FA9] =	sst s10  }
0x35: {  	s10 =	sld [smem:$0x3FA8];
	_ =	sdelay $0x3  }
0x36: {  	p1 =	seq.s32 s10, $0x1;
	s10 =	sld [smem:$0x3FA9];
	_ =	sdelay $0x3  }
0x37: {  	[smem:$0x3FA9] =	sst s10  }
0x38: {  	s10 =	sld [smem:$0x3FAA]  }
0x39: {  	_ = 	snop;
	(pc) =	sbr.ind lr, $3  }
0x3a: {  	_ = 	snop  }
0x3b: {  	_ = 	snop  }
0x3c: {  	p2 =	seq.s32 s10, $0x1;
	s10 =	sld [smem:$0x3FA9]  }
0x3d: {  	_ =	shalt  }
0x3e: {  	_ =	shalt  }
0x3f: {  	_ =	shalt  }
0x40: {  	_ =	shalt  }
0x41: {  	_ =	shalt  }
0x42: {  	_ =	shalt  }
0x43: {  	_ =	shalt  }
0x44: {  	_ =	shalt  }
0x45: {  	_ =	shalt  }
0x46: {  	_ =	shalt  }
0x47: {  	_ =	shalt  }
0x48: {  	_ =	shalt  }
0x49: {  	_ =	shalt  }
0x4a: {  	_ =	shalt  }
0x4b: {  	_ =	shalt  }
0x4c: {  	_ =	shalt  }
0x4d: {  	_ =	shalt  }
0x4e: {  	_ =	shalt  }
0x4f: {  	_ =	shalt  }
0x50: {  	_ =	shalt  }
0x51: {  	_ =	shalt  }
0x52: {  	_ =	shalt  }
0x53: {  	_ =	shalt  }
0x54: {  	_ =	shalt  }
0x55: {  	_ =	shalt  }
0x56: {  	_ =	shalt  }
0x57: {  	_ =	shalt  }
0x58: {  	_ =	shalt  }
0x59: {  	_ =	shalt  }
0x5a: {  	_ =	shalt  }
0x5b: {  	_ =	shalt  }
0x5c: {  	_ =	shalt  }
0x5d: {  	_ =	shalt  }
0x5e: {  	_ =	shalt  }
0x5f: {  	_ =	shalt  }
0x60: {  	_ =	shalt  }
0x61: {  	_ =	shalt  }
0x62: {  	_ =	shalt  }
0x63: {  	_ =	shalt  }
0x64: {  	_ =	shalt  }
0x65: {  	_ =	shalt  }
0x66: {  	_ =	shalt  }
0x67: {  	_ =	shalt  }
0x68: {  	_ =	shalt  }
0x69: {  	_ =	shalt  }
0x6a: {  	_ =	shalt  }
0x6b: {  	_ =	shalt  }
0x6c: {  	_ =	shalt  }
0x6d: {  	_ =	shalt  }
0x6e: {  	_ =	shalt  }
0x6f: {  	_ =	shalt  }
0x70: {  	_ =	shalt  }
0x71: {  	_ =	shalt  }
0x72: {  	_ =	shalt  }
0x73: {  	_ =	shalt  }
0x74: {  	_ =	shalt  }
0x75: {  	_ =	shalt  }
0x76: {  	_ =	shalt  }
0x77: {  	_ =	shalt  }
0x78: {  	_ =	shalt  }
0x79: {  	_ =	shalt  }
0x7a: {  	_ =	shalt  }
0x7b: {  	_ =	shalt  }
0x7c: {  	_ =	shalt  }
0x7d: {  	_ =	shalt  }
0x7e: {  	_ =	shalt  }
0x7f: {  	_ =	shalt  }
0x80: {  	_ =	shalt  }
0x81: {  	_ =	shalt  }
0x82: {  	_ =	shalt  }
0x83: {  	_ =	shalt  }
0x84: {  	_ =	shalt  }
0x85: {  	_ =	shalt  }
0x86: {  	_ =	shalt  }
0x87: {  	_ =	shalt  }
.Lfunc_end0:
.L_simem_size_0:
called_computation.3_lowered:
.L_overlay_start_0:
0x88: {  	s2 =	sld [smem:$0x3FD9]  }
0x89: {  	s3 =	sld [smem:$0x3FFE];
	_ =	sdelay $0x1  }
0x8a: {  	s1 =	srdreg.scid  }
0x8b: {  	s0 =	sand.u32 $0x1, s1  }
0x8c: {  	s17 =	sshll.u32 s0, $0xA;
	s2 =	sadd.s32 s3, s2  }
0x8d: {  	s2 =	sadd.s32 s2, s17  }
0x8e: {  	[smem:$0x3FB5] =	sst s2  }
0x8f: {  	_ = 	snop  }
0x90: {  	s18 =	sld [smem:$0x3FC9];
	(tm) =	ssettm $0x1  }
0x91: {  	s19 =	sld [smem:$0x3FFB];
	_ =	sdelay $0x3  }
0x92: {  	_ =	strace s19  }
0x93: {  	s2 =	sld [smem:$0x3FFC];
	_ =	sdelay $0x3  }
0x94: {  	_ =	strace s2  }
0x95: {  	s2 =	sld [smem:$0x3FFD];
	_ =	sdelay $0x3  }
0x96: {  	_ =	strace s2  }
0x97: {  	_ =	strace $0x8FFFFFFF  }
0x98: {  	s20 =	sld [smem:$0x3FDB];
	_ =	sdelay $0x1  }
0x99: {  	s4 =	simm.s32 $_scs_section_size  }
0x9a: {  	s5 =	simm.s32 $_size__tile_overlayer_lowered;
	s6 =	simm.s32 $_tile_overlayer_lowered  }
0x9b: {  	s7 =	simm.s32 $0x1BFF;
	s21 =	sshll.u32 s6, $0x1;
	s4 =	sadd.s32 s4, s20  }
0x9c: {  	s22 =	simm.s32 $0x0;
	s5 =	sshll.u32 s5, $0x1;
	s6 =	sadd.s32 s21, s4  }
0x9d: {  	[timem:s22], [sflag:s7] =	dma.local [hbm:s6], s5  }
0x9e: {  	_ =	swait.ge [sflag:s7], s5  }
0x9f: {  	s5 =	ssub.s32 $0x0, s5;
	[sflag:s7] =	ssyncset.done $0x0  }
0xa0: {  	[sflag:s7] =	ssyncadd.s32 s5;
	_ =	sdelay $0x1  }
0xa1: {  	s23 =	simm.s32 $0x1B8B  }
0xa2: {  	_ =	swait.ge [sflag:s23], $0x1  }
0xa3: {  	[sflag:s23] =	ssyncset.done $0x0  }
0xa4: {  	[sflag:s23] =	ssyncadd.s32 $0xFFFFFFFF  }
0xa5: {  	s5 =	sld [smem:$0x0]  }
0xa6: {  	s6 =	sand.u32 $0xFFFFFFFE, s1  }
0xa7: {  	p0 =	sne.s32 s1, s6  }
0xa8: {  	s6 =	sshll.u32 @p0 s6, $0xE  }
0xa9: {  	s6 =	sadd.s32 @p0 $0x11B8D, s6;
	s7 =	sshll.u32 @p0 s5, $0x11  }
0xaa: {  	s6 =	sor.u32 @p0 s7, s6  }
0xab: {  	[sflag:s6] =	ssyncadd.remote.s32 @p0 $0x1;
	_ =	sdelay $0x1  }
0xac: {  	s6 =	simm.s32 @p0 $0x1B8D  }
0xad: {  	_ =	swait.eq @p0 [sflag:s6], $0x1  }
0xae: {  	[sflag:s6] =	ssyncadd.s32 @p0 $0xFFFFFFFF  }
0xaf: {  	s7 =	sshll.u32 @!p0 s1, $0xE  }
0xb0: {  	s7 =	sor.u32 @!p0 $0x4000, s7;
	s6 =	simm.s32 @!p0 $0x1B8D  }
0xb1: {  	s5 =	sshll.u32 @!p0 s5, $0x11;
	s7 =	sadd.s32 @!p0 $0x11B8D, s7;
	_ =	swait.eq @!p0 [sflag:s6], $0x1  }
0xb2: {  	s5 =	sor.u32 @!p0 s5, s7;
	[sflag:s6] =	ssyncadd.s32 @!p0 $0xFFFFFFFF  }
0xb3: {  	s25 =	simm.s32 $0x1B8E;
	s24 =	sld [smem:$0x3FFE];
	[sflag:s5] =	ssyncadd.remote.s32 @!p0 $0x1  }
0xb4: {  	s26 =	simm.s32 $execute0_lowered;
	[smem:$0x3FD2] =	sst s25  }
0xb5: {  	s6 =	sshll.u32 s26, $0x1;
	_ =	strace $0x80000052;
	[dreg:$0x1] =	wrdreg $0xFFFFFFFF  }
0xb6: {  	s28 =	simm.s32 $_size_execute0_lowered;
	s4 =	sadd.s32 s4, s6;
	[dreg:$0x0] =	wrdreg $0x0  }
0xb7: {  	s6 =	sshll.u32 s28, $0x1;
	[dreg:$0x2] =	wrdreg s4  }
0xb8: {  	[dreg:$0x3] =	wrdreg s6  }
0xb9: {  	[dreg:$0x4] =	wrdreg $0xC0  }
0xba: {  	_ =	task [dreg:s22], $0x5FFFF  }
0xbb: {  	[dreg:$0x1] =	wrdreg $0xFFFFFFFF  }
0xbc: {  	[dreg:$0x0] =	wrdreg $0x60  }
0xbd: {  	[dreg:$0x2] =	wrdreg s18  }
0xbe: {  	[dreg:$0x3] =	wrdreg s24  }
0xbf: {  	[dreg:$0x4] =	wrdreg $0x9  }
0xc0: {  	_ =	task.clear_ibuf [dreg:s22], $0x5FFFF;
	_ =	strace $0x90000052  }
0xc1: {  	s29 =	simm.s32 $0x9;
	_ =	strace $0x80000054  }
0xc2: {  	_ =	swait.ge [sflag:s29], $0x1  }
0xc3: {  	[sflag:s29] =	ssyncadd.s32 $0xFFFFFFFF  }
0xc4: {  	_ =	strace $0x90000054  }
0xc5: {  	_ =	sfence  }
0xc6: {  	s30 =	sld [smem:$0x0];
	_ =	sdelay $0x2  }
0xc7: {  	s31 =	sshll.u32 s1, $0xD;
	s1 =	sshrl.u32 s1, $0x2  }
0xc8: {  	s4 =	sand.u32 $0x4000, s31;
	s1 =	sadd.s32 s1, s30  }
0xc9: {  	s0 =	sor.u32 s4, s0;
	s1 =	sshll.u32 s1, $0x11  }
0xca: {  	s0 =	sor.u32 s1, s0  }
0xcb: {  	s0 =	sadd.s32 $0x8F2B, s0  }
0xcc: {  	[sflag:s0] =	ssyncadd.remote.s32 $0x1  }
0xcd: {  	_ =	sfence.sel $0xFFFF  }
0xce: {  	[dreg:$0x0] =	wrdreg $0xFFFFFFFF;
	(pc) =	sbr.abs _section_cstart, $3  }
0xcf: {  	[dreg:$0x1] =	wrdreg $0xFFFFFFFF  }
0xd0: {  	_ =	task.clear_ibuf [dreg:s22], $0x2FFFF;
	_ =	strace $0x9FFFFFFF  }
0xd1: {  	(tm) =	ssettm $0x7FFFFFFF  }
tec
execute0_lowered:
.L_overlay_start_1:
0x0: {  	(tag) =	ssettag $0x1  }
0x1: {  	s1 =	rddreg [dreg:$0x0]  }
0x2: {  	s4 =	rddreg [dreg:$0x1]  }
0x3: {  	s0 =	rddreg [dreg:$0x2];
	s3 =	simm.s32 $0x0;
	s5 =	srdreg.scid  }
0x4: {  	s2 =	stileid.u32;
	s14 =	simm.s32 $0x2000;
	s15 =	simm.s32 $0x7000  }
0x5: {  	s16 =	simm.s32 $0x4800;
	s17 =	simm.s32 $0x9800;
	s18 =	simm.s32 $0x1  }
0x6: {  	s19 =	simm.s32 $0x3;
	s20 =	simm.s32 $0x2;
	s21 =	simm.s32 $0x4  }
0x7: {  	s22 =	simm.s32 $0x0;
	[smem:$0x7FF] =	sst s3;
	s7 =	sand.u32 $0x1, s5  }
0x8: {  	s29 =	sshll.u32 s2, $0x1;
	s9 =	sadd.s32 $0x7FF000, s4;
	s11 =	sadd.s32 $0x8F9000, s4  }
0x9: {  	s12 =	smul.u32 $0xFA00, s2;
	_ =	strace $0x80000053;
	s5 =	sor.u32 s7, s29  }
0xa: {  	s8 =	ssub.s32 $0x2, s7;
	s6 =	sshll.u32 s5, $0x9;
	s5 =	smul.u32 $0x3E800, s5  }
0xb: {  	s13 =	smul.u32 $0x7D00, s7;
	s10 =	sshrl.u32 s8, $0x1;
	s31 =	sadd.s32 s12, s11  }
0xc: {  	s6 =	sadd.s32 s6, s4;
	s8 =	ssub.s32 s8, s10;
	s5 =	sshrl.u32 s5, $0x3  }
0xd: {  	s10 =	sadd.s32 s13, s31;
	s4 =	sadd.s32 $0x7FB000, s6;
	s30 =	sadd.s32 $0x7800, s5  }
0xe: {  	s8 =	smax.u32 s8, $0x1;
	s5 =	sadd.s32 $0x7F7000, s6;
	s6 =	sadd.s32 s9, s30  }
0xf: {  	s7 =	sadd.s32 s11, s30;
	s9 =	sadd.s32 s12, s9;
	s11 =	simm.s32 $0x5  }
0x10: {  	s12 =	simm.s32 $0x1000;
	s9 =	sadd.s32 s13, s9;
	s13 =	simm.s32 $0x50  }
.LBB2_1:
0x11: {  	[tilespmem:s3], [sflag:$0x5] =	stream.linear.gather [hbm4b:s4+s3], $0xC80, $0x38;
	[tilespmem:$0xC000] =	vst v63  }
0x12: {  	_ =	swait.ge [sflag:s11], $0xC80  }
0x13: {  	[sflag:s11] =	ssyncset.done $0x0  }
0x14: {  	[sflag:s11] =	ssyncadd.s32 $0xFFFFF380  }
0x15: {  	[tilespmem:s12], [sflag:$0x5] =	stream.linear.gather [hbm4b:s5+s3], $0xC80, $0x38;
	[tilespmem:$0xC000] =	vst v63  }
0x16: {  	_ =	swait.ge [sflag:s11], $0xC80  }
0x17: {  	[sflag:s11] =	ssyncset.done $0x0  }
0x18: {  	[sflag:s11] =	ssyncadd.s32 $0xFFFFF380  }
0x19: {  	[tilespmem:s14], [sflag:$0x1] =	stream.indirect.gather [hbm4b:s1+s13], $0x80, s3, s13, $0xb8;
	[tilespmem:$0xC000] =	vst v63  }
0x1a: {  	_ = 	snop  }
0x1b: {  	[tilespmem:s15], [sflag:$0x3] =	stream.indirect.gather [hbm4b:s1+s13], $0x80, s12, s13, $0xb8;
	[tilespmem:$0xC000] =	vst v63  }
0x1c: {  	s23 =	simm.s32 $0x80  }
0x1d: {  	[tilespmem:s16], [sflag:$0x2] =	stream.indirect.gather [hbm4b:s1+s13], $0x80, s23, s13, $0xb8;
	[tilespmem:$0xC000] =	vst v63  }
0x1e: {  	s25 =	simm.s32 $0x1080  }
0x1f: {  	[tilespmem:s17], [sflag:$0x4] =	stream.indirect.gather [hbm4b:s1+s13], $0x80, s25, s13, $0xb8;
	[tilespmem:$0xC000] =	vst v63  }
0x20: {  	_ =	swait.ge [sflag:s18], $0x2800  }
0x21: {  	[sflag:s18] =	ssyncset.done $0x0  }
0x22: {  	[sflag:s18] =	ssyncadd.s32 $0xFFFFD800  }
0x23: {  	[hbm4b:s9+s3] =	stream.linear.scatter [tilespmem:s14], [sflag:$0x5], $0x2800, $0x38;
	[tilespmem:$0xC000] =	vst v63  }
0x24: {  	_ =	swait.ge [sflag:s11], $0x2800  }
0x25: {  	[sflag:s11] =	ssyncset.done $0x0  }
0x26: {  	[sflag:s11] =	ssyncadd.s32 $0xFFFFD800  }
0x27: {  	_ =	swait.ge [sflag:s19], $0x2800  }
0x28: {  	[sflag:s19] =	ssyncset.done $0x0  }
0x29: {  	[sflag:s19] =	ssyncadd.s32 $0xFFFFD800  }
0x2a: {  	[hbm4b:s10+s3] =	stream.linear.scatter [tilespmem:s15], [sflag:$0x5], $0x2800, $0x38;
	[tilespmem:$0xC000] =	vst v63  }
0x2b: {  	_ =	swait.ge [sflag:s11], $0x2800  }
0x2c: {  	[sflag:s11] =	ssyncset.done $0x0  }
0x2d: {  	s26 =	simm.s32 $0x100;
	[sflag:s11] =	ssyncadd.s32 $0xFFFFD800  }
0x2e: {  	[tilespmem:s14], [sflag:$0x1] =	stream.indirect.gather [hbm4b:s1+s13], $0x80, s26, s13, $0xb8;
	[tilespmem:$0xC000] =	vst v63  }
0x2f: {  	s28 =	simm.s32 $0x1100  }
0x30: {  	[tilespmem:s15], [sflag:$0x3] =	stream.indirect.gather [hbm4b:s1+s13], $0x80, s28, s13, $0xb8;
	[tilespmem:$0xC000] =	vst v63  }
0x31: {  	_ =	swait.ge [sflag:s20], $0x2800  }
0x32: {  	[sflag:s20] =	ssyncset.done $0x0  }
0x33: {  	s30 =	sadd.s32 $0x500, s9;
	[sflag:s20] =	ssyncadd.s32 $0xFFFFD800  }
0x34: {  	[hbm4b:s30+s3] =	stream.linear.scatter [tilespmem:s16], [sflag:$0x5], $0x2800, $0x38;
	[tilespmem:$0xC000] =	vst v63  }
0x35: {  	_ =	swait.ge [sflag:s11], $0x2800  }
0x36: {  	[sflag:s11] =	ssyncset.done $0x0  }
0x37: {  	[sflag:s11] =	ssyncadd.s32 $0xFFFFD800  }
0x38: {  	_ =	swait.ge [sflag:s21], $0x2800  }
0x39: {  	[sflag:s21] =	ssyncset.done $0x0  }
0x3a: {  	s31 =	sadd.s32 $0x500, s10;
	[sflag:s21] =	ssyncadd.s32 $0xFFFFD800  }
0x3b: {  	[hbm4b:s31+s3] =	stream.linear.scatter [tilespmem:s17], [sflag:$0x5], $0x2800, $0x38;
	[tilespmem:$0xC000] =	vst v63  }
0x3c: {  	s29 =	simm.s32 $0x800;
	s24 =	sadd.s32 $0xA00, s9;
	_ =	swait.ge [sflag:s11], $0x2800  }
0x3d: {  	s23 =	sadd.s32 $0xA00, s10;
	s25 =	simm.s32 $0x100;
	[sflag:s11] =	ssyncset.done $0x0  }
.LBB2_2:
0x3e: {  	s30 =	sadd.s32 $0x80, s25  }
0x3f: {  	[sflag:s11] =	ssyncadd.s32 $0xFFFFD800;
	s28 =	smov.u32 s29;
	s26 =	sadd.s32 $0x400, s29  }
0x40: {  	[tilespmem:s16], [sflag:$0x2] =	stream.indirect.gather [hbm4b:s1+s13], $0x80, s30, s13, $0xb8;
	[tilespmem:$0xC000] =	vst v63  }
0x41: {  	p0 =	sne.s32 s29, $0x2C00;
	s29 =	sadd.s32 $0x1080, s25  }
0x42: {  	[tilespmem:s17], [sflag:$0x4] =	stream.indirect.gather [hbm4b:s1+s13], $0x80, s29, s13, $0xb8;
	[tilespmem:$0xC000] =	vst v63  }
0x43: {  	_ =	swait.ge [sflag:s18], $0x2800  }
0x44: {  	[sflag:s18] =	ssyncset.done $0x0  }
0x45: {  	[sflag:s18] =	ssyncadd.s32 $0xFFFFD800  }
0x46: {  	[hbm4b:s24+s3] =	stream.linear.scatter [tilespmem:s14], [sflag:$0x5], $0x2800, $0x38;
	[tilespmem:$0xC000] =	vst v63  }
0x47: {  	_ =	swait.ge [sflag:s11], $0x2800  }
0x48: {  	[sflag:s11] =	ssyncset.done $0x0  }
0x49: {  	[sflag:s11] =	ssyncadd.s32 $0xFFFFD800  }
0x4a: {  	_ =	swait.ge [sflag:s19], $0x2800  }
0x4b: {  	[sflag:s19] =	ssyncset.done $0x0  }
0x4c: {  	[sflag:s19] =	ssyncadd.s32 $0xFFFFD800  }
0x4d: {  	[hbm4b:s23+s3] =	stream.linear.scatter [tilespmem:s15], [sflag:$0x5], $0x2800, $0x38;
	[tilespmem:$0xC000] =	vst v63  }
0x4e: {  	_ =	swait.ge [sflag:s11], $0x2800  }
0x4f: {  	[sflag:s11] =	ssyncset.done $0x0  }
0x50: {  	s29 =	sadd.s32 $0x100, s25;
	[sflag:s11] =	ssyncadd.s32 $0xFFFFD800  }
0x51: {  	[tilespmem:s14], [sflag:$0x1] =	stream.indirect.gather [hbm4b:s1+s13], $0x80, s29, s13, $0xb8;
	[tilespmem:$0xC000] =	vst v63  }
0x52: {  	s25 =	sadd.s32 $0x1100, s25  }
0x53: {  	[tilespmem:s15], [sflag:$0x3] =	stream.indirect.gather [hbm4b:s1+s13], $0x80, s25, s13, $0xb8;
	[tilespmem:$0xC000] =	vst v63  }
0x54: {  	_ =	swait.ge [sflag:s20], $0x2800  }
0x55: {  	[sflag:s20] =	ssyncset.done $0x0  }
0x56: {  	s25 =	sadd.s32 $0x500, s24;
	[sflag:s20] =	ssyncadd.s32 $0xFFFFD800  }
0x57: {  	[hbm4b:s25+s3] =	stream.linear.scatter [tilespmem:s16], [sflag:$0x5], $0x2800, $0x38;
	[tilespmem:$0xC000] =	vst v63  }
0x58: {  	_ =	swait.ge [sflag:s11], $0x2800  }
0x59: {  	[sflag:s11] =	ssyncset.done $0x0  }
0x5a: {  	[sflag:s11] =	ssyncadd.s32 $0xFFFFD800  }
0x5b: {  	_ =	swait.ge [sflag:s21], $0x2800  }
.Ltmp0:
0x5c: {  	[sflag:s21] =	ssyncset.done $0x0;
	(pc) =	sbr.rel @p0 .LBB2_2-.Ltmp0, $4  }
0x5d: {  	s25 =	sadd.s32 $0x500, s23;
	[sflag:s21] =	ssyncadd.s32 $0xFFFFD800  }
0x5e: {  	[hbm4b:s25+s3] =	stream.linear.scatter [tilespmem:s17], [sflag:$0x5], $0x2800, $0x38;
	[tilespmem:$0xC000] =	vst v63  }
0x5f: {  	s29 =	smov.u32 s26;
	s23 =	sadd.s32 $0xA00, s23;
	_ =	swait.ge [sflag:s11], $0x2800  }
0x60: {  	s24 =	sadd.s32 $0xA00, s24;
	s25 =	sshra.s32 s28, $0x2;
	[sflag:s11] =	ssyncset.done $0x0  }
0x61: {  	s26 =	sadd.s32 $0x80, s25;
	[sflag:s11] =	ssyncadd.s32 $0xFFFFD800  }
0x62: {  	[tilespmem:s16], [sflag:$0x2] =	stream.indirect.gather [hbm4b:s1+s13], $0x80, s26, s13, $0xb8;
	[tilespmem:$0xC000] =	vst v63  }
0x63: {  	s31 =	sadd.s32 $0x1080, s25  }
0x64: {  	[tilespmem:s17], [sflag:$0x4] =	stream.indirect.gather [hbm4b:s1+s13], $0x80, s31, s13, $0xb8;
	[tilespmem:$0xC000] =	vst v63  }
0x65: {  	_ =	swait.ge [sflag:s18], $0x2800  }
0x66: {  	[sflag:s18] =	ssyncset.done $0x0  }
0x67: {  	[sflag:s18] =	ssyncadd.s32 $0xFFFFD800  }
0x68: {  	[hbm4b:s24+s3] =	stream.linear.scatter [tilespmem:s14], [sflag:$0x5], $0x2800, $0x38;
	[tilespmem:$0xC000] =	vst v63  }
0x69: {  	_ =	swait.ge [sflag:s11], $0x2800  }
0x6a: {  	[sflag:s11] =	ssyncset.done $0x0  }
0x6b: {  	[sflag:s11] =	ssyncadd.s32 $0xFFFFD800  }
0x6c: {  	_ =	swait.ge [sflag:s19], $0x2800  }
0x6d: {  	[sflag:s19] =	ssyncset.done $0x0  }
0x6e: {  	[sflag:s19] =	ssyncadd.s32 $0xFFFFD800  }
0x6f: {  	[hbm4b:s23+s3] =	stream.linear.scatter [tilespmem:s15], [sflag:$0x5], $0x2800, $0x38;
	[tilespmem:$0xC000] =	vst v63  }
0x70: {  	_ =	swait.ge [sflag:s11], $0x2800  }
0x71: {  	[sflag:s11] =	ssyncset.done $0x0  }
0x72: {  	s28 =	sadd.s32 $0x100, s25;
	[sflag:s11] =	ssyncadd.s32 $0xFFFFD800  }
0x73: {  	[tilespmem:s14], [sflag:$0x1] =	stream.indirect.gather [hbm4b:s1+s13], $0x80, s28, s13, $0xb8;
	[tilespmem:$0xC000] =	vst v63  }
0x74: {  	s29 =	sadd.s32 $0x1100, s25  }
0x75: {  	[tilespmem:s15], [sflag:$0x3] =	stream.indirect.gather [hbm4b:s1+s13], $0x80, s29, s13, $0xb8;
	[tilespmem:$0xC000] =	vst v63  }
0x76: {  	_ =	swait.ge [sflag:s20], $0x2800  }
0x77: {  	[sflag:s20] =	ssyncset.done $0x0  }
0x78: {  	s30 =	sadd.s32 $0x500, s24;
	[sflag:s20] =	ssyncadd.s32 $0xFFFFD800  }
0x79: {  	[hbm4b:s30+s3] =	stream.linear.scatter [tilespmem:s16], [sflag:$0x5], $0x2800, $0x38;
	[tilespmem:$0xC000] =	vst v63  }
0x7a: {  	_ =	swait.ge [sflag:s11], $0x2800  }
0x7b: {  	[sflag:s11] =	ssyncset.done $0x0  }
0x7c: {  	[sflag:s11] =	ssyncadd.s32 $0xFFFFD800  }
0x7d: {  	_ =	swait.ge [sflag:s21], $0x2800  }
0x7e: {  	[sflag:s21] =	ssyncset.done $0x0  }
0x7f: {  	s31 =	sadd.s32 $0x500, s23;
	[sflag:s21] =	ssyncadd.s32 $0xFFFFD800  }
0x80: {  	[hbm4b:s31+s3] =	stream.linear.scatter [tilespmem:s17], [sflag:$0x5], $0x2800, $0x38;
	[tilespmem:$0xC000] =	vst v63  }
0x81: {  	_ =	swait.ge [sflag:s11], $0x2800  }
0x82: {  	[sflag:s11] =	ssyncset.done $0x0  }
0x83: {  	[sflag:s11] =	ssyncadd.s32 $0xFFFFD800  }
0x84: {  	_ =	swait.ge [sflag:s18], $0x2800  }
0x85: {  	[sflag:s18] =	ssyncset.done $0x0  }
0x86: {  	[sflag:s18] =	ssyncadd.s32 $0xFFFFD800  }
0x87: {  	[hbm4b:s6+s3] =	stream.linear.scatter [tilespmem:s14], [sflag:$0x5], $0x2800, $0x38;
	[tilespmem:$0xC000] =	vst v63  }
0x88: {  	_ =	swait.ge [sflag:s11], $0x2800  }
0x89: {  	[sflag:s11] =	ssyncset.done $0x0  }
0x8a: {  	[sflag:s11] =	ssyncadd.s32 $0xFFFFD800  }
0x8b: {  	s22 =	sadd.s32 $0x1, s22;
	_ =	swait.ge [sflag:s19], $0x2800  }
0x8c: {  	p0 =	sne.s32 s22, s8;
	[sflag:s19] =	ssyncset.done $0x0  }
.Ltmp1:
0x8d: {  	[sflag:s19] =	ssyncadd.s32 $0xFFFFD800;
	(pc) =	sbr.rel @p0 .LBB2_1-.Ltmp1, $4  }
0x8e: {  	[hbm4b:s7+s3] =	stream.linear.scatter [tilespmem:s15], [sflag:$0x5], $0x2800, $0x38;
	[tilespmem:$0xC000] =	vst v63  }
0x8f: {  	_ =	swait.ge [sflag:s11], $0x2800  }
0x90: {  	[sflag:s11] =	ssyncset.done $0x0  }
0x91: {  	[sflag:s11] =	ssyncadd.s32 $0xFFFFD800  }
0x92: {  	_ =	sfence.sel $0x180000  }
0x93: {  	[bflag:$0x0] =	sbarrier.arrive $0xFFFF  }
0x94: {  	p0 =	sne.s32 s2, $0x0;
	_ =	strace $0x90000053  }
0x95: {  	s0 =	sadd.s32 @!p0 $0x100000, s0;
	[bflag:$0x2] =	sbarrier.arrive $0xFFFF  }
0x96: {  	[sflag:s0] =	ssyncadd.tile.s32 @!p0 $0x1;
	_ =	shalt  }
.Lfunc_end2:
_tile_overlayer_lowered:
.L_overlay_start_2:
0x97: {  	(tag) =	ssettag $0x2  }
0x98: {  	s0 =	rddreg [dreg:$0x0];
	s2 =	stileid.u32  }
0x99: {  	s1 =	rddreg [dreg:$0x1];
	p0 =	sne.s32 s2, $0x0  }
0x9a: {  	s3 =	rddreg [dreg:$0x2];
	[bflag:$0x3] =	sbarrier.arrive $0xFFFF;
	s2 =	simm.s32 @!p0 $0x1C05  }
0x9b: {  	[timem:s3], [sflag:s2] =	dma.local @!p0 [hbm:s0], s1  }
0x9c: {  	s0 =	simm.s32 @!p0 $0x5  }
0x9d: {  	_ =	swait.ge @!p0 [sflag:s0], s1  }
0x9e: {  	s1 =	ssub.s32 @!p0 $0x0, s1;
	[sflag:s0] =	ssyncset.done @!p0 $0x0  }
0x9f: {  	[sflag:s0] =	ssyncadd.s32 @!p0 s1  }
0xa0: {  	[bflag:$0x3] =	sbarrier.arrive $0xFFFF  }
0xa1: {  	_ =	shalt  }

// kernel: kernel.28.cloned.1.call-start
scs
__scs_entry_jumppad:
0x0: {  	(pc) =	sbr.rel $0x88, $3  }
0x1: {  	(tag) =	ssettag $0x0;
	lr =	simm.s32 $0x1  }
0x2: {  	[smem:$0x3F8E] =	sst lr;
	_ =	strace $0xD0000000  }
0x3: {  	_ = 	snop  }
0x4: {  	_ = 	snop  }
0x5: {  	_ = 	snop  }
0x6: {  	_ = 	snop  }
0x7: {  	_ = 	snop  }
__scs_overlays_trampoline_lowered:
0x8: {  	[smem:$0x3F9D] =	sst s0  }
0x9: {  	[smem:$0x3F9E] =	sst s1  }
0xa: {  	[smem:$0x3F9F] =	sst s2  }
0xb: {  	[smem:$0x3FA0] =	sst s3  }
0xc: {  	[smem:$0x3FA1] =	sst s4  }
0xd: {  	[smem:$0x3FA2] =	sst s5  }
0xe: {  	[smem:$0x3FA3] =	sst s6  }
0xf: {  	[smem:$0x3FA4] =	sst s7  }
0x10: {  	[smem:$0x3FA5] =	sst s8  }
0x11: {  	[smem:$0x3FA6] =	sst s9;
	s0 =	simm.s32 @!p0 $0x0  }
0x12: {  	s1 =	sld [smem:$0x3F8C];
	s0 =	simm.s32 @p0 $0x1  }
0x13: {  	[smem:$0x3FA7] =	sst s0;
	s0 =	simm.s32 @!p1 $0x0  }
0x14: {  	s2 =	sld [smem:$0x3F8B];
	s0 =	simm.s32 @p1 $0x1  }
0x15: {  	[smem:$0x3FA8] =	sst s0;
	s0 =	simm.s32 @!p2 $0x0  }
0x16: {  	s3 =	sld [smem:$0x3FDB];
	s0 =	simm.s32 @p2 $0x1  }
0x17: {  	s4 =	simm.s32 $0x1BF5;
	[smem:$0x3FAA] =	sst s0  }
0x18: {  	s0 =	sld [smem:$0x3F8D];
	_ =	swait.ge [sflag:s4], $0x0  }
0x19: {  	s7 =	sld [smem:$0x3F8E]  }
0x1a: {  	s8 =	sadd.s32 $0xFFFFE003, lr  }
0x1b: {  	s9 =	sadd.s32 $0xFFFFFEF7, lr;
	s5 =	simm.s32 $0xFFFFFFFF;
	p2 =	slt.u32 s8, $0xFFFFF086  }
0x1c: {  	p1 =	slt.u32 s9, $0xF7A;
	s5 =	simm.s32 @!p2 $0x0  }
0x1d: {  	s5 =	simm.s32 @p1 $0x1;
	p0 =	seq.s32 s7, s2  }
0x1e: {  	s7 =	smul.u32 @!p0 $0xF7A, s2;
	p2 =	seq.s32 @!p0 s5, $0x0  }
0x1f: {  	s9 =	smul.u32 $0xF7A, s1;
	s8 =	simm.s32 @!p0 $0x1BF5;
	p2 =	por !p2, p0  }
0x20: {  	[sflag:s8] =	ssyncset.s32 @!p0 $0xFFFFF086;
	s6 =	sadd.s32 @!p0 s3, s7;
	s7 =	simm.s32 @!p0 $0x108  }
0x21: {  	s3 =	sadd.s32 s3, s9;
	s6 =	sadd.s32 @!p0 $0x88, s6;
	s7 =	simm.s32 @p2 $0x1082  }
0x22: {  	[simem:s7], [sflag:s8] =	dma.local @!p0 [hbm:s6], $0xF7A  }
0x23: {  	s9 =	sor.u32 $0xD0000000, s2;
	s6 =	simm.s32 $0x108;
	_ =	swait.ge @!p0 [sflag:s8], $0x0  }
0x24: {  	s3 =	sadd.s32 $0x88, s3;
	s6 =	simm.s32 @!p1 $0x1082;
	[sflag:s4] =	ssyncset.s32 $0xFFFFF086  }
0x25: {  	[simem:s6], [sflag:s4] =	dma.local [hbm:s3], $0xF7A  }
0x26: {  	[smem:$0x3F8E] =	sst s1;
	(tag) =	ssettag s2;
	_ =	strace s9  }
0x27: {  	s1 =	sld [smem:$0x3F9E]  }
0x28: {  	s2 =	sld [smem:$0x3F9F]  }
0x29: {  	s4 =	sld [smem:$0x3FA1]  }
0x2a: {  	p0 =	seq.s32 s5, $0x0;
	s5 =	sld [smem:$0x3FA2]  }
0x2b: {  	s6 =	sld [smem:$0x3FA3]  }
0x2c: {  	s7 =	sld [smem:$0x3FA4]  }
0x2d: {  	s3 =	simm.s32 $0x108;
	s8 =	sld [smem:$0x3FA5]  }
0x2e: {  	s3 =	simm.s32 @!p0 $0x1082;
	s9 =	sld [smem:$0x3FA6]  }
0x2f: {  	lr =	sadd.s32 s0, s3;
	s0 =	sld [smem:$0x3F9D]  }
0x30: {  	s3 =	sld [smem:$0x3FA0]  }
0x31: {  	[smem:$0x3FA9] =	sst s10  }
0x32: {  	s10 =	sld [smem:$0x3FA7];
	_ =	sdelay $0x3  }
0x33: {  	p0 =	seq.s32 s10, $0x1;
	s10 =	sld [smem:$0x3FA9];
	_ =	sdelay $0x3  }
0x34: {  	[smem:$0x3FA9] =	sst s10  }
0x35: {  	s10 =	sld [smem:$0x3FA8];
	_ =	sdelay $0x3  }
0x36: {  	p1 =	seq.s32 s10, $0x1;
	s10 =	sld [smem:$0x3FA9];
	_ =	sdelay $0x3  }
0x37: {  	[smem:$0x3FA9] =	sst s10  }
0x38: {  	s10 =	sld [smem:$0x3FAA]  }
0x39: {  	_ = 	snop;
	(pc) =	sbr.ind lr, $3  }
0x3a: {  	_ = 	snop  }
0x3b: {  	_ = 	snop  }
0x3c: {  	p2 =	seq.s32 s10, $0x1;
	s10 =	sld [smem:$0x3FA9]  }
0x3d: {  	_ =	shalt  }
0x3e: {  	_ =	shalt  }
0x3f: {  	_ =	shalt  }
0x40: {  	_ =	shalt  }
0x41: {  	_ =	shalt  }
0x42: {  	_ =	shalt  }
0x43: {  	_ =	shalt  }
0x44: {  	_ =	shalt  }
0x45: {  	_ =	shalt  }
0x46: {  	_ =	shalt  }
0x47: {  	_ =	shalt  }
0x48: {  	_ =	shalt  }
0x49: {  	_ =	shalt  }
0x4a: {  	_ =	shalt  }
0x4b: {  	_ =	shalt  }
0x4c: {  	_ =	shalt  }
0x4d: {  	_ =	shalt  }
0x4e: {  	_ =	shalt  }
0x4f: {  	_ =	shalt  }
0x50: {  	_ =	shalt  }
0x51: {  	_ =	shalt  }
0x52: {  	_ =	shalt  }
0x53: {  	_ =	shalt  }
0x54: {  	_ =	shalt  }
0x55: {  	_ =	shalt  }
0x56: {  	_ =	shalt  }
0x57: {  	_ =	shalt  }
0x58: {  	_ =	shalt  }
0x59: {  	_ =	shalt  }
0x5a: {  	_ =	shalt  }
0x5b: {  	_ =	shalt  }
0x5c: {  	_ =	shalt  }
0x5d: {  	_ =	shalt  }
0x5e: {  	_ =	shalt  }
0x5f: {  	_ =	shalt  }
0x60: {  	_ =	shalt  }
0x61: {  	_ =	shalt  }
0x62: {  	_ =	shalt  }
0x63: {  	_ =	shalt  }
0x64: {  	_ =	shalt  }
0x65: {  	_ =	shalt  }
0x66: {  	_ =	shalt  }
0x67: {  	_ =	shalt  }
0x68: {  	_ =	shalt  }
0x69: {  	_ =	shalt  }
0x6a: {  	_ =	shalt  }
0x6b: {  	_ =	shalt  }
0x6c: {  	_ =	shalt  }
0x6d: {  	_ =	shalt  }
0x6e: {  	_ =	shalt  }
0x6f: {  	_ =	shalt  }
0x70: {  	_ =	shalt  }
0x71: {  	_ =	shalt  }
0x72: {  	_ =	shalt  }
0x73: {  	_ =	shalt  }
0x74: {  	_ =	shalt  }
0x75: {  	_ =	shalt  }
0x76: {  	_ =	shalt  }
0x77: {  	_ =	shalt  }
0x78: {  	_ =	shalt  }
0x79: {  	_ =	shalt  }
0x7a: {  	_ =	shalt  }
0x7b: {  	_ =	shalt  }
0x7c: {  	_ =	shalt  }
0x7d: {  	_ =	shalt  }
0x7e: {  	_ =	shalt  }
0x7f: {  	_ =	shalt  }
0x80: {  	_ =	shalt  }
0x81: {  	_ =	shalt  }
0x82: {  	_ =	shalt  }
0x83: {  	_ =	shalt  }
0x84: {  	_ =	shalt  }
0x85: {  	_ =	shalt  }
0x86: {  	_ =	shalt  }
0x87: {  	_ =	shalt  }
.Lfunc_end0:
.L_simem_size_0:
called_computation.4_lowered:
.L_overlay_start_0:
0x88: {  	s2 =	sld [smem:$0x3FD9]  }
0x89: {  	s3 =	sld [smem:$0x3FFE];
	_ =	sdelay $0x1  }
0x8a: {  	s1 =	srdreg.scid  }
0x8b: {  	s0 =	sand.u32 $0x1, s1  }
0x8c: {  	s17 =	sshll.u32 s0, $0xA;
	s2 =	sadd.s32 s3, s2  }
0x8d: {  	s2 =	sadd.s32 s2, s17  }
0x8e: {  	[smem:$0x3FB5] =	sst s2  }
0x8f: {  	_ = 	snop  }
0x90: {  	s18 =	sld [smem:$0x3FC9];
	(tm) =	ssettm $0x1  }
0x91: {  	s19 =	sld [smem:$0x3FFB];
	_ =	sdelay $0x3  }
0x92: {  	_ =	strace s19  }
0x93: {  	s2 =	sld [smem:$0x3FFC];
	_ =	sdelay $0x3  }
0x94: {  	_ =	strace s2  }
0x95: {  	s2 =	sld [smem:$0x3FFD];
	_ =	sdelay $0x3  }
0x96: {  	_ =	strace s2  }
0x97: {  	_ =	strace $0x8FFFFFFF  }
0x98: {  	s20 =	sld [smem:$0x3FDB];
	_ =	sdelay $0x1  }
0x99: {  	s4 =	simm.s32 $_scs_section_size  }
0x9a: {  	s5 =	simm.s32 $_size__tile_overlayer_lowered;
	s6 =	simm.s32 $_tile_overlayer_lowered  }
0x9b: {  	s7 =	simm.s32 $0x1BFF;
	s21 =	sshll.u32 s6, $0x1;
	s4 =	sadd.s32 s4, s20  }
0x9c: {  	s22 =	simm.s32 $0x0;
	s5 =	sshll.u32 s5, $0x1;
	s6 =	sadd.s32 s21, s4  }
0x9d: {  	[timem:s22], [sflag:s7] =	dma.local [hbm:s6], s5  }
0x9e: {  	_ =	swait.ge [sflag:s7], s5  }
0x9f: {  	s5 =	ssub.s32 $0x0, s5;
	[sflag:s7] =	ssyncset.done $0x0  }
0xa0: {  	[sflag:s7] =	ssyncadd.s32 s5;
	_ =	sdelay $0x1  }
0xa1: {  	s23 =	simm.s32 $0x1B8B  }
0xa2: {  	_ =	swait.ge [sflag:s23], $0x1  }
0xa3: {  	[sflag:s23] =	ssyncset.done $0x0  }
0xa4: {  	[sflag:s23] =	ssyncadd.s32 $0xFFFFFFFF  }
0xa5: {  	s5 =	sld [smem:$0x0]  }
0xa6: {  	s6 =	sand.u32 $0xFFFFFFFE, s1  }
0xa7: {  	p0 =	sne.s32 s1, s6  }
0xa8: {  	s6 =	sshll.u32 @p0 s6, $0xE  }
0xa9: {  	s6 =	sadd.s32 @p0 $0x11B8D, s6;
	s7 =	sshll.u32 @p0 s5, $0x11  }
0xaa: {  	s6 =	sor.u32 @p0 s7, s6  }
0xab: {  	[sflag:s6] =	ssyncadd.remote.s32 @p0 $0x1;
	_ =	sdelay $0x1  }
0xac: {  	s6 =	simm.s32 @p0 $0x1B8D  }
0xad: {  	_ =	swait.eq @p0 [sflag:s6], $0x1  }
0xae: {  	[sflag:s6] =	ssyncadd.s32 @p0 $0xFFFFFFFF  }
0xaf: {  	s7 =	sshll.u32 @!p0 s1, $0xE  }
0xb0: {  	s7 =	sor.u32 @!p0 $0x4000, s7;
	s6 =	simm.s32 @!p0 $0x1B8D  }
0xb1: {  	s5 =	sshll.u32 @!p0 s5, $0x11;
	s7 =	sadd.s32 @!p0 $0x11B8D, s7;
	_ =	swait.eq @!p0 [sflag:s6], $0x1  }
0xb2: {  	s5 =	sor.u32 @!p0 s5, s7;
	[sflag:s6] =	ssyncadd.s32 @!p0 $0xFFFFFFFF  }
0xb3: {  	s25 =	simm.s32 $0x1B8E;
	s24 =	sld [smem:$0x3FFE];
	[sflag:s5] =	ssyncadd.remote.s32 @!p0 $0x1  }
0xb4: {  	s26 =	simm.s32 $execute0_lowered;
	[smem:$0x3FD2] =	sst s25  }
0xb5: {  	s6 =	sshll.u32 s26, $0x1;
	_ =	strace $0x8000004F;
	[dreg:$0x1] =	wrdreg $0xFFFFFFFF  }
0xb6: {  	s28 =	simm.s32 $_size_execute0_lowered;
	s4 =	sadd.s32 s4, s6;
	[dreg:$0x0] =	wrdreg $0x0  }
0xb7: {  	s6 =	sshll.u32 s28, $0x1;
	[dreg:$0x2] =	wrdreg s4  }
0xb8: {  	[dreg:$0x3] =	wrdreg s6  }
0xb9: {  	[dreg:$0x4] =	wrdreg $0xC0  }
0xba: {  	_ =	task [dreg:s22], $0x5FFFF  }
0xbb: {  	[dreg:$0x1] =	wrdreg $0xFFFFFFFF  }
0xbc: {  	[dreg:$0x0] =	wrdreg $0x60  }
0xbd: {  	[dreg:$0x2] =	wrdreg s18  }
0xbe: {  	[dreg:$0x3] =	wrdreg s24  }
0xbf: {  	[dreg:$0x4] =	wrdreg $0xA  }
0xc0: {  	_ =	task.clear_ibuf [dreg:s22], $0x5FFFF;
	_ =	strace $0x9000004F  }
0xc1: {  	s29 =	simm.s32 $0xA;
	_ =	strace $0x80000051  }
0xc2: {  	_ =	swait.ge [sflag:s29], $0x1  }
0xc3: {  	[sflag:s29] =	ssyncadd.s32 $0xFFFFFFFF  }
0xc4: {  	_ =	strace $0x90000051  }
0xc5: {  	_ =	sfence  }
0xc6: {  	s30 =	sld [smem:$0x0];
	_ =	sdelay $0x2  }
0xc7: {  	s31 =	sshll.u32 s1, $0xD;
	s1 =	sshrl.u32 s1, $0x2  }
0xc8: {  	s4 =	sand.u32 $0x4000, s31;
	s1 =	sadd.s32 s1, s30  }
0xc9: {  	s0 =	sor.u32 s4, s0;
	s1 =	sshll.u32 s1, $0x11  }
0xca: {  	s0 =	sor.u32 s1, s0  }
0xcb: {  	s0 =	sadd.s32 $0x8F2B, s0  }
0xcc: {  	[sflag:s0] =	ssyncadd.remote.s32 $0x1  }
0xcd: {  	_ =	sfence.sel $0xFFFF  }
0xce: {  	[dreg:$0x0] =	wrdreg $0xFFFFFFFF;
	(pc) =	sbr.abs _section_cstart, $3  }
0xcf: {  	[dreg:$0x1] =	wrdreg $0xFFFFFFFF  }
0xd0: {  	_ =	task.clear_ibuf [dreg:s22], $0x2FFFF;
	_ =	strace $0x9FFFFFFF  }
0xd1: {  	(tm) =	ssettm $0x7FFFFFFF  }
tec
execute0_lowered:
.L_overlay_start_1:
0x0: {  	(tag) =	ssettag $0x1  }
0x1: {  	s1 =	rddreg [dreg:$0x0]  }
0x2: {  	s4 =	rddreg [dreg:$0x1]  }
0x3: {  	s0 =	rddreg [dreg:$0x2];
	s3 =	simm.s32 $0x0;
	s5 =	srdreg.scid  }
0x4: {  	s2 =	stileid.u32;
	s14 =	simm.s32 $0x2000;
	s15 =	simm.s32 $0x7000  }
0x5: {  	s16 =	simm.s32 $0x4800;
	s17 =	simm.s32 $0x9800;
	s18 =	simm.s32 $0x1  }
0x6: {  	s19 =	simm.s32 $0x3;
	s20 =	simm.s32 $0x2;
	s21 =	simm.s32 $0x4  }
0x7: {  	s22 =	simm.s32 $0x0;
	[smem:$0x7FF] =	sst s3;
	s7 =	sand.u32 $0x1, s5  }
0x8: {  	s29 =	sshll.u32 s2, $0x1;
	s9 =	sadd.s32 $0x603000, s4;
	s11 =	sadd.s32 $0x6FD000, s4  }
0x9: {  	s12 =	smul.u32 $0xFA00, s2;
	_ =	strace $0x80000050;
	s5 =	sor.u32 s7, s29  }
0xa: {  	s8 =	ssub.s32 $0x2, s7;
	s6 =	sshll.u32 s5, $0x9;
	s5 =	smul.u32 $0x3E800, s5  }
0xb: {  	s13 =	smul.u32 $0x7D00, s7;
	s10 =	sshrl.u32 s8, $0x1;
	s31 =	sadd.s32 s12, s11  }
0xc: {  	s6 =	sadd.s32 s6, s4;
	s8 =	ssub.s32 s8, s10;
	s5 =	sshrl.u32 s5, $0x3  }
0xd: {  	s10 =	sadd.s32 s13, s31;
	s4 =	sadd.s32 $0x5FF000, s6;
	s30 =	sadd.s32 $0x7800, s5  }
0xe: {  	s8 =	smax.u32 s8, $0x1;
	s5 =	sadd.s32 $0x5FB000, s6;
	s6 =	sadd.s32 s9, s30  }
0xf: {  	s7 =	sadd.s32 s11, s30;
	s9 =	sadd.s32 s12, s9;
	s11 =	simm.s32 $0x5  }
0x10: {  	s12 =	simm.s32 $0x1000;
	s9 =	sadd.s32 s13, s9;
	s13 =	simm.s32 $0x50  }
.LBB2_1:
0x11: {  	[tilespmem:s3], [sflag:$0x5] =	stream.linear.gather [hbm4b:s4+s3], $0xC80, $0x38;
	[tilespmem:$0xC000] =	vst v63  }
0x12: {  	_ =	swait.ge [sflag:s11], $0xC80  }
0x13: {  	[sflag:s11] =	ssyncset.done $0x0  }
0x14: {  	[sflag:s11] =	ssyncadd.s32 $0xFFFFF380  }
0x15: {  	[tilespmem:s12], [sflag:$0x5] =	stream.linear.gather [hbm4b:s5+s3], $0xC80, $0x38;
	[tilespmem:$0xC000] =	vst v63  }
0x16: {  	_ =	swait.ge [sflag:s11], $0xC80  }
0x17: {  	[sflag:s11] =	ssyncset.done $0x0  }
0x18: {  	[sflag:s11] =	ssyncadd.s32 $0xFFFFF380  }
0x19: {  	[tilespmem:s14], [sflag:$0x1] =	stream.indirect.gather [hbm4b:s1+s13], $0x80, s3, s13, $0xb8;
	[tilespmem:$0xC000] =	vst v63  }
0x1a: {  	_ = 	snop  }
0x1b: {  	[tilespmem:s15], [sflag:$0x3] =	stream.indirect.gather [hbm4b:s1+s13], $0x80, s12, s13, $0xb8;
	[tilespmem:$0xC000] =	vst v63  }
0x1c: {  	s23 =	simm.s32 $0x80  }
0x1d: {  	[tilespmem:s16], [sflag:$0x2] =	stream.indirect.gather [hbm4b:s1+s13], $0x80, s23, s13, $0xb8;
	[tilespmem:$0xC000] =	vst v63  }
0x1e: {  	s25 =	simm.s32 $0x1080  }
0x1f: {  	[tilespmem:s17], [sflag:$0x4] =	stream.indirect.gather [hbm4b:s1+s13], $0x80, s25, s13, $0xb8;
	[tilespmem:$0xC000] =	vst v63  }
0x20: {  	_ =	swait.ge [sflag:s18], $0x2800  }
0x21: {  	[sflag:s18] =	ssyncset.done $0x0  }
0x22: {  	[sflag:s18] =	ssyncadd.s32 $0xFFFFD800  }
0x23: {  	[hbm4b:s9+s3] =	stream.linear.scatter [tilespmem:s14], [sflag:$0x5], $0x2800, $0x38;
	[tilespmem:$0xC000] =	vst v63  }
0x24: {  	_ =	swait.ge [sflag:s11], $0x2800  }
0x25: {  	[sflag:s11] =	ssyncset.done $0x0  }
0x26: {  	[sflag:s11] =	ssyncadd.s32 $0xFFFFD800  }
0x27: {  	_ =	swait.ge [sflag:s19], $0x2800  }
0x28: {  	[sflag:s19] =	ssyncset.done $0x0  }
0x29: {  	[sflag:s19] =	ssyncadd.s32 $0xFFFFD800  }
0x2a: {  	[hbm4b:s10+s3] =	stream.linear.scatter [tilespmem:s15], [sflag:$0x5], $0x2800, $0x38;
	[tilespmem:$0xC000] =	vst v63  }
0x2b: {  	_ =	swait.ge [sflag:s11], $0x2800  }
0x2c: {  	[sflag:s11] =	ssyncset.done $0x0  }
0x2d: {  	s26 =	simm.s32 $0x100;
	[sflag:s11] =	ssyncadd.s32 $0xFFFFD800  }
0x2e: {  	[tilespmem:s14], [sflag:$0x1] =	stream.indirect.gather [hbm4b:s1+s13], $0x80, s26, s13, $0xb8;
	[tilespmem:$0xC000] =	vst v63  }
0x2f: {  	s28 =	simm.s32 $0x1100  }
0x30: {  	[tilespmem:s15], [sflag:$0x3] =	stream.indirect.gather [hbm4b:s1+s13], $0x80, s28, s13, $0xb8;
	[tilespmem:$0xC000] =	vst v63  }
0x31: {  	_ =	swait.ge [sflag:s20], $0x2800  }
0x32: {  	[sflag:s20] =	ssyncset.done $0x0  }
0x33: {  	s30 =	sadd.s32 $0x500, s9;
	[sflag:s20] =	ssyncadd.s32 $0xFFFFD800  }
0x34: {  	[hbm4b:s30+s3] =	stream.linear.scatter [tilespmem:s16], [sflag:$0x5], $0x2800, $0x38;
	[tilespmem:$0xC000] =	vst v63  }
0x35: {  	_ =	swait.ge [sflag:s11], $0x2800  }
0x36: {  	[sflag:s11] =	ssyncset.done $0x0  }
0x37: {  	[sflag:s11] =	ssyncadd.s32 $0xFFFFD800  }
0x38: {  	_ =	swait.ge [sflag:s21], $0x2800  }
0x39: {  	[sflag:s21] =	ssyncset.done $0x0  }
0x3a: {  	s31 =	sadd.s32 $0x500, s10;
	[sflag:s21] =	ssyncadd.s32 $0xFFFFD800  }
0x3b: {  	[hbm4b:s31+s3] =	stream.linear.scatter [tilespmem:s17], [sflag:$0x5], $0x2800, $0x38;
	[tilespmem:$0xC000] =	vst v63  }
0x3c: {  	s29 =	simm.s32 $0x800;
	s24 =	sadd.s32 $0xA00, s9;
	_ =	swait.ge [sflag:s11], $0x2800  }
0x3d: {  	s23 =	sadd.s32 $0xA00, s10;
	s25 =	simm.s32 $0x100;
	[sflag:s11] =	ssyncset.done $0x0  }
.LBB2_2:
0x3e: {  	s30 =	sadd.s32 $0x80, s25  }
0x3f: {  	[sflag:s11] =	ssyncadd.s32 $0xFFFFD800;
	s28 =	smov.u32 s29;
	s26 =	sadd.s32 $0x400, s29  }
0x40: {  	[tilespmem:s16], [sflag:$0x2] =	stream.indirect.gather [hbm4b:s1+s13], $0x80, s30, s13, $0xb8;
	[tilespmem:$0xC000] =	vst v63  }
0x41: {  	p0 =	sne.s32 s29, $0x2C00;
	s29 =	sadd.s32 $0x1080, s25  }
0x42: {  	[tilespmem:s17], [sflag:$0x4] =	stream.indirect.gather [hbm4b:s1+s13], $0x80, s29, s13, $0xb8;
	[tilespmem:$0xC000] =	vst v63  }
0x43: {  	_ =	swait.ge [sflag:s18], $0x2800  }
0x44: {  	[sflag:s18] =	ssyncset.done $0x0  }
0x45: {  	[sflag:s18] =	ssyncadd.s32 $0xFFFFD800  }
0x46: {  	[hbm4b:s24+s3] =	stream.linear.scatter [tilespmem:s14], [sflag:$0x5], $0x2800, $0x38;
	[tilespmem:$0xC000] =	vst v63  }
0x47: {  	_ =	swait.ge [sflag:s11], $0x2800  }
0x48: {  	[sflag:s11] =	ssyncset.done $0x0  }
0x49: {  	[sflag:s11] =	ssyncadd.s32 $0xFFFFD800  }
0x4a: {  	_ =	swait.ge [sflag:s19], $0x2800  }
0x4b: {  	[sflag:s19] =	ssyncset.done $0x0  }
0x4c: {  	[sflag:s19] =	ssyncadd.s32 $0xFFFFD800  }
0x4d: {  	[hbm4b:s23+s3] =	stream.linear.scatter [tilespmem:s15], [sflag:$0x5], $0x2800, $0x38;
	[tilespmem:$0xC000] =	vst v63  }
0x4e: {  	_ =	swait.ge [sflag:s11], $0x2800  }
0x4f: {  	[sflag:s11] =	ssyncset.done $0x0  }
0x50: {  	s29 =	sadd.s32 $0x100, s25;
	[sflag:s11] =	ssyncadd.s32 $0xFFFFD800  }
0x51: {  	[tilespmem:s14], [sflag:$0x1] =	stream.indirect.gather [hbm4b:s1+s13], $0x80, s29, s13, $0xb8;
	[tilespmem:$0xC000] =	vst v63  }
0x52: {  	s25 =	sadd.s32 $0x1100, s25  }
0x53: {  	[tilespmem:s15], [sflag:$0x3] =	stream.indirect.gather [hbm4b:s1+s13], $0x80, s25, s13, $0xb8;
	[tilespmem:$0xC000] =	vst v63  }
0x54: {  	_ =	swait.ge [sflag:s20], $0x2800  }
0x55: {  	[sflag:s20] =	ssyncset.done $0x0  }
0x56: {  	s25 =	sadd.s32 $0x500, s24;
	[sflag:s20] =	ssyncadd.s32 $0xFFFFD800  }
0x57: {  	[hbm4b:s25+s3] =	stream.linear.scatter [tilespmem:s16], [sflag:$0x5], $0x2800, $0x38;
	[tilespmem:$0xC000] =	vst v63  }
0x58: {  	_ =	swait.ge [sflag:s11], $0x2800  }
0x59: {  	[sflag:s11] =	ssyncset.done $0x0  }
0x5a: {  	[sflag:s11] =	ssyncadd.s32 $0xFFFFD800  }
0x5b: {  	_ =	swait.ge [sflag:s21], $0x2800  }
.Ltmp0:
0x5c: {  	[sflag:s21] =	ssyncset.done $0x0;
	(pc) =	sbr.rel @p0 .LBB2_2-.Ltmp0, $4  }
0x5d: {  	s25 =	sadd.s32 $0x500, s23;
	[sflag:s21] =	ssyncadd.s32 $0xFFFFD800  }
0x5e: {  	[hbm4b:s25+s3] =	stream.linear.scatter [tilespmem:s17], [sflag:$0x5], $0x2800, $0x38;
	[tilespmem:$0xC000] =	vst v63  }
0x5f: {  	s29 =	smov.u32 s26;
	s23 =	sadd.s32 $0xA00, s23;
	_ =	swait.ge [sflag:s11], $0x2800  }
0x60: {  	s24 =	sadd.s32 $0xA00, s24;
	s25 =	sshra.s32 s28, $0x2;
	[sflag:s11] =	ssyncset.done $0x0  }
0x61: {  	s26 =	sadd.s32 $0x80, s25;
	[sflag:s11] =	ssyncadd.s32 $0xFFFFD800  }
0x62: {  	[tilespmem:s16], [sflag:$0x2] =	stream.indirect.gather [hbm4b:s1+s13], $0x80, s26, s13, $0xb8;
	[tilespmem:$0xC000] =	vst v63  }
0x63: {  	s31 =	sadd.s32 $0x1080, s25  }
0x64: {  	[tilespmem:s17], [sflag:$0x4] =	stream.indirect.gather [hbm4b:s1+s13], $0x80, s31, s13, $0xb8;
	[tilespmem:$0xC000] =	vst v63  }
0x65: {  	_ =	swait.ge [sflag:s18], $0x2800  }
0x66: {  	[sflag:s18] =	ssyncset.done $0x0  }
0x67: {  	[sflag:s18] =	ssyncadd.s32 $0xFFFFD800  }
0x68: {  	[hbm4b:s24+s3] =	stream.linear.scatter [tilespmem:s14], [sflag:$0x5], $0x2800, $0x38;
	[tilespmem:$0xC000] =	vst v63  }
0x69: {  	_ =	swait.ge [sflag:s11], $0x2800  }
0x6a: {  	[sflag:s11] =	ssyncset.done $0x0  }
0x6b: {  	[sflag:s11] =	ssyncadd.s32 $0xFFFFD800  }
0x6c: {  	_ =	swait.ge [sflag:s19], $0x2800  }
0x6d: {  	[sflag:s19] =	ssyncset.done $0x0  }
0x6e: {  	[sflag:s19] =	ssyncadd.s32 $0xFFFFD800  }
0x6f: {  	[hbm4b:s23+s3] =	stream.linear.scatter [tilespmem:s15], [sflag:$0x5], $0x2800, $0x38;
	[tilespmem:$0xC000] =	vst v63  }
0x70: {  	_ =	swait.ge [sflag:s11], $0x2800  }
0x71: {  	[sflag:s11] =	ssyncset.done $0x0  }
0x72: {  	s28 =	sadd.s32 $0x100, s25;
	[sflag:s11] =	ssyncadd.s32 $0xFFFFD800  }
0x73: {  	[tilespmem:s14], [sflag:$0x1] =	stream.indirect.gather [hbm4b:s1+s13], $0x80, s28, s13, $0xb8;
	[tilespmem:$0xC000] =	vst v63  }
0x74: {  	s29 =	sadd.s32 $0x1100, s25  }
0x75: {  	[tilespmem:s15], [sflag:$0x3] =	stream.indirect.gather [hbm4b:s1+s13], $0x80, s29, s13, $0xb8;
	[tilespmem:$0xC000] =	vst v63  }
0x76: {  	_ =	swait.ge [sflag:s20], $0x2800  }
0x77: {  	[sflag:s20] =	ssyncset.done $0x0  }
0x78: {  	s30 =	sadd.s32 $0x500, s24;
	[sflag:s20] =	ssyncadd.s32 $0xFFFFD800  }
0x79: {  	[hbm4b:s30+s3] =	stream.linear.scatter [tilespmem:s16], [sflag:$0x5], $0x2800, $0x38;
	[tilespmem:$0xC000] =	vst v63  }
0x7a: {  	_ =	swait.ge [sflag:s11], $0x2800  }
0x7b: {  	[sflag:s11] =	ssyncset.done $0x0  }
0x7c: {  	[sflag:s11] =	ssyncadd.s32 $0xFFFFD800  }
0x7d: {  	_ =	swait.ge [sflag:s21], $0x2800  }
0x7e: {  	[sflag:s21] =	ssyncset.done $0x0  }
0x7f: {  	s31 =	sadd.s32 $0x500, s23;
	[sflag:s21] =	ssyncadd.s32 $0xFFFFD800  }
0x80: {  	[hbm4b:s31+s3] =	stream.linear.scatter [tilespmem:s17], [sflag:$0x5], $0x2800, $0x38;
	[tilespmem:$0xC000] =	vst v63  }
0x81: {  	_ =	swait.ge [sflag:s11], $0x2800  }
0x82: {  	[sflag:s11] =	ssyncset.done $0x0  }
0x83: {  	[sflag:s11] =	ssyncadd.s32 $0xFFFFD800  }
0x84: {  	_ =	swait.ge [sflag:s18], $0x2800  }
0x85: {  	[sflag:s18] =	ssyncset.done $0x0  }
0x86: {  	[sflag:s18] =	ssyncadd.s32 $0xFFFFD800  }
0x87: {  	[hbm4b:s6+s3] =	stream.linear.scatter [tilespmem:s14], [sflag:$0x5], $0x2800, $0x38;
	[tilespmem:$0xC000] =	vst v63  }
0x88: {  	_ =	swait.ge [sflag:s11], $0x2800  }
0x89: {  	[sflag:s11] =	ssyncset.done $0x0  }
0x8a: {  	[sflag:s11] =	ssyncadd.s32 $0xFFFFD800  }
0x8b: {  	s22 =	sadd.s32 $0x1, s22;
	_ =	swait.ge [sflag:s19], $0x2800  }
0x8c: {  	p0 =	sne.s32 s22, s8;
	[sflag:s19] =	ssyncset.done $0x0  }
.Ltmp1:
0x8d: {  	[sflag:s19] =	ssyncadd.s32 $0xFFFFD800;
	(pc) =	sbr.rel @p0 .LBB2_1-.Ltmp1, $4  }
0x8e: {  	[hbm4b:s7+s3] =	stream.linear.scatter [tilespmem:s15], [sflag:$0x5], $0x2800, $0x38;
	[tilespmem:$0xC000] =	vst v63  }
0x8f: {  	_ =	swait.ge [sflag:s11], $0x2800  }
0x90: {  	[sflag:s11] =	ssyncset.done $0x0  }
0x91: {  	[sflag:s11] =	ssyncadd.s32 $0xFFFFD800  }
0x92: {  	_ =	sfence.sel $0x180000  }
0x93: {  	[bflag:$0x0] =	sbarrier.arrive $0xFFFF  }
0x94: {  	p0 =	sne.s32 s2, $0x0;
	_ =	strace $0x90000050  }
0x95: {  	s0 =	sadd.s32 @!p0 $0x100000, s0;
	[bflag:$0x2] =	sbarrier.arrive $0xFFFF  }
0x96: {  	[sflag:s0] =	ssyncadd.tile.s32 @!p0 $0x1;
	_ =	shalt  }
.Lfunc_end2:
_tile_overlayer_lowered:
.L_overlay_start_2:
0x97: {  	(tag) =	ssettag $0x2  }
0x98: {  	s0 =	rddreg [dreg:$0x0];
	s2 =	stileid.u32  }
0x99: {  	s1 =	rddreg [dreg:$0x1];
	p0 =	sne.s32 s2, $0x0  }
0x9a: {  	s3 =	rddreg [dreg:$0x2];
	[bflag:$0x3] =	sbarrier.arrive $0xFFFF;
	s2 =	simm.s32 @!p0 $0x1C05  }
0x9b: {  	[timem:s3], [sflag:s2] =	dma.local @!p0 [hbm:s0], s1  }
0x9c: {  	s0 =	simm.s32 @!p0 $0x5  }
0x9d: {  	_ =	swait.ge @!p0 [sflag:s0], s1  }
0x9e: {  	s1 =	ssub.s32 @!p0 $0x0, s1;
	[sflag:s0] =	ssyncset.done @!p0 $0x0  }
0x9f: {  	[sflag:s0] =	ssyncadd.s32 @!p0 s1  }
0xa0: {  	[bflag:$0x3] =	sbarrier.arrive $0xFFFF  }
0xa1: {  	_ =	shalt  }

// kernel: kernel.31.cloned.1.call-start
scs
__scs_entry_jumppad:
0x0: {  	(pc) =	sbr.rel $0x88, $3  }
0x1: {  	(tag) =	ssettag $0x0;
	lr =	simm.s32 $0x1  }
0x2: {  	[smem:$0x3F8E] =	sst lr;
	_ =	strace $0xD0000000  }
0x3: {  	_ = 	snop  }
0x4: {  	_ = 	snop  }
0x5: {  	_ = 	snop  }
0x6: {  	_ = 	snop  }
0x7: {  	_ = 	snop  }
__scs_overlays_trampoline_lowered:
0x8: {  	[smem:$0x3F9D] =	sst s0  }
0x9: {  	[smem:$0x3F9E] =	sst s1  }
0xa: {  	[smem:$0x3F9F] =	sst s2  }
0xb: {  	[smem:$0x3FA0] =	sst s3  }
0xc: {  	[smem:$0x3FA1] =	sst s4  }
0xd: {  	[smem:$0x3FA2] =	sst s5  }
0xe: {  	[smem:$0x3FA3] =	sst s6  }
0xf: {  	[smem:$0x3FA4] =	sst s7  }
0x10: {  	[smem:$0x3FA5] =	sst s8  }
0x11: {  	[smem:$0x3FA6] =	sst s9;
	s0 =	simm.s32 @!p0 $0x0  }
0x12: {  	s1 =	sld [smem:$0x3F8C];
	s0 =	simm.s32 @p0 $0x1  }
0x13: {  	[smem:$0x3FA7] =	sst s0;
	s0 =	simm.s32 @!p1 $0x0  }
0x14: {  	s2 =	sld [smem:$0x3F8B];
	s0 =	simm.s32 @p1 $0x1  }
0x15: {  	[smem:$0x3FA8] =	sst s0;
	s0 =	simm.s32 @!p2 $0x0  }
0x16: {  	s3 =	sld [smem:$0x3FDB];
	s0 =	simm.s32 @p2 $0x1  }
0x17: {  	s4 =	simm.s32 $0x1BF5;
	[smem:$0x3FAA] =	sst s0  }
0x18: {  	s0 =	sld [smem:$0x3F8D];
	_ =	swait.ge [sflag:s4], $0x0  }
0x19: {  	s7 =	sld [smem:$0x3F8E]  }
0x1a: {  	s8 =	sadd.s32 $0xFFFFE003, lr  }
0x1b: {  	s9 =	sadd.s32 $0xFFFFFEF7, lr;
	s5 =	simm.s32 $0xFFFFFFFF;
	p2 =	slt.u32 s8, $0xFFFFF086  }
0x1c: {  	p1 =	slt.u32 s9, $0xF7A;
	s5 =	simm.s32 @!p2 $0x0  }
0x1d: {  	s5 =	simm.s32 @p1 $0x1;
	p0 =	seq.s32 s7, s2  }
0x1e: {  	s7 =	smul.u32 @!p0 $0xF7A, s2;
	p2 =	seq.s32 @!p0 s5, $0x0  }
0x1f: {  	s9 =	smul.u32 $0xF7A, s1;
	s8 =	simm.s32 @!p0 $0x1BF5;
	p2 =	por !p2, p0  }
0x20: {  	[sflag:s8] =	ssyncset.s32 @!p0 $0xFFFFF086;
	s6 =	sadd.s32 @!p0 s3, s7;
	s7 =	simm.s32 @!p0 $0x108  }
0x21: {  	s3 =	sadd.s32 s3, s9;
	s6 =	sadd.s32 @!p0 $0x88, s6;
	s7 =	simm.s32 @p2 $0x1082  }
0x22: {  	[simem:s7], [sflag:s8] =	dma.local @!p0 [hbm:s6], $0xF7A  }
0x23: {  	s9 =	sor.u32 $0xD0000000, s2;
	s6 =	simm.s32 $0x108;
	_ =	swait.ge @!p0 [sflag:s8], $0x0  }
0x24: {  	s3 =	sadd.s32 $0x88, s3;
	s6 =	simm.s32 @!p1 $0x1082;
	[sflag:s4] =	ssyncset.s32 $0xFFFFF086  }
0x25: {  	[simem:s6], [sflag:s4] =	dma.local [hbm:s3], $0xF7A  }
0x26: {  	[smem:$0x3F8E] =	sst s1;
	(tag) =	ssettag s2;
	_ =	strace s9  }
0x27: {  	s1 =	sld [smem:$0x3F9E]  }
0x28: {  	s2 =	sld [smem:$0x3F9F]  }
0x29: {  	s4 =	sld [smem:$0x3FA1]  }
0x2a: {  	p0 =	seq.s32 s5, $0x0;
	s5 =	sld [smem:$0x3FA2]  }
0x2b: {  	s6 =	sld [smem:$0x3FA3]  }
0x2c: {  	s7 =	sld [smem:$0x3FA4]  }
0x2d: {  	s3 =	simm.s32 $0x108;
	s8 =	sld [smem:$0x3FA5]  }
0x2e: {  	s3 =	simm.s32 @!p0 $0x1082;
	s9 =	sld [smem:$0x3FA6]  }
0x2f: {  	lr =	sadd.s32 s0, s3;
	s0 =	sld [smem:$0x3F9D]  }
0x30: {  	s3 =	sld [smem:$0x3FA0]  }
0x31: {  	[smem:$0x3FA9] =	sst s10  }
0x32: {  	s10 =	sld [smem:$0x3FA7];
	_ =	sdelay $0x3  }
0x33: {  	p0 =	seq.s32 s10, $0x1;
	s10 =	sld [smem:$0x3FA9];
	_ =	sdelay $0x3  }
0x34: {  	[smem:$0x3FA9] =	sst s10  }
0x35: {  	s10 =	sld [smem:$0x3FA8];
	_ =	sdelay $0x3  }
0x36: {  	p1 =	seq.s32 s10, $0x1;
	s10 =	sld [smem:$0x3FA9];
	_ =	sdelay $0x3  }
0x37: {  	[smem:$0x3FA9] =	sst s10  }
0x38: {  	s10 =	sld [smem:$0x3FAA]  }
0x39: {  	_ = 	snop;
	(pc) =	sbr.ind lr, $3  }
0x3a: {  	_ = 	snop  }
0x3b: {  	_ = 	snop  }
0x3c: {  	p2 =	seq.s32 s10, $0x1;
	s10 =	sld [smem:$0x3FA9]  }
0x3d: {  	_ =	shalt  }
0x3e: {  	_ =	shalt  }
0x3f: {  	_ =	shalt  }
0x40: {  	_ =	shalt  }
0x41: {  	_ =	shalt  }
0x42: {  	_ =	shalt  }
0x43: {  	_ =	shalt  }
0x44: {  	_ =	shalt  }
0x45: {  	_ =	shalt  }
0x46: {  	_ =	shalt  }
0x47: {  	_ =	shalt  }
0x48: {  	_ =	shalt  }
0x49: {  	_ =	shalt  }
0x4a: {  	_ =	shalt  }
0x4b: {  	_ =	shalt  }
0x4c: {  	_ =	shalt  }
0x4d: {  	_ =	shalt  }
0x4e: {  	_ =	shalt  }
0x4f: {  	_ =	shalt  }
0x50: {  	_ =	shalt  }
0x51: {  	_ =	shalt  }
0x52: {  	_ =	shalt  }
0x53: {  	_ =	shalt  }
0x54: {  	_ =	shalt  }
0x55: {  	_ =	shalt  }
0x56: {  	_ =	shalt  }
0x57: {  	_ =	shalt  }
0x58: {  	_ =	shalt  }
0x59: {  	_ =	shalt  }
0x5a: {  	_ =	shalt  }
0x5b: {  	_ =	shalt  }
0x5c: {  	_ =	shalt  }
0x5d: {  	_ =	shalt  }
0x5e: {  	_ =	shalt  }
0x5f: {  	_ =	shalt  }
0x60: {  	_ =	shalt  }
0x61: {  	_ =	shalt  }
0x62: {  	_ =	shalt  }
0x63: {  	_ =	shalt  }
0x64: {  	_ =	shalt  }
0x65: {  	_ =	shalt  }
0x66: {  	_ =	shalt  }
0x67: {  	_ =	shalt  }
0x68: {  	_ =	shalt  }
0x69: {  	_ =	shalt  }
0x6a: {  	_ =	shalt  }
0x6b: {  	_ =	shalt  }
0x6c: {  	_ =	shalt  }
0x6d: {  	_ =	shalt  }
0x6e: {  	_ =	shalt  }
0x6f: {  	_ =	shalt  }
0x70: {  	_ =	shalt  }
0x71: {  	_ =	shalt  }
0x72: {  	_ =	shalt  }
0x73: {  	_ =	shalt  }
0x74: {  	_ =	shalt  }
0x75: {  	_ =	shalt  }
0x76: {  	_ =	shalt  }
0x77: {  	_ =	shalt  }
0x78: {  	_ =	shalt  }
0x79: {  	_ =	shalt  }
0x7a: {  	_ =	shalt  }
0x7b: {  	_ =	shalt  }
0x7c: {  	_ =	shalt  }
0x7d: {  	_ =	shalt  }
0x7e: {  	_ =	shalt  }
0x7f: {  	_ =	shalt  }
0x80: {  	_ =	shalt  }
0x81: {  	_ =	shalt  }
0x82: {  	_ =	shalt  }
0x83: {  	_ =	shalt  }
0x84: {  	_ =	shalt  }
0x85: {  	_ =	shalt  }
0x86: {  	_ =	shalt  }
0x87: {  	_ =	shalt  }
.Lfunc_end0:
.L_simem_size_0:
called_computation.5_lowered:
.L_overlay_start_0:
0x88: {  	s2 =	sld [smem:$0x3FD9]  }
0x89: {  	s3 =	sld [smem:$0x3FFE];
	_ =	sdelay $0x1  }
0x8a: {  	s1 =	srdreg.scid  }
0x8b: {  	s0 =	sand.u32 $0x1, s1  }
0x8c: {  	s17 =	sshll.u32 s0, $0xA;
	s2 =	sadd.s32 s3, s2  }
0x8d: {  	s2 =	sadd.s32 s2, s17  }
0x8e: {  	[smem:$0x3FB5] =	sst s2  }
0x8f: {  	_ = 	snop  }
0x90: {  	s18 =	sld [smem:$0x3FD0];
	(tm) =	ssettm $0x1  }
0x91: {  	s19 =	sld [smem:$0x3FFB];
	_ =	sdelay $0x3  }
0x92: {  	_ =	strace s19  }
0x93: {  	s2 =	sld [smem:$0x3FFC];
	_ =	sdelay $0x3  }
0x94: {  	_ =	strace s2  }
0x95: {  	s2 =	sld [smem:$0x3FFD];
	_ =	sdelay $0x3  }
0x96: {  	_ =	strace s2  }
0x97: {  	_ =	strace $0x8FFFFFFF  }
0x98: {  	s20 =	sld [smem:$0x3FDB];
	_ =	sdelay $0x1  }
0x99: {  	s4 =	simm.s32 $_scs_section_size  }
0x9a: {  	s5 =	simm.s32 $_size__tile_overlayer_lowered;
	s6 =	simm.s32 $_tile_overlayer_lowered  }
0x9b: {  	s7 =	simm.s32 $0x1BFF;
	s21 =	sshll.u32 s6, $0x1;
	s4 =	sadd.s32 s4, s20  }
0x9c: {  	s22 =	simm.s32 $0x0;
	s5 =	sshll.u32 s5, $0x1;
	s6 =	sadd.s32 s21, s4  }
0x9d: {  	[timem:s22], [sflag:s7] =	dma.local [hbm:s6], s5  }
0x9e: {  	_ =	swait.ge [sflag:s7], s5  }
0x9f: {  	s5 =	ssub.s32 $0x0, s5;
	[sflag:s7] =	ssyncset.done $0x0  }
0xa0: {  	[sflag:s7] =	ssyncadd.s32 s5;
	_ =	sdelay $0x1  }
0xa1: {  	s23 =	simm.s32 $0x1B8B  }
0xa2: {  	_ =	swait.ge [sflag:s23], $0x1  }
0xa3: {  	[sflag:s23] =	ssyncset.done $0x0  }
0xa4: {  	[sflag:s23] =	ssyncadd.s32 $0xFFFFFFFF  }
0xa5: {  	s5 =	sld [smem:$0x0]  }
0xa6: {  	s6 =	sand.u32 $0xFFFFFFFE, s1  }
0xa7: {  	p0 =	sne.s32 s1, s6  }
0xa8: {  	s6 =	sshll.u32 @p0 s6, $0xE  }
0xa9: {  	s6 =	sadd.s32 @p0 $0x11B8D, s6;
	s7 =	sshll.u32 @p0 s5, $0x11  }
0xaa: {  	s6 =	sor.u32 @p0 s7, s6  }
0xab: {  	[sflag:s6] =	ssyncadd.remote.s32 @p0 $0x1;
	_ =	sdelay $0x1  }
0xac: {  	s6 =	simm.s32 @p0 $0x1B8D  }
0xad: {  	_ =	swait.eq @p0 [sflag:s6], $0x1  }
0xae: {  	[sflag:s6] =	ssyncadd.s32 @p0 $0xFFFFFFFF  }
0xaf: {  	s7 =	sshll.u32 @!p0 s1, $0xE  }
0xb0: {  	s7 =	sor.u32 @!p0 $0x4000, s7;
	s6 =	simm.s32 @!p0 $0x1B8D  }
0xb1: {  	s5 =	sshll.u32 @!p0 s5, $0x11;
	s7 =	sadd.s32 @!p0 $0x11B8D, s7;
	_ =	swait.eq @!p0 [sflag:s6], $0x1  }
0xb2: {  	s5 =	sor.u32 @!p0 s5, s7;
	[sflag:s6] =	ssyncadd.s32 @!p0 $0xFFFFFFFF  }
0xb3: {  	s25 =	simm.s32 $0x1B8E;
	s24 =	sld [smem:$0x3FFE];
	[sflag:s5] =	ssyncadd.remote.s32 @!p0 $0x1  }
0xb4: {  	s26 =	simm.s32 $execute0_lowered;
	[smem:$0x3FD2] =	sst s25  }
0xb5: {  	s6 =	sshll.u32 s26, $0x1;
	_ =	strace $0x80000055;
	[dreg:$0x1] =	wrdreg $0xFFFFFFFF  }
0xb6: {  	s28 =	simm.s32 $_size_execute0_lowered;
	s4 =	sadd.s32 s4, s6;
	[dreg:$0x0] =	wrdreg $0x0  }
0xb7: {  	s6 =	sshll.u32 s28, $0x1;
	[dreg:$0x2] =	wrdreg s4  }
0xb8: {  	[dreg:$0x3] =	wrdreg s6  }
0xb9: {  	[dreg:$0x4] =	wrdreg $0xC0  }
0xba: {  	_ =	task [dreg:s22], $0x5FFFF  }
0xbb: {  	[dreg:$0x1] =	wrdreg $0xFFFFFFFF  }
0xbc: {  	[dreg:$0x0] =	wrdreg $0x60  }
0xbd: {  	[dreg:$0x2] =	wrdreg s24  }
0xbe: {  	[dreg:$0x3] =	wrdreg s18  }
0xbf: {  	[dreg:$0x4] =	wrdreg $0x60000  }
0xc0: {  	[dreg:$0x5] =	wrdreg $0xB  }
0xc1: {  	_ =	task.clear_ibuf [dreg:s22], $0x6FFFF;
	_ =	strace $0x90000055  }
0xc2: {  	s29 =	simm.s32 $0xB;
	_ =	strace $0x80000057  }
0xc3: {  	_ =	swait.ge [sflag:s29], $0x1  }
0xc4: {  	[sflag:s29] =	ssyncadd.s32 $0xFFFFFFFF  }
0xc5: {  	_ =	strace $0x90000057  }
0xc6: {  	_ =	sfence  }
0xc7: {  	s30 =	sld [smem:$0x0];
	_ =	sdelay $0x2  }
0xc8: {  	s31 =	sshll.u32 s1, $0xD;
	s1 =	sshrl.u32 s1, $0x2  }
0xc9: {  	s4 =	sand.u32 $0x4000, s31;
	s1 =	sadd.s32 s1, s30  }
0xca: {  	s0 =	sor.u32 s4, s0;
	s1 =	sshll.u32 s1, $0x11  }
0xcb: {  	s0 =	sor.u32 s1, s0  }
0xcc: {  	s0 =	sadd.s32 $0x8F2B, s0  }
0xcd: {  	[sflag:s0] =	ssyncadd.remote.s32 $0x1  }
0xce: {  	_ =	sfence.sel $0xFFFF  }
0xcf: {  	[dreg:$0x0] =	wrdreg $0xFFFFFFFF;
	(pc) =	sbr.abs _section_cstart, $3  }
0xd0: {  	[dreg:$0x1] =	wrdreg $0xFFFFFFFF  }
0xd1: {  	_ =	task.clear_ibuf [dreg:s22], $0x2FFFF;
	_ =	strace $0x9FFFFFFF  }
0xd2: {  	(tm) =	ssettm $0x7FFFFFFF  }
0xd3: {  	_ =	shalt  }
tec
execute0_lowered:
.L_overlay_start_1:
0x0: {  	(tag) =	ssettag $0x1  }
0x1: {  	s4 =	rddreg [dreg:$0x0]  }
0x2: {  	s5 =	rddreg [dreg:$0x1]  }
0x3: {  	s1 =	rddreg [dreg:$0x2]  }
0x4: {  	s2 =	srdreg.scid;
	s0 =	rddreg [dreg:$0x3];
	s3 =	simm.s32 $0x0  }
0x5: {  	s19 =	simm.s32 $0x1000;
	s20 =	simm.s32 $0x3800;
	s21 =	simm.s32 $0x1  }
0x6: {  	s22 =	simm.s32 $0x50;
	s23 =	simm.s32 $0x2;
	s7 =	sand.u32 $0x1, s2  }
0x7: {  	s24 =	simm.s32 $0xC00;
	s2 =	stileid.u32;
	s6 =	smul.u32 $0x138800, s7  }
0x8: {  	s25 =	simm.s32 $0x0;
	[smem:$0x7FF] =	sst s3;
	s8 =	smul.u32 $0x1F400, s2  }
0x9: {  	s9 =	sadd.s32 $0x9F3000, s4;
	s14 =	sadd.s32 $0x7000, s4;
	s28 =	smul.u32 $0x7D000, s2  }
0xa: {  	s15 =	sadd.s32 $0x101000, s4;
	_ =	strace $0x80000056;
	s16 =	smul.u32 $0xFA00, s2  }
0xb: {  	s29 =	ssub.s32 $0x2, s7;
	s30 =	sshll.u32 s2, $0x1;
	s18 =	smul.u32 $0x7D00, s7  }
0xc: {  	p0 =	sgt.u32 s2, $0x9;
	s10 =	sshrl.u32 s29, $0x1;
	s6 =	sadd.s32 s8, s6  }
0xd: {  	s8 =	sshrl.u32 s28, $0x2;
	s12 =	ssub.s32 s29, s10;
	s13 =	sadd.s32 s16, s9  }
0xe: {  	s6 =	sshrl.u32 s6, $0x3;
	s17 =	sadd.s32 s8, s1;
	s13 =	sadd.s32 s18, s13  }
0xf: {  	s12 =	smax.u32 s12, $0x1;
	s11 =	sadd.s32 s6, s4;
	s6 =	sor.u32 s7, s30  }
0x10: {  	s13 =	sadd.s32 $0xA00, s13;
	s31 =	smul.u32 $0x7D00, s6;
	s6 =	sshll.u32 s6, $0x9  }
0x11: {  	s17 =	sshrl.u32 @!p0 s17, $0x3;
	s4 =	sadd.s32 $0x1FB000, s11;
	s5 =	sadd.s32 s5, s6  }
0x12: {  	s11 =	sadd.s32 $0x249200, s11;
	s6 =	sadd.s32 s9, s31;
	s7 =	sadd.s32 $0x4000, s5  }
0x13: {  	s8 =	sadd.s32 s14, s31;
	s9 =	sadd.s32 $0x8000, s5;
	s10 =	sadd.s32 s15, s31  }
0x14: {  	s14 =	sadd.s32 s16, s14;
	s15 =	sadd.s32 s16, s15;
	s16 =	sshll.u32 @!p0 s2, $0x6  }
0x15: {  	s14 =	sadd.s32 s18, s14;
	s15 =	sadd.s32 s18, s15;
	s16 =	sor.u32 @!p0 $0x1C03, s16  }
0x16: {  	s18 =	simm.s32 $0x3;
	s14 =	sadd.s32 $0xA00, s14;
	s15 =	sadd.s32 $0xA00, s15  }
.LBB2_1:
0x17: {  	[spmem:s17], [sflag:s16] =	dma.local @!p0 [hbm:s4], $0x3E80  }
0x18: {  	s26 =	simm.s32 @!p0 $0x3  }
0x19: {  	_ =	swait.ge @!p0 [sflag:s26], $0x3E80  }
0x1a: {  	[sflag:s26] =	ssyncset.done @!p0 $0x0  }
0x1b: {  	[sflag:s26] =	ssyncadd.s32 @!p0 $0xFFFFC180  }
0x1c: {  	[bflag:$0x0] =	sbarrier.arrive $0xFFFF  }
0x1d: {  	[tilespmem:s3], [sflag:$0x3] =	stream.linear.gather [hbm4b:s5+s3], $0xC80, $0x38;
	[tilespmem:$0x19880] =	vst v63  }
0x1e: {  	_ =	swait.ge [sflag:s18], $0xC80  }
0x1f: {  	[sflag:s18] =	ssyncset.done $0x0  }
0x20: {  	[sflag:s18] =	ssyncadd.s32 $0xFFFFF380  }
0x21: {  	[tilespmem:s19], [sflag:$0x1] =	stream.linear.gather [hbm4b:s6+s3], $0x2800, $0x38;
	[tilespmem:$0x19880] =	vst v63  }
0x22: {  	s31 =	sadd.s32 $0xFFFFFB00, s13  }
0x23: {  	[tilespmem:s20], [sflag:$0x2] =	stream.linear.gather [hbm4b:s31+s3], $0x2800, $0x38;
	[tilespmem:$0x19880] =	vst v63  }
0x24: {  	_ =	swait.ge [sflag:s21], $0x2800  }
0x25: {  	[sflag:s21] =	ssyncset.done $0x0  }
0x26: {  	s30 =	simm.s32 $0x0;
	[sflag:s21] =	ssyncadd.s32 $0xFFFFD800  }
0x27: {  	[spmem:s1] =	stream.indirect.scatter.add.f32 [tilespmem:s19], [sflag:$0x3], $0x80, s30, s22, $0xb8;
	[tilespmem:$0x19880] =	vst v63  }
0x28: {  	_ =	swait.ge [sflag:s18], $0x2800  }
0x29: {  	[sflag:s18] =	ssyncset.done $0x0  }
0x2a: {  	[sflag:s18] =	ssyncadd.s32 $0xFFFFD800  }
0x2b: {  	[tilespmem:s19], [sflag:$0x1] =	stream.linear.gather [hbm4b:s13+s3], $0x2800, $0x38;
	[tilespmem:$0x19880] =	vst v63  }
0x2c: {  	_ =	swait.ge [sflag:s23], $0x2800  }
0x2d: {  	[sflag:s23] =	ssyncset.done $0x0  }
0x2e: {  	s31 =	simm.s32 $0x80;
	[sflag:s23] =	ssyncadd.s32 $0xFFFFD800  }
0x2f: {  	[spmem:s1] =	stream.indirect.scatter.add.f32 [tilespmem:s20], [sflag:$0x3], $0x80, s31, s22, $0xb8;
	[tilespmem:$0x19880] =	vst v63  }
0x30: {  	s28 =	simm.s32 $0x400;
	_ =	swait.ge [sflag:s18], $0x2800  }
0x31: {  	s29 =	simm.s32 $0x800;
	s26 =	sadd.s32 $0xA00, s13;
	[sflag:s18] =	ssyncset.done $0x0  }
.LBB2_2:
0x32: {  	p1 =	sne.s32 s29, $0x2C00;
	s30 =	sadd.s32 $0xFFFFFB00, s26;
	[sflag:s18] =	ssyncadd.s32 $0xFFFFD800  }
0x33: {  	[tilespmem:s20], [sflag:$0x2] =	stream.linear.gather [hbm4b:s30+s3], $0x2800, $0x38;
	[tilespmem:$0x19880] =	vst v63  }
0x34: {  	s30 =	smov.u32 s29;
	s29 =	sadd.s32 $0x400, s29;
	_ =	swait.ge [sflag:s21], $0x2800  }
0x35: {  	[sflag:s21] =	ssyncset.done $0x0  }
0x36: {  	s31 =	sshra.s32 s28, $0x2;
	s28 =	smov.u32 s30;
	[sflag:s21] =	ssyncadd.s32 $0xFFFFD800  }
0x37: {  	[spmem:s1] =	stream.indirect.scatter.add.f32 [tilespmem:s19], [sflag:$0x3], $0x80, s31, s22, $0xb8;
	[tilespmem:$0x19880] =	vst v63  }
0x38: {  	_ =	swait.ge [sflag:s18], $0x2800  }
0x39: {  	[sflag:s18] =	ssyncset.done $0x0  }
0x3a: {  	[sflag:s18] =	ssyncadd.s32 $0xFFFFD800  }
0x3b: {  	[tilespmem:s19], [sflag:$0x1] =	stream.linear.gather [hbm4b:s26+s3], $0x2800, $0x38;
	[tilespmem:$0x19880] =	vst v63  }
0x3c: {  	_ =	swait.ge [sflag:s23], $0x2800  }
.Ltmp0:
0x3d: {  	[sflag:s23] =	ssyncset.done $0x0;
	(pc) =	sbr.rel @p1 .LBB2_2-.Ltmp0, $4  }
0x3e: {  	s30 =	sadd.s32 $0x80, s31;
	[sflag:s23] =	ssyncadd.s32 $0xFFFFD800  }
0x3f: {  	[spmem:s1] =	stream.indirect.scatter.add.f32 [tilespmem:s20], [sflag:$0x3], $0x80, s30, s22, $0xb8;
	[tilespmem:$0x19880] =	vst v63  }
0x40: {  	_ =	swait.ge [sflag:s18], $0x2800  }
0x41: {  	s26 =	sadd.s32 $0xA00, s26;
	[sflag:s18] =	ssyncset.done $0x0  }
0x42: {  	s29 =	sadd.s32 $0xFFFFFB00, s26;
	[sflag:s18] =	ssyncadd.s32 $0xFFFFD800  }
0x43: {  	[tilespmem:s20], [sflag:$0x2] =	stream.linear.gather [hbm4b:s29+s3], $0x2800, $0x38;
	[tilespmem:$0x19880] =	vst v63  }
0x44: {  	_ =	swait.ge [sflag:s21], $0x2800  }
0x45: {  	[sflag:s21] =	ssyncset.done $0x0  }
0x46: {  	s28 =	sshra.s32 s28, $0x2;
	[sflag:s21] =	ssyncadd.s32 $0xFFFFD800  }
0x47: {  	[spmem:s1] =	stream.indirect.scatter.add.f32 [tilespmem:s19], [sflag:$0x3], $0x80, s28, s22, $0xb8;
	[tilespmem:$0x19880] =	vst v63  }
0x48: {  	_ =	swait.ge [sflag:s18], $0x2800  }
0x49: {  	[sflag:s18] =	ssyncset.done $0x0  }
0x4a: {  	[sflag:s18] =	ssyncadd.s32 $0xFFFFD800  }
0x4b: {  	[tilespmem:s19], [sflag:$0x1] =	stream.linear.gather [hbm4b:s26+s3], $0x2800, $0x38;
	[tilespmem:$0x19880] =	vst v63  }
0x4c: {  	_ =	swait.ge [sflag:s23], $0x2800  }
0x4d: {  	[sflag:s23] =	ssyncset.done $0x0  }
0x4e: {  	s31 =	sadd.s32 $0x80, s28;
	[sflag:s23] =	ssyncadd.s32 $0xFFFFD800  }
0x4f: {  	[spmem:s1] =	stream.indirect.scatter.add.f32 [tilespmem:s20], [sflag:$0x3], $0x80, s31, s22, $0xb8;
	[tilespmem:$0x19880] =	vst v63  }
0x50: {  	_ =	swait.ge [sflag:s18], $0x2800  }
0x51: {  	[sflag:s18] =	ssyncset.done $0x0  }
0x52: {  	[sflag:s18] =	ssyncadd.s32 $0xFFFFD800  }
0x53: {  	_ =	swait.ge [sflag:s21], $0x2800  }
0x54: {  	[sflag:s21] =	ssyncset.done $0x0  }
0x55: {  	[sflag:s21] =	ssyncadd.s32 $0xFFFFD800  }
0x56: {  	[spmem:s1] =	stream.indirect.scatter.add.f32 [tilespmem:s19], [sflag:$0x3], $0x80, s24, s22, $0xb8;
	[tilespmem:$0x19880] =	vst v63  }
0x57: {  	_ =	swait.ge [sflag:s18], $0x2800  }
0x58: {  	[sflag:s18] =	ssyncset.done $0x0  }
0x59: {  	s30 =	simm.s32 $0x0;
	[sflag:s18] =	ssyncadd.s32 $0xFFFFD800  }
0x5a: {  	[tilespmem:s30], [sflag:$0x3] =	stream.linear.gather [hbm4b:s7+s30], $0xC80, $0x38;
	[tilespmem:$0x19880] =	vst v63  }
0x5b: {  	_ =	swait.ge [sflag:s18], $0xC80  }
0x5c: {  	[sflag:s18] =	ssyncset.done $0x0  }
0x5d: {  	[sflag:s18] =	ssyncadd.s32 $0xFFFFF380  }
0x5e: {  	[tilespmem:s19], [sflag:$0x1] =	stream.linear.gather [hbm4b:s8+s30], $0x2800, $0x38;
	[tilespmem:$0x19880] =	vst v63  }
0x5f: {  	s31 =	sadd.s32 $0xFFFFFB00, s14  }
0x60: {  	[tilespmem:s20], [sflag:$0x2] =	stream.linear.gather [hbm4b:s31+s3], $0x2800, $0x38;
	[tilespmem:$0x19880] =	vst v63  }
0x61: {  	_ =	swait.ge [sflag:s21], $0x2800  }
0x62: {  	[sflag:s21] =	ssyncset.done $0x0  }
0x63: {  	s30 =	simm.s32 $0x0;
	[sflag:s21] =	ssyncadd.s32 $0xFFFFD800  }
0x64: {  	[spmem:s1] =	stream.indirect.scatter.add.f32 [tilespmem:s19], [sflag:$0x3], $0x80, s30, s22, $0xb8;
	[tilespmem:$0x19880] =	vst v63  }
0x65: {  	_ =	swait.ge [sflag:s18], $0x2800  }
0x66: {  	[sflag:s18] =	ssyncset.done $0x0  }
0x67: {  	[sflag:s18] =	ssyncadd.s32 $0xFFFFD800  }
0x68: {  	[tilespmem:s19], [sflag:$0x1] =	stream.linear.gather [hbm4b:s14+s3], $0x2800, $0x38;
	[tilespmem:$0x19880] =	vst v63  }
0x69: {  	_ =	swait.ge [sflag:s23], $0x2800  }
0x6a: {  	[sflag:s23] =	ssyncset.done $0x0  }
0x6b: {  	s31 =	simm.s32 $0x80;
	[sflag:s23] =	ssyncadd.s32 $0xFFFFD800  }
0x6c: {  	[spmem:s1] =	stream.indirect.scatter.add.f32 [tilespmem:s20], [sflag:$0x3], $0x80, s31, s22, $0xb8;
	[tilespmem:$0x19880] =	vst v63  }
0x6d: {  	s29 =	simm.s32 $0x800;
	_ =	swait.ge [sflag:s18], $0x2800  }
0x6e: {  	s28 =	simm.s32 $0x400;
	s26 =	sadd.s32 $0xA00, s14;
	[sflag:s18] =	ssyncset.done $0x0  }
.LBB2_4:
0x6f: {  	p1 =	sne.s32 s29, $0x2C00;
	s30 =	sadd.s32 $0xFFFFFB00, s26;
	[sflag:s18] =	ssyncadd.s32 $0xFFFFD800  }
0x70: {  	[tilespmem:s20], [sflag:$0x2] =	stream.linear.gather [hbm4b:s30+s3], $0x2800, $0x38;
	[tilespmem:$0x19880] =	vst v63  }
0x71: {  	s30 =	smov.u32 s29;
	s29 =	sadd.s32 $0x400, s29;
	_ =	swait.ge [sflag:s21], $0x2800  }
0x72: {  	[sflag:s21] =	ssyncset.done $0x0  }
0x73: {  	s31 =	sshra.s32 s28, $0x2;
	s28 =	smov.u32 s30;
	[sflag:s21] =	ssyncadd.s32 $0xFFFFD800  }
0x74: {  	[spmem:s1] =	stream.indirect.scatter.add.f32 [tilespmem:s19], [sflag:$0x3], $0x80, s31, s22, $0xb8;
	[tilespmem:$0x19880] =	vst v63  }
0x75: {  	_ =	swait.ge [sflag:s18], $0x2800  }
0x76: {  	[sflag:s18] =	ssyncset.done $0x0  }
0x77: {  	[sflag:s18] =	ssyncadd.s32 $0xFFFFD800  }
0x78: {  	[tilespmem:s19], [sflag:$0x1] =	stream.linear.gather [hbm4b:s26+s3], $0x2800, $0x38;
	[tilespmem:$0x19880] =	vst v63  }
0x79: {  	_ =	swait.ge [sflag:s23], $0x2800  }
.Ltmp1:
0x7a: {  	[sflag:s23] =	ssyncset.done $0x0;
	(pc) =	sbr.rel @p1 .LBB2_4-.Ltmp1, $4  }
0x7b: {  	s30 =	sadd.s32 $0x80, s31;
	[sflag:s23] =	ssyncadd.s32 $0xFFFFD800  }
0x7c: {  	[spmem:s1] =	stream.indirect.scatter.add.f32 [tilespmem:s20], [sflag:$0x3], $0x80, s30, s22, $0xb8;
	[tilespmem:$0x19880] =	vst v63  }
0x7d: {  	_ =	swait.ge [sflag:s18], $0x2800  }
0x7e: {  	s26 =	sadd.s32 $0xA00, s26;
	[sflag:s18] =	ssyncset.done $0x0  }
0x7f: {  	s29 =	sadd.s32 $0xFFFFFB00, s26;
	[sflag:s18] =	ssyncadd.s32 $0xFFFFD800  }
0x80: {  	[tilespmem:s20], [sflag:$0x2] =	stream.linear.gather [hbm4b:s29+s3], $0x2800, $0x38;
	[tilespmem:$0x19880] =	vst v63  }
0x81: {  	_ =	swait.ge [sflag:s21], $0x2800  }
0x82: {  	[sflag:s21] =	ssyncset.done $0x0  }
0x83: {  	s28 =	sshra.s32 s28, $0x2;
	[sflag:s21] =	ssyncadd.s32 $0xFFFFD800  }
0x84: {  	[spmem:s1] =	stream.indirect.scatter.add.f32 [tilespmem:s19], [sflag:$0x3], $0x80, s28, s22, $0xb8;
	[tilespmem:$0x19880] =	vst v63  }
0x85: {  	_ =	swait.ge [sflag:s18], $0x2800  }
0x86: {  	[sflag:s18] =	ssyncset.done $0x0  }
0x87: {  	[sflag:s18] =	ssyncadd.s32 $0xFFFFD800  }
0x88: {  	[tilespmem:s19], [sflag:$0x1] =	stream.linear.gather [hbm4b:s26+s3], $0x2800, $0x38;
	[tilespmem:$0x19880] =	vst v63  }
0x89: {  	_ =	swait.ge [sflag:s23], $0x2800  }
0x8a: {  	[sflag:s23] =	ssyncset.done $0x0  }
0x8b: {  	s31 =	sadd.s32 $0x80, s28;
	[sflag:s23] =	ssyncadd.s32 $0xFFFFD800  }
0x8c: {  	[spmem:s1] =	stream.indirect.scatter.add.f32 [tilespmem:s20], [sflag:$0x3], $0x80, s31, s22, $0xb8;
	[tilespmem:$0x19880] =	vst v63  }
0x8d: {  	_ =	swait.ge [sflag:s18], $0x2800  }
0x8e: {  	[sflag:s18] =	ssyncset.done $0x0  }
0x8f: {  	[sflag:s18] =	ssyncadd.s32 $0xFFFFD800  }
0x90: {  	_ =	swait.ge [sflag:s21], $0x2800  }
0x91: {  	[sflag:s21] =	ssyncset.done $0x0  }
0x92: {  	[sflag:s21] =	ssyncadd.s32 $0xFFFFD800  }
0x93: {  	[spmem:s1] =	stream.indirect.scatter.add.f32 [tilespmem:s19], [sflag:$0x3], $0x80, s24, s22, $0xb8;
	[tilespmem:$0x19880] =	vst v63  }
0x94: {  	_ =	swait.ge [sflag:s18], $0x2800  }
0x95: {  	[sflag:s18] =	ssyncset.done $0x0  }
0x96: {  	s30 =	simm.s32 $0x0;
	[sflag:s18] =	ssyncadd.s32 $0xFFFFD800  }
0x97: {  	[tilespmem:s30], [sflag:$0x3] =	stream.linear.gather [hbm4b:s9+s30], $0xC80, $0x38;
	[tilespmem:$0x19880] =	vst v63  }
0x98: {  	_ =	swait.ge [sflag:s18], $0xC80  }
0x99: {  	[sflag:s18] =	ssyncset.done $0x0  }
0x9a: {  	[sflag:s18] =	ssyncadd.s32 $0xFFFFF380  }
0x9b: {  	[tilespmem:s19], [sflag:$0x1] =	stream.linear.gather [hbm4b:s10+s30], $0x2800, $0x38;
	[tilespmem:$0x19880] =	vst v63  }
0x9c: {  	s31 =	sadd.s32 $0xFFFFFB00, s15  }
0x9d: {  	[tilespmem:s20], [sflag:$0x2] =	stream.linear.gather [hbm4b:s31+s3], $0x2800, $0x38;
	[tilespmem:$0x19880] =	vst v63  }
0x9e: {  	_ =	swait.ge [sflag:s21], $0x2800  }
0x9f: {  	[sflag:s21] =	ssyncset.done $0x0  }
0xa0: {  	s30 =	simm.s32 $0x0;
	[sflag:s21] =	ssyncadd.s32 $0xFFFFD800  }
0xa1: {  	[spmem:s1] =	stream.indirect.scatter.add.f32 [tilespmem:s19], [sflag:$0x3], $0x80, s30, s22, $0xb8;
	[tilespmem:$0x19880] =	vst v63  }
0xa2: {  	_ =	swait.ge [sflag:s18], $0x2800  }
0xa3: {  	[sflag:s18] =	ssyncset.done $0x0  }
0xa4: {  	[sflag:s18] =	ssyncadd.s32 $0xFFFFD800  }
0xa5: {  	[tilespmem:s19], [sflag:$0x1] =	stream.linear.gather [hbm4b:s15+s3], $0x2800, $0x38;
	[tilespmem:$0x19880] =	vst v63  }
0xa6: {  	_ =	swait.ge [sflag:s23], $0x2800  }
0xa7: {  	[sflag:s23] =	ssyncset.done $0x0  }
0xa8: {  	s31 =	simm.s32 $0x80;
	[sflag:s23] =	ssyncadd.s32 $0xFFFFD800  }
0xa9: {  	[spmem:s1] =	stream.indirect.scatter.add.f32 [tilespmem:s20], [sflag:$0x3], $0x80, s31, s22, $0xb8;
	[tilespmem:$0x19880] =	vst v63  }
0xaa: {  	s29 =	simm.s32 $0x800;
	_ =	swait.ge [sflag:s18], $0x2800  }
0xab: {  	s28 =	simm.s32 $0x400;
	s26 =	sadd.s32 $0xA00, s15;
	[sflag:s18] =	ssyncset.done $0x0  }
.LBB2_6:
0xac: {  	p1 =	sne.s32 s29, $0x2C00;
	s30 =	sadd.s32 $0xFFFFFB00, s26;
	[sflag:s18] =	ssyncadd.s32 $0xFFFFD800  }
0xad: {  	[tilespmem:s20], [sflag:$0x2] =	stream.linear.gather [hbm4b:s30+s3], $0x2800, $0x38;
	[tilespmem:$0x19880] =	vst v63  }
0xae: {  	s30 =	smov.u32 s29;
	s29 =	sadd.s32 $0x400, s29;
	_ =	swait.ge [sflag:s21], $0x2800  }
0xaf: {  	[sflag:s21] =	ssyncset.done $0x0  }
0xb0: {  	s31 =	sshra.s32 s28, $0x2;
	s28 =	smov.u32 s30;
	[sflag:s21] =	ssyncadd.s32 $0xFFFFD800  }
0xb1: {  	[spmem:s1] =	stream.indirect.scatter.add.f32 [tilespmem:s19], [sflag:$0x3], $0x80, s31, s22, $0xb8;
	[tilespmem:$0x19880] =	vst v63  }
0xb2: {  	_ =	swait.ge [sflag:s18], $0x2800  }
0xb3: {  	[sflag:s18] =	ssyncset.done $0x0  }
0xb4: {  	[sflag:s18] =	ssyncadd.s32 $0xFFFFD800  }
0xb5: {  	[tilespmem:s19], [sflag:$0x1] =	stream.linear.gather [hbm4b:s26+s3], $0x2800, $0x38;
	[tilespmem:$0x19880] =	vst v63  }
0xb6: {  	_ =	swait.ge [sflag:s23], $0x2800  }
.Ltmp2:
0xb7: {  	[sflag:s23] =	ssyncset.done $0x0;
	(pc) =	sbr.rel @p1 .LBB2_6-.Ltmp2, $4  }
0xb8: {  	s30 =	sadd.s32 $0x80, s31;
	[sflag:s23] =	ssyncadd.s32 $0xFFFFD800  }
0xb9: {  	[spmem:s1] =	stream.indirect.scatter.add.f32 [tilespmem:s20], [sflag:$0x3], $0x80, s30, s22, $0xb8;
	[tilespmem:$0x19880] =	vst v63  }
0xba: {  	_ =	swait.ge [sflag:s18], $0x2800  }
0xbb: {  	s26 =	sadd.s32 $0xA00, s26;
	[sflag:s18] =	ssyncset.done $0x0  }
0xbc: {  	s29 =	sadd.s32 $0xFFFFFB00, s26;
	[sflag:s18] =	ssyncadd.s32 $0xFFFFD800  }
0xbd: {  	[tilespmem:s20], [sflag:$0x2] =	stream.linear.gather [hbm4b:s29+s3], $0x2800, $0x38;
	[tilespmem:$0x19880] =	vst v63  }
0xbe: {  	_ =	swait.ge [sflag:s21], $0x2800  }
0xbf: {  	[sflag:s21] =	ssyncset.done $0x0  }
0xc0: {  	s28 =	sshra.s32 s28, $0x2;
	[sflag:s21] =	ssyncadd.s32 $0xFFFFD800  }
0xc1: {  	[spmem:s1] =	stream.indirect.scatter.add.f32 [tilespmem:s19], [sflag:$0x3], $0x80, s28, s22, $0xb8;
	[tilespmem:$0x19880] =	vst v63  }
0xc2: {  	_ =	swait.ge [sflag:s18], $0x2800  }
0xc3: {  	[sflag:s18] =	ssyncset.done $0x0  }
0xc4: {  	[sflag:s18] =	ssyncadd.s32 $0xFFFFD800  }
0xc5: {  	[tilespmem:s19], [sflag:$0x1] =	stream.linear.gather [hbm4b:s26+s3], $0x2800, $0x38;
	[tilespmem:$0x19880] =	vst v63  }
0xc6: {  	_ =	swait.ge [sflag:s23], $0x2800  }
0xc7: {  	[sflag:s23] =	ssyncset.done $0x0  }
0xc8: {  	s31 =	sadd.s32 $0x80, s28;
	[sflag:s23] =	ssyncadd.s32 $0xFFFFD800  }
0xc9: {  	[spmem:s1] =	stream.indirect.scatter.add.f32 [tilespmem:s20], [sflag:$0x3], $0x80, s31, s22, $0xb8;
	[tilespmem:$0x19880] =	vst v63  }
0xca: {  	_ =	swait.ge [sflag:s18], $0x2800  }
0xcb: {  	[sflag:s18] =	ssyncset.done $0x0  }
0xcc: {  	[sflag:s18] =	ssyncadd.s32 $0xFFFFD800  }
0xcd: {  	_ =	swait.ge [sflag:s21], $0x2800  }
0xce: {  	[sflag:s21] =	ssyncset.done $0x0  }
0xcf: {  	[sflag:s21] =	ssyncadd.s32 $0xFFFFD800  }
0xd0: {  	[spmem:s1] =	stream.indirect.scatter.add.f32 [tilespmem:s19], [sflag:$0x3], $0x80, s24, s22, $0xb8;
	[tilespmem:$0x19880] =	vst v63  }
0xd1: {  	_ =	swait.ge [sflag:s18], $0x2800  }
0xd2: {  	s25 =	sadd.s32 $0x1, s25;
	[sflag:s18] =	ssyncset.done $0x0  }
0xd3: {  	p1 =	sne.s32 s25, s12;
	[sflag:s18] =	ssyncadd.s32 $0xFFFFD800  }
.Ltmp3:
0xd4: {  	s26 =	simm.s32 @!p0 $0x3;
	[bflag:$0x0] =	sbarrier.arrive $0xFFFF;
	(pc) =	sbr.rel @p1 .LBB2_1-.Ltmp3, $4  }
0xd5: {  	[hbm:s11], [sflag:s16] =	dma.local @!p0 [spmem:s17], $0x3E80  }
0xd6: {  	_ =	swait.ge @!p0 [sflag:s26], $0x3E80  }
0xd7: {  	[sflag:s26] =	ssyncset.done @!p0 $0x0  }
0xd8: {  	[sflag:s26] =	ssyncadd.s32 @!p0 $0xFFFFC180  }
0xd9: {  	_ =	sfence.sel $0x180000  }
0xda: {  	[bflag:$0x0] =	sbarrier.arrive $0xFFFF  }
0xdb: {  	p0 =	sne.s32 s2, $0x0;
	_ =	strace $0x90000056  }
0xdc: {  	s0 =	sadd.s32 @!p0 $0x100000, s0;
	[bflag:$0x2] =	sbarrier.arrive $0xFFFF  }
0xdd: {  	[sflag:s0] =	ssyncadd.tile.s32 @!p0 $0x1;
	_ =	shalt  }
.Lfunc_end2:
_tile_overlayer_lowered:
.L_overlay_start_2:
0xde: {  	(tag) =	ssettag $0x2  }
0xdf: {  	s0 =	rddreg [dreg:$0x0];
	s2 =	stileid.u32  }
0xe0: {  	s1 =	rddreg [dreg:$0x1];
	p0 =	sne.s32 s2, $0x0  }
0xe1: {  	s3 =	rddreg [dreg:$0x2];
	[bflag:$0x3] =	sbarrier.arrive $0xFFFF;
	s2 =	simm.s32 @!p0 $0x1C03  }
0xe2: {  	[timem:s3], [sflag:s2] =	dma.local @!p0 [hbm:s0], s1  }
0xe3: {  	s0 =	simm.s32 @!p0 $0x3  }
0xe4: {  	_ =	swait.ge @!p0 [sflag:s0], s1  }
0xe5: {  	s1 =	ssub.s32 @!p0 $0x0, s1;
	[sflag:s0] =	ssyncset.done @!p0 $0x0  }
0xe6: {  	[sflag:s0] =	ssyncadd.s32 @!p0 s1  }
0xe7: {  	[bflag:$0x3] =	sbarrier.arrive $0xFFFF  }
0xe8: {  	_ =	shalt  }

// kernel: kernel.34.cloned.1.call-start
scs
__scs_entry_jumppad:
0x0: {  	(pc) =	sbr.rel $0x88, $3  }
0x1: {  	(tag) =	ssettag $0x0;
	lr =	simm.s32 $0x1  }
0x2: {  	[smem:$0x3F8E] =	sst lr;
	_ =	strace $0xD0000000  }
0x3: {  	_ = 	snop  }
0x4: {  	_ = 	snop  }
0x5: {  	_ = 	snop  }
0x6: {  	_ = 	snop  }
0x7: {  	_ = 	snop  }
__scs_overlays_trampoline_lowered:
0x8: {  	[smem:$0x3F9D] =	sst s0  }
0x9: {  	[smem:$0x3F9E] =	sst s1  }
0xa: {  	[smem:$0x3F9F] =	sst s2  }
0xb: {  	[smem:$0x3FA0] =	sst s3  }
0xc: {  	[smem:$0x3FA1] =	sst s4  }
0xd: {  	[smem:$0x3FA2] =	sst s5  }
0xe: {  	[smem:$0x3FA3] =	sst s6  }
0xf: {  	[smem:$0x3FA4] =	sst s7  }
0x10: {  	[smem:$0x3FA5] =	sst s8  }
0x11: {  	[smem:$0x3FA6] =	sst s9;
	s0 =	simm.s32 @!p0 $0x0  }
0x12: {  	s1 =	sld [smem:$0x3F8C];
	s0 =	simm.s32 @p0 $0x1  }
0x13: {  	[smem:$0x3FA7] =	sst s0;
	s0 =	simm.s32 @!p1 $0x0  }
0x14: {  	s2 =	sld [smem:$0x3F8B];
	s0 =	simm.s32 @p1 $0x1  }
0x15: {  	[smem:$0x3FA8] =	sst s0;
	s0 =	simm.s32 @!p2 $0x0  }
0x16: {  	s3 =	sld [smem:$0x3FDB];
	s0 =	simm.s32 @p2 $0x1  }
0x17: {  	s4 =	simm.s32 $0x1BF5;
	[smem:$0x3FAA] =	sst s0  }
0x18: {  	s0 =	sld [smem:$0x3F8D];
	_ =	swait.ge [sflag:s4], $0x0  }
0x19: {  	s7 =	sld [smem:$0x3F8E]  }
0x1a: {  	s8 =	sadd.s32 $0xFFFFE003, lr  }
0x1b: {  	s9 =	sadd.s32 $0xFFFFFEF7, lr;
	s5 =	simm.s32 $0xFFFFFFFF;
	p2 =	slt.u32 s8, $0xFFFFF086  }
0x1c: {  	p1 =	slt.u32 s9, $0xF7A;
	s5 =	simm.s32 @!p2 $0x0  }
0x1d: {  	s5 =	simm.s32 @p1 $0x1;
	p0 =	seq.s32 s7, s2  }
0x1e: {  	s7 =	smul.u32 @!p0 $0xF7A, s2;
	p2 =	seq.s32 @!p0 s5, $0x0  }
0x1f: {  	s9 =	smul.u32 $0xF7A, s1;
	s8 =	simm.s32 @!p0 $0x1BF5;
	p2 =	por !p2, p0  }
0x20: {  	[sflag:s8] =	ssyncset.s32 @!p0 $0xFFFFF086;
	s6 =	sadd.s32 @!p0 s3, s7;
	s7 =	simm.s32 @!p0 $0x108  }
0x21: {  	s3 =	sadd.s32 s3, s9;
	s6 =	sadd.s32 @!p0 $0x88, s6;
	s7 =	simm.s32 @p2 $0x1082  }
0x22: {  	[simem:s7], [sflag:s8] =	dma.local @!p0 [hbm:s6], $0xF7A  }
0x23: {  	s9 =	sor.u32 $0xD0000000, s2;
	s6 =	simm.s32 $0x108;
	_ =	swait.ge @!p0 [sflag:s8], $0x0  }
0x24: {  	s3 =	sadd.s32 $0x88, s3;
	s6 =	simm.s32 @!p1 $0x1082;
	[sflag:s4] =	ssyncset.s32 $0xFFFFF086  }
0x25: {  	[simem:s6], [sflag:s4] =	dma.local [hbm:s3], $0xF7A  }
0x26: {  	[smem:$0x3F8E] =	sst s1;
	(tag) =	ssettag s2;
	_ =	strace s9  }
0x27: {  	s1 =	sld [smem:$0x3F9E]  }
0x28: {  	s2 =	sld [smem:$0x3F9F]  }
0x29: {  	s4 =	sld [smem:$0x3FA1]  }
0x2a: {  	p0 =	seq.s32 s5, $0x0;
	s5 =	sld [smem:$0x3FA2]  }
0x2b: {  	s6 =	sld [smem:$0x3FA3]  }
0x2c: {  	s7 =	sld [smem:$0x3FA4]  }
0x2d: {  	s3 =	simm.s32 $0x108;
	s8 =	sld [smem:$0x3FA5]  }
0x2e: {  	s3 =	simm.s32 @!p0 $0x1082;
	s9 =	sld [smem:$0x3FA6]  }
0x2f: {  	lr =	sadd.s32 s0, s3;
	s0 =	sld [smem:$0x3F9D]  }
0x30: {  	s3 =	sld [smem:$0x3FA0]  }
0x31: {  	[smem:$0x3FA9] =	sst s10  }
0x32: {  	s10 =	sld [smem:$0x3FA7];
	_ =	sdelay $0x3  }
0x33: {  	p0 =	seq.s32 s10, $0x1;
	s10 =	sld [smem:$0x3FA9];
	_ =	sdelay $0x3  }
0x34: {  	[smem:$0x3FA9] =	sst s10  }
0x35: {  	s10 =	sld [smem:$0x3FA8];
	_ =	sdelay $0x3  }
0x36: {  	p1 =	seq.s32 s10, $0x1;
	s10 =	sld [smem:$0x3FA9];
	_ =	sdelay $0x3  }
0x37: {  	[smem:$0x3FA9] =	sst s10  }
0x38: {  	s10 =	sld [smem:$0x3FAA]  }
0x39: {  	_ = 	snop;
	(pc) =	sbr.ind lr, $3  }
0x3a: {  	_ = 	snop  }
0x3b: {  	_ = 	snop  }
0x3c: {  	p2 =	seq.s32 s10, $0x1;
	s10 =	sld [smem:$0x3FA9]  }
0x3d: {  	_ =	shalt  }
0x3e: {  	_ =	shalt  }
0x3f: {  	_ =	shalt  }
0x40: {  	_ =	shalt  }
0x41: {  	_ =	shalt  }
0x42: {  	_ =	shalt  }
0x43: {  	_ =	shalt  }
0x44: {  	_ =	shalt  }
0x45: {  	_ =	shalt  }
0x46: {  	_ =	shalt  }
0x47: {  	_ =	shalt  }
0x48: {  	_ =	shalt  }
0x49: {  	_ =	shalt  }
0x4a: {  	_ =	shalt  }
0x4b: {  	_ =	shalt  }
0x4c: {  	_ =	shalt  }
0x4d: {  	_ =	shalt  }
0x4e: {  	_ =	shalt  }
0x4f: {  	_ =	shalt  }
0x50: {  	_ =	shalt  }
0x51: {  	_ =	shalt  }
0x52: {  	_ =	shalt  }
0x53: {  	_ =	shalt  }
0x54: {  	_ =	shalt  }
0x55: {  	_ =	shalt  }
0x56: {  	_ =	shalt  }
0x57: {  	_ =	shalt  }
0x58: {  	_ =	shalt  }
0x59: {  	_ =	shalt  }
0x5a: {  	_ =	shalt  }
0x5b: {  	_ =	shalt  }
0x5c: {  	_ =	shalt  }
0x5d: {  	_ =	shalt  }
0x5e: {  	_ =	shalt  }
0x5f: {  	_ =	shalt  }
0x60: {  	_ =	shalt  }
0x61: {  	_ =	shalt  }
0x62: {  	_ =	shalt  }
0x63: {  	_ =	shalt  }
0x64: {  	_ =	shalt  }
0x65: {  	_ =	shalt  }
0x66: {  	_ =	shalt  }
0x67: {  	_ =	shalt  }
0x68: {  	_ =	shalt  }
0x69: {  	_ =	shalt  }
0x6a: {  	_ =	shalt  }
0x6b: {  	_ =	shalt  }
0x6c: {  	_ =	shalt  }
0x6d: {  	_ =	shalt  }
0x6e: {  	_ =	shalt  }
0x6f: {  	_ =	shalt  }
0x70: {  	_ =	shalt  }
0x71: {  	_ =	shalt  }
0x72: {  	_ =	shalt  }
0x73: {  	_ =	shalt  }
0x74: {  	_ =	shalt  }
0x75: {  	_ =	shalt  }
0x76: {  	_ =	shalt  }
0x77: {  	_ =	shalt  }
0x78: {  	_ =	shalt  }
0x79: {  	_ =	shalt  }
0x7a: {  	_ =	shalt  }
0x7b: {  	_ =	shalt  }
0x7c: {  	_ =	shalt  }
0x7d: {  	_ =	shalt  }
0x7e: {  	_ =	shalt  }
0x7f: {  	_ =	shalt  }
0x80: {  	_ =	shalt  }
0x81: {  	_ =	shalt  }
0x82: {  	_ =	shalt  }
0x83: {  	_ =	shalt  }
0x84: {  	_ =	shalt  }
0x85: {  	_ =	shalt  }
0x86: {  	_ =	shalt  }
0x87: {  	_ =	shalt  }
.Lfunc_end0:
.L_simem_size_0:
called_computation.6_lowered:
.L_overlay_start_0:
0x88: {  	s2 =	sld [smem:$0x3FD9]  }
0x89: {  	s3 =	sld [smem:$0x3FFE];
	_ =	sdelay $0x1  }
0x8a: {  	s1 =	srdreg.scid  }
0x8b: {  	s0 =	sand.u32 $0x1, s1  }
0x8c: {  	s16 =	sshll.u32 s0, $0xA;
	s2 =	sadd.s32 s3, s2  }
0x8d: {  	s2 =	sadd.s32 s2, s16  }
0x8e: {  	[smem:$0x3FB5] =	sst s2  }
0x8f: {  	_ = 	snop  }
0x90: {  	(tm) =	ssettm $0x1  }
0x91: {  	s17 =	sld [smem:$0x3FFB];
	_ =	sdelay $0x3  }
0x92: {  	_ =	strace s17  }
0x93: {  	s2 =	sld [smem:$0x3FFC];
	_ =	sdelay $0x3  }
0x94: {  	_ =	strace s2  }
0x95: {  	s2 =	sld [smem:$0x3FFD];
	_ =	sdelay $0x3  }
0x96: {  	_ =	strace s2  }
0x97: {  	_ =	strace $0x8FFFFFFF  }
0x98: {  	s18 =	sld [smem:$0x3FDB];
	_ =	sdelay $0x1  }
0x99: {  	s19 =	simm.s32 $_scs_section_size  }
0x9a: {  	s4 =	simm.s32 $_size__tile_overlayer_lowered;
	s5 =	simm.s32 $_tile_overlayer_lowered  }
0x9b: {  	s22 =	simm.s32 $0x1BFF;
	s21 =	sshll.u32 s5, $0x1;
	s2 =	sadd.s32 s19, s18  }
0x9c: {  	s6 =	simm.s32 $0x0;
	s20 =	sshll.u32 s4, $0x1;
	s4 =	sadd.s32 s21, s2  }
0x9d: {  	[timem:s6], [sflag:s22] =	dma.local [hbm:s4], s20  }
0x9e: {  	_ =	swait.ge [sflag:s22], s20  }
0x9f: {  	s3 =	ssub.s32 $0x0, s20;
	[sflag:s22] =	ssyncset.done $0x0  }
0xa0: {  	[sflag:s22] =	ssyncadd.s32 s3;
	_ =	sdelay $0x1  }
0xa1: {  	s23 =	simm.s32 $0x1B8B  }
0xa2: {  	_ =	swait.ge [sflag:s23], $0x1  }
0xa3: {  	[sflag:s23] =	ssyncset.done $0x0  }
0xa4: {  	s25 =	simm.s32 $0x1B8E;
	s24 =	sld [smem:$0x3FFE];
	[sflag:s23] =	ssyncadd.s32 $0xFFFFFFFF  }
0xa5: {  	s26 =	simm.s32 $execute0_lowered;
	[smem:$0x3FD2] =	sst s25  }
0xa6: {  	s4 =	sshll.u32 s26, $0x1;
	_ =	strace $0x80000058;
	[dreg:$0x1] =	wrdreg $0xFFFFFFFF  }
0xa7: {  	s28 =	simm.s32 $_size_execute0_lowered;
	s2 =	sadd.s32 s2, s4;
	[dreg:$0x0] =	wrdreg $0x0  }
0xa8: {  	s4 =	sshll.u32 s28, $0x1;
	[dreg:$0x2] =	wrdreg s2  }
0xa9: {  	[dreg:$0x3] =	wrdreg s4  }
0xaa: {  	[dreg:$0x4] =	wrdreg $0xC0  }
0xab: {  	_ =	task [dreg:s6], $0x5FFFF  }
0xac: {  	[dreg:$0x1] =	wrdreg $0xFFFFFFFF  }
0xad: {  	[dreg:$0x0] =	wrdreg $0x60  }
0xae: {  	[dreg:$0x2] =	wrdreg s24  }
0xaf: {  	[dreg:$0x3] =	wrdreg $0x60000  }
0xb0: {  	[dreg:$0x4] =	wrdreg $0x9  }
0xb1: {  	_ =	task.clear_ibuf [dreg:s6], $0x5FFFF;
	_ =	strace $0x90000058  }
0xb2: {  	s29 =	simm.s32 $0x9;
	_ =	strace $0x8000005A  }
0xb3: {  	_ =	swait.ge [sflag:s29], $0x1  }
0xb4: {  	[sflag:s29] =	ssyncadd.s32 $0xFFFFFFFF  }
0xb5: {  	_ =	strace $0x9000005A  }
0xb6: {  	_ =	sfence  }
0xb7: {  	s30 =	sld [smem:$0x0];
	_ =	sdelay $0x2  }
0xb8: {  	s31 =	sshll.u32 s1, $0xD;
	s1 =	sshrl.u32 s1, $0x2  }
0xb9: {  	s3 =	sand.u32 $0x4000, s31;
	s1 =	sadd.s32 s1, s30  }
0xba: {  	s0 =	sor.u32 s3, s0;
	s1 =	sshll.u32 s1, $0x11  }
0xbb: {  	s0 =	sor.u32 s1, s0  }
0xbc: {  	s0 =	sadd.s32 $0x8F2B, s0  }
0xbd: {  	[sflag:s0] =	ssyncadd.remote.s32 $0x1  }
0xbe: {  	_ =	sfence.sel $0xFFFF  }
0xbf: {  	[dreg:$0x0] =	wrdreg $0xFFFFFFFF;
	(pc) =	sbr.abs _section_cstart, $3  }
0xc0: {  	[dreg:$0x1] =	wrdreg $0xFFFFFFFF  }
0xc1: {  	_ =	task.clear_ibuf [dreg:s6], $0x2FFFF;
	_ =	strace $0x9FFFFFFF  }
0xc2: {  	(tm) =	ssettm $0x7FFFFFFF  }
0xc3: {  	_ =	shalt  }
tec
execute0_lowered:
.L_overlay_start_1:
0x0: {  	(tag) =	ssettag $0x1  }
0x1: {  	s4 =	rddreg [dreg:$0x0]  }
0x2: {  	s1 =	rddreg [dreg:$0x1]  }
0x3: {  	s0 =	rddreg [dreg:$0x2]  }
0x4: {  	s3 =	simm.s32 $0x0;
	s2 =	srdreg.scid;
	s17 =	simm.s32 $0x3800  }
0x5: {  	s18 =	simm.s32 $0x1;
	s19 =	simm.s32 $0x50;
	s20 =	simm.s32 $0x2  }
0x6: {  	s21 =	simm.s32 $0xC00;
	s22 =	simm.s32 $0x0;
	s11 =	sand.u32 $0x1, s2  }
0x7: {  	s2 =	stileid.u32;
	s12 =	sadd.s32 $0x399400, s4;
	s5 =	smul.u32 $0x138800, s11  }
0x8: {  	[smem:$0x7FF] =	sst s3;
	s13 =	sadd.s32 $0x29F400, s4;
	s7 =	smul.u32 $0x1F400, s2  }
0x9: {  	_ =	strace $0x80000059;
	s6 =	sshll.u32 s2, $0x1;
	s30 =	smul.u32 $0x7D000, s2  }
0xa: {  	s9 =	ssub.s32 $0x2, s11;
	s31 =	smul.u32 $0xFA00, s2;
	p0 =	sgt.u32 s2, $0x9  }
0xb: {  	s6 =	sor.u32 s11, s6;
	s10 =	sshrl.u32 s9, $0x1;
	s11 =	smul.u32 $0x7D00, s11  }
0xc: {  	s8 =	sshll.u32 s6, $0x9;
	s5 =	sadd.s32 s7, s5;
	s7 =	sshrl.u32 s30, $0x2  }
0xd: {  	s14 =	smul.u32 $0x7D00, s6;
	s10 =	ssub.s32 s9, s10;
	s8 =	sadd.s32 s8, s4  }
0xe: {  	s5 =	sshrl.u32 s5, $0x3;
	s16 =	sadd.s32 s7, s1;
	s10 =	smax.u32 s10, $0x1  }
0xf: {  	s15 =	sadd.s32 s5, s4;
	s5 =	sadd.s32 $0x297400, s8;
	s6 =	sadd.s32 s12, s14  }
0x10: {  	s7 =	sadd.s32 $0x29B400, s8;
	s8 =	sadd.s32 s13, s14;
	s12 =	sadd.s32 s31, s12  }
0x11: {  	s13 =	sadd.s32 s31, s13;
	s14 =	sshll.u32 @!p0 s2, $0x6;
	s4 =	sadd.s32 $0x249200, s15  }
0x12: {  	s9 =	sadd.s32 $0x3000, s15;
	s12 =	sadd.s32 s11, s12;
	s13 =	sadd.s32 s11, s13  }
0x13: {  	s15 =	simm.s32 $0x3;
	s11 =	sadd.s32 $0xA00, s12;
	s12 =	sadd.s32 $0xA00, s13  }
0x14: {  	s13 =	sor.u32 @!p0 $0x1C03, s14;
	s14 =	sshrl.u32 @!p0 s16, $0x3;
	s16 =	simm.s32 $0x1000  }
.LBB2_1:
0x15: {  	[spmem:s14], [sflag:s13] =	dma.local @!p0 [hbm:s4], $0x3E80  }
0x16: {  	s23 =	simm.s32 @!p0 $0x3  }
0x17: {  	_ =	swait.ge @!p0 [sflag:s23], $0x3E80  }
0x18: {  	[sflag:s23] =	ssyncset.done @!p0 $0x0  }
0x19: {  	[sflag:s23] =	ssyncadd.s32 @!p0 $0xFFFFC180  }
0x1a: {  	[bflag:$0x0] =	sbarrier.arrive $0xFFFF  }
0x1b: {  	[tilespmem:s3], [sflag:$0x3] =	stream.linear.gather [hbm4b:s5+s3], $0xC80, $0x38;
	[tilespmem:$0x19880] =	vst v63  }
0x1c: {  	_ =	swait.ge [sflag:s15], $0xC80  }
0x1d: {  	[sflag:s15] =	ssyncset.done $0x0  }
0x1e: {  	[sflag:s15] =	ssyncadd.s32 $0xFFFFF380  }
0x1f: {  	[tilespmem:s16], [sflag:$0x1] =	stream.linear.gather [hbm4b:s6+s3], $0x2800, $0x38;
	[tilespmem:$0x19880] =	vst v63  }
0x20: {  	s29 =	sadd.s32 $0xFFFFFB00, s11  }
0x21: {  	[tilespmem:s17], [sflag:$0x2] =	stream.linear.gather [hbm4b:s29+s3], $0x2800, $0x38;
	[tilespmem:$0x19880] =	vst v63  }
0x22: {  	_ =	swait.ge [sflag:s18], $0x2800  }
0x23: {  	[sflag:s18] =	ssyncset.done $0x0  }
0x24: {  	s30 =	simm.s32 $0x0;
	[sflag:s18] =	ssyncadd.s32 $0xFFFFD800  }
0x25: {  	[spmem:s1] =	stream.indirect.scatter.add.f32 [tilespmem:s16], [sflag:$0x3], $0x80, s30, s19, $0xb8;
	[tilespmem:$0x19880] =	vst v63  }
0x26: {  	_ =	swait.ge [sflag:s15], $0x2800  }
0x27: {  	[sflag:s15] =	ssyncset.done $0x0  }
0x28: {  	[sflag:s15] =	ssyncadd.s32 $0xFFFFD800  }
0x29: {  	[tilespmem:s16], [sflag:$0x1] =	stream.linear.gather [hbm4b:s11+s3], $0x2800, $0x38;
	[tilespmem:$0x19880] =	vst v63  }
0x2a: {  	_ =	swait.ge [sflag:s20], $0x2800  }
0x2b: {  	[sflag:s20] =	ssyncset.done $0x0  }
0x2c: {  	s31 =	simm.s32 $0x80;
	[sflag:s20] =	ssyncadd.s32 $0xFFFFD800  }
0x2d: {  	[spmem:s1] =	stream.indirect.scatter.add.f32 [tilespmem:s17], [sflag:$0x3], $0x80, s31, s19, $0xb8;
	[tilespmem:$0x19880] =	vst v63  }
0x2e: {  	s24 =	simm.s32 $0x400;
	_ =	swait.ge [sflag:s15], $0x2800  }
0x2f: {  	s25 =	simm.s32 $0x800;
	s23 =	sadd.s32 $0xA00, s11;
	[sflag:s15] =	ssyncset.done $0x0  }
.LBB2_2:
0x30: {  	p1 =	sne.s32 s25, $0x2C00;
	s26 =	sadd.s32 $0xFFFFFB00, s23;
	[sflag:s15] =	ssyncadd.s32 $0xFFFFD800  }
0x31: {  	[tilespmem:s17], [sflag:$0x2] =	stream.linear.gather [hbm4b:s26+s3], $0x2800, $0x38;
	[tilespmem:$0x19880] =	vst v63  }
0x32: {  	s26 =	smov.u32 s25;
	s25 =	sadd.s32 $0x400, s25;
	_ =	swait.ge [sflag:s18], $0x2800  }
0x33: {  	[sflag:s18] =	ssyncset.done $0x0  }
0x34: {  	s28 =	sshra.s32 s24, $0x2;
	s24 =	smov.u32 s26;
	[sflag:s18] =	ssyncadd.s32 $0xFFFFD800  }
0x35: {  	[spmem:s1] =	stream.indirect.scatter.add.f32 [tilespmem:s16], [sflag:$0x3], $0x80, s28, s19, $0xb8;
	[tilespmem:$0x19880] =	vst v63  }
0x36: {  	_ =	swait.ge [sflag:s15], $0x2800  }
0x37: {  	[sflag:s15] =	ssyncset.done $0x0  }
0x38: {  	[sflag:s15] =	ssyncadd.s32 $0xFFFFD800  }
0x39: {  	[tilespmem:s16], [sflag:$0x1] =	stream.linear.gather [hbm4b:s23+s3], $0x2800, $0x38;
	[tilespmem:$0x19880] =	vst v63  }
0x3a: {  	_ =	swait.ge [sflag:s20], $0x2800  }
.Ltmp0:
0x3b: {  	[sflag:s20] =	ssyncset.done $0x0;
	(pc) =	sbr.rel @p1 .LBB2_2-.Ltmp0, $4  }
0x3c: {  	s26 =	sadd.s32 $0x80, s28;
	[sflag:s20] =	ssyncadd.s32 $0xFFFFD800  }
0x3d: {  	[spmem:s1] =	stream.indirect.scatter.add.f32 [tilespmem:s17], [sflag:$0x3], $0x80, s26, s19, $0xb8;
	[tilespmem:$0x19880] =	vst v63  }
0x3e: {  	_ =	swait.ge [sflag:s15], $0x2800  }
0x3f: {  	s23 =	sadd.s32 $0xA00, s23;
	[sflag:s15] =	ssyncset.done $0x0  }
0x40: {  	s25 =	sadd.s32 $0xFFFFFB00, s23;
	[sflag:s15] =	ssyncadd.s32 $0xFFFFD800  }
0x41: {  	[tilespmem:s17], [sflag:$0x2] =	stream.linear.gather [hbm4b:s25+s3], $0x2800, $0x38;
	[tilespmem:$0x19880] =	vst v63  }
0x42: {  	_ =	swait.ge [sflag:s18], $0x2800  }
0x43: {  	[sflag:s18] =	ssyncset.done $0x0  }
0x44: {  	s24 =	sshra.s32 s24, $0x2;
	[sflag:s18] =	ssyncadd.s32 $0xFFFFD800  }
0x45: {  	[spmem:s1] =	stream.indirect.scatter.add.f32 [tilespmem:s16], [sflag:$0x3], $0x80, s24, s19, $0xb8;
	[tilespmem:$0x19880] =	vst v63  }
0x46: {  	_ =	swait.ge [sflag:s15], $0x2800  }
0x47: {  	[sflag:s15] =	ssyncset.done $0x0  }
0x48: {  	[sflag:s15] =	ssyncadd.s32 $0xFFFFD800  }
0x49: {  	[tilespmem:s16], [sflag:$0x1] =	stream.linear.gather [hbm4b:s23+s3], $0x2800, $0x38;
	[tilespmem:$0x19880] =	vst v63  }
0x4a: {  	_ =	swait.ge [sflag:s20], $0x2800  }
0x4b: {  	[sflag:s20] =	ssyncset.done $0x0  }
0x4c: {  	s26 =	sadd.s32 $0x80, s24;
	[sflag:s20] =	ssyncadd.s32 $0xFFFFD800  }
0x4d: {  	[spmem:s1] =	stream.indirect.scatter.add.f32 [tilespmem:s17], [sflag:$0x3], $0x80, s26, s19, $0xb8;
	[tilespmem:$0x19880] =	vst v63  }
0x4e: {  	_ =	swait.ge [sflag:s15], $0x2800  }
0x4f: {  	[sflag:s15] =	ssyncset.done $0x0  }
0x50: {  	[sflag:s15] =	ssyncadd.s32 $0xFFFFD800  }
0x51: {  	_ =	swait.ge [sflag:s18], $0x2800  }
0x52: {  	[sflag:s18] =	ssyncset.done $0x0  }
0x53: {  	[sflag:s18] =	ssyncadd.s32 $0xFFFFD800  }
0x54: {  	[spmem:s1] =	stream.indirect.scatter.add.f32 [tilespmem:s16], [sflag:$0x3], $0x80, s21, s19, $0xb8;
	[tilespmem:$0x19880] =	vst v63  }
0x55: {  	_ =	swait.ge [sflag:s15], $0x2800  }
0x56: {  	[sflag:s15] =	ssyncset.done $0x0  }
0x57: {  	s28 =	simm.s32 $0x0;
	[sflag:s15] =	ssyncadd.s32 $0xFFFFD800  }
0x58: {  	[tilespmem:s28], [sflag:$0x3] =	stream.linear.gather [hbm4b:s7+s28], $0xC80, $0x38;
	[tilespmem:$0x19880] =	vst v63  }
0x59: {  	_ =	swait.ge [sflag:s15], $0xC80  }
0x5a: {  	[sflag:s15] =	ssyncset.done $0x0  }
0x5b: {  	[sflag:s15] =	ssyncadd.s32 $0xFFFFF380  }
0x5c: {  	[tilespmem:s16], [sflag:$0x1] =	stream.linear.gather [hbm4b:s8+s28], $0x2800, $0x38;
	[tilespmem:$0x19880] =	vst v63  }
0x5d: {  	s29 =	sadd.s32 $0xFFFFFB00, s12  }
0x5e: {  	[tilespmem:s17], [sflag:$0x2] =	stream.linear.gather [hbm4b:s29+s3], $0x2800, $0x38;
	[tilespmem:$0x19880] =	vst v63  }
0x5f: {  	_ =	swait.ge [sflag:s18], $0x2800  }
0x60: {  	[sflag:s18] =	ssyncset.done $0x0  }
0x61: {  	s30 =	simm.s32 $0x0;
	[sflag:s18] =	ssyncadd.s32 $0xFFFFD800  }
0x62: {  	[spmem:s1] =	stream.indirect.scatter.add.f32 [tilespmem:s16], [sflag:$0x3], $0x80, s30, s19, $0xb8;
	[tilespmem:$0x19880] =	vst v63  }
0x63: {  	_ =	swait.ge [sflag:s15], $0x2800  }
0x64: {  	[sflag:s15] =	ssyncset.done $0x0  }
0x65: {  	[sflag:s15] =	ssyncadd.s32 $0xFFFFD800  }
0x66: {  	[tilespmem:s16], [sflag:$0x1] =	stream.linear.gather [hbm4b:s12+s3], $0x2800, $0x38;
	[tilespmem:$0x19880] =	vst v63  }
0x67: {  	_ =	swait.ge [sflag:s20], $0x2800  }
0x68: {  	[sflag:s20] =	ssyncset.done $0x0  }
0x69: {  	s31 =	simm.s32 $0x80;
	[sflag:s20] =	ssyncadd.s32 $0xFFFFD800  }
0x6a: {  	[spmem:s1] =	stream.indirect.scatter.add.f32 [tilespmem:s17], [sflag:$0x3], $0x80, s31, s19, $0xb8;
	[tilespmem:$0x19880] =	vst v63  }
0x6b: {  	s25 =	simm.s32 $0x800;
	_ =	swait.ge [sflag:s15], $0x2800  }
0x6c: {  	s24 =	simm.s32 $0x400;
	s23 =	sadd.s32 $0xA00, s12;
	[sflag:s15] =	ssyncset.done $0x0  }
.LBB2_4:
0x6d: {  	p1 =	sne.s32 s25, $0x2C00;
	s26 =	sadd.s32 $0xFFFFFB00, s23;
	[sflag:s15] =	ssyncadd.s32 $0xFFFFD800  }
0x6e: {  	[tilespmem:s17], [sflag:$0x2] =	stream.linear.gather [hbm4b:s26+s3], $0x2800, $0x38;
	[tilespmem:$0x19880] =	vst v63  }
0x6f: {  	s26 =	smov.u32 s25;
	s25 =	sadd.s32 $0x400, s25;
	_ =	swait.ge [sflag:s18], $0x2800  }
0x70: {  	[sflag:s18] =	ssyncset.done $0x0  }
0x71: {  	s28 =	sshra.s32 s24, $0x2;
	s24 =	smov.u32 s26;
	[sflag:s18] =	ssyncadd.s32 $0xFFFFD800  }
0x72: {  	[spmem:s1] =	stream.indirect.scatter.add.f32 [tilespmem:s16], [sflag:$0x3], $0x80, s28, s19, $0xb8;
	[tilespmem:$0x19880] =	vst v63  }
0x73: {  	_ =	swait.ge [sflag:s15], $0x2800  }
0x74: {  	[sflag:s15] =	ssyncset.done $0x0  }
0x75: {  	[sflag:s15] =	ssyncadd.s32 $0xFFFFD800  }
0x76: {  	[tilespmem:s16], [sflag:$0x1] =	stream.linear.gather [hbm4b:s23+s3], $0x2800, $0x38;
	[tilespmem:$0x19880] =	vst v63  }
0x77: {  	_ =	swait.ge [sflag:s20], $0x2800  }
.Ltmp1:
0x78: {  	[sflag:s20] =	ssyncset.done $0x0;
	(pc) =	sbr.rel @p1 .LBB2_4-.Ltmp1, $4  }
0x79: {  	s26 =	sadd.s32 $0x80, s28;
	[sflag:s20] =	ssyncadd.s32 $0xFFFFD800  }
0x7a: {  	[spmem:s1] =	stream.indirect.scatter.add.f32 [tilespmem:s17], [sflag:$0x3], $0x80, s26, s19, $0xb8;
	[tilespmem:$0x19880] =	vst v63  }
0x7b: {  	_ =	swait.ge [sflag:s15], $0x2800  }
0x7c: {  	s23 =	sadd.s32 $0xA00, s23;
	[sflag:s15] =	ssyncset.done $0x0  }
0x7d: {  	s25 =	sadd.s32 $0xFFFFFB00, s23;
	[sflag:s15] =	ssyncadd.s32 $0xFFFFD800  }
0x7e: {  	[tilespmem:s17], [sflag:$0x2] =	stream.linear.gather [hbm4b:s25+s3], $0x2800, $0x38;
	[tilespmem:$0x19880] =	vst v63  }
0x7f: {  	_ =	swait.ge [sflag:s18], $0x2800  }
0x80: {  	[sflag:s18] =	ssyncset.done $0x0  }
0x81: {  	s24 =	sshra.s32 s24, $0x2;
	[sflag:s18] =	ssyncadd.s32 $0xFFFFD800  }
0x82: {  	[spmem:s1] =	stream.indirect.scatter.add.f32 [tilespmem:s16], [sflag:$0x3], $0x80, s24, s19, $0xb8;
	[tilespmem:$0x19880] =	vst v63  }
0x83: {  	_ =	swait.ge [sflag:s15], $0x2800  }
0x84: {  	[sflag:s15] =	ssyncset.done $0x0  }
0x85: {  	[sflag:s15] =	ssyncadd.s32 $0xFFFFD800  }
0x86: {  	[tilespmem:s16], [sflag:$0x1] =	stream.linear.gather [hbm4b:s23+s3], $0x2800, $0x38;
	[tilespmem:$0x19880] =	vst v63  }
0x87: {  	_ =	swait.ge [sflag:s20], $0x2800  }
0x88: {  	[sflag:s20] =	ssyncset.done $0x0  }
0x89: {  	s31 =	sadd.s32 $0x80, s24;
	[sflag:s20] =	ssyncadd.s32 $0xFFFFD800  }
0x8a: {  	[spmem:s1] =	stream.indirect.scatter.add.f32 [tilespmem:s17], [sflag:$0x3], $0x80, s31, s19, $0xb8;
	[tilespmem:$0x19880] =	vst v63  }
0x8b: {  	_ =	swait.ge [sflag:s15], $0x2800  }
0x8c: {  	[sflag:s15] =	ssyncset.done $0x0  }
0x8d: {  	[sflag:s15] =	ssyncadd.s32 $0xFFFFD800  }
0x8e: {  	_ =	swait.ge [sflag:s18], $0x2800  }
0x8f: {  	[sflag:s18] =	ssyncset.done $0x0  }
0x90: {  	[sflag:s18] =	ssyncadd.s32 $0xFFFFD800  }
0x91: {  	[spmem:s1] =	stream.indirect.scatter.add.f32 [tilespmem:s16], [sflag:$0x3], $0x80, s21, s19, $0xb8;
	[tilespmem:$0x19880] =	vst v63  }
0x92: {  	_ =	swait.ge [sflag:s15], $0x2800  }
0x93: {  	s22 =	sadd.s32 $0x1, s22;
	[sflag:s15] =	ssyncset.done $0x0  }
0x94: {  	p1 =	sne.s32 s22, s10;
	[sflag:s15] =	ssyncadd.s32 $0xFFFFD800  }
.Ltmp2:
0x95: {  	s23 =	simm.s32 @!p0 $0x3;
	[bflag:$0x0] =	sbarrier.arrive $0xFFFF;
	(pc) =	sbr.rel @p1 .LBB2_1-.Ltmp2, $4  }
0x96: {  	[hbm:s9], [sflag:s13] =	dma.local @!p0 [spmem:s14], $0x3E80  }
0x97: {  	_ =	swait.ge @!p0 [sflag:s23], $0x3E80  }
0x98: {  	[sflag:s23] =	ssyncset.done @!p0 $0x0  }
0x99: {  	[sflag:s23] =	ssyncadd.s32 @!p0 $0xFFFFC180  }
0x9a: {  	_ =	sfence.sel $0x180000  }
0x9b: {  	[bflag:$0x0] =	sbarrier.arrive $0xFFFF  }
0x9c: {  	p0 =	sne.s32 s2, $0x0;
	_ =	strace $0x90000059  }
0x9d: {  	s0 =	sadd.s32 @!p0 $0x100000, s0;
	[bflag:$0x2] =	sbarrier.arrive $0xFFFF  }
0x9e: {  	[sflag:s0] =	ssyncadd.tile.s32 @!p0 $0x1;
	_ =	shalt  }
.Lfunc_end2:
_tile_overlayer_lowered:
.L_overlay_start_2:
0x9f: {  	(tag) =	ssettag $0x2  }
0xa0: {  	s0 =	rddreg [dreg:$0x0];
	s2 =	stileid.u32  }
0xa1: {  	s1 =	rddreg [dreg:$0x1];
	p0 =	sne.s32 s2, $0x0  }
0xa2: {  	s3 =	rddreg [dreg:$0x2];
	[bflag:$0x3] =	sbarrier.arrive $0xFFFF;
	s2 =	simm.s32 @!p0 $0x1C03  }
0xa3: {  	[timem:s3], [sflag:s2] =	dma.local @!p0 [hbm:s0], s1  }
0xa4: {  	s0 =	simm.s32 @!p0 $0x3  }
0xa5: {  	_ =	swait.ge @!p0 [sflag:s0], s1  }
0xa6: {  	s1 =	ssub.s32 @!p0 $0x0, s1;
	[sflag:s0] =	ssyncset.done @!p0 $0x0  }
0xa7: {  	[sflag:s0] =	ssyncadd.s32 @!p0 s1  }
0xa8: {  	[bflag:$0x3] =	sbarrier.arrive $0xFFFF  }
0xa9: {  	_ =	shalt  }

</sc_bundles>
